<compile_context>
chip_gen: v7x
topology: tpu7x:2x2x1
jax: 0.10.2.dev20260603
libtpu: 0.0.44.dev20260713+nightly
codegen_flags: <defaults>
</compile_context>

<pallas_src>
import math

import jax
import jax.numpy as jnp
from jax import lax
from jax.experimental import pallas as pl
from jax.experimental.pallas import tpu as pltpu
from jax.experimental.pallas import tpu_sc as plsc

D_MODEL = 64
SCALE = math.sqrt(D_MODEL)

NC = 2
NS = 16
NW = NC * NS

NBUF = 8
LOOK = 4
DRAIN = NBUF - LOOK
GROUP = NBUF


def _emb_body(xt_hbm, lut_hbm, out_hbm, idx_v, rows_v, gsem, ssem, *,
              seq, bw):
    wid = lax.axis_index("s") * NC + lax.axis_index("c")
    n_groups = seq // GROUP
    col_base = wid * bw

    def load_idx(k):
        pltpu.sync_copy(
            xt_hbm.at[pl.ds(k * GROUP, GROUP), pl.ds(col_base, bw)],
            idx_v.at[k % 2])

    def fire_gather(slot, r, b):
        pltpu.async_copy(lut_hbm.at[idx_v.at[slot, r]], rows_v.at[b], gsem)

    def wait_gather(b):
        pltpu.make_async_copy(lut_hbm.at[idx_v.at[0, 0]], rows_v.at[b],
                              gsem).wait()

    def scale(b):
        @plsc.parallel_loop(0, bw, 1, unroll=4)
        def _(r):
            for k in range(D_MODEL // 16):
                rows_v[b, r, pl.ds(k * 16, 16)] = (
                    rows_v[b, r, pl.ds(k * 16, 16)] * SCALE)

    def fire_scatter(s, b):
        pltpu.async_copy(rows_v.at[b],
                         out_hbm.at[pl.ds(col_base, bw), s, pl.ds(0, D_MODEL)],
                         ssem)

    def wait_scatter():
        pltpu.make_async_copy(
            rows_v.at[0],
            out_hbm.at[pl.ds(col_base, bw), 0, pl.ds(0, D_MODEL)],
            ssem).wait()

    load_idx(0)
    for b in range(LOOK):
        fire_gather(0, b, b)

    def group_body(g, *, first, last):
        for b in range(GROUP):
            s = g * GROUP + b
            if b == GROUP - LOOK and not last:
                load_idx(g + 1)
            wait_gather(b)
            scale(b)
            fire_scatter(s, b)
            if not (first and b < DRAIN):
                wait_scatter()
            if not (last and b >= GROUP - LOOK):
                slot = (g + (1 if b >= GROUP - LOOK else 0)) % 2
                fire_gather(slot, (b + LOOK) % GROUP, (b + LOOK) % NBUF)

    group_body(0, first=True, last=False)

    def mid(g, carry):
        group_body(g, first=False, last=False)
        return carry
    lax.fori_loop(1, n_groups - 1, mid, 0)

    group_body(n_groups - 1, first=False, last=True)

    for _ in range(DRAIN):
        wait_scatter()


@jax.jit
def _run(xt, lut):
    seq, batch = xt.shape
    bw = batch // NW
    mesh = plsc.VectorSubcoreMesh(core_axis_name="c", subcore_axis_name="s",
                                  num_cores=NC, num_subcores=NS)

    def body(xt_ref, lut_ref, out_ref, idx_v, rows_v, gsem, ssem):
        _emb_body(xt_ref, lut_ref, out_ref, idx_v, rows_v, gsem, ssem,
                  seq=seq, bw=bw)

    f = pl.kernel(
        body,
        out_type=jax.ShapeDtypeStruct((batch, seq, 2 * D_MODEL), jnp.float32),
        mesh=mesh,
        scratch_types=[
            pltpu.VMEM((2, GROUP, bw), jnp.int32),
            pltpu.VMEM((NBUF, bw, D_MODEL), jnp.float32),
            pltpu.SemaphoreType.DMA,
            pltpu.SemaphoreType.DMA,
        ],
        compiler_params=pltpu.CompilerParams(use_tc_tiling_on_sc=False),
    )
    return f(xt, lut)


def kernel(x, lut):
    assert x.shape[0] % NW == 0 and x.shape[1] % GROUP == 0
    return _run(x.T, lut)[:, :, :D_MODEL]

# --- scband reference (transcript-rebuilt; emitter-appended) ---
"""Pipeline reference for scband-embeddings-61795989455570 (READ-ONLY COPY).

The authoritative reference and input builder live on the scoring server;
editing this copy changes nothing except your own understanding.
"""

import jax, jax.numpy as jnp
import numpy as np
import math

D_MODEL = 64
VOCAB = 1000000
BATCH = 4096
SEQ = 200

def setup_inputs(seed: int = 0) -> dict:
    key = jax.random.key(seed)
    k1, k2 = jax.random.split(key)
    x = jax.random.randint(k1, (BATCH, SEQ), 0, VOCAB, dtype=jnp.int32)
    lut = jax.random.normal(k2, (VOCAB, D_MODEL), dtype=jnp.float32)
    return {"x": x, "lut": lut}

def reference(x, lut):
    # Embeddings.forward: self.lut(x) * sqrt(d_model)
    emb = jnp.take(lut, x, axis=0)
    return emb * math.sqrt(D_MODEL)

if __name__ == "__main__":
    import jax
    _d = setup_inputs()
    print(jax.jit(kernel)(*tuple(_d.values())))

</pallas_src>

<mosaic_0001>
#map = affine_map<(d0, d1) -> (0, 0)>
#map1 = affine_map<(d0, d1) -> (0, 0, 0)>
module attributes {stable_mosaic.version = 14 : i64} {
  func.func @body(%arg0: i32, %arg1: i32, %arg2: memref<200x4096xi32, #tpu.memory_space<hbm>>, %arg3: memref<1000000x64xf32, #tpu.memory_space<hbm>>, %arg4: memref<4096x200x128xf32, #tpu.memory_space<hbm>>, %arg5: memref<2x8x128xi32, #tpu.memory_space<vmem>>, %arg6: memref<8x128x64xf32, #tpu.memory_space<vmem>>, %arg7: memref<!tpu.dma_semaphore, #tpu.memory_space<semaphore_mem>>, %arg8: memref<!tpu.dma_semaphore, #tpu.memory_space<semaphore_mem>>) attributes {dimension_semantics = [#tpu.dimension_semantics<core_parallel>, #tpu.dimension_semantics<subcore_parallel>], iteration_bounds = array<i64: 2, 16>, scalar_prefetch = 0 : i64, scratch_operands = 4 : i64, tpu.core_type = #tpu.core_type<sc_vector_subcore>, window_params = [{transform_indices = #map}, {transform_indices = #map}, {transform_indices = #map1}]} {
    %mul3A = arith.constant 2 : i32
    %mul3A_0 = arith.muli %arg1, %mul3A : i32
    %add3A = arith.addi %mul3A_0, %arg0 : i32
    %mul3A_1 = arith.constant 128 : i32
    %mul3A_2 = arith.muli %add3A, %mul3A_1 : i32
    %run_scoped3A = arith.constant 0 : i32
    "tpu.region"() ({
      %run_scoped3A_982 = tpu.sem_alloc : memref<!tpu.dma_semaphore, #tpu.memory_space<semaphore_mem>>
      %dma_start3A_983 = arith.constant 0 : i32
      %dma_start3A_984 = arith.constant 0 : i32
      %dma_start3A_985 = tpu.memref_slice %arg5[%run_scoped3A, %dma_start3A_983, %dma_start3A_984] : memref<2x8x128xi32, #tpu.memory_space<vmem>> -> memref<1x8x128xi32, #tpu.memory_space<vmem>>
      %dma_start3A_986 = tpu.memref_squeeze %dma_start3A_985 : memref<1x8x128xi32, #tpu.memory_space<vmem>> -> memref<8x128xi32, #tpu.memory_space<vmem>>
      %dma_start3A_987 = arith.constant 0 : i32
      %dma_start3A_988 = tpu.memref_slice %arg2[%dma_start3A_987, %mul3A_2] : memref<200x4096xi32, #tpu.memory_space<hbm>> -> memref<8x128xi32, #tpu.memory_space<hbm>>
      %dma_start3A_989 = arith.constant 0 : i32
      %dma_start3A_990 = arith.constant 0 : i32
      %dma_start3A_991 = tpu.memref_slice %arg5[%run_scoped3A, %dma_start3A_989, %dma_start3A_990] : memref<2x8x128xi32, #tpu.memory_space<vmem>> -> memref<1x8x128xi32, #tpu.memory_space<vmem>>
      %dma_start3A_992 = tpu.memref_squeeze %dma_start3A_991 : memref<1x8x128xi32, #tpu.memory_space<vmem>> -> memref<8x128xi32, #tpu.memory_space<vmem>>
      %dma_start3A_993 = arith.constant 0 : i32
      %dma_start3A_994 = tpu.memref_slice %arg2[%dma_start3A_993, %mul3A_2] : memref<200x4096xi32, #tpu.memory_space<hbm>> -> memref<8x128xi32, #tpu.memory_space<hbm>>
      tpu.enqueue_dma source(%dma_start3A_994 : memref<8x128xi32, #tpu.memory_space<hbm>>) target(%dma_start3A_992 : memref<8x128xi32, #tpu.memory_space<vmem>>) target_semaphore(%run_scoped3A_982 : memref<!tpu.dma_semaphore, #tpu.memory_space<semaphore_mem>>)
      %dma_wait3A_995 = arith.constant 0 : i32
      %dma_wait3A_996 = arith.constant 0 : i32
      %dma_wait3A_997 = tpu.memref_slice %arg5[%run_scoped3A, %dma_wait3A_995, %dma_wait3A_996] : memref<2x8x128xi32, #tpu.memory_space<vmem>> -> memref<1x8x128xi32, #tpu.memory_space<vmem>>
      %dma_wait3A_998 = tpu.memref_squeeze %dma_wait3A_997 : memref<1x8x128xi32, #tpu.memory_space<vmem>> -> memref<8x128xi32, #tpu.memory_space<vmem>>
      %dma_wait3A_999 = arith.constant 0 : i32
      %dma_wait3A_1000 = tpu.memref_slice %arg2[%dma_wait3A_999, %mul3A_2] : memref<200x4096xi32, #tpu.memory_space<hbm>> -> memref<8x128xi32, #tpu.memory_space<hbm>>
      %dma_wait3A_1001 = arith.constant 0 : i32
      %dma_wait3A_1002 = arith.constant 0 : i32
      %dma_wait3A_1003 = tpu.memref_slice %arg5[%run_scoped3A, %dma_wait3A_1001, %dma_wait3A_1002] : memref<2x8x128xi32, #tpu.memory_space<vmem>> -> memref<1x8x128xi32, #tpu.memory_space<vmem>>
      %dma_wait3A_1004 = tpu.memref_squeeze %dma_wait3A_1003 : memref<1x8x128xi32, #tpu.memory_space<vmem>> -> memref<8x128xi32, #tpu.memory_space<vmem>>
      %dma_wait3A_1005 = arith.constant 0 : i32
      %dma_wait3A_1006 = tpu.memref_slice %arg2[%dma_wait3A_1005, %mul3A_2] : memref<200x4096xi32, #tpu.memory_space<hbm>> -> memref<8x128xi32, #tpu.memory_space<hbm>>
      tpu.wait_dma2 semaphore(%run_scoped3A_982 : memref<!tpu.dma_semaphore, #tpu.memory_space<semaphore_mem>>) src(%dma_wait3A_1006 : memref<8x128xi32, #tpu.memory_space<hbm>>) dst(%dma_wait3A_1004 : memref<8x128xi32, #tpu.memory_space<vmem>>)
      tpu.yield
    }) : () -> ()
    %dma_start3A = arith.constant 0 : i32
    %dma_start3A_3 = arith.constant 0 : i32
    %dma_start3A_4 = arith.constant 0 : i32
    %dma_start3A_5 = arith.constant 0 : i32
    %dma_start3A_6 = arith.constant 0 : i32
    %dma_start3A_7 = tpu.memref_slice %arg6[%dma_start3A_4, %dma_start3A_5, %dma_start3A_6] : memref<8x128x64xf32, #tpu.memory_space<vmem>> -> memref<1x128x64xf32, #tpu.memory_space<vmem>>
    %dma_start3A_8 = tpu.memref_squeeze %dma_start3A_7 : memref<1x128x64xf32, #tpu.memory_space<vmem>> -> memref<128x64xf32, #tpu.memory_space<vmem>>
    %dma_start3A_9 = arith.constant 0 : i32
    %dma_start3A_10 = tpu.memref_slice %arg5[%dma_start3A, %dma_start3A_3, %dma_start3A_9] : memref<2x8x128xi32, #tpu.memory_space<vmem>> -> memref<1x1x128xi32, #tpu.memory_space<vmem>>
    %dma_start3A_11 = tpu.memref_squeeze %dma_start3A_10 : memref<1x1x128xi32, #tpu.memory_space<vmem>> -> memref<128xi32, #tpu.memory_space<vmem>>
    %dma_start3A_12 = arith.constant 0 : i32
    %dma_start3A_13 = arith.constant 0 : i32
    %dma_start3A_14 = tpu.memref_slice %arg3[%dma_start3A_12, %dma_start3A_13] : memref<1000000x64xf32, #tpu.memory_space<hbm>> -> memref<1000000x64xf32, #tpu.memory_space<hbm>>
    tpu.enqueue_indirect_dma source(%dma_start3A_14 : memref<1000000x64xf32, #tpu.memory_space<hbm>>) target(%dma_start3A_8 : memref<128x64xf32, #tpu.memory_space<vmem>>) offsets(%dma_start3A_11 : memref<128xi32, #tpu.memory_space<vmem>>) semaphore(%arg7 : memref<!tpu.dma_semaphore, #tpu.memory_space<semaphore_mem>>)
    %dma_start3A_15 = arith.constant 0 : i32
    %dma_start3A_16 = arith.constant 1 : i32
    %dma_start3A_17 = arith.constant 1 : i32
    %dma_start3A_18 = arith.constant 0 : i32
    %dma_start3A_19 = arith.constant 0 : i32
    %dma_start3A_20 = tpu.memref_slice %arg6[%dma_start3A_17, %dma_start3A_18, %dma_start3A_19] : memref<8x128x64xf32, #tpu.memory_space<vmem>> -> memref<1x128x64xf32, #tpu.memory_space<vmem>>
    %dma_start3A_21 = tpu.memref_squeeze %dma_start3A_20 : memref<1x128x64xf32, #tpu.memory_space<vmem>> -> memref<128x64xf32, #tpu.memory_space<vmem>>
    %dma_start3A_22 = arith.constant 0 : i32
    %dma_start3A_23 = tpu.memref_slice %arg5[%dma_start3A_15, %dma_start3A_16, %dma_start3A_22] : memref<2x8x128xi32, #tpu.memory_space<vmem>> -> memref<1x1x128xi32, #tpu.memory_space<vmem>>
    %dma_start3A_24 = tpu.memref_squeeze %dma_start3A_23 : memref<1x1x128xi32, #tpu.memory_space<vmem>> -> memref<128xi32, #tpu.memory_space<vmem>>
    %dma_start3A_25 = arith.constant 0 : i32
    %dma_start3A_26 = arith.constant 0 : i32
    %dma_start3A_27 = tpu.memref_slice %arg3[%dma_start3A_25, %dma_start3A_26] : memref<1000000x64xf32, #tpu.memory_space<hbm>> -> memref<1000000x64xf32, #tpu.memory_space<hbm>>
    tpu.enqueue_indirect_dma source(%dma_start3A_27 : memref<1000000x64xf32, #tpu.memory_space<hbm>>) target(%dma_start3A_21 : memref<128x64xf32, #tpu.memory_space<vmem>>) offsets(%dma_start3A_24 : memref<128xi32, #tpu.memory_space<vmem>>) semaphore(%arg7 : memref<!tpu.dma_semaphore, #tpu.memory_space<semaphore_mem>>)
    %dma_start3A_28 = arith.constant 0 : i32
    %dma_start3A_29 = arith.constant 2 : i32
    %dma_start3A_30 = arith.constant 2 : i32
    %dma_start3A_31 = arith.constant 0 : i32
    %dma_start3A_32 = arith.constant 0 : i32
    %dma_start3A_33 = tpu.memref_slice %arg6[%dma_start3A_30, %dma_start3A_31, %dma_start3A_32] : memref<8x128x64xf32, #tpu.memory_space<vmem>> -> memref<1x128x64xf32, #tpu.memory_space<vmem>>
    %dma_start3A_34 = tpu.memref_squeeze %dma_start3A_33 : memref<1x128x64xf32, #tpu.memory_space<vmem>> -> memref<128x64xf32, #tpu.memory_space<vmem>>
    %dma_start3A_35 = arith.constant 0 : i32
    %dma_start3A_36 = tpu.memref_slice %arg5[%dma_start3A_28, %dma_start3A_29, %dma_start3A_35] : memref<2x8x128xi32, #tpu.memory_space<vmem>> -> memref<1x1x128xi32, #tpu.memory_space<vmem>>
    %dma_start3A_37 = tpu.memref_squeeze %dma_start3A_36 : memref<1x1x128xi32, #tpu.memory_space<vmem>> -> memref<128xi32, #tpu.memory_space<vmem>>
    %dma_start3A_38 = arith.constant 0 : i32
    %dma_start3A_39 = arith.constant 0 : i32
    %dma_start3A_40 = tpu.memref_slice %arg3[%dma_start3A_38, %dma_start3A_39] : memref<1000000x64xf32, #tpu.memory_space<hbm>> -> memref<1000000x64xf32, #tpu.memory_space<hbm>>
    tpu.enqueue_indirect_dma source(%dma_start3A_40 : memref<1000000x64xf32, #tpu.memory_space<hbm>>) target(%dma_start3A_34 : memref<128x64xf32, #tpu.memory_space<vmem>>) offsets(%dma_start3A_37 : memref<128xi32, #tpu.memory_space<vmem>>) semaphore(%arg7 : memref<!tpu.dma_semaphore, #tpu.memory_space<semaphore_mem>>)
    %dma_start3A_41 = arith.constant 0 : i32
    %dma_start3A_42 = arith.constant 3 : i32
    %dma_start3A_43 = arith.constant 3 : i32
    %dma_start3A_44 = arith.constant 0 : i32
    %dma_start3A_45 = arith.constant 0 : i32
    %dma_start3A_46 = tpu.memref_slice %arg6[%dma_start3A_43, %dma_start3A_44, %dma_start3A_45] : memref<8x128x64xf32, #tpu.memory_space<vmem>> -> memref<1x128x64xf32, #tpu.memory_space<vmem>>
    %dma_start3A_47 = tpu.memref_squeeze %dma_start3A_46 : memref<1x128x64xf32, #tpu.memory_space<vmem>> -> memref<128x64xf32, #tpu.memory_space<vmem>>
    %dma_start3A_48 = arith.constant 0 : i32
    %dma_start3A_49 = tpu.memref_slice %arg5[%dma_start3A_41, %dma_start3A_42, %dma_start3A_48] : memref<2x8x128xi32, #tpu.memory_space<vmem>> -> memref<1x1x128xi32, #tpu.memory_space<vmem>>
    %dma_start3A_50 = tpu.memref_squeeze %dma_start3A_49 : memref<1x1x128xi32, #tpu.memory_space<vmem>> -> memref<128xi32, #tpu.memory_space<vmem>>
    %dma_start3A_51 = arith.constant 0 : i32
    %dma_start3A_52 = arith.constant 0 : i32
    %dma_start3A_53 = tpu.memref_slice %arg3[%dma_start3A_51, %dma_start3A_52] : memref<1000000x64xf32, #tpu.memory_space<hbm>> -> memref<1000000x64xf32, #tpu.memory_space<hbm>>
    tpu.enqueue_indirect_dma source(%dma_start3A_53 : memref<1000000x64xf32, #tpu.memory_space<hbm>>) target(%dma_start3A_47 : memref<128x64xf32, #tpu.memory_space<vmem>>) offsets(%dma_start3A_50 : memref<128xi32, #tpu.memory_space<vmem>>) semaphore(%arg7 : memref<!tpu.dma_semaphore, #tpu.memory_space<semaphore_mem>>)
    %dma_wait3A = arith.constant 0 : i32
    %dma_wait3A_54 = arith.constant 0 : i32
    %dma_wait3A_55 = arith.constant 0 : i32
    %dma_wait3A_56 = arith.constant 0 : i32
    %dma_wait3A_57 = arith.constant 0 : i32
    %dma_wait3A_58 = tpu.memref_slice %arg6[%dma_wait3A_55, %dma_wait3A_56, %dma_wait3A_57] : memref<8x128x64xf32, #tpu.memory_space<vmem>> -> memref<1x128x64xf32, #tpu.memory_space<vmem>>
    %dma_wait3A_59 = tpu.memref_squeeze %dma_wait3A_58 : memref<1x128x64xf32, #tpu.memory_space<vmem>> -> memref<128x64xf32, #tpu.memory_space<vmem>>
    %dma_wait3A_60 = arith.constant 0 : i32
    %dma_wait3A_61 = tpu.memref_slice %arg5[%dma_wait3A, %dma_wait3A_54, %dma_wait3A_60] : memref<2x8x128xi32, #tpu.memory_space<vmem>> -> memref<1x1x128xi32, #tpu.memory_space<vmem>>
    %dma_wait3A_62 = tpu.memref_squeeze %dma_wait3A_61 : memref<1x1x128xi32, #tpu.memory_space<vmem>> -> memref<128xi32, #tpu.memory_space<vmem>>
    %dma_wait3A_63 = arith.constant 0 : i32
    %dma_wait3A_64 = arith.constant 0 : i32
    %dma_wait3A_65 = tpu.memref_slice %arg3[%dma_wait3A_63, %dma_wait3A_64] : memref<1000000x64xf32, #tpu.memory_space<hbm>> -> memref<1000000x64xf32, #tpu.memory_space<hbm>>
    tpu.wait_indirect_dma semaphore(%arg7 : memref<!tpu.dma_semaphore, #tpu.memory_space<semaphore_mem>>) src(%dma_wait3A_65 : memref<1000000x64xf32, #tpu.memory_space<hbm>>) dst(%dma_wait3A_59 : memref<128x64xf32, #tpu.memory_space<vmem>>)
    %parallel_loop3A = arith.constant 0 : i32
    %parallel_loop3A_66 = arith.constant 128 : i32
    %parallel_loop3A_67 = arith.constant 1 : i32
    scf.for %parallel_loop3A_982 = %parallel_loop3A to %parallel_loop3A_66 step %parallel_loop3A_67  : i32 {
      %parallel_loop3A_983 = arith.constant 0 : i32
      %parallel_loop3A_984 = arith.index_cast %parallel_loop3A_983 : i32 to index
      %parallel_loop3A_985 = arith.index_cast %parallel_loop3A_982 : i32 to index
      %parallel_loop3A_986 = arith.constant 0 : index
      %parallel_loop3A_987 = tpu.vector_load %arg6[%parallel_loop3A_984, %parallel_loop3A_985, %parallel_loop3A_986] {strides = array<i32>} : memref<8x128x64xf32, #tpu.memory_space<vmem>>, vector<1x1x16xf32>,
      %parallel_loop3A_988 = vector.shape_cast %parallel_loop3A_987 : vector<1x1x16xf32> to vector<16xf32>
      %parallel_loop3A_989 = arith.constant 8.000000e+00 : f32
      %parallel_loop3A_990 = vector.broadcast %parallel_loop3A_989 : f32 to vector<16xf32>
      %parallel_loop3A_991 = arith.mulf %parallel_loop3A_988, %parallel_loop3A_990 : vector<16xf32>
      %parallel_loop3A_992 = arith.constant 0 : i32
      %parallel_loop3A_993 = arith.index_cast %parallel_loop3A_992 : i32 to index
      %parallel_loop3A_994 = arith.index_cast %parallel_loop3A_982 : i32 to index
      %parallel_loop3A_995 = arith.constant 0 : index
      %parallel_loop3A_996 = tpu.vector_load %arg6[%parallel_loop3A_993, %parallel_loop3A_994, %parallel_loop3A_995] {strides = array<i32>} : memref<8x128x64xf32, #tpu.memory_space<vmem>>, vector<1x1x16xf32>,
      %parallel_loop3A_997 = vector.shape_cast %parallel_loop3A_996 : vector<1x1x16xf32> to vector<16xf32>
      %parallel_loop3A_998 = vector.shape_cast %parallel_loop3A_991 : vector<16xf32> to vector<1x1x16xf32>
      tpu.vector_store %arg6[%parallel_loop3A_993, %parallel_loop3A_994, %parallel_loop3A_995], %parallel_loop3A_998 {strides = array<i32>} : memref<8x128x64xf32, #tpu.memory_space<vmem>>, vector<1x1x16xf32>,
      %parallel_loop3A_999 = arith.constant 0 : i32
      %parallel_loop3A_1000 = arith.index_cast %parallel_loop3A_999 : i32 to index
      %parallel_loop3A_1001 = arith.index_cast %parallel_loop3A_982 : i32 to index
      %parallel_loop3A_1002 = arith.constant 16 : index
      %parallel_loop3A_1003 = tpu.vector_load %arg6[%parallel_loop3A_1000, %parallel_loop3A_1001, %parallel_loop3A_1002] {strides = array<i32>} : memref<8x128x64xf32, #tpu.memory_space<vmem>>, vector<1x1x16xf32>,
      %parallel_loop3A_1004 = vector.shape_cast %parallel_loop3A_1003 : vector<1x1x16xf32> to vector<16xf32>
      %parallel_loop3A_1005 = arith.constant 8.000000e+00 : f32
      %parallel_loop3A_1006 = vector.broadcast %parallel_loop3A_1005 : f32 to vector<16xf32>
      %parallel_loop3A_1007 = arith.mulf %parallel_loop3A_1004, %parallel_loop3A_1006 : vector<16xf32>
      %parallel_loop3A_1008 = arith.constant 0 : i32
      %parallel_loop3A_1009 = arith.index_cast %parallel_loop3A_1008 : i32 to index
      %parallel_loop3A_1010 = arith.index_cast %parallel_loop3A_982 : i32 to index
      %parallel_loop3A_1011 = arith.constant 16 : index
      %parallel_loop3A_1012 = tpu.vector_load %arg6[%parallel_loop3A_1009, %parallel_loop3A_1010, %parallel_loop3A_1011] {strides = array<i32>} : memref<8x128x64xf32, #tpu.memory_space<vmem>>, vector<1x1x16xf32>,
      %parallel_loop3A_1013 = vector.shape_cast %parallel_loop3A_1012 : vector<1x1x16xf32> to vector<16xf32>
      %parallel_loop3A_1014 = vector.shape_cast %parallel_loop3A_1007 : vector<16xf32> to vector<1x1x16xf32>
      tpu.vector_store %arg6[%parallel_loop3A_1009, %parallel_loop3A_1010, %parallel_loop3A_1011], %parallel_loop3A_1014 {strides = array<i32>} : memref<8x128x64xf32, #tpu.memory_space<vmem>>, vector<1x1x16xf32>,
      %parallel_loop3A_1015 = arith.constant 0 : i32
      %parallel_loop3A_1016 = arith.index_cast %parallel_loop3A_1015 : i32 to index
      %parallel_loop3A_1017 = arith.index_cast %parallel_loop3A_982 : i32 to index
      %parallel_loop3A_1018 = arith.constant 32 : index
      %parallel_loop3A_1019 = tpu.vector_load %arg6[%parallel_loop3A_1016, %parallel_loop3A_1017, %parallel_loop3A_1018] {strides = array<i32>} : memref<8x128x64xf32, #tpu.memory_space<vmem>>, vector<1x1x16xf32>,
      %parallel_loop3A_1020 = vector.shape_cast %parallel_loop3A_1019 : vector<1x1x16xf32> to vector<16xf32>
      %parallel_loop3A_1021 = arith.constant 8.000000e+00 : f32
      %parallel_loop3A_1022 = vector.broadcast %parallel_loop3A_1021 : f32 to vector<16xf32>
      %parallel_loop3A_1023 = arith.mulf %parallel_loop3A_1020, %parallel_loop3A_1022 : vector<16xf32>
      %parallel_loop3A_1024 = arith.constant 0 : i32
      %parallel_loop3A_1025 = arith.index_cast %parallel_loop3A_1024 : i32 to index
      %parallel_loop3A_1026 = arith.index_cast %parallel_loop3A_982 : i32 to index
      %parallel_loop3A_1027 = arith.constant 32 : index
      %parallel_loop3A_1028 = tpu.vector_load %arg6[%parallel_loop3A_1025, %parallel_loop3A_1026, %parallel_loop3A_1027] {strides = array<i32>} : memref<8x128x64xf32, #tpu.memory_space<vmem>>, vector<1x1x16xf32>,
      %parallel_loop3A_1029 = vector.shape_cast %parallel_loop3A_1028 : vector<1x1x16xf32> to vector<16xf32>
      %parallel_loop3A_1030 = vector.shape_cast %parallel_loop3A_1023 : vector<16xf32> to vector<1x1x16xf32>
      tpu.vector_store %arg6[%parallel_loop3A_1025, %parallel_loop3A_1026, %parallel_loop3A_1027], %parallel_loop3A_1030 {strides = array<i32>} : memref<8x128x64xf32, #tpu.memory_space<vmem>>, vector<1x1x16xf32>,
      %parallel_loop3A_1031 = arith.constant 0 : i32
      %parallel_loop3A_1032 = arith.index_cast %parallel_loop3A_1031 : i32 to index
      %parallel_loop3A_1033 = arith.index_cast %parallel_loop3A_982 : i32 to index
      %parallel_loop3A_1034 = arith.constant 48 : index
      %parallel_loop3A_1035 = tpu.vector_load %arg6[%parallel_loop3A_1032, %parallel_loop3A_1033, %parallel_loop3A_1034] {strides = array<i32>} : memref<8x128x64xf32, #tpu.memory_space<vmem>>, vector<1x1x16xf32>,
      %parallel_loop3A_1036 = vector.shape_cast %parallel_loop3A_1035 : vector<1x1x16xf32> to vector<16xf32>
      %parallel_loop3A_1037 = arith.constant 8.000000e+00 : f32
      %parallel_loop3A_1038 = vector.broadcast %parallel_loop3A_1037 : f32 to vector<16xf32>
      %parallel_loop3A_1039 = arith.mulf %parallel_loop3A_1036, %parallel_loop3A_1038 : vector<16xf32>
      %parallel_loop3A_1040 = arith.constant 0 : i32
      %parallel_loop3A_1041 = arith.index_cast %parallel_loop3A_1040 : i32 to index
      %parallel_loop3A_1042 = arith.index_cast %parallel_loop3A_982 : i32 to index
      %parallel_loop3A_1043 = arith.constant 48 : index
      %parallel_loop3A_1044 = tpu.vector_load %arg6[%parallel_loop3A_1041, %parallel_loop3A_1042, %parallel_loop3A_1043] {strides = array<i32>} : memref<8x128x64xf32, #tpu.memory_space<vmem>>, vector<1x1x16xf32>,
      %parallel_loop3A_1045 = vector.shape_cast %parallel_loop3A_1044 : vector<1x1x16xf32> to vector<16xf32>
      %parallel_loop3A_1046 = vector.shape_cast %parallel_loop3A_1039 : vector<16xf32> to vector<1x1x16xf32>
      tpu.vector_store %arg6[%parallel_loop3A_1041, %parallel_loop3A_1042, %parallel_loop3A_1043], %parallel_loop3A_1046 {strides = array<i32>} : memref<8x128x64xf32, #tpu.memory_space<vmem>>, vector<1x1x16xf32>,
    } {sc.loop_unroll_factor = 4 : i64, sc.parallel_access}
    %dma_start3A_68 = arith.constant 0 : i32
    %dma_start3A_69 = arith.constant 0 : i32
    %dma_start3A_70 = arith.constant 0 : i32
    %dma_start3A_71 = arith.constant 0 : i32
    %dma_start3A_72 = tpu.memref_slice %arg6[%dma_start3A_68, %dma_start3A_70, %dma_start3A_71] : memref<8x128x64xf32, #tpu.memory_space<vmem>> -> memref<1x128x64xf32, #tpu.memory_space<vmem>>
    %dma_start3A_73 = tpu.memref_squeeze %dma_start3A_72 : memref<1x128x64xf32, #tpu.memory_space<vmem>> -> memref<128x64xf32, #tpu.memory_space<vmem>>
    %dma_start3A_74 = arith.constant 0 : i32
    %dma_start3A_75 = tpu.memref_slice %arg4[%mul3A_2, %dma_start3A_69, %dma_start3A_74] : memref<4096x200x128xf32, #tpu.memory_space<hbm>> -> memref<128x1x64xf32, #tpu.memory_space<hbm>>
    %dma_start3A_76 = tpu.memref_squeeze %dma_start3A_75 : memref<128x1x64xf32, #tpu.memory_space<hbm>> -> memref<128x64xf32, #tpu.memory_space<hbm>>
    %dma_start3A_77 = arith.constant 0 : i32
    %dma_start3A_78 = tpu.memref_slice %arg4[%mul3A_2, %dma_start3A_69, %dma_start3A_77] : memref<4096x200x128xf32, #tpu.memory_space<hbm>> -> memref<128x1x64xf32, #tpu.memory_space<hbm>>
    %dma_start3A_79 = tpu.memref_squeeze %dma_start3A_78 : memref<128x1x64xf32, #tpu.memory_space<hbm>> -> memref<128x64xf32, #tpu.memory_space<hbm>>
    %dma_start3A_80 = arith.constant 0 : i32
    %dma_start3A_81 = arith.constant 0 : i32
    %dma_start3A_82 = tpu.memref_slice %arg6[%dma_start3A_68, %dma_start3A_80, %dma_start3A_81] : memref<8x128x64xf32, #tpu.memory_space<vmem>> -> memref<1x128x64xf32, #tpu.memory_space<vmem>>
    %dma_start3A_83 = tpu.memref_squeeze %dma_start3A_82 : memref<1x128x64xf32, #tpu.memory_space<vmem>> -> memref<128x64xf32, #tpu.memory_space<vmem>>
    tpu.enqueue_dma source(%dma_start3A_83 : memref<128x64xf32, #tpu.memory_space<vmem>>) target(%dma_start3A_79 : memref<128x64xf32, #tpu.memory_space<hbm>>) target_semaphore(%arg8 : memref<!tpu.dma_semaphore, #tpu.memory_space<semaphore_mem>>)
    %dma_start3A_84 = arith.constant 0 : i32
    %dma_start3A_85 = arith.constant 4 : i32
    %dma_start3A_86 = arith.constant 4 : i32
    %dma_start3A_87 = arith.constant 0 : i32
    %dma_start3A_88 = arith.constant 0 : i32
    %dma_start3A_89 = tpu.memref_slice %arg6[%dma_start3A_86, %dma_start3A_87, %dma_start3A_88] : memref<8x128x64xf32, #tpu.memory_space<vmem>> -> memref<1x128x64xf32, #tpu.memory_space<vmem>>
    %dma_start3A_90 = tpu.memref_squeeze %dma_start3A_89 : memref<1x128x64xf32, #tpu.memory_space<vmem>> -> memref<128x64xf32, #tpu.memory_space<vmem>>
    %dma_start3A_91 = arith.constant 0 : i32
    %dma_start3A_92 = tpu.memref_slice %arg5[%dma_start3A_84, %dma_start3A_85, %dma_start3A_91] : memref<2x8x128xi32, #tpu.memory_space<vmem>> -> memref<1x1x128xi32, #tpu.memory_space<vmem>>
    %dma_start3A_93 = tpu.memref_squeeze %dma_start3A_92 : memref<1x1x128xi32, #tpu.memory_space<vmem>> -> memref<128xi32, #tpu.memory_space<vmem>>
    %dma_start3A_94 = arith.constant 0 : i32
    %dma_start3A_95 = arith.constant 0 : i32
    %dma_start3A_96 = tpu.memref_slice %arg3[%dma_start3A_94, %dma_start3A_95] : memref<1000000x64xf32, #tpu.memory_space<hbm>> -> memref<1000000x64xf32, #tpu.memory_space<hbm>>
    tpu.enqueue_indirect_dma source(%dma_start3A_96 : memref<1000000x64xf32, #tpu.memory_space<hbm>>) target(%dma_start3A_90 : memref<128x64xf32, #tpu.memory_space<vmem>>) offsets(%dma_start3A_93 : memref<128xi32, #tpu.memory_space<vmem>>) semaphore(%arg7 : memref<!tpu.dma_semaphore, #tpu.memory_space<semaphore_mem>>)
    %dma_wait3A_97 = arith.constant 0 : i32
    %dma_wait3A_98 = arith.constant 0 : i32
    %dma_wait3A_99 = arith.constant 1 : i32
    %dma_wait3A_100 = arith.constant 0 : i32
    %dma_wait3A_101 = arith.constant 0 : i32
    %dma_wait3A_102 = tpu.memref_slice %arg6[%dma_wait3A_99, %dma_wait3A_100, %dma_wait3A_101] : memref<8x128x64xf32, #tpu.memory_space<vmem>> -> memref<1x128x64xf32, #tpu.memory_space<vmem>>
    %dma_wait3A_103 = tpu.memref_squeeze %dma_wait3A_102 : memref<1x128x64xf32, #tpu.memory_space<vmem>> -> memref<128x64xf32, #tpu.memory_space<vmem>>
    %dma_wait3A_104 = arith.constant 0 : i32
    %dma_wait3A_105 = tpu.memref_slice %arg5[%dma_wait3A_97, %dma_wait3A_98, %dma_wait3A_104] : memref<2x8x128xi32, #tpu.memory_space<vmem>> -> memref<1x1x128xi32, #tpu.memory_space<vmem>>
    %dma_wait3A_106 = tpu.memref_squeeze %dma_wait3A_105 : memref<1x1x128xi32, #tpu.memory_space<vmem>> -> memref<128xi32, #tpu.memory_space<vmem>>
    %dma_wait3A_107 = arith.constant 0 : i32
    %dma_wait3A_108 = arith.constant 0 : i32
    %dma_wait3A_109 = tpu.memref_slice %arg3[%dma_wait3A_107, %dma_wait3A_108] : memref<1000000x64xf32, #tpu.memory_space<hbm>> -> memref<1000000x64xf32, #tpu.memory_space<hbm>>
    tpu.wait_indirect_dma semaphore(%arg7 : memref<!tpu.dma_semaphore, #tpu.memory_space<semaphore_mem>>) src(%dma_wait3A_109 : memref<1000000x64xf32, #tpu.memory_space<hbm>>) dst(%dma_wait3A_103 : memref<128x64xf32, #tpu.memory_space<vmem>>)
    %parallel_loop3A_110 = arith.constant 0 : i32
    %parallel_loop3A_111 = arith.constant 128 : i32
    %parallel_loop3A_112 = arith.constant 1 : i32
    scf.for %parallel_loop3A_982 = %parallel_loop3A_110 to %parallel_loop3A_111 step %parallel_loop3A_112  : i32 {
      %parallel_loop3A_983 = arith.constant 1 : i32
      %parallel_loop3A_984 = arith.index_cast %parallel_loop3A_983 : i32 to index
      %parallel_loop3A_985 = arith.index_cast %parallel_loop3A_982 : i32 to index
      %parallel_loop3A_986 = arith.constant 0 : index
      %parallel_loop3A_987 = tpu.vector_load %arg6[%parallel_loop3A_984, %parallel_loop3A_985, %parallel_loop3A_986] {strides = array<i32>} : memref<8x128x64xf32, #tpu.memory_space<vmem>>, vector<1x1x16xf32>,
      %parallel_loop3A_988 = vector.shape_cast %parallel_loop3A_987 : vector<1x1x16xf32> to vector<16xf32>
      %parallel_loop3A_989 = arith.constant 8.000000e+00 : f32
      %parallel_loop3A_990 = vector.broadcast %parallel_loop3A_989 : f32 to vector<16xf32>
      %parallel_loop3A_991 = arith.mulf %parallel_loop3A_988, %parallel_loop3A_990 : vector<16xf32>
      %parallel_loop3A_992 = arith.constant 1 : i32
      %parallel_loop3A_993 = arith.index_cast %parallel_loop3A_992 : i32 to index
      %parallel_loop3A_994 = arith.index_cast %parallel_loop3A_982 : i32 to index
      %parallel_loop3A_995 = arith.constant 0 : index
      %parallel_loop3A_996 = tpu.vector_load %arg6[%parallel_loop3A_993, %parallel_loop3A_994, %parallel_loop3A_995] {strides = array<i32>} : memref<8x128x64xf32, #tpu.memory_space<vmem>>, vector<1x1x16xf32>,
      %parallel_loop3A_997 = vector.shape_cast %parallel_loop3A_996 : vector<1x1x16xf32> to vector<16xf32>
      %parallel_loop3A_998 = vector.shape_cast %parallel_loop3A_991 : vector<16xf32> to vector<1x1x16xf32>
      tpu.vector_store %arg6[%parallel_loop3A_993, %parallel_loop3A_994, %parallel_loop3A_995], %parallel_loop3A_998 {strides = array<i32>} : memref<8x128x64xf32, #tpu.memory_space<vmem>>, vector<1x1x16xf32>,
      %parallel_loop3A_999 = arith.constant 1 : i32
      %parallel_loop3A_1000 = arith.index_cast %parallel_loop3A_999 : i32 to index
      %parallel_loop3A_1001 = arith.index_cast %parallel_loop3A_982 : i32 to index
      %parallel_loop3A_1002 = arith.constant 16 : index
      %parallel_loop3A_1003 = tpu.vector_load %arg6[%parallel_loop3A_1000, %parallel_loop3A_1001, %parallel_loop3A_1002] {strides = array<i32>} : memref<8x128x64xf32, #tpu.memory_space<vmem>>, vector<1x1x16xf32>,
      %parallel_loop3A_1004 = vector.shape_cast %parallel_loop3A_1003 : vector<1x1x16xf32> to vector<16xf32>
      %parallel_loop3A_1005 = arith.constant 8.000000e+00 : f32
      %parallel_loop3A_1006 = vector.broadcast %parallel_loop3A_1005 : f32 to vector<16xf32>
      %parallel_loop3A_1007 = arith.mulf %parallel_loop3A_1004, %parallel_loop3A_1006 : vector<16xf32>
      %parallel_loop3A_1008 = arith.constant 1 : i32
      %parallel_loop3A_1009 = arith.index_cast %parallel_loop3A_1008 : i32 to index
      %parallel_loop3A_1010 = arith.index_cast %parallel_loop3A_982 : i32 to index
      %parallel_loop3A_1011 = arith.constant 16 : index
      %parallel_loop3A_1012 = tpu.vector_load %arg6[%parallel_loop3A_1009, %parallel_loop3A_1010, %parallel_loop3A_1011] {strides = array<i32>} : memref<8x128x64xf32, #tpu.memory_space<vmem>>, vector<1x1x16xf32>,
      %parallel_loop3A_1013 = vector.shape_cast %parallel_loop3A_1012 : vector<1x1x16xf32> to vector<16xf32>
      %parallel_loop3A_1014 = vector.shape_cast %parallel_loop3A_1007 : vector<16xf32> to vector<1x1x16xf32>
      tpu.vector_store %arg6[%parallel_loop3A_1009, %parallel_loop3A_1010, %parallel_loop3A_1011], %parallel_loop3A_1014 {strides = array<i32>} : memref<8x128x64xf32, #tpu.memory_space<vmem>>, vector<1x1x16xf32>,
      %parallel_loop3A_1015 = arith.constant 1 : i32
      %parallel_loop3A_1016 = arith.index_cast %parallel_loop3A_1015 : i32 to index
      %parallel_loop3A_1017 = arith.index_cast %parallel_loop3A_982 : i32 to index
      %parallel_loop3A_1018 = arith.constant 32 : index
      %parallel_loop3A_1019 = tpu.vector_load %arg6[%parallel_loop3A_1016, %parallel_loop3A_1017, %parallel_loop3A_1018] {strides = array<i32>} : memref<8x128x64xf32, #tpu.memory_space<vmem>>, vector<1x1x16xf32>,
      %parallel_loop3A_1020 = vector.shape_cast %parallel_loop3A_1019 : vector<1x1x16xf32> to vector<16xf32>
      %parallel_loop3A_1021 = arith.constant 8.000000e+00 : f32
      %parallel_loop3A_1022 = vector.broadcast %parallel_loop3A_1021 : f32 to vector<16xf32>
      %parallel_loop3A_1023 = arith.mulf %parallel_loop3A_1020, %parallel_loop3A_1022 : vector<16xf32>
      %parallel_loop3A_1024 = arith.constant 1 : i32
      %parallel_loop3A_1025 = arith.index_cast %parallel_loop3A_1024 : i32 to index
      %parallel_loop3A_1026 = arith.index_cast %parallel_loop3A_982 : i32 to index
      %parallel_loop3A_1027 = arith.constant 32 : index
      %parallel_loop3A_1028 = tpu.vector_load %arg6[%parallel_loop3A_1025, %parallel_loop3A_1026, %parallel_loop3A_1027] {strides = array<i32>} : memref<8x128x64xf32, #tpu.memory_space<vmem>>, vector<1x1x16xf32>,
      %parallel_loop3A_1029 = vector.shape_cast %parallel_loop3A_1028 : vector<1x1x16xf32> to vector<16xf32>
      %parallel_loop3A_1030 = vector.shape_cast %parallel_loop3A_1023 : vector<16xf32> to vector<1x1x16xf32>
      tpu.vector_store %arg6[%parallel_loop3A_1025, %parallel_loop3A_1026, %parallel_loop3A_1027], %parallel_loop3A_1030 {strides = array<i32>} : memref<8x128x64xf32, #tpu.memory_space<vmem>>, vector<1x1x16xf32>,
      %parallel_loop3A_1031 = arith.constant 1 : i32
      %parallel_loop3A_1032 = arith.index_cast %parallel_loop3A_1031 : i32 to index
      %parallel_loop3A_1033 = arith.index_cast %parallel_loop3A_982 : i32 to index
      %parallel_loop3A_1034 = arith.constant 48 : index
      %parallel_loop3A_1035 = tpu.vector_load %arg6[%parallel_loop3A_1032, %parallel_loop3A_1033, %parallel_loop3A_1034] {strides = array<i32>} : memref<8x128x64xf32, #tpu.memory_space<vmem>>, vector<1x1x16xf32>,
      %parallel_loop3A_1036 = vector.shape_cast %parallel_loop3A_1035 : vector<1x1x16xf32> to vector<16xf32>
      %parallel_loop3A_1037 = arith.constant 8.000000e+00 : f32
      %parallel_loop3A_1038 = vector.broadcast %parallel_loop3A_1037 : f32 to vector<16xf32>
      %parallel_loop3A_1039 = arith.mulf %parallel_loop3A_1036, %parallel_loop3A_1038 : vector<16xf32>
      %parallel_loop3A_1040 = arith.constant 1 : i32
      %parallel_loop3A_1041 = arith.index_cast %parallel_loop3A_1040 : i32 to index
      %parallel_loop3A_1042 = arith.index_cast %parallel_loop3A_982 : i32 to index
      %parallel_loop3A_1043 = arith.constant 48 : index
      %parallel_loop3A_1044 = tpu.vector_load %arg6[%parallel_loop3A_1041, %parallel_loop3A_1042, %parallel_loop3A_1043] {strides = array<i32>} : memref<8x128x64xf32, #tpu.memory_space<vmem>>, vector<1x1x16xf32>,
      %parallel_loop3A_1045 = vector.shape_cast %parallel_loop3A_1044 : vector<1x1x16xf32> to vector<16xf32>
      %parallel_loop3A_1046 = vector.shape_cast %parallel_loop3A_1039 : vector<16xf32> to vector<1x1x16xf32>
      tpu.vector_store %arg6[%parallel_loop3A_1041, %parallel_loop3A_1042, %parallel_loop3A_1043], %parallel_loop3A_1046 {strides = array<i32>} : memref<8x128x64xf32, #tpu.memory_space<vmem>>, vector<1x1x16xf32>,
    } {sc.loop_unroll_factor = 4 : i64, sc.parallel_access}
    %dma_start3A_113 = arith.constant 1 : i32
    %dma_start3A_114 = arith.constant 1 : i32
    %dma_start3A_115 = arith.constant 0 : i32
    %dma_start3A_116 = arith.constant 0 : i32
    %dma_start3A_117 = tpu.memref_slice %arg6[%dma_start3A_113, %dma_start3A_115, %dma_start3A_116] : memref<8x128x64xf32, #tpu.memory_space<vmem>> -> memref<1x128x64xf32, #tpu.memory_space<vmem>>
    %dma_start3A_118 = tpu.memref_squeeze %dma_start3A_117 : memref<1x128x64xf32, #tpu.memory_space<vmem>> -> memref<128x64xf32, #tpu.memory_space<vmem>>
    %dma_start3A_119 = arith.constant 0 : i32
    %dma_start3A_120 = tpu.memref_slice %arg4[%mul3A_2, %dma_start3A_114, %dma_start3A_119] : memref<4096x200x128xf32, #tpu.memory_space<hbm>> -> memref<128x1x64xf32, #tpu.memory_space<hbm>>
    %dma_start3A_121 = tpu.memref_squeeze %dma_start3A_120 : memref<128x1x64xf32, #tpu.memory_space<hbm>> -> memref<128x64xf32, #tpu.memory_space<hbm>>
    %dma_start3A_122 = arith.constant 0 : i32
    %dma_start3A_123 = tpu.memref_slice %arg4[%mul3A_2, %dma_start3A_114, %dma_start3A_122] : memref<4096x200x128xf32, #tpu.memory_space<hbm>> -> memref<128x1x64xf32, #tpu.memory_space<hbm>>
    %dma_start3A_124 = tpu.memref_squeeze %dma_start3A_123 : memref<128x1x64xf32, #tpu.memory_space<hbm>> -> memref<128x64xf32, #tpu.memory_space<hbm>>
    %dma_start3A_125 = arith.constant 0 : i32
    %dma_start3A_126 = arith.constant 0 : i32
    %dma_start3A_127 = tpu.memref_slice %arg6[%dma_start3A_113, %dma_start3A_125, %dma_start3A_126] : memref<8x128x64xf32, #tpu.memory_space<vmem>> -> memref<1x128x64xf32, #tpu.memory_space<vmem>>
    %dma_start3A_128 = tpu.memref_squeeze %dma_start3A_127 : memref<1x128x64xf32, #tpu.memory_space<vmem>> -> memref<128x64xf32, #tpu.memory_space<vmem>>
    tpu.enqueue_dma source(%dma_start3A_128 : memref<128x64xf32, #tpu.memory_space<vmem>>) target(%dma_start3A_124 : memref<128x64xf32, #tpu.memory_space<hbm>>) target_semaphore(%arg8 : memref<!tpu.dma_semaphore, #tpu.memory_space<semaphore_mem>>)
    %dma_start3A_129 = arith.constant 0 : i32
    %dma_start3A_130 = arith.constant 5 : i32
    %dma_start3A_131 = arith.constant 5 : i32
    %dma_start3A_132 = arith.constant 0 : i32
    %dma_start3A_133 = arith.constant 0 : i32
    %dma_start3A_134 = tpu.memref_slice %arg6[%dma_start3A_131, %dma_start3A_132, %dma_start3A_133] : memref<8x128x64xf32, #tpu.memory_space<vmem>> -> memref<1x128x64xf32, #tpu.memory_space<vmem>>
    %dma_start3A_135 = tpu.memref_squeeze %dma_start3A_134 : memref<1x128x64xf32, #tpu.memory_space<vmem>> -> memref<128x64xf32, #tpu.memory_space<vmem>>
    %dma_start3A_136 = arith.constant 0 : i32
    %dma_start3A_137 = tpu.memref_slice %arg5[%dma_start3A_129, %dma_start3A_130, %dma_start3A_136] : memref<2x8x128xi32, #tpu.memory_space<vmem>> -> memref<1x1x128xi32, #tpu.memory_space<vmem>>
    %dma_start3A_138 = tpu.memref_squeeze %dma_start3A_137 : memref<1x1x128xi32, #tpu.memory_space<vmem>> -> memref<128xi32, #tpu.memory_space<vmem>>
    %dma_start3A_139 = arith.constant 0 : i32
    %dma_start3A_140 = arith.constant 0 : i32
    %dma_start3A_141 = tpu.memref_slice %arg3[%dma_start3A_139, %dma_start3A_140] : memref<1000000x64xf32, #tpu.memory_space<hbm>> -> memref<1000000x64xf32, #tpu.memory_space<hbm>>
    tpu.enqueue_indirect_dma source(%dma_start3A_141 : memref<1000000x64xf32, #tpu.memory_space<hbm>>) target(%dma_start3A_135 : memref<128x64xf32, #tpu.memory_space<vmem>>) offsets(%dma_start3A_138 : memref<128xi32, #tpu.memory_space<vmem>>) semaphore(%arg7 : memref<!tpu.dma_semaphore, #tpu.memory_space<semaphore_mem>>)
    %dma_wait3A_142 = arith.constant 0 : i32
    %dma_wait3A_143 = arith.constant 0 : i32
    %dma_wait3A_144 = arith.constant 2 : i32
    %dma_wait3A_145 = arith.constant 0 : i32
    %dma_wait3A_146 = arith.constant 0 : i32
    %dma_wait3A_147 = tpu.memref_slice %arg6[%dma_wait3A_144, %dma_wait3A_145, %dma_wait3A_146] : memref<8x128x64xf32, #tpu.memory_space<vmem>> -> memref<1x128x64xf32, #tpu.memory_space<vmem>>
    %dma_wait3A_148 = tpu.memref_squeeze %dma_wait3A_147 : memref<1x128x64xf32, #tpu.memory_space<vmem>> -> memref<128x64xf32, #tpu.memory_space<vmem>>
    %dma_wait3A_149 = arith.constant 0 : i32
    %dma_wait3A_150 = tpu.memref_slice %arg5[%dma_wait3A_142, %dma_wait3A_143, %dma_wait3A_149] : memref<2x8x128xi32, #tpu.memory_space<vmem>> -> memref<1x1x128xi32, #tpu.memory_space<vmem>>
    %dma_wait3A_151 = tpu.memref_squeeze %dma_wait3A_150 : memref<1x1x128xi32, #tpu.memory_space<vmem>> -> memref<128xi32, #tpu.memory_space<vmem>>
    %dma_wait3A_152 = arith.constant 0 : i32
    %dma_wait3A_153 = arith.constant 0 : i32
    %dma_wait3A_154 = tpu.memref_slice %arg3[%dma_wait3A_152, %dma_wait3A_153] : memref<1000000x64xf32, #tpu.memory_space<hbm>> -> memref<1000000x64xf32, #tpu.memory_space<hbm>>
    tpu.wait_indirect_dma semaphore(%arg7 : memref<!tpu.dma_semaphore, #tpu.memory_space<semaphore_mem>>) src(%dma_wait3A_154 : memref<1000000x64xf32, #tpu.memory_space<hbm>>) dst(%dma_wait3A_148 : memref<128x64xf32, #tpu.memory_space<vmem>>)
    %parallel_loop3A_155 = arith.constant 0 : i32
    %parallel_loop3A_156 = arith.constant 128 : i32
    %parallel_loop3A_157 = arith.constant 1 : i32
    scf.for %parallel_loop3A_982 = %parallel_loop3A_155 to %parallel_loop3A_156 step %parallel_loop3A_157  : i32 {
      %parallel_loop3A_983 = arith.constant 2 : i32
      %parallel_loop3A_984 = arith.index_cast %parallel_loop3A_983 : i32 to index
      %parallel_loop3A_985 = arith.index_cast %parallel_loop3A_982 : i32 to index
      %parallel_loop3A_986 = arith.constant 0 : index
      %parallel_loop3A_987 = tpu.vector_load %arg6[%parallel_loop3A_984, %parallel_loop3A_985, %parallel_loop3A_986] {strides = array<i32>} : memref<8x128x64xf32, #tpu.memory_space<vmem>>, vector<1x1x16xf32>,
      %parallel_loop3A_988 = vector.shape_cast %parallel_loop3A_987 : vector<1x1x16xf32> to vector<16xf32>
      %parallel_loop3A_989 = arith.constant 8.000000e+00 : f32
      %parallel_loop3A_990 = vector.broadcast %parallel_loop3A_989 : f32 to vector<16xf32>
      %parallel_loop3A_991 = arith.mulf %parallel_loop3A_988, %parallel_loop3A_990 : vector<16xf32>
      %parallel_loop3A_992 = arith.constant 2 : i32
      %parallel_loop3A_993 = arith.index_cast %parallel_loop3A_992 : i32 to index
      %parallel_loop3A_994 = arith.index_cast %parallel_loop3A_982 : i32 to index
      %parallel_loop3A_995 = arith.constant 0 : index
      %parallel_loop3A_996 = tpu.vector_load %arg6[%parallel_loop3A_993, %parallel_loop3A_994, %parallel_loop3A_995] {strides = array<i32>} : memref<8x128x64xf32, #tpu.memory_space<vmem>>, vector<1x1x16xf32>,
      %parallel_loop3A_997 = vector.shape_cast %parallel_loop3A_996 : vector<1x1x16xf32> to vector<16xf32>
      %parallel_loop3A_998 = vector.shape_cast %parallel_loop3A_991 : vector<16xf32> to vector<1x1x16xf32>
      tpu.vector_store %arg6[%parallel_loop3A_993, %parallel_loop3A_994, %parallel_loop3A_995], %parallel_loop3A_998 {strides = array<i32>} : memref<8x128x64xf32, #tpu.memory_space<vmem>>, vector<1x1x16xf32>,
      %parallel_loop3A_999 = arith.constant 2 : i32
      %parallel_loop3A_1000 = arith.index_cast %parallel_loop3A_999 : i32 to index
      %parallel_loop3A_1001 = arith.index_cast %parallel_loop3A_982 : i32 to index
      %parallel_loop3A_1002 = arith.constant 16 : index
      %parallel_loop3A_1003 = tpu.vector_load %arg6[%parallel_loop3A_1000, %parallel_loop3A_1001, %parallel_loop3A_1002] {strides = array<i32>} : memref<8x128x64xf32, #tpu.memory_space<vmem>>, vector<1x1x16xf32>,
      %parallel_loop3A_1004 = vector.shape_cast %parallel_loop3A_1003 : vector<1x1x16xf32> to vector<16xf32>
      %parallel_loop3A_1005 = arith.constant 8.000000e+00 : f32
      %parallel_loop3A_1006 = vector.broadcast %parallel_loop3A_1005 : f32 to vector<16xf32>
      %parallel_loop3A_1007 = arith.mulf %parallel_loop3A_1004, %parallel_loop3A_1006 : vector<16xf32>
      %parallel_loop3A_1008 = arith.constant 2 : i32
      %parallel_loop3A_1009 = arith.index_cast %parallel_loop3A_1008 : i32 to index
      %parallel_loop3A_1010 = arith.index_cast %parallel_loop3A_982 : i32 to index
      %parallel_loop3A_1011 = arith.constant 16 : index
      %parallel_loop3A_1012 = tpu.vector_load %arg6[%parallel_loop3A_1009, %parallel_loop3A_1010, %parallel_loop3A_1011] {strides = array<i32>} : memref<8x128x64xf32, #tpu.memory_space<vmem>>, vector<1x1x16xf32>,
      %parallel_loop3A_1013 = vector.shape_cast %parallel_loop3A_1012 : vector<1x1x16xf32> to vector<16xf32>
      %parallel_loop3A_1014 = vector.shape_cast %parallel_loop3A_1007 : vector<16xf32> to vector<1x1x16xf32>
      tpu.vector_store %arg6[%parallel_loop3A_1009, %parallel_loop3A_1010, %parallel_loop3A_1011], %parallel_loop3A_1014 {strides = array<i32>} : memref<8x128x64xf32, #tpu.memory_space<vmem>>, vector<1x1x16xf32>,
      %parallel_loop3A_1015 = arith.constant 2 : i32
      %parallel_loop3A_1016 = arith.index_cast %parallel_loop3A_1015 : i32 to index
      %parallel_loop3A_1017 = arith.index_cast %parallel_loop3A_982 : i32 to index
      %parallel_loop3A_1018 = arith.constant 32 : index
      %parallel_loop3A_1019 = tpu.vector_load %arg6[%parallel_loop3A_1016, %parallel_loop3A_1017, %parallel_loop3A_1018] {strides = array<i32>} : memref<8x128x64xf32, #tpu.memory_space<vmem>>, vector<1x1x16xf32>,
      %parallel_loop3A_1020 = vector.shape_cast %parallel_loop3A_1019 : vector<1x1x16xf32> to vector<16xf32>
      %parallel_loop3A_1021 = arith.constant 8.000000e+00 : f32
      %parallel_loop3A_1022 = vector.broadcast %parallel_loop3A_1021 : f32 to vector<16xf32>
      %parallel_loop3A_1023 = arith.mulf %parallel_loop3A_1020, %parallel_loop3A_1022 : vector<16xf32>
      %parallel_loop3A_1024 = arith.constant 2 : i32
      %parallel_loop3A_1025 = arith.index_cast %parallel_loop3A_1024 : i32 to index
      %parallel_loop3A_1026 = arith.index_cast %parallel_loop3A_982 : i32 to index
      %parallel_loop3A_1027 = arith.constant 32 : index
      %parallel_loop3A_1028 = tpu.vector_load %arg6[%parallel_loop3A_1025, %parallel_loop3A_1026, %parallel_loop3A_1027] {strides = array<i32>} : memref<8x128x64xf32, #tpu.memory_space<vmem>>, vector<1x1x16xf32>,
      %parallel_loop3A_1029 = vector.shape_cast %parallel_loop3A_1028 : vector<1x1x16xf32> to vector<16xf32>
      %parallel_loop3A_1030 = vector.shape_cast %parallel_loop3A_1023 : vector<16xf32> to vector<1x1x16xf32>
      tpu.vector_store %arg6[%parallel_loop3A_1025, %parallel_loop3A_1026, %parallel_loop3A_1027], %parallel_loop3A_1030 {strides = array<i32>} : memref<8x128x64xf32, #tpu.memory_space<vmem>>, vector<1x1x16xf32>,
      %parallel_loop3A_1031 = arith.constant 2 : i32
      %parallel_loop3A_1032 = arith.index_cast %parallel_loop3A_1031 : i32 to index
      %parallel_loop3A_1033 = arith.index_cast %parallel_loop3A_982 : i32 to index
      %parallel_loop3A_1034 = arith.constant 48 : index
      %parallel_loop3A_1035 = tpu.vector_load %arg6[%parallel_loop3A_1032, %parallel_loop3A_1033, %parallel_loop3A_1034] {strides = array<i32>} : memref<8x128x64xf32, #tpu.memory_space<vmem>>, vector<1x1x16xf32>,
      %parallel_loop3A_1036 = vector.shape_cast %parallel_loop3A_1035 : vector<1x1x16xf32> to vector<16xf32>
      %parallel_loop3A_1037 = arith.constant 8.000000e+00 : f32
      %parallel_loop3A_1038 = vector.broadcast %parallel_loop3A_1037 : f32 to vector<16xf32>
      %parallel_loop3A_1039 = arith.mulf %parallel_loop3A_1036, %parallel_loop3A_1038 : vector<16xf32>
      %parallel_loop3A_1040 = arith.constant 2 : i32
      %parallel_loop3A_1041 = arith.index_cast %parallel_loop3A_1040 : i32 to index
      %parallel_loop3A_1042 = arith.index_cast %parallel_loop3A_982 : i32 to index
      %parallel_loop3A_1043 = arith.constant 48 : index
      %parallel_loop3A_1044 = tpu.vector_load %arg6[%parallel_loop3A_1041, %parallel_loop3A_1042, %parallel_loop3A_1043] {strides = array<i32>} : memref<8x128x64xf32, #tpu.memory_space<vmem>>, vector<1x1x16xf32>,
      %parallel_loop3A_1045 = vector.shape_cast %parallel_loop3A_1044 : vector<1x1x16xf32> to vector<16xf32>
      %parallel_loop3A_1046 = vector.shape_cast %parallel_loop3A_1039 : vector<16xf32> to vector<1x1x16xf32>
      tpu.vector_store %arg6[%parallel_loop3A_1041, %parallel_loop3A_1042, %parallel_loop3A_1043], %parallel_loop3A_1046 {strides = array<i32>} : memref<8x128x64xf32, #tpu.memory_space<vmem>>, vector<1x1x16xf32>,
    } {sc.loop_unroll_factor = 4 : i64, sc.parallel_access}
    %dma_start3A_158 = arith.constant 2 : i32
    %dma_start3A_159 = arith.constant 2 : i32
    %dma_start3A_160 = arith.constant 0 : i32
    %dma_start3A_161 = arith.constant 0 : i32
    %dma_start3A_162 = tpu.memref_slice %arg6[%dma_start3A_158, %dma_start3A_160, %dma_start3A_161] : memref<8x128x64xf32, #tpu.memory_space<vmem>> -> memref<1x128x64xf32, #tpu.memory_space<vmem>>
    %dma_start3A_163 = tpu.memref_squeeze %dma_start3A_162 : memref<1x128x64xf32, #tpu.memory_space<vmem>> -> memref<128x64xf32, #tpu.memory_space<vmem>>
    %dma_start3A_164 = arith.constant 0 : i32
    %dma_start3A_165 = tpu.memref_slice %arg4[%mul3A_2, %dma_start3A_159, %dma_start3A_164] : memref<4096x200x128xf32, #tpu.memory_space<hbm>> -> memref<128x1x64xf32, #tpu.memory_space<hbm>>
    %dma_start3A_166 = tpu.memref_squeeze %dma_start3A_165 : memref<128x1x64xf32, #tpu.memory_space<hbm>> -> memref<128x64xf32, #tpu.memory_space<hbm>>
    %dma_start3A_167 = arith.constant 0 : i32
    %dma_start3A_168 = tpu.memref_slice %arg4[%mul3A_2, %dma_start3A_159, %dma_start3A_167] : memref<4096x200x128xf32, #tpu.memory_space<hbm>> -> memref<128x1x64xf32, #tpu.memory_space<hbm>>
    %dma_start3A_169 = tpu.memref_squeeze %dma_start3A_168 : memref<128x1x64xf32, #tpu.memory_space<hbm>> -> memref<128x64xf32, #tpu.memory_space<hbm>>
    %dma_start3A_170 = arith.constant 0 : i32
    %dma_start3A_171 = arith.constant 0 : i32
    %dma_start3A_172 = tpu.memref_slice %arg6[%dma_start3A_158, %dma_start3A_170, %dma_start3A_171] : memref<8x128x64xf32, #tpu.memory_space<vmem>> -> memref<1x128x64xf32, #tpu.memory_space<vmem>>
    %dma_start3A_173 = tpu.memref_squeeze %dma_start3A_172 : memref<1x128x64xf32, #tpu.memory_space<vmem>> -> memref<128x64xf32, #tpu.memory_space<vmem>>
    tpu.enqueue_dma source(%dma_start3A_173 : memref<128x64xf32, #tpu.memory_space<vmem>>) target(%dma_start3A_169 : memref<128x64xf32, #tpu.memory_space<hbm>>) target_semaphore(%arg8 : memref<!tpu.dma_semaphore, #tpu.memory_space<semaphore_mem>>)
    %dma_start3A_174 = arith.constant 0 : i32
    %dma_start3A_175 = arith.constant 6 : i32
    %dma_start3A_176 = arith.constant 6 : i32
    %dma_start3A_177 = arith.constant 0 : i32
    %dma_start3A_178 = arith.constant 0 : i32
    %dma_start3A_179 = tpu.memref_slice %arg6[%dma_start3A_176, %dma_start3A_177, %dma_start3A_178] : memref<8x128x64xf32, #tpu.memory_space<vmem>> -> memref<1x128x64xf32, #tpu.memory_space<vmem>>
    %dma_start3A_180 = tpu.memref_squeeze %dma_start3A_179 : memref<1x128x64xf32, #tpu.memory_space<vmem>> -> memref<128x64xf32, #tpu.memory_space<vmem>>
    %dma_start3A_181 = arith.constant 0 : i32
    %dma_start3A_182 = tpu.memref_slice %arg5[%dma_start3A_174, %dma_start3A_175, %dma_start3A_181] : memref<2x8x128xi32, #tpu.memory_space<vmem>> -> memref<1x1x128xi32, #tpu.memory_space<vmem>>
    %dma_start3A_183 = tpu.memref_squeeze %dma_start3A_182 : memref<1x1x128xi32, #tpu.memory_space<vmem>> -> memref<128xi32, #tpu.memory_space<vmem>>
    %dma_start3A_184 = arith.constant 0 : i32
    %dma_start3A_185 = arith.constant 0 : i32
    %dma_start3A_186 = tpu.memref_slice %arg3[%dma_start3A_184, %dma_start3A_185] : memref<1000000x64xf32, #tpu.memory_space<hbm>> -> memref<1000000x64xf32, #tpu.memory_space<hbm>>
    tpu.enqueue_indirect_dma source(%dma_start3A_186 : memref<1000000x64xf32, #tpu.memory_space<hbm>>) target(%dma_start3A_180 : memref<128x64xf32, #tpu.memory_space<vmem>>) offsets(%dma_start3A_183 : memref<128xi32, #tpu.memory_space<vmem>>) semaphore(%arg7 : memref<!tpu.dma_semaphore, #tpu.memory_space<semaphore_mem>>)
    %dma_wait3A_187 = arith.constant 0 : i32
    %dma_wait3A_188 = arith.constant 0 : i32
    %dma_wait3A_189 = arith.constant 3 : i32
    %dma_wait3A_190 = arith.constant 0 : i32
    %dma_wait3A_191 = arith.constant 0 : i32
    %dma_wait3A_192 = tpu.memref_slice %arg6[%dma_wait3A_189, %dma_wait3A_190, %dma_wait3A_191] : memref<8x128x64xf32, #tpu.memory_space<vmem>> -> memref<1x128x64xf32, #tpu.memory_space<vmem>>
    %dma_wait3A_193 = tpu.memref_squeeze %dma_wait3A_192 : memref<1x128x64xf32, #tpu.memory_space<vmem>> -> memref<128x64xf32, #tpu.memory_space<vmem>>
    %dma_wait3A_194 = arith.constant 0 : i32
    %dma_wait3A_195 = tpu.memref_slice %arg5[%dma_wait3A_187, %dma_wait3A_188, %dma_wait3A_194] : memref<2x8x128xi32, #tpu.memory_space<vmem>> -> memref<1x1x128xi32, #tpu.memory_space<vmem>>
    %dma_wait3A_196 = tpu.memref_squeeze %dma_wait3A_195 : memref<1x1x128xi32, #tpu.memory_space<vmem>> -> memref<128xi32, #tpu.memory_space<vmem>>
    %dma_wait3A_197 = arith.constant 0 : i32
    %dma_wait3A_198 = arith.constant 0 : i32
    %dma_wait3A_199 = tpu.memref_slice %arg3[%dma_wait3A_197, %dma_wait3A_198] : memref<1000000x64xf32, #tpu.memory_space<hbm>> -> memref<1000000x64xf32, #tpu.memory_space<hbm>>
    tpu.wait_indirect_dma semaphore(%arg7 : memref<!tpu.dma_semaphore, #tpu.memory_space<semaphore_mem>>) src(%dma_wait3A_199 : memref<1000000x64xf32, #tpu.memory_space<hbm>>) dst(%dma_wait3A_193 : memref<128x64xf32, #tpu.memory_space<vmem>>)
    %parallel_loop3A_200 = arith.constant 0 : i32
    %parallel_loop3A_201 = arith.constant 128 : i32
    %parallel_loop3A_202 = arith.constant 1 : i32
    scf.for %parallel_loop3A_982 = %parallel_loop3A_200 to %parallel_loop3A_201 step %parallel_loop3A_202  : i32 {
      %parallel_loop3A_983 = arith.constant 3 : i32
      %parallel_loop3A_984 = arith.index_cast %parallel_loop3A_983 : i32 to index
      %parallel_loop3A_985 = arith.index_cast %parallel_loop3A_982 : i32 to index
      %parallel_loop3A_986 = arith.constant 0 : index
      %parallel_loop3A_987 = tpu.vector_load %arg6[%parallel_loop3A_984, %parallel_loop3A_985, %parallel_loop3A_986] {strides = array<i32>} : memref<8x128x64xf32, #tpu.memory_space<vmem>>, vector<1x1x16xf32>,
      %parallel_loop3A_988 = vector.shape_cast %parallel_loop3A_987 : vector<1x1x16xf32> to vector<16xf32>
      %parallel_loop3A_989 = arith.constant 8.000000e+00 : f32
      %parallel_loop3A_990 = vector.broadcast %parallel_loop3A_989 : f32 to vector<16xf32>
      %parallel_loop3A_991 = arith.mulf %parallel_loop3A_988, %parallel_loop3A_990 : vector<16xf32>
      %parallel_loop3A_992 = arith.constant 3 : i32
      %parallel_loop3A_993 = arith.index_cast %parallel_loop3A_992 : i32 to index
      %parallel_loop3A_994 = arith.index_cast %parallel_loop3A_982 : i32 to index
      %parallel_loop3A_995 = arith.constant 0 : index
      %parallel_loop3A_996 = tpu.vector_load %arg6[%parallel_loop3A_993, %parallel_loop3A_994, %parallel_loop3A_995] {strides = array<i32>} : memref<8x128x64xf32, #tpu.memory_space<vmem>>, vector<1x1x16xf32>,
      %parallel_loop3A_997 = vector.shape_cast %parallel_loop3A_996 : vector<1x1x16xf32> to vector<16xf32>
      %parallel_loop3A_998 = vector.shape_cast %parallel_loop3A_991 : vector<16xf32> to vector<1x1x16xf32>
      tpu.vector_store %arg6[%parallel_loop3A_993, %parallel_loop3A_994, %parallel_loop3A_995], %parallel_loop3A_998 {strides = array<i32>} : memref<8x128x64xf32, #tpu.memory_space<vmem>>, vector<1x1x16xf32>,
      %parallel_loop3A_999 = arith.constant 3 : i32
      %parallel_loop3A_1000 = arith.index_cast %parallel_loop3A_999 : i32 to index
      %parallel_loop3A_1001 = arith.index_cast %parallel_loop3A_982 : i32 to index
      %parallel_loop3A_1002 = arith.constant 16 : index
      %parallel_loop3A_1003 = tpu.vector_load %arg6[%parallel_loop3A_1000, %parallel_loop3A_1001, %parallel_loop3A_1002] {strides = array<i32>} : memref<8x128x64xf32, #tpu.memory_space<vmem>>, vector<1x1x16xf32>,
      %parallel_loop3A_1004 = vector.shape_cast %parallel_loop3A_1003 : vector<1x1x16xf32> to vector<16xf32>
      %parallel_loop3A_1005 = arith.constant 8.000000e+00 : f32
      %parallel_loop3A_1006 = vector.broadcast %parallel_loop3A_1005 : f32 to vector<16xf32>
      %parallel_loop3A_1007 = arith.mulf %parallel_loop3A_1004, %parallel_loop3A_1006 : vector<16xf32>
      %parallel_loop3A_1008 = arith.constant 3 : i32
      %parallel_loop3A_1009 = arith.index_cast %parallel_loop3A_1008 : i32 to index
      %parallel_loop3A_1010 = arith.index_cast %parallel_loop3A_982 : i32 to index
      %parallel_loop3A_1011 = arith.constant 16 : index
      %parallel_loop3A_1012 = tpu.vector_load %arg6[%parallel_loop3A_1009, %parallel_loop3A_1010, %parallel_loop3A_1011] {strides = array<i32>} : memref<8x128x64xf32, #tpu.memory_space<vmem>>, vector<1x1x16xf32>,
      %parallel_loop3A_1013 = vector.shape_cast %parallel_loop3A_1012 : vector<1x1x16xf32> to vector<16xf32>
      %parallel_loop3A_1014 = vector.shape_cast %parallel_loop3A_1007 : vector<16xf32> to vector<1x1x16xf32>
      tpu.vector_store %arg6[%parallel_loop3A_1009, %parallel_loop3A_1010, %parallel_loop3A_1011], %parallel_loop3A_1014 {strides = array<i32>} : memref<8x128x64xf32, #tpu.memory_space<vmem>>, vector<1x1x16xf32>,
      %parallel_loop3A_1015 = arith.constant 3 : i32
      %parallel_loop3A_1016 = arith.index_cast %parallel_loop3A_1015 : i32 to index
      %parallel_loop3A_1017 = arith.index_cast %parallel_loop3A_982 : i32 to index
      %parallel_loop3A_1018 = arith.constant 32 : index
      %parallel_loop3A_1019 = tpu.vector_load %arg6[%parallel_loop3A_1016, %parallel_loop3A_1017, %parallel_loop3A_1018] {strides = array<i32>} : memref<8x128x64xf32, #tpu.memory_space<vmem>>, vector<1x1x16xf32>,
      %parallel_loop3A_1020 = vector.shape_cast %parallel_loop3A_1019 : vector<1x1x16xf32> to vector<16xf32>
      %parallel_loop3A_1021 = arith.constant 8.000000e+00 : f32
      %parallel_loop3A_1022 = vector.broadcast %parallel_loop3A_1021 : f32 to vector<16xf32>
      %parallel_loop3A_1023 = arith.mulf %parallel_loop3A_1020, %parallel_loop3A_1022 : vector<16xf32>
      %parallel_loop3A_1024 = arith.constant 3 : i32
      %parallel_loop3A_1025 = arith.index_cast %parallel_loop3A_1024 : i32 to index
      %parallel_loop3A_1026 = arith.index_cast %parallel_loop3A_982 : i32 to index
      %parallel_loop3A_1027 = arith.constant 32 : index
      %parallel_loop3A_1028 = tpu.vector_load %arg6[%parallel_loop3A_1025, %parallel_loop3A_1026, %parallel_loop3A_1027] {strides = array<i32>} : memref<8x128x64xf32, #tpu.memory_space<vmem>>, vector<1x1x16xf32>,
      %parallel_loop3A_1029 = vector.shape_cast %parallel_loop3A_1028 : vector<1x1x16xf32> to vector<16xf32>
      %parallel_loop3A_1030 = vector.shape_cast %parallel_loop3A_1023 : vector<16xf32> to vector<1x1x16xf32>
      tpu.vector_store %arg6[%parallel_loop3A_1025, %parallel_loop3A_1026, %parallel_loop3A_1027], %parallel_loop3A_1030 {strides = array<i32>} : memref<8x128x64xf32, #tpu.memory_space<vmem>>, vector<1x1x16xf32>,
      %parallel_loop3A_1031 = arith.constant 3 : i32
      %parallel_loop3A_1032 = arith.index_cast %parallel_loop3A_1031 : i32 to index
      %parallel_loop3A_1033 = arith.index_cast %parallel_loop3A_982 : i32 to index
      %parallel_loop3A_1034 = arith.constant 48 : index
      %parallel_loop3A_1035 = tpu.vector_load %arg6[%parallel_loop3A_1032, %parallel_loop3A_1033, %parallel_loop3A_1034] {strides = array<i32>} : memref<8x128x64xf32, #tpu.memory_space<vmem>>, vector<1x1x16xf32>,
      %parallel_loop3A_1036 = vector.shape_cast %parallel_loop3A_1035 : vector<1x1x16xf32> to vector<16xf32>
      %parallel_loop3A_1037 = arith.constant 8.000000e+00 : f32
      %parallel_loop3A_1038 = vector.broadcast %parallel_loop3A_1037 : f32 to vector<16xf32>
      %parallel_loop3A_1039 = arith.mulf %parallel_loop3A_1036, %parallel_loop3A_1038 : vector<16xf32>
      %parallel_loop3A_1040 = arith.constant 3 : i32
      %parallel_loop3A_1041 = arith.index_cast %parallel_loop3A_1040 : i32 to index
      %parallel_loop3A_1042 = arith.index_cast %parallel_loop3A_982 : i32 to index
      %parallel_loop3A_1043 = arith.constant 48 : index
      %parallel_loop3A_1044 = tpu.vector_load %arg6[%parallel_loop3A_1041, %parallel_loop3A_1042, %parallel_loop3A_1043] {strides = array<i32>} : memref<8x128x64xf32, #tpu.memory_space<vmem>>, vector<1x1x16xf32>,
      %parallel_loop3A_1045 = vector.shape_cast %parallel_loop3A_1044 : vector<1x1x16xf32> to vector<16xf32>
      %parallel_loop3A_1046 = vector.shape_cast %parallel_loop3A_1039 : vector<16xf32> to vector<1x1x16xf32>
      tpu.vector_store %arg6[%parallel_loop3A_1041, %parallel_loop3A_1042, %parallel_loop3A_1043], %parallel_loop3A_1046 {strides = array<i32>} : memref<8x128x64xf32, #tpu.memory_space<vmem>>, vector<1x1x16xf32>,
    } {sc.loop_unroll_factor = 4 : i64, sc.parallel_access}
    %dma_start3A_203 = arith.constant 3 : i32
    %dma_start3A_204 = arith.constant 3 : i32
    %dma_start3A_205 = arith.constant 0 : i32
    %dma_start3A_206 = arith.constant 0 : i32
    %dma_start3A_207 = tpu.memref_slice %arg6[%dma_start3A_203, %dma_start3A_205, %dma_start3A_206] : memref<8x128x64xf32, #tpu.memory_space<vmem>> -> memref<1x128x64xf32, #tpu.memory_space<vmem>>
    %dma_start3A_208 = tpu.memref_squeeze %dma_start3A_207 : memref<1x128x64xf32, #tpu.memory_space<vmem>> -> memref<128x64xf32, #tpu.memory_space<vmem>>
    %dma_start3A_209 = arith.constant 0 : i32
    %dma_start3A_210 = tpu.memref_slice %arg4[%mul3A_2, %dma_start3A_204, %dma_start3A_209] : memref<4096x200x128xf32, #tpu.memory_space<hbm>> -> memref<128x1x64xf32, #tpu.memory_space<hbm>>
    %dma_start3A_211 = tpu.memref_squeeze %dma_start3A_210 : memref<128x1x64xf32, #tpu.memory_space<hbm>> -> memref<128x64xf32, #tpu.memory_space<hbm>>
    %dma_start3A_212 = arith.constant 0 : i32
    %dma_start3A_213 = tpu.memref_slice %arg4[%mul3A_2, %dma_start3A_204, %dma_start3A_212] : memref<4096x200x128xf32, #tpu.memory_space<hbm>> -> memref<128x1x64xf32, #tpu.memory_space<hbm>>
    %dma_start3A_214 = tpu.memref_squeeze %dma_start3A_213 : memref<128x1x64xf32, #tpu.memory_space<hbm>> -> memref<128x64xf32, #tpu.memory_space<hbm>>
    %dma_start3A_215 = arith.constant 0 : i32
    %dma_start3A_216 = arith.constant 0 : i32
    %dma_start3A_217 = tpu.memref_slice %arg6[%dma_start3A_203, %dma_start3A_215, %dma_start3A_216] : memref<8x128x64xf32, #tpu.memory_space<vmem>> -> memref<1x128x64xf32, #tpu.memory_space<vmem>>
    %dma_start3A_218 = tpu.memref_squeeze %dma_start3A_217 : memref<1x128x64xf32, #tpu.memory_space<vmem>> -> memref<128x64xf32, #tpu.memory_space<vmem>>
    tpu.enqueue_dma source(%dma_start3A_218 : memref<128x64xf32, #tpu.memory_space<vmem>>) target(%dma_start3A_214 : memref<128x64xf32, #tpu.memory_space<hbm>>) target_semaphore(%arg8 : memref<!tpu.dma_semaphore, #tpu.memory_space<semaphore_mem>>)
    %dma_start3A_219 = arith.constant 0 : i32
    %dma_start3A_220 = arith.constant 7 : i32
    %dma_start3A_221 = arith.constant 7 : i32
    %dma_start3A_222 = arith.constant 0 : i32
    %dma_start3A_223 = arith.constant 0 : i32
    %dma_start3A_224 = tpu.memref_slice %arg6[%dma_start3A_221, %dma_start3A_222, %dma_start3A_223] : memref<8x128x64xf32, #tpu.memory_space<vmem>> -> memref<1x128x64xf32, #tpu.memory_space<vmem>>
    %dma_start3A_225 = tpu.memref_squeeze %dma_start3A_224 : memref<1x128x64xf32, #tpu.memory_space<vmem>> -> memref<128x64xf32, #tpu.memory_space<vmem>>
    %dma_start3A_226 = arith.constant 0 : i32
    %dma_start3A_227 = tpu.memref_slice %arg5[%dma_start3A_219, %dma_start3A_220, %dma_start3A_226] : memref<2x8x128xi32, #tpu.memory_space<vmem>> -> memref<1x1x128xi32, #tpu.memory_space<vmem>>
    %dma_start3A_228 = tpu.memref_squeeze %dma_start3A_227 : memref<1x1x128xi32, #tpu.memory_space<vmem>> -> memref<128xi32, #tpu.memory_space<vmem>>
    %dma_start3A_229 = arith.constant 0 : i32
    %dma_start3A_230 = arith.constant 0 : i32
    %dma_start3A_231 = tpu.memref_slice %arg3[%dma_start3A_229, %dma_start3A_230] : memref<1000000x64xf32, #tpu.memory_space<hbm>> -> memref<1000000x64xf32, #tpu.memory_space<hbm>>
    tpu.enqueue_indirect_dma source(%dma_start3A_231 : memref<1000000x64xf32, #tpu.memory_space<hbm>>) target(%dma_start3A_225 : memref<128x64xf32, #tpu.memory_space<vmem>>) offsets(%dma_start3A_228 : memref<128xi32, #tpu.memory_space<vmem>>) semaphore(%arg7 : memref<!tpu.dma_semaphore, #tpu.memory_space<semaphore_mem>>)
    %run_scoped3A_232 = arith.constant 1 : i32
    "tpu.region"() ({
      %run_scoped3A_982 = tpu.sem_alloc : memref<!tpu.dma_semaphore, #tpu.memory_space<semaphore_mem>>
      %dma_start3A_983 = arith.constant 0 : i32
      %dma_start3A_984 = arith.constant 0 : i32
      %dma_start3A_985 = tpu.memref_slice %arg5[%run_scoped3A_232, %dma_start3A_983, %dma_start3A_984] : memref<2x8x128xi32, #tpu.memory_space<vmem>> -> memref<1x8x128xi32, #tpu.memory_space<vmem>>
      %dma_start3A_986 = tpu.memref_squeeze %dma_start3A_985 : memref<1x8x128xi32, #tpu.memory_space<vmem>> -> memref<8x128xi32, #tpu.memory_space<vmem>>
      %dma_start3A_987 = arith.constant 8 : i32
      %dma_start3A_988 = tpu.memref_slice %arg2[%dma_start3A_987, %mul3A_2] : memref<200x4096xi32, #tpu.memory_space<hbm>> -> memref<8x128xi32, #tpu.memory_space<hbm>>
      %dma_start3A_989 = arith.constant 0 : i32
      %dma_start3A_990 = arith.constant 0 : i32
      %dma_start3A_991 = tpu.memref_slice %arg5[%run_scoped3A_232, %dma_start3A_989, %dma_start3A_990] : memref<2x8x128xi32, #tpu.memory_space<vmem>> -> memref<1x8x128xi32, #tpu.memory_space<vmem>>
      %dma_start3A_992 = tpu.memref_squeeze %dma_start3A_991 : memref<1x8x128xi32, #tpu.memory_space<vmem>> -> memref<8x128xi32, #tpu.memory_space<vmem>>
      %dma_start3A_993 = arith.constant 8 : i32
      %dma_start3A_994 = tpu.memref_slice %arg2[%dma_start3A_993, %mul3A_2] : memref<200x4096xi32, #tpu.memory_space<hbm>> -> memref<8x128xi32, #tpu.memory_space<hbm>>
      tpu.enqueue_dma source(%dma_start3A_994 : memref<8x128xi32, #tpu.memory_space<hbm>>) target(%dma_start3A_992 : memref<8x128xi32, #tpu.memory_space<vmem>>) target_semaphore(%run_scoped3A_982 : memref<!tpu.dma_semaphore, #tpu.memory_space<semaphore_mem>>)
      %dma_wait3A_995 = arith.constant 0 : i32
      %dma_wait3A_996 = arith.constant 0 : i32
      %dma_wait3A_997 = tpu.memref_slice %arg5[%run_scoped3A_232, %dma_wait3A_995, %dma_wait3A_996] : memref<2x8x128xi32, #tpu.memory_space<vmem>> -> memref<1x8x128xi32, #tpu.memory_space<vmem>>
      %dma_wait3A_998 = tpu.memref_squeeze %dma_wait3A_997 : memref<1x8x128xi32, #tpu.memory_space<vmem>> -> memref<8x128xi32, #tpu.memory_space<vmem>>
      %dma_wait3A_999 = arith.constant 8 : i32
      %dma_wait3A_1000 = tpu.memref_slice %arg2[%dma_wait3A_999, %mul3A_2] : memref<200x4096xi32, #tpu.memory_space<hbm>> -> memref<8x128xi32, #tpu.memory_space<hbm>>
      %dma_wait3A_1001 = arith.constant 0 : i32
      %dma_wait3A_1002 = arith.constant 0 : i32
      %dma_wait3A_1003 = tpu.memref_slice %arg5[%run_scoped3A_232, %dma_wait3A_1001, %dma_wait3A_1002] : memref<2x8x128xi32, #tpu.memory_space<vmem>> -> memref<1x8x128xi32, #tpu.memory_space<vmem>>
      %dma_wait3A_1004 = tpu.memref_squeeze %dma_wait3A_1003 : memref<1x8x128xi32, #tpu.memory_space<vmem>> -> memref<8x128xi32, #tpu.memory_space<vmem>>
      %dma_wait3A_1005 = arith.constant 8 : i32
      %dma_wait3A_1006 = tpu.memref_slice %arg2[%dma_wait3A_1005, %mul3A_2] : memref<200x4096xi32, #tpu.memory_space<hbm>> -> memref<8x128xi32, #tpu.memory_space<hbm>>
      tpu.wait_dma2 semaphore(%run_scoped3A_982 : memref<!tpu.dma_semaphore, #tpu.memory_space<semaphore_mem>>) src(%dma_wait3A_1006 : memref<8x128xi32, #tpu.memory_space<hbm>>) dst(%dma_wait3A_1004 : memref<8x128xi32, #tpu.memory_space<vmem>>)
      tpu.yield
    }) : () -> ()
    %dma_wait3A_233 = arith.constant 0 : i32
    %dma_wait3A_234 = arith.constant 0 : i32
    %dma_wait3A_235 = arith.constant 4 : i32
    %dma_wait3A_236 = arith.constant 0 : i32
    %dma_wait3A_237 = arith.constant 0 : i32
    %dma_wait3A_238 = tpu.memref_slice %arg6[%dma_wait3A_235, %dma_wait3A_236, %dma_wait3A_237] : memref<8x128x64xf32, #tpu.memory_space<vmem>> -> memref<1x128x64xf32, #tpu.memory_space<vmem>>
    %dma_wait3A_239 = tpu.memref_squeeze %dma_wait3A_238 : memref<1x128x64xf32, #tpu.memory_space<vmem>> -> memref<128x64xf32, #tpu.memory_space<vmem>>
    %dma_wait3A_240 = arith.constant 0 : i32
    %dma_wait3A_241 = tpu.memref_slice %arg5[%dma_wait3A_233, %dma_wait3A_234, %dma_wait3A_240] : memref<2x8x128xi32, #tpu.memory_space<vmem>> -> memref<1x1x128xi32, #tpu.memory_space<vmem>>
    %dma_wait3A_242 = tpu.memref_squeeze %dma_wait3A_241 : memref<1x1x128xi32, #tpu.memory_space<vmem>> -> memref<128xi32, #tpu.memory_space<vmem>>
    %dma_wait3A_243 = arith.constant 0 : i32
    %dma_wait3A_244 = arith.constant 0 : i32
    %dma_wait3A_245 = tpu.memref_slice %arg3[%dma_wait3A_243, %dma_wait3A_244] : memref<1000000x64xf32, #tpu.memory_space<hbm>> -> memref<1000000x64xf32, #tpu.memory_space<hbm>>
    tpu.wait_indirect_dma semaphore(%arg7 : memref<!tpu.dma_semaphore, #tpu.memory_space<semaphore_mem>>) src(%dma_wait3A_245 : memref<1000000x64xf32, #tpu.memory_space<hbm>>) dst(%dma_wait3A_239 : memref<128x64xf32, #tpu.memory_space<vmem>>)
    %parallel_loop3A_246 = arith.constant 0 : i32
    %parallel_loop3A_247 = arith.constant 128 : i32
    %parallel_loop3A_248 = arith.constant 1 : i32
    scf.for %parallel_loop3A_982 = %parallel_loop3A_246 to %parallel_loop3A_247 step %parallel_loop3A_248  : i32 {
      %parallel_loop3A_983 = arith.constant 4 : i32
      %parallel_loop3A_984 = arith.index_cast %parallel_loop3A_983 : i32 to index
      %parallel_loop3A_985 = arith.index_cast %parallel_loop3A_982 : i32 to index
      %parallel_loop3A_986 = arith.constant 0 : index
      %parallel_loop3A_987 = tpu.vector_load %arg6[%parallel_loop3A_984, %parallel_loop3A_985, %parallel_loop3A_986] {strides = array<i32>} : memref<8x128x64xf32, #tpu.memory_space<vmem>>, vector<1x1x16xf32>,
      %parallel_loop3A_988 = vector.shape_cast %parallel_loop3A_987 : vector<1x1x16xf32> to vector<16xf32>
      %parallel_loop3A_989 = arith.constant 8.000000e+00 : f32
      %parallel_loop3A_990 = vector.broadcast %parallel_loop3A_989 : f32 to vector<16xf32>
      %parallel_loop3A_991 = arith.mulf %parallel_loop3A_988, %parallel_loop3A_990 : vector<16xf32>
      %parallel_loop3A_992 = arith.constant 4 : i32
      %parallel_loop3A_993 = arith.index_cast %parallel_loop3A_992 : i32 to index
      %parallel_loop3A_994 = arith.index_cast %parallel_loop3A_982 : i32 to index
      %parallel_loop3A_995 = arith.constant 0 : index
      %parallel_loop3A_996 = tpu.vector_load %arg6[%parallel_loop3A_993, %parallel_loop3A_994, %parallel_loop3A_995] {strides = array<i32>} : memref<8x128x64xf32, #tpu.memory_space<vmem>>, vector<1x1x16xf32>,
      %parallel_loop3A_997 = vector.shape_cast %parallel_loop3A_996 : vector<1x1x16xf32> to vector<16xf32>
      %parallel_loop3A_998 = vector.shape_cast %parallel_loop3A_991 : vector<16xf32> to vector<1x1x16xf32>
      tpu.vector_store %arg6[%parallel_loop3A_993, %parallel_loop3A_994, %parallel_loop3A_995], %parallel_loop3A_998 {strides = array<i32>} : memref<8x128x64xf32, #tpu.memory_space<vmem>>, vector<1x1x16xf32>,
      %parallel_loop3A_999 = arith.constant 4 : i32
      %parallel_loop3A_1000 = arith.index_cast %parallel_loop3A_999 : i32 to index
      %parallel_loop3A_1001 = arith.index_cast %parallel_loop3A_982 : i32 to index
      %parallel_loop3A_1002 = arith.constant 16 : index
      %parallel_loop3A_1003 = tpu.vector_load %arg6[%parallel_loop3A_1000, %parallel_loop3A_1001, %parallel_loop3A_1002] {strides = array<i32>} : memref<8x128x64xf32, #tpu.memory_space<vmem>>, vector<1x1x16xf32>,
      %parallel_loop3A_1004 = vector.shape_cast %parallel_loop3A_1003 : vector<1x1x16xf32> to vector<16xf32>
      %parallel_loop3A_1005 = arith.constant 8.000000e+00 : f32
      %parallel_loop3A_1006 = vector.broadcast %parallel_loop3A_1005 : f32 to vector<16xf32>
      %parallel_loop3A_1007 = arith.mulf %parallel_loop3A_1004, %parallel_loop3A_1006 : vector<16xf32>
      %parallel_loop3A_1008 = arith.constant 4 : i32
      %parallel_loop3A_1009 = arith.index_cast %parallel_loop3A_1008 : i32 to index
      %parallel_loop3A_1010 = arith.index_cast %parallel_loop3A_982 : i32 to index
      %parallel_loop3A_1011 = arith.constant 16 : index
      %parallel_loop3A_1012 = tpu.vector_load %arg6[%parallel_loop3A_1009, %parallel_loop3A_1010, %parallel_loop3A_1011] {strides = array<i32>} : memref<8x128x64xf32, #tpu.memory_space<vmem>>, vector<1x1x16xf32>,
      %parallel_loop3A_1013 = vector.shape_cast %parallel_loop3A_1012 : vector<1x1x16xf32> to vector<16xf32>
      %parallel_loop3A_1014 = vector.shape_cast %parallel_loop3A_1007 : vector<16xf32> to vector<1x1x16xf32>
      tpu.vector_store %arg6[%parallel_loop3A_1009, %parallel_loop3A_1010, %parallel_loop3A_1011], %parallel_loop3A_1014 {strides = array<i32>} : memref<8x128x64xf32, #tpu.memory_space<vmem>>, vector<1x1x16xf32>,
      %parallel_loop3A_1015 = arith.constant 4 : i32
      %parallel_loop3A_1016 = arith.index_cast %parallel_loop3A_1015 : i32 to index
      %parallel_loop3A_1017 = arith.index_cast %parallel_loop3A_982 : i32 to index
      %parallel_loop3A_1018 = arith.constant 32 : index
      %parallel_loop3A_1019 = tpu.vector_load %arg6[%parallel_loop3A_1016, %parallel_loop3A_1017, %parallel_loop3A_1018] {strides = array<i32>} : memref<8x128x64xf32, #tpu.memory_space<vmem>>, vector<1x1x16xf32>,
      %parallel_loop3A_1020 = vector.shape_cast %parallel_loop3A_1019 : vector<1x1x16xf32> to vector<16xf32>
      %parallel_loop3A_1021 = arith.constant 8.000000e+00 : f32
      %parallel_loop3A_1022 = vector.broadcast %parallel_loop3A_1021 : f32 to vector<16xf32>
      %parallel_loop3A_1023 = arith.mulf %parallel_loop3A_1020, %parallel_loop3A_1022 : vector<16xf32>
      %parallel_loop3A_1024 = arith.constant 4 : i32
      %parallel_loop3A_1025 = arith.index_cast %parallel_loop3A_1024 : i32 to index
      %parallel_loop3A_1026 = arith.index_cast %parallel_loop3A_982 : i32 to index
      %parallel_loop3A_1027 = arith.constant 32 : index
      %parallel_loop3A_1028 = tpu.vector_load %arg6[%parallel_loop3A_1025, %parallel_loop3A_1026, %parallel_loop3A_1027] {strides = array<i32>} : memref<8x128x64xf32, #tpu.memory_space<vmem>>, vector<1x1x16xf32>,
      %parallel_loop3A_1029 = vector.shape_cast %parallel_loop3A_1028 : vector<1x1x16xf32> to vector<16xf32>
      %parallel_loop3A_1030 = vector.shape_cast %parallel_loop3A_1023 : vector<16xf32> to vector<1x1x16xf32>
      tpu.vector_store %arg6[%parallel_loop3A_1025, %parallel_loop3A_1026, %parallel_loop3A_1027], %parallel_loop3A_1030 {strides = array<i32>} : memref<8x128x64xf32, #tpu.memory_space<vmem>>, vector<1x1x16xf32>,
      %parallel_loop3A_1031 = arith.constant 4 : i32
      %parallel_loop3A_1032 = arith.index_cast %parallel_loop3A_1031 : i32 to index
      %parallel_loop3A_1033 = arith.index_cast %parallel_loop3A_982 : i32 to index
      %parallel_loop3A_1034 = arith.constant 48 : index
      %parallel_loop3A_1035 = tpu.vector_load %arg6[%parallel_loop3A_1032, %parallel_loop3A_1033, %parallel_loop3A_1034] {strides = array<i32>} : memref<8x128x64xf32, #tpu.memory_space<vmem>>, vector<1x1x16xf32>,
      %parallel_loop3A_1036 = vector.shape_cast %parallel_loop3A_1035 : vector<1x1x16xf32> to vector<16xf32>
      %parallel_loop3A_1037 = arith.constant 8.000000e+00 : f32
      %parallel_loop3A_1038 = vector.broadcast %parallel_loop3A_1037 : f32 to vector<16xf32>
      %parallel_loop3A_1039 = arith.mulf %parallel_loop3A_1036, %parallel_loop3A_1038 : vector<16xf32>
      %parallel_loop3A_1040 = arith.constant 4 : i32
      %parallel_loop3A_1041 = arith.index_cast %parallel_loop3A_1040 : i32 to index
      %parallel_loop3A_1042 = arith.index_cast %parallel_loop3A_982 : i32 to index
      %parallel_loop3A_1043 = arith.constant 48 : index
      %parallel_loop3A_1044 = tpu.vector_load %arg6[%parallel_loop3A_1041, %parallel_loop3A_1042, %parallel_loop3A_1043] {strides = array<i32>} : memref<8x128x64xf32, #tpu.memory_space<vmem>>, vector<1x1x16xf32>,
      %parallel_loop3A_1045 = vector.shape_cast %parallel_loop3A_1044 : vector<1x1x16xf32> to vector<16xf32>
      %parallel_loop3A_1046 = vector.shape_cast %parallel_loop3A_1039 : vector<16xf32> to vector<1x1x16xf32>
      tpu.vector_store %arg6[%parallel_loop3A_1041, %parallel_loop3A_1042, %parallel_loop3A_1043], %parallel_loop3A_1046 {strides = array<i32>} : memref<8x128x64xf32, #tpu.memory_space<vmem>>, vector<1x1x16xf32>,
    } {sc.loop_unroll_factor = 4 : i64, sc.parallel_access}
    %dma_start3A_249 = arith.constant 4 : i32
    %dma_start3A_250 = arith.constant 4 : i32
    %dma_start3A_251 = arith.constant 0 : i32
    %dma_start3A_252 = arith.constant 0 : i32
    %dma_start3A_253 = tpu.memref_slice %arg6[%dma_start3A_249, %dma_start3A_251, %dma_start3A_252] : memref<8x128x64xf32, #tpu.memory_space<vmem>> -> memref<1x128x64xf32, #tpu.memory_space<vmem>>
    %dma_start3A_254 = tpu.memref_squeeze %dma_start3A_253 : memref<1x128x64xf32, #tpu.memory_space<vmem>> -> memref<128x64xf32, #tpu.memory_space<vmem>>
    %dma_start3A_255 = arith.constant 0 : i32
    %dma_start3A_256 = tpu.memref_slice %arg4[%mul3A_2, %dma_start3A_250, %dma_start3A_255] : memref<4096x200x128xf32, #tpu.memory_space<hbm>> -> memref<128x1x64xf32, #tpu.memory_space<hbm>>
    %dma_start3A_257 = tpu.memref_squeeze %dma_start3A_256 : memref<128x1x64xf32, #tpu.memory_space<hbm>> -> memref<128x64xf32, #tpu.memory_space<hbm>>
    %dma_start3A_258 = arith.constant 0 : i32
    %dma_start3A_259 = tpu.memref_slice %arg4[%mul3A_2, %dma_start3A_250, %dma_start3A_258] : memref<4096x200x128xf32, #tpu.memory_space<hbm>> -> memref<128x1x64xf32, #tpu.memory_space<hbm>>
    %dma_start3A_260 = tpu.memref_squeeze %dma_start3A_259 : memref<128x1x64xf32, #tpu.memory_space<hbm>> -> memref<128x64xf32, #tpu.memory_space<hbm>>
    %dma_start3A_261 = arith.constant 0 : i32
    %dma_start3A_262 = arith.constant 0 : i32
    %dma_start3A_263 = tpu.memref_slice %arg6[%dma_start3A_249, %dma_start3A_261, %dma_start3A_262] : memref<8x128x64xf32, #tpu.memory_space<vmem>> -> memref<1x128x64xf32, #tpu.memory_space<vmem>>
    %dma_start3A_264 = tpu.memref_squeeze %dma_start3A_263 : memref<1x128x64xf32, #tpu.memory_space<vmem>> -> memref<128x64xf32, #tpu.memory_space<vmem>>
    tpu.enqueue_dma source(%dma_start3A_264 : memref<128x64xf32, #tpu.memory_space<vmem>>) target(%dma_start3A_260 : memref<128x64xf32, #tpu.memory_space<hbm>>) target_semaphore(%arg8 : memref<!tpu.dma_semaphore, #tpu.memory_space<semaphore_mem>>)
    %dma_wait3A_265 = arith.constant 0 : i32
    %dma_wait3A_266 = arith.constant 0 : i32
    %dma_wait3A_267 = arith.constant 0 : i32
    %dma_wait3A_268 = arith.constant 0 : i32
    %dma_wait3A_269 = tpu.memref_slice %arg6[%dma_wait3A_265, %dma_wait3A_267, %dma_wait3A_268] : memref<8x128x64xf32, #tpu.memory_space<vmem>> -> memref<1x128x64xf32, #tpu.memory_space<vmem>>
    %dma_wait3A_270 = tpu.memref_squeeze %dma_wait3A_269 : memref<1x128x64xf32, #tpu.memory_space<vmem>> -> memref<128x64xf32, #tpu.memory_space<vmem>>
    %dma_wait3A_271 = arith.constant 0 : i32
    %dma_wait3A_272 = tpu.memref_slice %arg4[%mul3A_2, %dma_wait3A_266, %dma_wait3A_271] : memref<4096x200x128xf32, #tpu.memory_space<hbm>> -> memref<128x1x64xf32, #tpu.memory_space<hbm>>
    %dma_wait3A_273 = tpu.memref_squeeze %dma_wait3A_272 : memref<128x1x64xf32, #tpu.memory_space<hbm>> -> memref<128x64xf32, #tpu.memory_space<hbm>>
    %dma_wait3A_274 = arith.constant 0 : i32
    %dma_wait3A_275 = tpu.memref_slice %arg4[%mul3A_2, %dma_wait3A_266, %dma_wait3A_274] : memref<4096x200x128xf32, #tpu.memory_space<hbm>> -> memref<128x1x64xf32, #tpu.memory_space<hbm>>
    %dma_wait3A_276 = tpu.memref_squeeze %dma_wait3A_275 : memref<128x1x64xf32, #tpu.memory_space<hbm>> -> memref<128x64xf32, #tpu.memory_space<hbm>>
    %dma_wait3A_277 = arith.constant 0 : i32
    %dma_wait3A_278 = arith.constant 0 : i32
    %dma_wait3A_279 = tpu.memref_slice %arg6[%dma_wait3A_265, %dma_wait3A_277, %dma_wait3A_278] : memref<8x128x64xf32, #tpu.memory_space<vmem>> -> memref<1x128x64xf32, #tpu.memory_space<vmem>>
    %dma_wait3A_280 = tpu.memref_squeeze %dma_wait3A_279 : memref<1x128x64xf32, #tpu.memory_space<vmem>> -> memref<128x64xf32, #tpu.memory_space<vmem>>
    tpu.wait_dma2 semaphore(%arg8 : memref<!tpu.dma_semaphore, #tpu.memory_space<semaphore_mem>>) src(%dma_wait3A_280 : memref<128x64xf32, #tpu.memory_space<vmem>>) dst(%dma_wait3A_276 : memref<128x64xf32, #tpu.memory_space<hbm>>)
    %dma_start3A_281 = arith.constant 1 : i32
    %dma_start3A_282 = arith.constant 0 : i32
    %dma_start3A_283 = arith.constant 0 : i32
    %dma_start3A_284 = arith.constant 0 : i32
    %dma_start3A_285 = arith.constant 0 : i32
    %dma_start3A_286 = tpu.memref_slice %arg6[%dma_start3A_283, %dma_start3A_284, %dma_start3A_285] : memref<8x128x64xf32, #tpu.memory_space<vmem>> -> memref<1x128x64xf32, #tpu.memory_space<vmem>>
    %dma_start3A_287 = tpu.memref_squeeze %dma_start3A_286 : memref<1x128x64xf32, #tpu.memory_space<vmem>> -> memref<128x64xf32, #tpu.memory_space<vmem>>
    %dma_start3A_288 = arith.constant 0 : i32
    %dma_start3A_289 = tpu.memref_slice %arg5[%dma_start3A_281, %dma_start3A_282, %dma_start3A_288] : memref<2x8x128xi32, #tpu.memory_space<vmem>> -> memref<1x1x128xi32, #tpu.memory_space<vmem>>
    %dma_start3A_290 = tpu.memref_squeeze %dma_start3A_289 : memref<1x1x128xi32, #tpu.memory_space<vmem>> -> memref<128xi32, #tpu.memory_space<vmem>>
    %dma_start3A_291 = arith.constant 0 : i32
    %dma_start3A_292 = arith.constant 0 : i32
    %dma_start3A_293 = tpu.memref_slice %arg3[%dma_start3A_291, %dma_start3A_292] : memref<1000000x64xf32, #tpu.memory_space<hbm>> -> memref<1000000x64xf32, #tpu.memory_space<hbm>>
    tpu.enqueue_indirect_dma source(%dma_start3A_293 : memref<1000000x64xf32, #tpu.memory_space<hbm>>) target(%dma_start3A_287 : memref<128x64xf32, #tpu.memory_space<vmem>>) offsets(%dma_start3A_290 : memref<128xi32, #tpu.memory_space<vmem>>) semaphore(%arg7 : memref<!tpu.dma_semaphore, #tpu.memory_space<semaphore_mem>>)
    %dma_wait3A_294 = arith.constant 0 : i32
    %dma_wait3A_295 = arith.constant 0 : i32
    %dma_wait3A_296 = arith.constant 5 : i32
    %dma_wait3A_297 = arith.constant 0 : i32
    %dma_wait3A_298 = arith.constant 0 : i32
    %dma_wait3A_299 = tpu.memref_slice %arg6[%dma_wait3A_296, %dma_wait3A_297, %dma_wait3A_298] : memref<8x128x64xf32, #tpu.memory_space<vmem>> -> memref<1x128x64xf32, #tpu.memory_space<vmem>>
    %dma_wait3A_300 = tpu.memref_squeeze %dma_wait3A_299 : memref<1x128x64xf32, #tpu.memory_space<vmem>> -> memref<128x64xf32, #tpu.memory_space<vmem>>
    %dma_wait3A_301 = arith.constant 0 : i32
    %dma_wait3A_302 = tpu.memref_slice %arg5[%dma_wait3A_294, %dma_wait3A_295, %dma_wait3A_301] : memref<2x8x128xi32, #tpu.memory_space<vmem>> -> memref<1x1x128xi32, #tpu.memory_space<vmem>>
    %dma_wait3A_303 = tpu.memref_squeeze %dma_wait3A_302 : memref<1x1x128xi32, #tpu.memory_space<vmem>> -> memref<128xi32, #tpu.memory_space<vmem>>
    %dma_wait3A_304 = arith.constant 0 : i32
    %dma_wait3A_305 = arith.constant 0 : i32
    %dma_wait3A_306 = tpu.memref_slice %arg3[%dma_wait3A_304, %dma_wait3A_305] : memref<1000000x64xf32, #tpu.memory_space<hbm>> -> memref<1000000x64xf32, #tpu.memory_space<hbm>>
    tpu.wait_indirect_dma semaphore(%arg7 : memref<!tpu.dma_semaphore, #tpu.memory_space<semaphore_mem>>) src(%dma_wait3A_306 : memref<1000000x64xf32, #tpu.memory_space<hbm>>) dst(%dma_wait3A_300 : memref<128x64xf32, #tpu.memory_space<vmem>>)
    %parallel_loop3A_307 = arith.constant 0 : i32
    %parallel_loop3A_308 = arith.constant 128 : i32
    %parallel_loop3A_309 = arith.constant 1 : i32
    scf.for %parallel_loop3A_982 = %parallel_loop3A_307 to %parallel_loop3A_308 step %parallel_loop3A_309  : i32 {
      %parallel_loop3A_983 = arith.constant 5 : i32
      %parallel_loop3A_984 = arith.index_cast %parallel_loop3A_983 : i32 to index
      %parallel_loop3A_985 = arith.index_cast %parallel_loop3A_982 : i32 to index
      %parallel_loop3A_986 = arith.constant 0 : index
      %parallel_loop3A_987 = tpu.vector_load %arg6[%parallel_loop3A_984, %parallel_loop3A_985, %parallel_loop3A_986] {strides = array<i32>} : memref<8x128x64xf32, #tpu.memory_space<vmem>>, vector<1x1x16xf32>,
      %parallel_loop3A_988 = vector.shape_cast %parallel_loop3A_987 : vector<1x1x16xf32> to vector<16xf32>
      %parallel_loop3A_989 = arith.constant 8.000000e+00 : f32
      %parallel_loop3A_990 = vector.broadcast %parallel_loop3A_989 : f32 to vector<16xf32>
      %parallel_loop3A_991 = arith.mulf %parallel_loop3A_988, %parallel_loop3A_990 : vector<16xf32>
      %parallel_loop3A_992 = arith.constant 5 : i32
      %parallel_loop3A_993 = arith.index_cast %parallel_loop3A_992 : i32 to index
      %parallel_loop3A_994 = arith.index_cast %parallel_loop3A_982 : i32 to index
      %parallel_loop3A_995 = arith.constant 0 : index
      %parallel_loop3A_996 = tpu.vector_load %arg6[%parallel_loop3A_993, %parallel_loop3A_994, %parallel_loop3A_995] {strides = array<i32>} : memref<8x128x64xf32, #tpu.memory_space<vmem>>, vector<1x1x16xf32>,
      %parallel_loop3A_997 = vector.shape_cast %parallel_loop3A_996 : vector<1x1x16xf32> to vector<16xf32>
      %parallel_loop3A_998 = vector.shape_cast %parallel_loop3A_991 : vector<16xf32> to vector<1x1x16xf32>
      tpu.vector_store %arg6[%parallel_loop3A_993, %parallel_loop3A_994, %parallel_loop3A_995], %parallel_loop3A_998 {strides = array<i32>} : memref<8x128x64xf32, #tpu.memory_space<vmem>>, vector<1x1x16xf32>,
      %parallel_loop3A_999 = arith.constant 5 : i32
      %parallel_loop3A_1000 = arith.index_cast %parallel_loop3A_999 : i32 to index
      %parallel_loop3A_1001 = arith.index_cast %parallel_loop3A_982 : i32 to index
      %parallel_loop3A_1002 = arith.constant 16 : index
      %parallel_loop3A_1003 = tpu.vector_load %arg6[%parallel_loop3A_1000, %parallel_loop3A_1001, %parallel_loop3A_1002] {strides = array<i32>} : memref<8x128x64xf32, #tpu.memory_space<vmem>>, vector<1x1x16xf32>,
      %parallel_loop3A_1004 = vector.shape_cast %parallel_loop3A_1003 : vector<1x1x16xf32> to vector<16xf32>
      %parallel_loop3A_1005 = arith.constant 8.000000e+00 : f32
      %parallel_loop3A_1006 = vector.broadcast %parallel_loop3A_1005 : f32 to vector<16xf32>
      %parallel_loop3A_1007 = arith.mulf %parallel_loop3A_1004, %parallel_loop3A_1006 : vector<16xf32>
      %parallel_loop3A_1008 = arith.constant 5 : i32
      %parallel_loop3A_1009 = arith.index_cast %parallel_loop3A_1008 : i32 to index
      %parallel_loop3A_1010 = arith.index_cast %parallel_loop3A_982 : i32 to index
      %parallel_loop3A_1011 = arith.constant 16 : index
      %parallel_loop3A_1012 = tpu.vector_load %arg6[%parallel_loop3A_1009, %parallel_loop3A_1010, %parallel_loop3A_1011] {strides = array<i32>} : memref<8x128x64xf32, #tpu.memory_space<vmem>>, vector<1x1x16xf32>,
      %parallel_loop3A_1013 = vector.shape_cast %parallel_loop3A_1012 : vector<1x1x16xf32> to vector<16xf32>
      %parallel_loop3A_1014 = vector.shape_cast %parallel_loop3A_1007 : vector<16xf32> to vector<1x1x16xf32>
      tpu.vector_store %arg6[%parallel_loop3A_1009, %parallel_loop3A_1010, %parallel_loop3A_1011], %parallel_loop3A_1014 {strides = array<i32>} : memref<8x128x64xf32, #tpu.memory_space<vmem>>, vector<1x1x16xf32>,
      %parallel_loop3A_1015 = arith.constant 5 : i32
      %parallel_loop3A_1016 = arith.index_cast %parallel_loop3A_1015 : i32 to index
      %parallel_loop3A_1017 = arith.index_cast %parallel_loop3A_982 : i32 to index
      %parallel_loop3A_1018 = arith.constant 32 : index
      %parallel_loop3A_1019 = tpu.vector_load %arg6[%parallel_loop3A_1016, %parallel_loop3A_1017, %parallel_loop3A_1018] {strides = array<i32>} : memref<8x128x64xf32, #tpu.memory_space<vmem>>, vector<1x1x16xf32>,
      %parallel_loop3A_1020 = vector.shape_cast %parallel_loop3A_1019 : vector<1x1x16xf32> to vector<16xf32>
      %parallel_loop3A_1021 = arith.constant 8.000000e+00 : f32
      %parallel_loop3A_1022 = vector.broadcast %parallel_loop3A_1021 : f32 to vector<16xf32>
      %parallel_loop3A_1023 = arith.mulf %parallel_loop3A_1020, %parallel_loop3A_1022 : vector<16xf32>
      %parallel_loop3A_1024 = arith.constant 5 : i32
      %parallel_loop3A_1025 = arith.index_cast %parallel_loop3A_1024 : i32 to index
      %parallel_loop3A_1026 = arith.index_cast %parallel_loop3A_982 : i32 to index
      %parallel_loop3A_1027 = arith.constant 32 : index
      %parallel_loop3A_1028 = tpu.vector_load %arg6[%parallel_loop3A_1025, %parallel_loop3A_1026, %parallel_loop3A_1027] {strides = array<i32>} : memref<8x128x64xf32, #tpu.memory_space<vmem>>, vector<1x1x16xf32>,
      %parallel_loop3A_1029 = vector.shape_cast %parallel_loop3A_1028 : vector<1x1x16xf32> to vector<16xf32>
      %parallel_loop3A_1030 = vector.shape_cast %parallel_loop3A_1023 : vector<16xf32> to vector<1x1x16xf32>
      tpu.vector_store %arg6[%parallel_loop3A_1025, %parallel_loop3A_1026, %parallel_loop3A_1027], %parallel_loop3A_1030 {strides = array<i32>} : memref<8x128x64xf32, #tpu.memory_space<vmem>>, vector<1x1x16xf32>,
      %parallel_loop3A_1031 = arith.constant 5 : i32
      %parallel_loop3A_1032 = arith.index_cast %parallel_loop3A_1031 : i32 to index
      %parallel_loop3A_1033 = arith.index_cast %parallel_loop3A_982 : i32 to index
      %parallel_loop3A_1034 = arith.constant 48 : index
      %parallel_loop3A_1035 = tpu.vector_load %arg6[%parallel_loop3A_1032, %parallel_loop3A_1033, %parallel_loop3A_1034] {strides = array<i32>} : memref<8x128x64xf32, #tpu.memory_space<vmem>>, vector<1x1x16xf32>,
      %parallel_loop3A_1036 = vector.shape_cast %parallel_loop3A_1035 : vector<1x1x16xf32> to vector<16xf32>
      %parallel_loop3A_1037 = arith.constant 8.000000e+00 : f32
      %parallel_loop3A_1038 = vector.broadcast %parallel_loop3A_1037 : f32 to vector<16xf32>
      %parallel_loop3A_1039 = arith.mulf %parallel_loop3A_1036, %parallel_loop3A_1038 : vector<16xf32>
      %parallel_loop3A_1040 = arith.constant 5 : i32
      %parallel_loop3A_1041 = arith.index_cast %parallel_loop3A_1040 : i32 to index
      %parallel_loop3A_1042 = arith.index_cast %parallel_loop3A_982 : i32 to index
      %parallel_loop3A_1043 = arith.constant 48 : index
      %parallel_loop3A_1044 = tpu.vector_load %arg6[%parallel_loop3A_1041, %parallel_loop3A_1042, %parallel_loop3A_1043] {strides = array<i32>} : memref<8x128x64xf32, #tpu.memory_space<vmem>>, vector<1x1x16xf32>,
      %parallel_loop3A_1045 = vector.shape_cast %parallel_loop3A_1044 : vector<1x1x16xf32> to vector<16xf32>
      %parallel_loop3A_1046 = vector.shape_cast %parallel_loop3A_1039 : vector<16xf32> to vector<1x1x16xf32>
      tpu.vector_store %arg6[%parallel_loop3A_1041, %parallel_loop3A_1042, %parallel_loop3A_1043], %parallel_loop3A_1046 {strides = array<i32>} : memref<8x128x64xf32, #tpu.memory_space<vmem>>, vector<1x1x16xf32>,
    } {sc.loop_unroll_factor = 4 : i64, sc.parallel_access}
    %dma_start3A_310 = arith.constant 5 : i32
    %dma_start3A_311 = arith.constant 5 : i32
    %dma_start3A_312 = arith.constant 0 : i32
    %dma_start3A_313 = arith.constant 0 : i32
    %dma_start3A_314 = tpu.memref_slice %arg6[%dma_start3A_310, %dma_start3A_312, %dma_start3A_313] : memref<8x128x64xf32, #tpu.memory_space<vmem>> -> memref<1x128x64xf32, #tpu.memory_space<vmem>>
    %dma_start3A_315 = tpu.memref_squeeze %dma_start3A_314 : memref<1x128x64xf32, #tpu.memory_space<vmem>> -> memref<128x64xf32, #tpu.memory_space<vmem>>
    %dma_start3A_316 = arith.constant 0 : i32
    %dma_start3A_317 = tpu.memref_slice %arg4[%mul3A_2, %dma_start3A_311, %dma_start3A_316] : memref<4096x200x128xf32, #tpu.memory_space<hbm>> -> memref<128x1x64xf32, #tpu.memory_space<hbm>>
    %dma_start3A_318 = tpu.memref_squeeze %dma_start3A_317 : memref<128x1x64xf32, #tpu.memory_space<hbm>> -> memref<128x64xf32, #tpu.memory_space<hbm>>
    %dma_start3A_319 = arith.constant 0 : i32
    %dma_start3A_320 = tpu.memref_slice %arg4[%mul3A_2, %dma_start3A_311, %dma_start3A_319] : memref<4096x200x128xf32, #tpu.memory_space<hbm>> -> memref<128x1x64xf32, #tpu.memory_space<hbm>>
    %dma_start3A_321 = tpu.memref_squeeze %dma_start3A_320 : memref<128x1x64xf32, #tpu.memory_space<hbm>> -> memref<128x64xf32, #tpu.memory_space<hbm>>
    %dma_start3A_322 = arith.constant 0 : i32
    %dma_start3A_323 = arith.constant 0 : i32
    %dma_start3A_324 = tpu.memref_slice %arg6[%dma_start3A_310, %dma_start3A_322, %dma_start3A_323] : memref<8x128x64xf32, #tpu.memory_space<vmem>> -> memref<1x128x64xf32, #tpu.memory_space<vmem>>
    %dma_start3A_325 = tpu.memref_squeeze %dma_start3A_324 : memref<1x128x64xf32, #tpu.memory_space<vmem>> -> memref<128x64xf32, #tpu.memory_space<vmem>>
    tpu.enqueue_dma source(%dma_start3A_325 : memref<128x64xf32, #tpu.memory_space<vmem>>) target(%dma_start3A_321 : memref<128x64xf32, #tpu.memory_space<hbm>>) target_semaphore(%arg8 : memref<!tpu.dma_semaphore, #tpu.memory_space<semaphore_mem>>)
    %dma_wait3A_326 = arith.constant 0 : i32
    %dma_wait3A_327 = arith.constant 0 : i32
    %dma_wait3A_328 = arith.constant 0 : i32
    %dma_wait3A_329 = arith.constant 0 : i32
    %dma_wait3A_330 = tpu.memref_slice %arg6[%dma_wait3A_326, %dma_wait3A_328, %dma_wait3A_329] : memref<8x128x64xf32, #tpu.memory_space<vmem>> -> memref<1x128x64xf32, #tpu.memory_space<vmem>>
    %dma_wait3A_331 = tpu.memref_squeeze %dma_wait3A_330 : memref<1x128x64xf32, #tpu.memory_space<vmem>> -> memref<128x64xf32, #tpu.memory_space<vmem>>
    %dma_wait3A_332 = arith.constant 0 : i32
    %dma_wait3A_333 = tpu.memref_slice %arg4[%mul3A_2, %dma_wait3A_327, %dma_wait3A_332] : memref<4096x200x128xf32, #tpu.memory_space<hbm>> -> memref<128x1x64xf32, #tpu.memory_space<hbm>>
    %dma_wait3A_334 = tpu.memref_squeeze %dma_wait3A_333 : memref<128x1x64xf32, #tpu.memory_space<hbm>> -> memref<128x64xf32, #tpu.memory_space<hbm>>
    %dma_wait3A_335 = arith.constant 0 : i32
    %dma_wait3A_336 = tpu.memref_slice %arg4[%mul3A_2, %dma_wait3A_327, %dma_wait3A_335] : memref<4096x200x128xf32, #tpu.memory_space<hbm>> -> memref<128x1x64xf32, #tpu.memory_space<hbm>>
    %dma_wait3A_337 = tpu.memref_squeeze %dma_wait3A_336 : memref<128x1x64xf32, #tpu.memory_space<hbm>> -> memref<128x64xf32, #tpu.memory_space<hbm>>
    %dma_wait3A_338 = arith.constant 0 : i32
    %dma_wait3A_339 = arith.constant 0 : i32
    %dma_wait3A_340 = tpu.memref_slice %arg6[%dma_wait3A_326, %dma_wait3A_338, %dma_wait3A_339] : memref<8x128x64xf32, #tpu.memory_space<vmem>> -> memref<1x128x64xf32, #tpu.memory_space<vmem>>
    %dma_wait3A_341 = tpu.memref_squeeze %dma_wait3A_340 : memref<1x128x64xf32, #tpu.memory_space<vmem>> -> memref<128x64xf32, #tpu.memory_space<vmem>>
    tpu.wait_dma2 semaphore(%arg8 : memref<!tpu.dma_semaphore, #tpu.memory_space<semaphore_mem>>) src(%dma_wait3A_341 : memref<128x64xf32, #tpu.memory_space<vmem>>) dst(%dma_wait3A_337 : memref<128x64xf32, #tpu.memory_space<hbm>>)
    %dma_start3A_342 = arith.constant 1 : i32
    %dma_start3A_343 = arith.constant 1 : i32
    %dma_start3A_344 = arith.constant 1 : i32
    %dma_start3A_345 = arith.constant 0 : i32
    %dma_start3A_346 = arith.constant 0 : i32
    %dma_start3A_347 = tpu.memref_slice %arg6[%dma_start3A_344, %dma_start3A_345, %dma_start3A_346] : memref<8x128x64xf32, #tpu.memory_space<vmem>> -> memref<1x128x64xf32, #tpu.memory_space<vmem>>
    %dma_start3A_348 = tpu.memref_squeeze %dma_start3A_347 : memref<1x128x64xf32, #tpu.memory_space<vmem>> -> memref<128x64xf32, #tpu.memory_space<vmem>>
    %dma_start3A_349 = arith.constant 0 : i32
    %dma_start3A_350 = tpu.memref_slice %arg5[%dma_start3A_342, %dma_start3A_343, %dma_start3A_349] : memref<2x8x128xi32, #tpu.memory_space<vmem>> -> memref<1x1x128xi32, #tpu.memory_space<vmem>>
    %dma_start3A_351 = tpu.memref_squeeze %dma_start3A_350 : memref<1x1x128xi32, #tpu.memory_space<vmem>> -> memref<128xi32, #tpu.memory_space<vmem>>
    %dma_start3A_352 = arith.constant 0 : i32
    %dma_start3A_353 = arith.constant 0 : i32
    %dma_start3A_354 = tpu.memref_slice %arg3[%dma_start3A_352, %dma_start3A_353] : memref<1000000x64xf32, #tpu.memory_space<hbm>> -> memref<1000000x64xf32, #tpu.memory_space<hbm>>
    tpu.enqueue_indirect_dma source(%dma_start3A_354 : memref<1000000x64xf32, #tpu.memory_space<hbm>>) target(%dma_start3A_348 : memref<128x64xf32, #tpu.memory_space<vmem>>) offsets(%dma_start3A_351 : memref<128xi32, #tpu.memory_space<vmem>>) semaphore(%arg7 : memref<!tpu.dma_semaphore, #tpu.memory_space<semaphore_mem>>)
    %dma_wait3A_355 = arith.constant 0 : i32
    %dma_wait3A_356 = arith.constant 0 : i32
    %dma_wait3A_357 = arith.constant 6 : i32
    %dma_wait3A_358 = arith.constant 0 : i32
    %dma_wait3A_359 = arith.constant 0 : i32
    %dma_wait3A_360 = tpu.memref_slice %arg6[%dma_wait3A_357, %dma_wait3A_358, %dma_wait3A_359] : memref<8x128x64xf32, #tpu.memory_space<vmem>> -> memref<1x128x64xf32, #tpu.memory_space<vmem>>
    %dma_wait3A_361 = tpu.memref_squeeze %dma_wait3A_360 : memref<1x128x64xf32, #tpu.memory_space<vmem>> -> memref<128x64xf32, #tpu.memory_space<vmem>>
    %dma_wait3A_362 = arith.constant 0 : i32
    %dma_wait3A_363 = tpu.memref_slice %arg5[%dma_wait3A_355, %dma_wait3A_356, %dma_wait3A_362] : memref<2x8x128xi32, #tpu.memory_space<vmem>> -> memref<1x1x128xi32, #tpu.memory_space<vmem>>
    %dma_wait3A_364 = tpu.memref_squeeze %dma_wait3A_363 : memref<1x1x128xi32, #tpu.memory_space<vmem>> -> memref<128xi32, #tpu.memory_space<vmem>>
    %dma_wait3A_365 = arith.constant 0 : i32
    %dma_wait3A_366 = arith.constant 0 : i32
    %dma_wait3A_367 = tpu.memref_slice %arg3[%dma_wait3A_365, %dma_wait3A_366] : memref<1000000x64xf32, #tpu.memory_space<hbm>> -> memref<1000000x64xf32, #tpu.memory_space<hbm>>
    tpu.wait_indirect_dma semaphore(%arg7 : memref<!tpu.dma_semaphore, #tpu.memory_space<semaphore_mem>>) src(%dma_wait3A_367 : memref<1000000x64xf32, #tpu.memory_space<hbm>>) dst(%dma_wait3A_361 : memref<128x64xf32, #tpu.memory_space<vmem>>)
    %parallel_loop3A_368 = arith.constant 0 : i32
    %parallel_loop3A_369 = arith.constant 128 : i32
    %parallel_loop3A_370 = arith.constant 1 : i32
    scf.for %parallel_loop3A_982 = %parallel_loop3A_368 to %parallel_loop3A_369 step %parallel_loop3A_370  : i32 {
      %parallel_loop3A_983 = arith.constant 6 : i32
      %parallel_loop3A_984 = arith.index_cast %parallel_loop3A_983 : i32 to index
      %parallel_loop3A_985 = arith.index_cast %parallel_loop3A_982 : i32 to index
      %parallel_loop3A_986 = arith.constant 0 : index
      %parallel_loop3A_987 = tpu.vector_load %arg6[%parallel_loop3A_984, %parallel_loop3A_985, %parallel_loop3A_986] {strides = array<i32>} : memref<8x128x64xf32, #tpu.memory_space<vmem>>, vector<1x1x16xf32>,
      %parallel_loop3A_988 = vector.shape_cast %parallel_loop3A_987 : vector<1x1x16xf32> to vector<16xf32>
      %parallel_loop3A_989 = arith.constant 8.000000e+00 : f32
      %parallel_loop3A_990 = vector.broadcast %parallel_loop3A_989 : f32 to vector<16xf32>
      %parallel_loop3A_991 = arith.mulf %parallel_loop3A_988, %parallel_loop3A_990 : vector<16xf32>
      %parallel_loop3A_992 = arith.constant 6 : i32
      %parallel_loop3A_993 = arith.index_cast %parallel_loop3A_992 : i32 to index
      %parallel_loop3A_994 = arith.index_cast %parallel_loop3A_982 : i32 to index
      %parallel_loop3A_995 = arith.constant 0 : index
      %parallel_loop3A_996 = tpu.vector_load %arg6[%parallel_loop3A_993, %parallel_loop3A_994, %parallel_loop3A_995] {strides = array<i32>} : memref<8x128x64xf32, #tpu.memory_space<vmem>>, vector<1x1x16xf32>,
      %parallel_loop3A_997 = vector.shape_cast %parallel_loop3A_996 : vector<1x1x16xf32> to vector<16xf32>
      %parallel_loop3A_998 = vector.shape_cast %parallel_loop3A_991 : vector<16xf32> to vector<1x1x16xf32>
      tpu.vector_store %arg6[%parallel_loop3A_993, %parallel_loop3A_994, %parallel_loop3A_995], %parallel_loop3A_998 {strides = array<i32>} : memref<8x128x64xf32, #tpu.memory_space<vmem>>, vector<1x1x16xf32>,
      %parallel_loop3A_999 = arith.constant 6 : i32
      %parallel_loop3A_1000 = arith.index_cast %parallel_loop3A_999 : i32 to index
      %parallel_loop3A_1001 = arith.index_cast %parallel_loop3A_982 : i32 to index
      %parallel_loop3A_1002 = arith.constant 16 : index
      %parallel_loop3A_1003 = tpu.vector_load %arg6[%parallel_loop3A_1000, %parallel_loop3A_1001, %parallel_loop3A_1002] {strides = array<i32>} : memref<8x128x64xf32, #tpu.memory_space<vmem>>, vector<1x1x16xf32>,
      %parallel_loop3A_1004 = vector.shape_cast %parallel_loop3A_1003 : vector<1x1x16xf32> to vector<16xf32>
      %parallel_loop3A_1005 = arith.constant 8.000000e+00 : f32
      %parallel_loop3A_1006 = vector.broadcast %parallel_loop3A_1005 : f32 to vector<16xf32>
      %parallel_loop3A_1007 = arith.mulf %parallel_loop3A_1004, %parallel_loop3A_1006 : vector<16xf32>
      %parallel_loop3A_1008 = arith.constant 6 : i32
      %parallel_loop3A_1009 = arith.index_cast %parallel_loop3A_1008 : i32 to index
      %parallel_loop3A_1010 = arith.index_cast %parallel_loop3A_982 : i32 to index
      %parallel_loop3A_1011 = arith.constant 16 : index
      %parallel_loop3A_1012 = tpu.vector_load %arg6[%parallel_loop3A_1009, %parallel_loop3A_1010, %parallel_loop3A_1011] {strides = array<i32>} : memref<8x128x64xf32, #tpu.memory_space<vmem>>, vector<1x1x16xf32>,
      %parallel_loop3A_1013 = vector.shape_cast %parallel_loop3A_1012 : vector<1x1x16xf32> to vector<16xf32>
      %parallel_loop3A_1014 = vector.shape_cast %parallel_loop3A_1007 : vector<16xf32> to vector<1x1x16xf32>
      tpu.vector_store %arg6[%parallel_loop3A_1009, %parallel_loop3A_1010, %parallel_loop3A_1011], %parallel_loop3A_1014 {strides = array<i32>} : memref<8x128x64xf32, #tpu.memory_space<vmem>>, vector<1x1x16xf32>,
      %parallel_loop3A_1015 = arith.constant 6 : i32
      %parallel_loop3A_1016 = arith.index_cast %parallel_loop3A_1015 : i32 to index
      %parallel_loop3A_1017 = arith.index_cast %parallel_loop3A_982 : i32 to index
      %parallel_loop3A_1018 = arith.constant 32 : index
      %parallel_loop3A_1019 = tpu.vector_load %arg6[%parallel_loop3A_1016, %parallel_loop3A_1017, %parallel_loop3A_1018] {strides = array<i32>} : memref<8x128x64xf32, #tpu.memory_space<vmem>>, vector<1x1x16xf32>,
      %parallel_loop3A_1020 = vector.shape_cast %parallel_loop3A_1019 : vector<1x1x16xf32> to vector<16xf32>
      %parallel_loop3A_1021 = arith.constant 8.000000e+00 : f32
      %parallel_loop3A_1022 = vector.broadcast %parallel_loop3A_1021 : f32 to vector<16xf32>
      %parallel_loop3A_1023 = arith.mulf %parallel_loop3A_1020, %parallel_loop3A_1022 : vector<16xf32>
      %parallel_loop3A_1024 = arith.constant 6 : i32
      %parallel_loop3A_1025 = arith.index_cast %parallel_loop3A_1024 : i32 to index
      %parallel_loop3A_1026 = arith.index_cast %parallel_loop3A_982 : i32 to index
      %parallel_loop3A_1027 = arith.constant 32 : index
      %parallel_loop3A_1028 = tpu.vector_load %arg6[%parallel_loop3A_1025, %parallel_loop3A_1026, %parallel_loop3A_1027] {strides = array<i32>} : memref<8x128x64xf32, #tpu.memory_space<vmem>>, vector<1x1x16xf32>,
      %parallel_loop3A_1029 = vector.shape_cast %parallel_loop3A_1028 : vector<1x1x16xf32> to vector<16xf32>
      %parallel_loop3A_1030 = vector.shape_cast %parallel_loop3A_1023 : vector<16xf32> to vector<1x1x16xf32>
      tpu.vector_store %arg6[%parallel_loop3A_1025, %parallel_loop3A_1026, %parallel_loop3A_1027], %parallel_loop3A_1030 {strides = array<i32>} : memref<8x128x64xf32, #tpu.memory_space<vmem>>, vector<1x1x16xf32>,
      %parallel_loop3A_1031 = arith.constant 6 : i32
      %parallel_loop3A_1032 = arith.index_cast %parallel_loop3A_1031 : i32 to index
      %parallel_loop3A_1033 = arith.index_cast %parallel_loop3A_982 : i32 to index
      %parallel_loop3A_1034 = arith.constant 48 : index
      %parallel_loop3A_1035 = tpu.vector_load %arg6[%parallel_loop3A_1032, %parallel_loop3A_1033, %parallel_loop3A_1034] {strides = array<i32>} : memref<8x128x64xf32, #tpu.memory_space<vmem>>, vector<1x1x16xf32>,
      %parallel_loop3A_1036 = vector.shape_cast %parallel_loop3A_1035 : vector<1x1x16xf32> to vector<16xf32>
      %parallel_loop3A_1037 = arith.constant 8.000000e+00 : f32
      %parallel_loop3A_1038 = vector.broadcast %parallel_loop3A_1037 : f32 to vector<16xf32>
      %parallel_loop3A_1039 = arith.mulf %parallel_loop3A_1036, %parallel_loop3A_1038 : vector<16xf32>
      %parallel_loop3A_1040 = arith.constant 6 : i32
      %parallel_loop3A_1041 = arith.index_cast %parallel_loop3A_1040 : i32 to index
      %parallel_loop3A_1042 = arith.index_cast %parallel_loop3A_982 : i32 to index
      %parallel_loop3A_1043 = arith.constant 48 : index
      %parallel_loop3A_1044 = tpu.vector_load %arg6[%parallel_loop3A_1041, %parallel_loop3A_1042, %parallel_loop3A_1043] {strides = array<i32>} : memref<8x128x64xf32, #tpu.memory_space<vmem>>, vector<1x1x16xf32>,
      %parallel_loop3A_1045 = vector.shape_cast %parallel_loop3A_1044 : vector<1x1x16xf32> to vector<16xf32>
      %parallel_loop3A_1046 = vector.shape_cast %parallel_loop3A_1039 : vector<16xf32> to vector<1x1x16xf32>
      tpu.vector_store %arg6[%parallel_loop3A_1041, %parallel_loop3A_1042, %parallel_loop3A_1043], %parallel_loop3A_1046 {strides = array<i32>} : memref<8x128x64xf32, #tpu.memory_space<vmem>>, vector<1x1x16xf32>,
    } {sc.loop_unroll_factor = 4 : i64, sc.parallel_access}
    %dma_start3A_371 = arith.constant 6 : i32
    %dma_start3A_372 = arith.constant 6 : i32
    %dma_start3A_373 = arith.constant 0 : i32
    %dma_start3A_374 = arith.constant 0 : i32
    %dma_start3A_375 = tpu.memref_slice %arg6[%dma_start3A_371, %dma_start3A_373, %dma_start3A_374] : memref<8x128x64xf32, #tpu.memory_space<vmem>> -> memref<1x128x64xf32, #tpu.memory_space<vmem>>
    %dma_start3A_376 = tpu.memref_squeeze %dma_start3A_375 : memref<1x128x64xf32, #tpu.memory_space<vmem>> -> memref<128x64xf32, #tpu.memory_space<vmem>>
    %dma_start3A_377 = arith.constant 0 : i32
    %dma_start3A_378 = tpu.memref_slice %arg4[%mul3A_2, %dma_start3A_372, %dma_start3A_377] : memref<4096x200x128xf32, #tpu.memory_space<hbm>> -> memref<128x1x64xf32, #tpu.memory_space<hbm>>
    %dma_start3A_379 = tpu.memref_squeeze %dma_start3A_378 : memref<128x1x64xf32, #tpu.memory_space<hbm>> -> memref<128x64xf32, #tpu.memory_space<hbm>>
    %dma_start3A_380 = arith.constant 0 : i32
    %dma_start3A_381 = tpu.memref_slice %arg4[%mul3A_2, %dma_start3A_372, %dma_start3A_380] : memref<4096x200x128xf32, #tpu.memory_space<hbm>> -> memref<128x1x64xf32, #tpu.memory_space<hbm>>
    %dma_start3A_382 = tpu.memref_squeeze %dma_start3A_381 : memref<128x1x64xf32, #tpu.memory_space<hbm>> -> memref<128x64xf32, #tpu.memory_space<hbm>>
    %dma_start3A_383 = arith.constant 0 : i32
    %dma_start3A_384 = arith.constant 0 : i32
    %dma_start3A_385 = tpu.memref_slice %arg6[%dma_start3A_371, %dma_start3A_383, %dma_start3A_384] : memref<8x128x64xf32, #tpu.memory_space<vmem>> -> memref<1x128x64xf32, #tpu.memory_space<vmem>>
    %dma_start3A_386 = tpu.memref_squeeze %dma_start3A_385 : memref<1x128x64xf32, #tpu.memory_space<vmem>> -> memref<128x64xf32, #tpu.memory_space<vmem>>
    tpu.enqueue_dma source(%dma_start3A_386 : memref<128x64xf32, #tpu.memory_space<vmem>>) target(%dma_start3A_382 : memref<128x64xf32, #tpu.memory_space<hbm>>) target_semaphore(%arg8 : memref<!tpu.dma_semaphore, #tpu.memory_space<semaphore_mem>>)
    %dma_wait3A_387 = arith.constant 0 : i32
    %dma_wait3A_388 = arith.constant 0 : i32
    %dma_wait3A_389 = arith.constant 0 : i32
    %dma_wait3A_390 = arith.constant 0 : i32
    %dma_wait3A_391 = tpu.memref_slice %arg6[%dma_wait3A_387, %dma_wait3A_389, %dma_wait3A_390] : memref<8x128x64xf32, #tpu.memory_space<vmem>> -> memref<1x128x64xf32, #tpu.memory_space<vmem>>
    %dma_wait3A_392 = tpu.memref_squeeze %dma_wait3A_391 : memref<1x128x64xf32, #tpu.memory_space<vmem>> -> memref<128x64xf32, #tpu.memory_space<vmem>>
    %dma_wait3A_393 = arith.constant 0 : i32
    %dma_wait3A_394 = tpu.memref_slice %arg4[%mul3A_2, %dma_wait3A_388, %dma_wait3A_393] : memref<4096x200x128xf32, #tpu.memory_space<hbm>> -> memref<128x1x64xf32, #tpu.memory_space<hbm>>
    %dma_wait3A_395 = tpu.memref_squeeze %dma_wait3A_394 : memref<128x1x64xf32, #tpu.memory_space<hbm>> -> memref<128x64xf32, #tpu.memory_space<hbm>>
    %dma_wait3A_396 = arith.constant 0 : i32
    %dma_wait3A_397 = tpu.memref_slice %arg4[%mul3A_2, %dma_wait3A_388, %dma_wait3A_396] : memref<4096x200x128xf32, #tpu.memory_space<hbm>> -> memref<128x1x64xf32, #tpu.memory_space<hbm>>
    %dma_wait3A_398 = tpu.memref_squeeze %dma_wait3A_397 : memref<128x1x64xf32, #tpu.memory_space<hbm>> -> memref<128x64xf32, #tpu.memory_space<hbm>>
    %dma_wait3A_399 = arith.constant 0 : i32
    %dma_wait3A_400 = arith.constant 0 : i32
    %dma_wait3A_401 = tpu.memref_slice %arg6[%dma_wait3A_387, %dma_wait3A_399, %dma_wait3A_400] : memref<8x128x64xf32, #tpu.memory_space<vmem>> -> memref<1x128x64xf32, #tpu.memory_space<vmem>>
    %dma_wait3A_402 = tpu.memref_squeeze %dma_wait3A_401 : memref<1x128x64xf32, #tpu.memory_space<vmem>> -> memref<128x64xf32, #tpu.memory_space<vmem>>
    tpu.wait_dma2 semaphore(%arg8 : memref<!tpu.dma_semaphore, #tpu.memory_space<semaphore_mem>>) src(%dma_wait3A_402 : memref<128x64xf32, #tpu.memory_space<vmem>>) dst(%dma_wait3A_398 : memref<128x64xf32, #tpu.memory_space<hbm>>)
    %dma_start3A_403 = arith.constant 1 : i32
    %dma_start3A_404 = arith.constant 2 : i32
    %dma_start3A_405 = arith.constant 2 : i32
    %dma_start3A_406 = arith.constant 0 : i32
    %dma_start3A_407 = arith.constant 0 : i32
    %dma_start3A_408 = tpu.memref_slice %arg6[%dma_start3A_405, %dma_start3A_406, %dma_start3A_407] : memref<8x128x64xf32, #tpu.memory_space<vmem>> -> memref<1x128x64xf32, #tpu.memory_space<vmem>>
    %dma_start3A_409 = tpu.memref_squeeze %dma_start3A_408 : memref<1x128x64xf32, #tpu.memory_space<vmem>> -> memref<128x64xf32, #tpu.memory_space<vmem>>
    %dma_start3A_410 = arith.constant 0 : i32
    %dma_start3A_411 = tpu.memref_slice %arg5[%dma_start3A_403, %dma_start3A_404, %dma_start3A_410] : memref<2x8x128xi32, #tpu.memory_space<vmem>> -> memref<1x1x128xi32, #tpu.memory_space<vmem>>
    %dma_start3A_412 = tpu.memref_squeeze %dma_start3A_411 : memref<1x1x128xi32, #tpu.memory_space<vmem>> -> memref<128xi32, #tpu.memory_space<vmem>>
    %dma_start3A_413 = arith.constant 0 : i32
    %dma_start3A_414 = arith.constant 0 : i32
    %dma_start3A_415 = tpu.memref_slice %arg3[%dma_start3A_413, %dma_start3A_414] : memref<1000000x64xf32, #tpu.memory_space<hbm>> -> memref<1000000x64xf32, #tpu.memory_space<hbm>>
    tpu.enqueue_indirect_dma source(%dma_start3A_415 : memref<1000000x64xf32, #tpu.memory_space<hbm>>) target(%dma_start3A_409 : memref<128x64xf32, #tpu.memory_space<vmem>>) offsets(%dma_start3A_412 : memref<128xi32, #tpu.memory_space<vmem>>) semaphore(%arg7 : memref<!tpu.dma_semaphore, #tpu.memory_space<semaphore_mem>>)
    %dma_wait3A_416 = arith.constant 0 : i32
    %dma_wait3A_417 = arith.constant 0 : i32
    %dma_wait3A_418 = arith.constant 7 : i32
    %dma_wait3A_419 = arith.constant 0 : i32
    %dma_wait3A_420 = arith.constant 0 : i32
    %dma_wait3A_421 = tpu.memref_slice %arg6[%dma_wait3A_418, %dma_wait3A_419, %dma_wait3A_420] : memref<8x128x64xf32, #tpu.memory_space<vmem>> -> memref<1x128x64xf32, #tpu.memory_space<vmem>>
    %dma_wait3A_422 = tpu.memref_squeeze %dma_wait3A_421 : memref<1x128x64xf32, #tpu.memory_space<vmem>> -> memref<128x64xf32, #tpu.memory_space<vmem>>
    %dma_wait3A_423 = arith.constant 0 : i32
    %dma_wait3A_424 = tpu.memref_slice %arg5[%dma_wait3A_416, %dma_wait3A_417, %dma_wait3A_423] : memref<2x8x128xi32, #tpu.memory_space<vmem>> -> memref<1x1x128xi32, #tpu.memory_space<vmem>>
    %dma_wait3A_425 = tpu.memref_squeeze %dma_wait3A_424 : memref<1x1x128xi32, #tpu.memory_space<vmem>> -> memref<128xi32, #tpu.memory_space<vmem>>
    %dma_wait3A_426 = arith.constant 0 : i32
    %dma_wait3A_427 = arith.constant 0 : i32
    %dma_wait3A_428 = tpu.memref_slice %arg3[%dma_wait3A_426, %dma_wait3A_427] : memref<1000000x64xf32, #tpu.memory_space<hbm>> -> memref<1000000x64xf32, #tpu.memory_space<hbm>>
    tpu.wait_indirect_dma semaphore(%arg7 : memref<!tpu.dma_semaphore, #tpu.memory_space<semaphore_mem>>) src(%dma_wait3A_428 : memref<1000000x64xf32, #tpu.memory_space<hbm>>) dst(%dma_wait3A_422 : memref<128x64xf32, #tpu.memory_space<vmem>>)
    %parallel_loop3A_429 = arith.constant 0 : i32
    %parallel_loop3A_430 = arith.constant 128 : i32
    %parallel_loop3A_431 = arith.constant 1 : i32
    scf.for %parallel_loop3A_982 = %parallel_loop3A_429 to %parallel_loop3A_430 step %parallel_loop3A_431  : i32 {
      %parallel_loop3A_983 = arith.constant 7 : i32
      %parallel_loop3A_984 = arith.index_cast %parallel_loop3A_983 : i32 to index
      %parallel_loop3A_985 = arith.index_cast %parallel_loop3A_982 : i32 to index
      %parallel_loop3A_986 = arith.constant 0 : index
      %parallel_loop3A_987 = tpu.vector_load %arg6[%parallel_loop3A_984, %parallel_loop3A_985, %parallel_loop3A_986] {strides = array<i32>} : memref<8x128x64xf32, #tpu.memory_space<vmem>>, vector<1x1x16xf32>,
      %parallel_loop3A_988 = vector.shape_cast %parallel_loop3A_987 : vector<1x1x16xf32> to vector<16xf32>
      %parallel_loop3A_989 = arith.constant 8.000000e+00 : f32
      %parallel_loop3A_990 = vector.broadcast %parallel_loop3A_989 : f32 to vector<16xf32>
      %parallel_loop3A_991 = arith.mulf %parallel_loop3A_988, %parallel_loop3A_990 : vector<16xf32>
      %parallel_loop3A_992 = arith.constant 7 : i32
      %parallel_loop3A_993 = arith.index_cast %parallel_loop3A_992 : i32 to index
      %parallel_loop3A_994 = arith.index_cast %parallel_loop3A_982 : i32 to index
      %parallel_loop3A_995 = arith.constant 0 : index
      %parallel_loop3A_996 = tpu.vector_load %arg6[%parallel_loop3A_993, %parallel_loop3A_994, %parallel_loop3A_995] {strides = array<i32>} : memref<8x128x64xf32, #tpu.memory_space<vmem>>, vector<1x1x16xf32>,
      %parallel_loop3A_997 = vector.shape_cast %parallel_loop3A_996 : vector<1x1x16xf32> to vector<16xf32>
      %parallel_loop3A_998 = vector.shape_cast %parallel_loop3A_991 : vector<16xf32> to vector<1x1x16xf32>
      tpu.vector_store %arg6[%parallel_loop3A_993, %parallel_loop3A_994, %parallel_loop3A_995], %parallel_loop3A_998 {strides = array<i32>} : memref<8x128x64xf32, #tpu.memory_space<vmem>>, vector<1x1x16xf32>,
      %parallel_loop3A_999 = arith.constant 7 : i32
      %parallel_loop3A_1000 = arith.index_cast %parallel_loop3A_999 : i32 to index
      %parallel_loop3A_1001 = arith.index_cast %parallel_loop3A_982 : i32 to index
      %parallel_loop3A_1002 = arith.constant 16 : index
      %parallel_loop3A_1003 = tpu.vector_load %arg6[%parallel_loop3A_1000, %parallel_loop3A_1001, %parallel_loop3A_1002] {strides = array<i32>} : memref<8x128x64xf32, #tpu.memory_space<vmem>>, vector<1x1x16xf32>,
      %parallel_loop3A_1004 = vector.shape_cast %parallel_loop3A_1003 : vector<1x1x16xf32> to vector<16xf32>
      %parallel_loop3A_1005 = arith.constant 8.000000e+00 : f32
      %parallel_loop3A_1006 = vector.broadcast %parallel_loop3A_1005 : f32 to vector<16xf32>
      %parallel_loop3A_1007 = arith.mulf %parallel_loop3A_1004, %parallel_loop3A_1006 : vector<16xf32>
      %parallel_loop3A_1008 = arith.constant 7 : i32
      %parallel_loop3A_1009 = arith.index_cast %parallel_loop3A_1008 : i32 to index
      %parallel_loop3A_1010 = arith.index_cast %parallel_loop3A_982 : i32 to index
      %parallel_loop3A_1011 = arith.constant 16 : index
      %parallel_loop3A_1012 = tpu.vector_load %arg6[%parallel_loop3A_1009, %parallel_loop3A_1010, %parallel_loop3A_1011] {strides = array<i32>} : memref<8x128x64xf32, #tpu.memory_space<vmem>>, vector<1x1x16xf32>,
      %parallel_loop3A_1013 = vector.shape_cast %parallel_loop3A_1012 : vector<1x1x16xf32> to vector<16xf32>
      %parallel_loop3A_1014 = vector.shape_cast %parallel_loop3A_1007 : vector<16xf32> to vector<1x1x16xf32>
      tpu.vector_store %arg6[%parallel_loop3A_1009, %parallel_loop3A_1010, %parallel_loop3A_1011], %parallel_loop3A_1014 {strides = array<i32>} : memref<8x128x64xf32, #tpu.memory_space<vmem>>, vector<1x1x16xf32>,
      %parallel_loop3A_1015 = arith.constant 7 : i32
      %parallel_loop3A_1016 = arith.index_cast %parallel_loop3A_1015 : i32 to index
      %parallel_loop3A_1017 = arith.index_cast %parallel_loop3A_982 : i32 to index
      %parallel_loop3A_1018 = arith.constant 32 : index
      %parallel_loop3A_1019 = tpu.vector_load %arg6[%parallel_loop3A_1016, %parallel_loop3A_1017, %parallel_loop3A_1018] {strides = array<i32>} : memref<8x128x64xf32, #tpu.memory_space<vmem>>, vector<1x1x16xf32>,
      %parallel_loop3A_1020 = vector.shape_cast %parallel_loop3A_1019 : vector<1x1x16xf32> to vector<16xf32>
      %parallel_loop3A_1021 = arith.constant 8.000000e+00 : f32
      %parallel_loop3A_1022 = vector.broadcast %parallel_loop3A_1021 : f32 to vector<16xf32>
      %parallel_loop3A_1023 = arith.mulf %parallel_loop3A_1020, %parallel_loop3A_1022 : vector<16xf32>
      %parallel_loop3A_1024 = arith.constant 7 : i32
      %parallel_loop3A_1025 = arith.index_cast %parallel_loop3A_1024 : i32 to index
      %parallel_loop3A_1026 = arith.index_cast %parallel_loop3A_982 : i32 to index
      %parallel_loop3A_1027 = arith.constant 32 : index
      %parallel_loop3A_1028 = tpu.vector_load %arg6[%parallel_loop3A_1025, %parallel_loop3A_1026, %parallel_loop3A_1027] {strides = array<i32>} : memref<8x128x64xf32, #tpu.memory_space<vmem>>, vector<1x1x16xf32>,
      %parallel_loop3A_1029 = vector.shape_cast %parallel_loop3A_1028 : vector<1x1x16xf32> to vector<16xf32>
      %parallel_loop3A_1030 = vector.shape_cast %parallel_loop3A_1023 : vector<16xf32> to vector<1x1x16xf32>
      tpu.vector_store %arg6[%parallel_loop3A_1025, %parallel_loop3A_1026, %parallel_loop3A_1027], %parallel_loop3A_1030 {strides = array<i32>} : memref<8x128x64xf32, #tpu.memory_space<vmem>>, vector<1x1x16xf32>,
      %parallel_loop3A_1031 = arith.constant 7 : i32
      %parallel_loop3A_1032 = arith.index_cast %parallel_loop3A_1031 : i32 to index
      %parallel_loop3A_1033 = arith.index_cast %parallel_loop3A_982 : i32 to index
      %parallel_loop3A_1034 = arith.constant 48 : index
      %parallel_loop3A_1035 = tpu.vector_load %arg6[%parallel_loop3A_1032, %parallel_loop3A_1033, %parallel_loop3A_1034] {strides = array<i32>} : memref<8x128x64xf32, #tpu.memory_space<vmem>>, vector<1x1x16xf32>,
      %parallel_loop3A_1036 = vector.shape_cast %parallel_loop3A_1035 : vector<1x1x16xf32> to vector<16xf32>
      %parallel_loop3A_1037 = arith.constant 8.000000e+00 : f32
      %parallel_loop3A_1038 = vector.broadcast %parallel_loop3A_1037 : f32 to vector<16xf32>
      %parallel_loop3A_1039 = arith.mulf %parallel_loop3A_1036, %parallel_loop3A_1038 : vector<16xf32>
      %parallel_loop3A_1040 = arith.constant 7 : i32
      %parallel_loop3A_1041 = arith.index_cast %parallel_loop3A_1040 : i32 to index
      %parallel_loop3A_1042 = arith.index_cast %parallel_loop3A_982 : i32 to index
      %parallel_loop3A_1043 = arith.constant 48 : index
      %parallel_loop3A_1044 = tpu.vector_load %arg6[%parallel_loop3A_1041, %parallel_loop3A_1042, %parallel_loop3A_1043] {strides = array<i32>} : memref<8x128x64xf32, #tpu.memory_space<vmem>>, vector<1x1x16xf32>,
      %parallel_loop3A_1045 = vector.shape_cast %parallel_loop3A_1044 : vector<1x1x16xf32> to vector<16xf32>
      %parallel_loop3A_1046 = vector.shape_cast %parallel_loop3A_1039 : vector<16xf32> to vector<1x1x16xf32>
      tpu.vector_store %arg6[%parallel_loop3A_1041, %parallel_loop3A_1042, %parallel_loop3A_1043], %parallel_loop3A_1046 {strides = array<i32>} : memref<8x128x64xf32, #tpu.memory_space<vmem>>, vector<1x1x16xf32>,
    } {sc.loop_unroll_factor = 4 : i64, sc.parallel_access}
    %dma_start3A_432 = arith.constant 7 : i32
    %dma_start3A_433 = arith.constant 7 : i32
    %dma_start3A_434 = arith.constant 0 : i32
    %dma_start3A_435 = arith.constant 0 : i32
    %dma_start3A_436 = tpu.memref_slice %arg6[%dma_start3A_432, %dma_start3A_434, %dma_start3A_435] : memref<8x128x64xf32, #tpu.memory_space<vmem>> -> memref<1x128x64xf32, #tpu.memory_space<vmem>>
    %dma_start3A_437 = tpu.memref_squeeze %dma_start3A_436 : memref<1x128x64xf32, #tpu.memory_space<vmem>> -> memref<128x64xf32, #tpu.memory_space<vmem>>
    %dma_start3A_438 = arith.constant 0 : i32
    %dma_start3A_439 = tpu.memref_slice %arg4[%mul3A_2, %dma_start3A_433, %dma_start3A_438] : memref<4096x200x128xf32, #tpu.memory_space<hbm>> -> memref<128x1x64xf32, #tpu.memory_space<hbm>>
    %dma_start3A_440 = tpu.memref_squeeze %dma_start3A_439 : memref<128x1x64xf32, #tpu.memory_space<hbm>> -> memref<128x64xf32, #tpu.memory_space<hbm>>
    %dma_start3A_441 = arith.constant 0 : i32
    %dma_start3A_442 = tpu.memref_slice %arg4[%mul3A_2, %dma_start3A_433, %dma_start3A_441] : memref<4096x200x128xf32, #tpu.memory_space<hbm>> -> memref<128x1x64xf32, #tpu.memory_space<hbm>>
    %dma_start3A_443 = tpu.memref_squeeze %dma_start3A_442 : memref<128x1x64xf32, #tpu.memory_space<hbm>> -> memref<128x64xf32, #tpu.memory_space<hbm>>
    %dma_start3A_444 = arith.constant 0 : i32
    %dma_start3A_445 = arith.constant 0 : i32
    %dma_start3A_446 = tpu.memref_slice %arg6[%dma_start3A_432, %dma_start3A_444, %dma_start3A_445] : memref<8x128x64xf32, #tpu.memory_space<vmem>> -> memref<1x128x64xf32, #tpu.memory_space<vmem>>
    %dma_start3A_447 = tpu.memref_squeeze %dma_start3A_446 : memref<1x128x64xf32, #tpu.memory_space<vmem>> -> memref<128x64xf32, #tpu.memory_space<vmem>>
    tpu.enqueue_dma source(%dma_start3A_447 : memref<128x64xf32, #tpu.memory_space<vmem>>) target(%dma_start3A_443 : memref<128x64xf32, #tpu.memory_space<hbm>>) target_semaphore(%arg8 : memref<!tpu.dma_semaphore, #tpu.memory_space<semaphore_mem>>)
    %dma_wait3A_448 = arith.constant 0 : i32
    %dma_wait3A_449 = arith.constant 0 : i32
    %dma_wait3A_450 = arith.constant 0 : i32
    %dma_wait3A_451 = arith.constant 0 : i32
    %dma_wait3A_452 = tpu.memref_slice %arg6[%dma_wait3A_448, %dma_wait3A_450, %dma_wait3A_451] : memref<8x128x64xf32, #tpu.memory_space<vmem>> -> memref<1x128x64xf32, #tpu.memory_space<vmem>>
    %dma_wait3A_453 = tpu.memref_squeeze %dma_wait3A_452 : memref<1x128x64xf32, #tpu.memory_space<vmem>> -> memref<128x64xf32, #tpu.memory_space<vmem>>
    %dma_wait3A_454 = arith.constant 0 : i32
    %dma_wait3A_455 = tpu.memref_slice %arg4[%mul3A_2, %dma_wait3A_449, %dma_wait3A_454] : memref<4096x200x128xf32, #tpu.memory_space<hbm>> -> memref<128x1x64xf32, #tpu.memory_space<hbm>>
    %dma_wait3A_456 = tpu.memref_squeeze %dma_wait3A_455 : memref<128x1x64xf32, #tpu.memory_space<hbm>> -> memref<128x64xf32, #tpu.memory_space<hbm>>
    %dma_wait3A_457 = arith.constant 0 : i32
    %dma_wait3A_458 = tpu.memref_slice %arg4[%mul3A_2, %dma_wait3A_449, %dma_wait3A_457] : memref<4096x200x128xf32, #tpu.memory_space<hbm>> -> memref<128x1x64xf32, #tpu.memory_space<hbm>>
    %dma_wait3A_459 = tpu.memref_squeeze %dma_wait3A_458 : memref<128x1x64xf32, #tpu.memory_space<hbm>> -> memref<128x64xf32, #tpu.memory_space<hbm>>
    %dma_wait3A_460 = arith.constant 0 : i32
    %dma_wait3A_461 = arith.constant 0 : i32
    %dma_wait3A_462 = tpu.memref_slice %arg6[%dma_wait3A_448, %dma_wait3A_460, %dma_wait3A_461] : memref<8x128x64xf32, #tpu.memory_space<vmem>> -> memref<1x128x64xf32, #tpu.memory_space<vmem>>
    %dma_wait3A_463 = tpu.memref_squeeze %dma_wait3A_462 : memref<1x128x64xf32, #tpu.memory_space<vmem>> -> memref<128x64xf32, #tpu.memory_space<vmem>>
    tpu.wait_dma2 semaphore(%arg8 : memref<!tpu.dma_semaphore, #tpu.memory_space<semaphore_mem>>) src(%dma_wait3A_463 : memref<128x64xf32, #tpu.memory_space<vmem>>) dst(%dma_wait3A_459 : memref<128x64xf32, #tpu.memory_space<hbm>>)
    %dma_start3A_464 = arith.constant 1 : i32
    %dma_start3A_465 = arith.constant 3 : i32
    %dma_start3A_466 = arith.constant 3 : i32
    %dma_start3A_467 = arith.constant 0 : i32
    %dma_start3A_468 = arith.constant 0 : i32
    %dma_start3A_469 = tpu.memref_slice %arg6[%dma_start3A_466, %dma_start3A_467, %dma_start3A_468] : memref<8x128x64xf32, #tpu.memory_space<vmem>> -> memref<1x128x64xf32, #tpu.memory_space<vmem>>
    %dma_start3A_470 = tpu.memref_squeeze %dma_start3A_469 : memref<1x128x64xf32, #tpu.memory_space<vmem>> -> memref<128x64xf32, #tpu.memory_space<vmem>>
    %dma_start3A_471 = arith.constant 0 : i32
    %dma_start3A_472 = tpu.memref_slice %arg5[%dma_start3A_464, %dma_start3A_465, %dma_start3A_471] : memref<2x8x128xi32, #tpu.memory_space<vmem>> -> memref<1x1x128xi32, #tpu.memory_space<vmem>>
    %dma_start3A_473 = tpu.memref_squeeze %dma_start3A_472 : memref<1x1x128xi32, #tpu.memory_space<vmem>> -> memref<128xi32, #tpu.memory_space<vmem>>
    %dma_start3A_474 = arith.constant 0 : i32
    %dma_start3A_475 = arith.constant 0 : i32
    %dma_start3A_476 = tpu.memref_slice %arg3[%dma_start3A_474, %dma_start3A_475] : memref<1000000x64xf32, #tpu.memory_space<hbm>> -> memref<1000000x64xf32, #tpu.memory_space<hbm>>
    tpu.enqueue_indirect_dma source(%dma_start3A_476 : memref<1000000x64xf32, #tpu.memory_space<hbm>>) target(%dma_start3A_470 : memref<128x64xf32, #tpu.memory_space<vmem>>) offsets(%dma_start3A_473 : memref<128xi32, #tpu.memory_space<vmem>>) semaphore(%arg7 : memref<!tpu.dma_semaphore, #tpu.memory_space<semaphore_mem>>)
    %scan3A = arith.constant 0 : i32
    %scan3A_477 = arith.constant 1 : i32
    %scan3A_478 = arith.constant 23 : i32
    %scan3A_479 = arith.addi %scan3A_477, %scan3A_478 : i32
    %scan3A_480 = arith.constant 1 : i32
    scf.for %scan3A_982 = %scan3A_477 to %scan3A_479 step %scan3A_480  : i32 {
      %mul3A_983 = arith.constant 8 : i32
      %mul3A_984 = arith.muli %scan3A_982, %mul3A_983 : i32
      %add3A_985 = arith.constant 0 : i32
      %add3A_986 = arith.addi %mul3A_984, %add3A_985 : i32
      %dma_wait3A_987 = arith.constant 0 : i32
      %dma_wait3A_988 = arith.constant 0 : i32
      %dma_wait3A_989 = arith.constant 0 : i32
      %dma_wait3A_990 = arith.constant 0 : i32
      %dma_wait3A_991 = arith.constant 0 : i32
      %dma_wait3A_992 = tpu.memref_slice %arg6[%dma_wait3A_989, %dma_wait3A_990, %dma_wait3A_991] : memref<8x128x64xf32, #tpu.memory_space<vmem>> -> memref<1x128x64xf32, #tpu.memory_space<vmem>>
      %dma_wait3A_993 = tpu.memref_squeeze %dma_wait3A_992 : memref<1x128x64xf32, #tpu.memory_space<vmem>> -> memref<128x64xf32, #tpu.memory_space<vmem>>
      %dma_wait3A_994 = arith.constant 0 : i32
      %dma_wait3A_995 = tpu.memref_slice %arg5[%dma_wait3A_987, %dma_wait3A_988, %dma_wait3A_994] : memref<2x8x128xi32, #tpu.memory_space<vmem>> -> memref<1x1x128xi32, #tpu.memory_space<vmem>>
      %dma_wait3A_996 = tpu.memref_squeeze %dma_wait3A_995 : memref<1x1x128xi32, #tpu.memory_space<vmem>> -> memref<128xi32, #tpu.memory_space<vmem>>
      %dma_wait3A_997 = arith.constant 0 : i32
      %dma_wait3A_998 = arith.constant 0 : i32
      %dma_wait3A_999 = tpu.memref_slice %arg3[%dma_wait3A_997, %dma_wait3A_998] : memref<1000000x64xf32, #tpu.memory_space<hbm>> -> memref<1000000x64xf32, #tpu.memory_space<hbm>>
      tpu.wait_indirect_dma semaphore(%arg7 : memref<!tpu.dma_semaphore, #tpu.memory_space<semaphore_mem>>) src(%dma_wait3A_999 : memref<1000000x64xf32, #tpu.memory_space<hbm>>) dst(%dma_wait3A_993 : memref<128x64xf32, #tpu.memory_space<vmem>>)
      %parallel_loop3A_1000 = arith.constant 0 : i32
      %parallel_loop3A_1001 = arith.constant 128 : i32
      %parallel_loop3A_1002 = arith.constant 1 : i32
      scf.for %parallel_loop3A_1644 = %parallel_loop3A_1000 to %parallel_loop3A_1001 step %parallel_loop3A_1002  : i32 {
        %parallel_loop3A_1645 = arith.constant 0 : i32
        %parallel_loop3A_1646 = arith.index_cast %parallel_loop3A_1645 : i32 to index
        %parallel_loop3A_1647 = arith.index_cast %parallel_loop3A_1644 : i32 to index
        %parallel_loop3A_1648 = arith.constant 0 : index
        %parallel_loop3A_1649 = tpu.vector_load %arg6[%parallel_loop3A_1646, %parallel_loop3A_1647, %parallel_loop3A_1648] {strides = array<i32>} : memref<8x128x64xf32, #tpu.memory_space<vmem>>, vector<1x1x16xf32>,
        %parallel_loop3A_1650 = vector.shape_cast %parallel_loop3A_1649 : vector<1x1x16xf32> to vector<16xf32>
        %parallel_loop3A_1651 = arith.constant 8.000000e+00 : f32
        %parallel_loop3A_1652 = vector.broadcast %parallel_loop3A_1651 : f32 to vector<16xf32>
        %parallel_loop3A_1653 = arith.mulf %parallel_loop3A_1650, %parallel_loop3A_1652 : vector<16xf32>
        %parallel_loop3A_1654 = arith.constant 0 : i32
        %parallel_loop3A_1655 = arith.index_cast %parallel_loop3A_1654 : i32 to index
        %parallel_loop3A_1656 = arith.index_cast %parallel_loop3A_1644 : i32 to index
        %parallel_loop3A_1657 = arith.constant 0 : index
        %parallel_loop3A_1658 = tpu.vector_load %arg6[%parallel_loop3A_1655, %parallel_loop3A_1656, %parallel_loop3A_1657] {strides = array<i32>} : memref<8x128x64xf32, #tpu.memory_space<vmem>>, vector<1x1x16xf32>,
        %parallel_loop3A_1659 = vector.shape_cast %parallel_loop3A_1658 : vector<1x1x16xf32> to vector<16xf32>
        %parallel_loop3A_1660 = vector.shape_cast %parallel_loop3A_1653 : vector<16xf32> to vector<1x1x16xf32>
        tpu.vector_store %arg6[%parallel_loop3A_1655, %parallel_loop3A_1656, %parallel_loop3A_1657], %parallel_loop3A_1660 {strides = array<i32>} : memref<8x128x64xf32, #tpu.memory_space<vmem>>, vector<1x1x16xf32>,
        %parallel_loop3A_1661 = arith.constant 0 : i32
        %parallel_loop3A_1662 = arith.index_cast %parallel_loop3A_1661 : i32 to index
        %parallel_loop3A_1663 = arith.index_cast %parallel_loop3A_1644 : i32 to index
        %parallel_loop3A_1664 = arith.constant 16 : index
        %parallel_loop3A_1665 = tpu.vector_load %arg6[%parallel_loop3A_1662, %parallel_loop3A_1663, %parallel_loop3A_1664] {strides = array<i32>} : memref<8x128x64xf32, #tpu.memory_space<vmem>>, vector<1x1x16xf32>,
        %parallel_loop3A_1666 = vector.shape_cast %parallel_loop3A_1665 : vector<1x1x16xf32> to vector<16xf32>
        %parallel_loop3A_1667 = arith.constant 8.000000e+00 : f32
        %parallel_loop3A_1668 = vector.broadcast %parallel_loop3A_1667 : f32 to vector<16xf32>
        %parallel_loop3A_1669 = arith.mulf %parallel_loop3A_1666, %parallel_loop3A_1668 : vector<16xf32>
        %parallel_loop3A_1670 = arith.constant 0 : i32
        %parallel_loop3A_1671 = arith.index_cast %parallel_loop3A_1670 : i32 to index
        %parallel_loop3A_1672 = arith.index_cast %parallel_loop3A_1644 : i32 to index
        %parallel_loop3A_1673 = arith.constant 16 : index
        %parallel_loop3A_1674 = tpu.vector_load %arg6[%parallel_loop3A_1671, %parallel_loop3A_1672, %parallel_loop3A_1673] {strides = array<i32>} : memref<8x128x64xf32, #tpu.memory_space<vmem>>, vector<1x1x16xf32>,
        %parallel_loop3A_1675 = vector.shape_cast %parallel_loop3A_1674 : vector<1x1x16xf32> to vector<16xf32>
        %parallel_loop3A_1676 = vector.shape_cast %parallel_loop3A_1669 : vector<16xf32> to vector<1x1x16xf32>
        tpu.vector_store %arg6[%parallel_loop3A_1671, %parallel_loop3A_1672, %parallel_loop3A_1673], %parallel_loop3A_1676 {strides = array<i32>} : memref<8x128x64xf32, #tpu.memory_space<vmem>>, vector<1x1x16xf32>,
        %parallel_loop3A_1677 = arith.constant 0 : i32
        %parallel_loop3A_1678 = arith.index_cast %parallel_loop3A_1677 : i32 to index
        %parallel_loop3A_1679 = arith.index_cast %parallel_loop3A_1644 : i32 to index
        %parallel_loop3A_1680 = arith.constant 32 : index
        %parallel_loop3A_1681 = tpu.vector_load %arg6[%parallel_loop3A_1678, %parallel_loop3A_1679, %parallel_loop3A_1680] {strides = array<i32>} : memref<8x128x64xf32, #tpu.memory_space<vmem>>, vector<1x1x16xf32>,
        %parallel_loop3A_1682 = vector.shape_cast %parallel_loop3A_1681 : vector<1x1x16xf32> to vector<16xf32>
        %parallel_loop3A_1683 = arith.constant 8.000000e+00 : f32
        %parallel_loop3A_1684 = vector.broadcast %parallel_loop3A_1683 : f32 to vector<16xf32>
        %parallel_loop3A_1685 = arith.mulf %parallel_loop3A_1682, %parallel_loop3A_1684 : vector<16xf32>
        %parallel_loop3A_1686 = arith.constant 0 : i32
        %parallel_loop3A_1687 = arith.index_cast %parallel_loop3A_1686 : i32 to index
        %parallel_loop3A_1688 = arith.index_cast %parallel_loop3A_1644 : i32 to index
        %parallel_loop3A_1689 = arith.constant 32 : index
        %parallel_loop3A_1690 = tpu.vector_load %arg6[%parallel_loop3A_1687, %parallel_loop3A_1688, %parallel_loop3A_1689] {strides = array<i32>} : memref<8x128x64xf32, #tpu.memory_space<vmem>>, vector<1x1x16xf32>,
        %parallel_loop3A_1691 = vector.shape_cast %parallel_loop3A_1690 : vector<1x1x16xf32> to vector<16xf32>
        %parallel_loop3A_1692 = vector.shape_cast %parallel_loop3A_1685 : vector<16xf32> to vector<1x1x16xf32>
        tpu.vector_store %arg6[%parallel_loop3A_1687, %parallel_loop3A_1688, %parallel_loop3A_1689], %parallel_loop3A_1692 {strides = array<i32>} : memref<8x128x64xf32, #tpu.memory_space<vmem>>, vector<1x1x16xf32>,
        %parallel_loop3A_1693 = arith.constant 0 : i32
        %parallel_loop3A_1694 = arith.index_cast %parallel_loop3A_1693 : i32 to index
        %parallel_loop3A_1695 = arith.index_cast %parallel_loop3A_1644 : i32 to index
        %parallel_loop3A_1696 = arith.constant 48 : index
        %parallel_loop3A_1697 = tpu.vector_load %arg6[%parallel_loop3A_1694, %parallel_loop3A_1695, %parallel_loop3A_1696] {strides = array<i32>} : memref<8x128x64xf32, #tpu.memory_space<vmem>>, vector<1x1x16xf32>,
        %parallel_loop3A_1698 = vector.shape_cast %parallel_loop3A_1697 : vector<1x1x16xf32> to vector<16xf32>
        %parallel_loop3A_1699 = arith.constant 8.000000e+00 : f32
        %parallel_loop3A_1700 = vector.broadcast %parallel_loop3A_1699 : f32 to vector<16xf32>
        %parallel_loop3A_1701 = arith.mulf %parallel_loop3A_1698, %parallel_loop3A_1700 : vector<16xf32>
        %parallel_loop3A_1702 = arith.constant 0 : i32
        %parallel_loop3A_1703 = arith.index_cast %parallel_loop3A_1702 : i32 to index
        %parallel_loop3A_1704 = arith.index_cast %parallel_loop3A_1644 : i32 to index
        %parallel_loop3A_1705 = arith.constant 48 : index
        %parallel_loop3A_1706 = tpu.vector_load %arg6[%parallel_loop3A_1703, %parallel_loop3A_1704, %parallel_loop3A_1705] {strides = array<i32>} : memref<8x128x64xf32, #tpu.memory_space<vmem>>, vector<1x1x16xf32>,
        %parallel_loop3A_1707 = vector.shape_cast %parallel_loop3A_1706 : vector<1x1x16xf32> to vector<16xf32>
        %parallel_loop3A_1708 = vector.shape_cast %parallel_loop3A_1701 : vector<16xf32> to vector<1x1x16xf32>
        tpu.vector_store %arg6[%parallel_loop3A_1703, %parallel_loop3A_1704, %parallel_loop3A_1705], %parallel_loop3A_1708 {strides = array<i32>} : memref<8x128x64xf32, #tpu.memory_space<vmem>>, vector<1x1x16xf32>,
      } {sc.loop_unroll_factor = 4 : i64, sc.parallel_access}
      %dma_start3A_1003 = arith.constant 0 : i32
      %dma_start3A_1004 = arith.constant 0 : i32
      %dma_start3A_1005 = arith.constant 0 : i32
      %dma_start3A_1006 = tpu.memref_slice %arg6[%dma_start3A_1003, %dma_start3A_1004, %dma_start3A_1005] : memref<8x128x64xf32, #tpu.memory_space<vmem>> -> memref<1x128x64xf32, #tpu.memory_space<vmem>>
      %dma_start3A_1007 = tpu.memref_squeeze %dma_start3A_1006 : memref<1x128x64xf32, #tpu.memory_space<vmem>> -> memref<128x64xf32, #tpu.memory_space<vmem>>
      %dma_start3A_1008 = arith.constant 0 : i32
      %dma_start3A_1009 = tpu.memref_slice %arg4[%mul3A_2, %add3A_986, %dma_start3A_1008] : memref<4096x200x128xf32, #tpu.memory_space<hbm>> -> memref<128x1x64xf32, #tpu.memory_space<hbm>>
      %dma_start3A_1010 = tpu.memref_squeeze %dma_start3A_1009 : memref<128x1x64xf32, #tpu.memory_space<hbm>> -> memref<128x64xf32, #tpu.memory_space<hbm>>
      %dma_start3A_1011 = arith.constant 0 : i32
      %dma_start3A_1012 = tpu.memref_slice %arg4[%mul3A_2, %add3A_986, %dma_start3A_1011] : memref<4096x200x128xf32, #tpu.memory_space<hbm>> -> memref<128x1x64xf32, #tpu.memory_space<hbm>>
      %dma_start3A_1013 = tpu.memref_squeeze %dma_start3A_1012 : memref<128x1x64xf32, #tpu.memory_space<hbm>> -> memref<128x64xf32, #tpu.memory_space<hbm>>
      %dma_start3A_1014 = arith.constant 0 : i32
      %dma_start3A_1015 = arith.constant 0 : i32
      %dma_start3A_1016 = tpu.memref_slice %arg6[%dma_start3A_1003, %dma_start3A_1014, %dma_start3A_1015] : memref<8x128x64xf32, #tpu.memory_space<vmem>> -> memref<1x128x64xf32, #tpu.memory_space<vmem>>
      %dma_start3A_1017 = tpu.memref_squeeze %dma_start3A_1016 : memref<1x128x64xf32, #tpu.memory_space<vmem>> -> memref<128x64xf32, #tpu.memory_space<vmem>>
      tpu.enqueue_dma source(%dma_start3A_1017 : memref<128x64xf32, #tpu.memory_space<vmem>>) target(%dma_start3A_1013 : memref<128x64xf32, #tpu.memory_space<hbm>>) target_semaphore(%arg8 : memref<!tpu.dma_semaphore, #tpu.memory_space<semaphore_mem>>)
      %dma_wait3A_1018 = arith.constant 0 : i32
      %dma_wait3A_1019 = arith.constant 0 : i32
      %dma_wait3A_1020 = arith.constant 0 : i32
      %dma_wait3A_1021 = arith.constant 0 : i32
      %dma_wait3A_1022 = tpu.memref_slice %arg6[%dma_wait3A_1018, %dma_wait3A_1020, %dma_wait3A_1021] : memref<8x128x64xf32, #tpu.memory_space<vmem>> -> memref<1x128x64xf32, #tpu.memory_space<vmem>>
      %dma_wait3A_1023 = tpu.memref_squeeze %dma_wait3A_1022 : memref<1x128x64xf32, #tpu.memory_space<vmem>> -> memref<128x64xf32, #tpu.memory_space<vmem>>
      %dma_wait3A_1024 = arith.constant 0 : i32
      %dma_wait3A_1025 = tpu.memref_slice %arg4[%mul3A_2, %dma_wait3A_1019, %dma_wait3A_1024] : memref<4096x200x128xf32, #tpu.memory_space<hbm>> -> memref<128x1x64xf32, #tpu.memory_space<hbm>>
      %dma_wait3A_1026 = tpu.memref_squeeze %dma_wait3A_1025 : memref<128x1x64xf32, #tpu.memory_space<hbm>> -> memref<128x64xf32, #tpu.memory_space<hbm>>
      %dma_wait3A_1027 = arith.constant 0 : i32
      %dma_wait3A_1028 = tpu.memref_slice %arg4[%mul3A_2, %dma_wait3A_1019, %dma_wait3A_1027] : memref<4096x200x128xf32, #tpu.memory_space<hbm>> -> memref<128x1x64xf32, #tpu.memory_space<hbm>>
      %dma_wait3A_1029 = tpu.memref_squeeze %dma_wait3A_1028 : memref<128x1x64xf32, #tpu.memory_space<hbm>> -> memref<128x64xf32, #tpu.memory_space<hbm>>
      %dma_wait3A_1030 = arith.constant 0 : i32
      %dma_wait3A_1031 = arith.constant 0 : i32
      %dma_wait3A_1032 = tpu.memref_slice %arg6[%dma_wait3A_1018, %dma_wait3A_1030, %dma_wait3A_1031] : memref<8x128x64xf32, #tpu.memory_space<vmem>> -> memref<1x128x64xf32, #tpu.memory_space<vmem>>
      %dma_wait3A_1033 = tpu.memref_squeeze %dma_wait3A_1032 : memref<1x128x64xf32, #tpu.memory_space<vmem>> -> memref<128x64xf32, #tpu.memory_space<vmem>>
      tpu.wait_dma2 semaphore(%arg8 : memref<!tpu.dma_semaphore, #tpu.memory_space<semaphore_mem>>) src(%dma_wait3A_1033 : memref<128x64xf32, #tpu.memory_space<vmem>>) dst(%dma_wait3A_1029 : memref<128x64xf32, #tpu.memory_space<hbm>>)
      %add3A_1034 = arith.constant 0 : i32
      %add3A_1035 = arith.addi %scan3A_982, %add3A_1034 : i32
      %jit3A = arith.constant 2 : i32
      %eq3A = arith.constant 0 : i32
      %eq3A_1036 = arith.cmpi eq, %jit3A, %eq3A : i32
      %jit3A_1037 = arith.constant 1 : i32
      %select_n3A = arith.select %eq3A_1036, %jit3A_1037, %jit3A : i32
      %rem3A = arith.remsi %add3A_1035, %select_n3A : i32
      %ne3A = arith.constant 0 : i32
      %ne3A_1038 = arith.cmpi ne, %rem3A, %ne3A : i32
      %lt3A = arith.constant 0 : i32
      %lt3A_1039 = arith.cmpi slt, %rem3A, %lt3A : i32
      %lt3A_1040 = arith.constant 0 : i32
      %lt3A_1041 = arith.cmpi slt, %select_n3A, %lt3A_1040 : i32
      %ne3A_1042 = arith.xori %lt3A_1039, %lt3A_1041 : i1
      %and3A = arith.andi %ne3A_1042, %ne3A_1038 : i1
      %add3A_1043 = arith.addi %rem3A, %select_n3A : i32
      %select_n3A_1044 = arith.select %and3A, %add3A_1043, %rem3A : i32
      %dma_start3A_1045 = arith.constant 4 : i32
      %dma_start3A_1046 = arith.constant 4 : i32
      %dma_start3A_1047 = arith.constant 0 : i32
      %dma_start3A_1048 = arith.constant 0 : i32
      %dma_start3A_1049 = tpu.memref_slice %arg6[%dma_start3A_1046, %dma_start3A_1047, %dma_start3A_1048] : memref<8x128x64xf32, #tpu.memory_space<vmem>> -> memref<1x128x64xf32, #tpu.memory_space<vmem>>
      %dma_start3A_1050 = tpu.memref_squeeze %dma_start3A_1049 : memref<1x128x64xf32, #tpu.memory_space<vmem>> -> memref<128x64xf32, #tpu.memory_space<vmem>>
      %dma_start3A_1051 = arith.constant 0 : i32
      %dma_start3A_1052 = tpu.memref_slice %arg5[%select_n3A_1044, %dma_start3A_1045, %dma_start3A_1051] : memref<2x8x128xi32, #tpu.memory_space<vmem>> -> memref<1x1x128xi32, #tpu.memory_space<vmem>>
      %dma_start3A_1053 = tpu.memref_squeeze %dma_start3A_1052 : memref<1x1x128xi32, #tpu.memory_space<vmem>> -> memref<128xi32, #tpu.memory_space<vmem>>
      %dma_start3A_1054 = arith.constant 0 : i32
      %dma_start3A_1055 = arith.constant 0 : i32
      %dma_start3A_1056 = tpu.memref_slice %arg3[%dma_start3A_1054, %dma_start3A_1055] : memref<1000000x64xf32, #tpu.memory_space<hbm>> -> memref<1000000x64xf32, #tpu.memory_space<hbm>>
      tpu.enqueue_indirect_dma source(%dma_start3A_1056 : memref<1000000x64xf32, #tpu.memory_space<hbm>>) target(%dma_start3A_1050 : memref<128x64xf32, #tpu.memory_space<vmem>>) offsets(%dma_start3A_1053 : memref<128xi32, #tpu.memory_space<vmem>>) semaphore(%arg7 : memref<!tpu.dma_semaphore, #tpu.memory_space<semaphore_mem>>)
      %mul3A_1057 = arith.constant 8 : i32
      %mul3A_1058 = arith.muli %scan3A_982, %mul3A_1057 : i32
      %add3A_1059 = arith.constant 1 : i32
      %add3A_1060 = arith.addi %mul3A_1058, %add3A_1059 : i32
      %dma_wait3A_1061 = arith.constant 0 : i32
      %dma_wait3A_1062 = arith.constant 0 : i32
      %dma_wait3A_1063 = arith.constant 1 : i32
      %dma_wait3A_1064 = arith.constant 0 : i32
      %dma_wait3A_1065 = arith.constant 0 : i32
      %dma_wait3A_1066 = tpu.memref_slice %arg6[%dma_wait3A_1063, %dma_wait3A_1064, %dma_wait3A_1065] : memref<8x128x64xf32, #tpu.memory_space<vmem>> -> memref<1x128x64xf32, #tpu.memory_space<vmem>>
      %dma_wait3A_1067 = tpu.memref_squeeze %dma_wait3A_1066 : memref<1x128x64xf32, #tpu.memory_space<vmem>> -> memref<128x64xf32, #tpu.memory_space<vmem>>
      %dma_wait3A_1068 = arith.constant 0 : i32
      %dma_wait3A_1069 = tpu.memref_slice %arg5[%dma_wait3A_1061, %dma_wait3A_1062, %dma_wait3A_1068] : memref<2x8x128xi32, #tpu.memory_space<vmem>> -> memref<1x1x128xi32, #tpu.memory_space<vmem>>
      %dma_wait3A_1070 = tpu.memref_squeeze %dma_wait3A_1069 : memref<1x1x128xi32, #tpu.memory_space<vmem>> -> memref<128xi32, #tpu.memory_space<vmem>>
      %dma_wait3A_1071 = arith.constant 0 : i32
      %dma_wait3A_1072 = arith.constant 0 : i32
      %dma_wait3A_1073 = tpu.memref_slice %arg3[%dma_wait3A_1071, %dma_wait3A_1072] : memref<1000000x64xf32, #tpu.memory_space<hbm>> -> memref<1000000x64xf32, #tpu.memory_space<hbm>>
      tpu.wait_indirect_dma semaphore(%arg7 : memref<!tpu.dma_semaphore, #tpu.memory_space<semaphore_mem>>) src(%dma_wait3A_1073 : memref<1000000x64xf32, #tpu.memory_space<hbm>>) dst(%dma_wait3A_1067 : memref<128x64xf32, #tpu.memory_space<vmem>>)
      %parallel_loop3A_1074 = arith.constant 0 : i32
      %parallel_loop3A_1075 = arith.constant 128 : i32
      %parallel_loop3A_1076 = arith.constant 1 : i32
      scf.for %parallel_loop3A_1644 = %parallel_loop3A_1074 to %parallel_loop3A_1075 step %parallel_loop3A_1076  : i32 {
        %parallel_loop3A_1645 = arith.constant 1 : i32
        %parallel_loop3A_1646 = arith.index_cast %parallel_loop3A_1645 : i32 to index
        %parallel_loop3A_1647 = arith.index_cast %parallel_loop3A_1644 : i32 to index
        %parallel_loop3A_1648 = arith.constant 0 : index
        %parallel_loop3A_1649 = tpu.vector_load %arg6[%parallel_loop3A_1646, %parallel_loop3A_1647, %parallel_loop3A_1648] {strides = array<i32>} : memref<8x128x64xf32, #tpu.memory_space<vmem>>, vector<1x1x16xf32>,
        %parallel_loop3A_1650 = vector.shape_cast %parallel_loop3A_1649 : vector<1x1x16xf32> to vector<16xf32>
        %parallel_loop3A_1651 = arith.constant 8.000000e+00 : f32
        %parallel_loop3A_1652 = vector.broadcast %parallel_loop3A_1651 : f32 to vector<16xf32>
        %parallel_loop3A_1653 = arith.mulf %parallel_loop3A_1650, %parallel_loop3A_1652 : vector<16xf32>
        %parallel_loop3A_1654 = arith.constant 1 : i32
        %parallel_loop3A_1655 = arith.index_cast %parallel_loop3A_1654 : i32 to index
        %parallel_loop3A_1656 = arith.index_cast %parallel_loop3A_1644 : i32 to index
        %parallel_loop3A_1657 = arith.constant 0 : index
        %parallel_loop3A_1658 = tpu.vector_load %arg6[%parallel_loop3A_1655, %parallel_loop3A_1656, %parallel_loop3A_1657] {strides = array<i32>} : memref<8x128x64xf32, #tpu.memory_space<vmem>>, vector<1x1x16xf32>,
        %parallel_loop3A_1659 = vector.shape_cast %parallel_loop3A_1658 : vector<1x1x16xf32> to vector<16xf32>
        %parallel_loop3A_1660 = vector.shape_cast %parallel_loop3A_1653 : vector<16xf32> to vector<1x1x16xf32>
        tpu.vector_store %arg6[%parallel_loop3A_1655, %parallel_loop3A_1656, %parallel_loop3A_1657], %parallel_loop3A_1660 {strides = array<i32>} : memref<8x128x64xf32, #tpu.memory_space<vmem>>, vector<1x1x16xf32>,
        %parallel_loop3A_1661 = arith.constant 1 : i32
        %parallel_loop3A_1662 = arith.index_cast %parallel_loop3A_1661 : i32 to index
        %parallel_loop3A_1663 = arith.index_cast %parallel_loop3A_1644 : i32 to index
        %parallel_loop3A_1664 = arith.constant 16 : index
        %parallel_loop3A_1665 = tpu.vector_load %arg6[%parallel_loop3A_1662, %parallel_loop3A_1663, %parallel_loop3A_1664] {strides = array<i32>} : memref<8x128x64xf32, #tpu.memory_space<vmem>>, vector<1x1x16xf32>,
        %parallel_loop3A_1666 = vector.shape_cast %parallel_loop3A_1665 : vector<1x1x16xf32> to vector<16xf32>
        %parallel_loop3A_1667 = arith.constant 8.000000e+00 : f32
        %parallel_loop3A_1668 = vector.broadcast %parallel_loop3A_1667 : f32 to vector<16xf32>
        %parallel_loop3A_1669 = arith.mulf %parallel_loop3A_1666, %parallel_loop3A_1668 : vector<16xf32>
        %parallel_loop3A_1670 = arith.constant 1 : i32
        %parallel_loop3A_1671 = arith.index_cast %parallel_loop3A_1670 : i32 to index
        %parallel_loop3A_1672 = arith.index_cast %parallel_loop3A_1644 : i32 to index
        %parallel_loop3A_1673 = arith.constant 16 : index
        %parallel_loop3A_1674 = tpu.vector_load %arg6[%parallel_loop3A_1671, %parallel_loop3A_1672, %parallel_loop3A_1673] {strides = array<i32>} : memref<8x128x64xf32, #tpu.memory_space<vmem>>, vector<1x1x16xf32>,
        %parallel_loop3A_1675 = vector.shape_cast %parallel_loop3A_1674 : vector<1x1x16xf32> to vector<16xf32>
        %parallel_loop3A_1676 = vector.shape_cast %parallel_loop3A_1669 : vector<16xf32> to vector<1x1x16xf32>
        tpu.vector_store %arg6[%parallel_loop3A_1671, %parallel_loop3A_1672, %parallel_loop3A_1673], %parallel_loop3A_1676 {strides = array<i32>} : memref<8x128x64xf32, #tpu.memory_space<vmem>>, vector<1x1x16xf32>,
        %parallel_loop3A_1677 = arith.constant 1 : i32
        %parallel_loop3A_1678 = arith.index_cast %parallel_loop3A_1677 : i32 to index
        %parallel_loop3A_1679 = arith.index_cast %parallel_loop3A_1644 : i32 to index
        %parallel_loop3A_1680 = arith.constant 32 : index
        %parallel_loop3A_1681 = tpu.vector_load %arg6[%parallel_loop3A_1678, %parallel_loop3A_1679, %parallel_loop3A_1680] {strides = array<i32>} : memref<8x128x64xf32, #tpu.memory_space<vmem>>, vector<1x1x16xf32>,
        %parallel_loop3A_1682 = vector.shape_cast %parallel_loop3A_1681 : vector<1x1x16xf32> to vector<16xf32>
        %parallel_loop3A_1683 = arith.constant 8.000000e+00 : f32
        %parallel_loop3A_1684 = vector.broadcast %parallel_loop3A_1683 : f32 to vector<16xf32>
        %parallel_loop3A_1685 = arith.mulf %parallel_loop3A_1682, %parallel_loop3A_1684 : vector<16xf32>
        %parallel_loop3A_1686 = arith.constant 1 : i32
        %parallel_loop3A_1687 = arith.index_cast %parallel_loop3A_1686 : i32 to index
        %parallel_loop3A_1688 = arith.index_cast %parallel_loop3A_1644 : i32 to index
        %parallel_loop3A_1689 = arith.constant 32 : index
        %parallel_loop3A_1690 = tpu.vector_load %arg6[%parallel_loop3A_1687, %parallel_loop3A_1688, %parallel_loop3A_1689] {strides = array<i32>} : memref<8x128x64xf32, #tpu.memory_space<vmem>>, vector<1x1x16xf32>,
        %parallel_loop3A_1691 = vector.shape_cast %parallel_loop3A_1690 : vector<1x1x16xf32> to vector<16xf32>
        %parallel_loop3A_1692 = vector.shape_cast %parallel_loop3A_1685 : vector<16xf32> to vector<1x1x16xf32>
        tpu.vector_store %arg6[%parallel_loop3A_1687, %parallel_loop3A_1688, %parallel_loop3A_1689], %parallel_loop3A_1692 {strides = array<i32>} : memref<8x128x64xf32, #tpu.memory_space<vmem>>, vector<1x1x16xf32>,
        %parallel_loop3A_1693 = arith.constant 1 : i32
        %parallel_loop3A_1694 = arith.index_cast %parallel_loop3A_1693 : i32 to index
        %parallel_loop3A_1695 = arith.index_cast %parallel_loop3A_1644 : i32 to index
        %parallel_loop3A_1696 = arith.constant 48 : index
        %parallel_loop3A_1697 = tpu.vector_load %arg6[%parallel_loop3A_1694, %parallel_loop3A_1695, %parallel_loop3A_1696] {strides = array<i32>} : memref<8x128x64xf32, #tpu.memory_space<vmem>>, vector<1x1x16xf32>,
        %parallel_loop3A_1698 = vector.shape_cast %parallel_loop3A_1697 : vector<1x1x16xf32> to vector<16xf32>
        %parallel_loop3A_1699 = arith.constant 8.000000e+00 : f32
        %parallel_loop3A_1700 = vector.broadcast %parallel_loop3A_1699 : f32 to vector<16xf32>
        %parallel_loop3A_1701 = arith.mulf %parallel_loop3A_1698, %parallel_loop3A_1700 : vector<16xf32>
        %parallel_loop3A_1702 = arith.constant 1 : i32
        %parallel_loop3A_1703 = arith.index_cast %parallel_loop3A_1702 : i32 to index
        %parallel_loop3A_1704 = arith.index_cast %parallel_loop3A_1644 : i32 to index
        %parallel_loop3A_1705 = arith.constant 48 : index
        %parallel_loop3A_1706 = tpu.vector_load %arg6[%parallel_loop3A_1703, %parallel_loop3A_1704, %parallel_loop3A_1705] {strides = array<i32>} : memref<8x128x64xf32, #tpu.memory_space<vmem>>, vector<1x1x16xf32>,
        %parallel_loop3A_1707 = vector.shape_cast %parallel_loop3A_1706 : vector<1x1x16xf32> to vector<16xf32>
        %parallel_loop3A_1708 = vector.shape_cast %parallel_loop3A_1701 : vector<16xf32> to vector<1x1x16xf32>
        tpu.vector_store %arg6[%parallel_loop3A_1703, %parallel_loop3A_1704, %parallel_loop3A_1705], %parallel_loop3A_1708 {strides = array<i32>} : memref<8x128x64xf32, #tpu.memory_space<vmem>>, vector<1x1x16xf32>,
      } {sc.loop_unroll_factor = 4 : i64, sc.parallel_access}
      %dma_start3A_1077 = arith.constant 1 : i32
      %dma_start3A_1078 = arith.constant 0 : i32
      %dma_start3A_1079 = arith.constant 0 : i32
      %dma_start3A_1080 = tpu.memref_slice %arg6[%dma_start3A_1077, %dma_start3A_1078, %dma_start3A_1079] : memref<8x128x64xf32, #tpu.memory_space<vmem>> -> memref<1x128x64xf32, #tpu.memory_space<vmem>>
      %dma_start3A_1081 = tpu.memref_squeeze %dma_start3A_1080 : memref<1x128x64xf32, #tpu.memory_space<vmem>> -> memref<128x64xf32, #tpu.memory_space<vmem>>
      %dma_start3A_1082 = arith.constant 0 : i32
      %dma_start3A_1083 = tpu.memref_slice %arg4[%mul3A_2, %add3A_1060, %dma_start3A_1082] : memref<4096x200x128xf32, #tpu.memory_space<hbm>> -> memref<128x1x64xf32, #tpu.memory_space<hbm>>
      %dma_start3A_1084 = tpu.memref_squeeze %dma_start3A_1083 : memref<128x1x64xf32, #tpu.memory_space<hbm>> -> memref<128x64xf32, #tpu.memory_space<hbm>>
      %dma_start3A_1085 = arith.constant 0 : i32
      %dma_start3A_1086 = tpu.memref_slice %arg4[%mul3A_2, %add3A_1060, %dma_start3A_1085] : memref<4096x200x128xf32, #tpu.memory_space<hbm>> -> memref<128x1x64xf32, #tpu.memory_space<hbm>>
      %dma_start3A_1087 = tpu.memref_squeeze %dma_start3A_1086 : memref<128x1x64xf32, #tpu.memory_space<hbm>> -> memref<128x64xf32, #tpu.memory_space<hbm>>
      %dma_start3A_1088 = arith.constant 0 : i32
      %dma_start3A_1089 = arith.constant 0 : i32
      %dma_start3A_1090 = tpu.memref_slice %arg6[%dma_start3A_1077, %dma_start3A_1088, %dma_start3A_1089] : memref<8x128x64xf32, #tpu.memory_space<vmem>> -> memref<1x128x64xf32, #tpu.memory_space<vmem>>
      %dma_start3A_1091 = tpu.memref_squeeze %dma_start3A_1090 : memref<1x128x64xf32, #tpu.memory_space<vmem>> -> memref<128x64xf32, #tpu.memory_space<vmem>>
      tpu.enqueue_dma source(%dma_start3A_1091 : memref<128x64xf32, #tpu.memory_space<vmem>>) target(%dma_start3A_1087 : memref<128x64xf32, #tpu.memory_space<hbm>>) target_semaphore(%arg8 : memref<!tpu.dma_semaphore, #tpu.memory_space<semaphore_mem>>)
      %dma_wait3A_1092 = arith.constant 0 : i32
      %dma_wait3A_1093 = arith.constant 0 : i32
      %dma_wait3A_1094 = arith.constant 0 : i32
      %dma_wait3A_1095 = arith.constant 0 : i32
      %dma_wait3A_1096 = tpu.memref_slice %arg6[%dma_wait3A_1092, %dma_wait3A_1094, %dma_wait3A_1095] : memref<8x128x64xf32, #tpu.memory_space<vmem>> -> memref<1x128x64xf32, #tpu.memory_space<vmem>>
      %dma_wait3A_1097 = tpu.memref_squeeze %dma_wait3A_1096 : memref<1x128x64xf32, #tpu.memory_space<vmem>> -> memref<128x64xf32, #tpu.memory_space<vmem>>
      %dma_wait3A_1098 = arith.constant 0 : i32
      %dma_wait3A_1099 = tpu.memref_slice %arg4[%mul3A_2, %dma_wait3A_1093, %dma_wait3A_1098] : memref<4096x200x128xf32, #tpu.memory_space<hbm>> -> memref<128x1x64xf32, #tpu.memory_space<hbm>>
      %dma_wait3A_1100 = tpu.memref_squeeze %dma_wait3A_1099 : memref<128x1x64xf32, #tpu.memory_space<hbm>> -> memref<128x64xf32, #tpu.memory_space<hbm>>
      %dma_wait3A_1101 = arith.constant 0 : i32
      %dma_wait3A_1102 = tpu.memref_slice %arg4[%mul3A_2, %dma_wait3A_1093, %dma_wait3A_1101] : memref<4096x200x128xf32, #tpu.memory_space<hbm>> -> memref<128x1x64xf32, #tpu.memory_space<hbm>>
      %dma_wait3A_1103 = tpu.memref_squeeze %dma_wait3A_1102 : memref<128x1x64xf32, #tpu.memory_space<hbm>> -> memref<128x64xf32, #tpu.memory_space<hbm>>
      %dma_wait3A_1104 = arith.constant 0 : i32
      %dma_wait3A_1105 = arith.constant 0 : i32
      %dma_wait3A_1106 = tpu.memref_slice %arg6[%dma_wait3A_1092, %dma_wait3A_1104, %dma_wait3A_1105] : memref<8x128x64xf32, #tpu.memory_space<vmem>> -> memref<1x128x64xf32, #tpu.memory_space<vmem>>
      %dma_wait3A_1107 = tpu.memref_squeeze %dma_wait3A_1106 : memref<1x128x64xf32, #tpu.memory_space<vmem>> -> memref<128x64xf32, #tpu.memory_space<vmem>>
      tpu.wait_dma2 semaphore(%arg8 : memref<!tpu.dma_semaphore, #tpu.memory_space<semaphore_mem>>) src(%dma_wait3A_1107 : memref<128x64xf32, #tpu.memory_space<vmem>>) dst(%dma_wait3A_1103 : memref<128x64xf32, #tpu.memory_space<hbm>>)
      %add3A_1108 = arith.constant 0 : i32
      %add3A_1109 = arith.addi %scan3A_982, %add3A_1108 : i32
      %jit3A_1110 = arith.constant 2 : i32
      %eq3A_1111 = arith.constant 0 : i32
      %eq3A_1112 = arith.cmpi eq, %jit3A_1110, %eq3A_1111 : i32
      %jit3A_1113 = arith.constant 1 : i32
      %select_n3A_1114 = arith.select %eq3A_1112, %jit3A_1113, %jit3A_1110 : i32
      %rem3A_1115 = arith.remsi %add3A_1109, %select_n3A_1114 : i32
      %ne3A_1116 = arith.constant 0 : i32
      %ne3A_1117 = arith.cmpi ne, %rem3A_1115, %ne3A_1116 : i32
      %lt3A_1118 = arith.constant 0 : i32
      %lt3A_1119 = arith.cmpi slt, %rem3A_1115, %lt3A_1118 : i32
      %lt3A_1120 = arith.constant 0 : i32
      %lt3A_1121 = arith.cmpi slt, %select_n3A_1114, %lt3A_1120 : i32
      %ne3A_1122 = arith.xori %lt3A_1119, %lt3A_1121 : i1
      %and3A_1123 = arith.andi %ne3A_1122, %ne3A_1117 : i1
      %add3A_1124 = arith.addi %rem3A_1115, %select_n3A_1114 : i32
      %select_n3A_1125 = arith.select %and3A_1123, %add3A_1124, %rem3A_1115 : i32
      %dma_start3A_1126 = arith.constant 5 : i32
      %dma_start3A_1127 = arith.constant 5 : i32
      %dma_start3A_1128 = arith.constant 0 : i32
      %dma_start3A_1129 = arith.constant 0 : i32
      %dma_start3A_1130 = tpu.memref_slice %arg6[%dma_start3A_1127, %dma_start3A_1128, %dma_start3A_1129] : memref<8x128x64xf32, #tpu.memory_space<vmem>> -> memref<1x128x64xf32, #tpu.memory_space<vmem>>
      %dma_start3A_1131 = tpu.memref_squeeze %dma_start3A_1130 : memref<1x128x64xf32, #tpu.memory_space<vmem>> -> memref<128x64xf32, #tpu.memory_space<vmem>>
      %dma_start3A_1132 = arith.constant 0 : i32
      %dma_start3A_1133 = tpu.memref_slice %arg5[%select_n3A_1125, %dma_start3A_1126, %dma_start3A_1132] : memref<2x8x128xi32, #tpu.memory_space<vmem>> -> memref<1x1x128xi32, #tpu.memory_space<vmem>>
      %dma_start3A_1134 = tpu.memref_squeeze %dma_start3A_1133 : memref<1x1x128xi32, #tpu.memory_space<vmem>> -> memref<128xi32, #tpu.memory_space<vmem>>
      %dma_start3A_1135 = arith.constant 0 : i32
      %dma_start3A_1136 = arith.constant 0 : i32
      %dma_start3A_1137 = tpu.memref_slice %arg3[%dma_start3A_1135, %dma_start3A_1136] : memref<1000000x64xf32, #tpu.memory_space<hbm>> -> memref<1000000x64xf32, #tpu.memory_space<hbm>>
      tpu.enqueue_indirect_dma source(%dma_start3A_1137 : memref<1000000x64xf32, #tpu.memory_space<hbm>>) target(%dma_start3A_1131 : memref<128x64xf32, #tpu.memory_space<vmem>>) offsets(%dma_start3A_1134 : memref<128xi32, #tpu.memory_space<vmem>>) semaphore(%arg7 : memref<!tpu.dma_semaphore, #tpu.memory_space<semaphore_mem>>)
      %mul3A_1138 = arith.constant 8 : i32
      %mul3A_1139 = arith.muli %scan3A_982, %mul3A_1138 : i32
      %add3A_1140 = arith.constant 2 : i32
      %add3A_1141 = arith.addi %mul3A_1139, %add3A_1140 : i32
      %dma_wait3A_1142 = arith.constant 0 : i32
      %dma_wait3A_1143 = arith.constant 0 : i32
      %dma_wait3A_1144 = arith.constant 2 : i32
      %dma_wait3A_1145 = arith.constant 0 : i32
      %dma_wait3A_1146 = arith.constant 0 : i32
      %dma_wait3A_1147 = tpu.memref_slice %arg6[%dma_wait3A_1144, %dma_wait3A_1145, %dma_wait3A_1146] : memref<8x128x64xf32, #tpu.memory_space<vmem>> -> memref<1x128x64xf32, #tpu.memory_space<vmem>>
      %dma_wait3A_1148 = tpu.memref_squeeze %dma_wait3A_1147 : memref<1x128x64xf32, #tpu.memory_space<vmem>> -> memref<128x64xf32, #tpu.memory_space<vmem>>
      %dma_wait3A_1149 = arith.constant 0 : i32
      %dma_wait3A_1150 = tpu.memref_slice %arg5[%dma_wait3A_1142, %dma_wait3A_1143, %dma_wait3A_1149] : memref<2x8x128xi32, #tpu.memory_space<vmem>> -> memref<1x1x128xi32, #tpu.memory_space<vmem>>
      %dma_wait3A_1151 = tpu.memref_squeeze %dma_wait3A_1150 : memref<1x1x128xi32, #tpu.memory_space<vmem>> -> memref<128xi32, #tpu.memory_space<vmem>>
      %dma_wait3A_1152 = arith.constant 0 : i32
      %dma_wait3A_1153 = arith.constant 0 : i32
      %dma_wait3A_1154 = tpu.memref_slice %arg3[%dma_wait3A_1152, %dma_wait3A_1153] : memref<1000000x64xf32, #tpu.memory_space<hbm>> -> memref<1000000x64xf32, #tpu.memory_space<hbm>>
      tpu.wait_indirect_dma semaphore(%arg7 : memref<!tpu.dma_semaphore, #tpu.memory_space<semaphore_mem>>) src(%dma_wait3A_1154 : memref<1000000x64xf32, #tpu.memory_space<hbm>>) dst(%dma_wait3A_1148 : memref<128x64xf32, #tpu.memory_space<vmem>>)
      %parallel_loop3A_1155 = arith.constant 0 : i32
      %parallel_loop3A_1156 = arith.constant 128 : i32
      %parallel_loop3A_1157 = arith.constant 1 : i32
      scf.for %parallel_loop3A_1644 = %parallel_loop3A_1155 to %parallel_loop3A_1156 step %parallel_loop3A_1157  : i32 {
        %parallel_loop3A_1645 = arith.constant 2 : i32
        %parallel_loop3A_1646 = arith.index_cast %parallel_loop3A_1645 : i32 to index
        %parallel_loop3A_1647 = arith.index_cast %parallel_loop3A_1644 : i32 to index
        %parallel_loop3A_1648 = arith.constant 0 : index
        %parallel_loop3A_1649 = tpu.vector_load %arg6[%parallel_loop3A_1646, %parallel_loop3A_1647, %parallel_loop3A_1648] {strides = array<i32>} : memref<8x128x64xf32, #tpu.memory_space<vmem>>, vector<1x1x16xf32>,
        %parallel_loop3A_1650 = vector.shape_cast %parallel_loop3A_1649 : vector<1x1x16xf32> to vector<16xf32>
        %parallel_loop3A_1651 = arith.constant 8.000000e+00 : f32
        %parallel_loop3A_1652 = vector.broadcast %parallel_loop3A_1651 : f32 to vector<16xf32>
        %parallel_loop3A_1653 = arith.mulf %parallel_loop3A_1650, %parallel_loop3A_1652 : vector<16xf32>
        %parallel_loop3A_1654 = arith.constant 2 : i32
        %parallel_loop3A_1655 = arith.index_cast %parallel_loop3A_1654 : i32 to index
        %parallel_loop3A_1656 = arith.index_cast %parallel_loop3A_1644 : i32 to index
        %parallel_loop3A_1657 = arith.constant 0 : index
        %parallel_loop3A_1658 = tpu.vector_load %arg6[%parallel_loop3A_1655, %parallel_loop3A_1656, %parallel_loop3A_1657] {strides = array<i32>} : memref<8x128x64xf32, #tpu.memory_space<vmem>>, vector<1x1x16xf32>,
        %parallel_loop3A_1659 = vector.shape_cast %parallel_loop3A_1658 : vector<1x1x16xf32> to vector<16xf32>
        %parallel_loop3A_1660 = vector.shape_cast %parallel_loop3A_1653 : vector<16xf32> to vector<1x1x16xf32>
        tpu.vector_store %arg6[%parallel_loop3A_1655, %parallel_loop3A_1656, %parallel_loop3A_1657], %parallel_loop3A_1660 {strides = array<i32>} : memref<8x128x64xf32, #tpu.memory_space<vmem>>, vector<1x1x16xf32>,
        %parallel_loop3A_1661 = arith.constant 2 : i32
        %parallel_loop3A_1662 = arith.index_cast %parallel_loop3A_1661 : i32 to index
        %parallel_loop3A_1663 = arith.index_cast %parallel_loop3A_1644 : i32 to index
        %parallel_loop3A_1664 = arith.constant 16 : index
        %parallel_loop3A_1665 = tpu.vector_load %arg6[%parallel_loop3A_1662, %parallel_loop3A_1663, %parallel_loop3A_1664] {strides = array<i32>} : memref<8x128x64xf32, #tpu.memory_space<vmem>>, vector<1x1x16xf32>,
        %parallel_loop3A_1666 = vector.shape_cast %parallel_loop3A_1665 : vector<1x1x16xf32> to vector<16xf32>
        %parallel_loop3A_1667 = arith.constant 8.000000e+00 : f32
        %parallel_loop3A_1668 = vector.broadcast %parallel_loop3A_1667 : f32 to vector<16xf32>
        %parallel_loop3A_1669 = arith.mulf %parallel_loop3A_1666, %parallel_loop3A_1668 : vector<16xf32>
        %parallel_loop3A_1670 = arith.constant 2 : i32
        %parallel_loop3A_1671 = arith.index_cast %parallel_loop3A_1670 : i32 to index
        %parallel_loop3A_1672 = arith.index_cast %parallel_loop3A_1644 : i32 to index
        %parallel_loop3A_1673 = arith.constant 16 : index
        %parallel_loop3A_1674 = tpu.vector_load %arg6[%parallel_loop3A_1671, %parallel_loop3A_1672, %parallel_loop3A_1673] {strides = array<i32>} : memref<8x128x64xf32, #tpu.memory_space<vmem>>, vector<1x1x16xf32>,
        %parallel_loop3A_1675 = vector.shape_cast %parallel_loop3A_1674 : vector<1x1x16xf32> to vector<16xf32>
        %parallel_loop3A_1676 = vector.shape_cast %parallel_loop3A_1669 : vector<16xf32> to vector<1x1x16xf32>
        tpu.vector_store %arg6[%parallel_loop3A_1671, %parallel_loop3A_1672, %parallel_loop3A_1673], %parallel_loop3A_1676 {strides = array<i32>} : memref<8x128x64xf32, #tpu.memory_space<vmem>>, vector<1x1x16xf32>,
        %parallel_loop3A_1677 = arith.constant 2 : i32
        %parallel_loop3A_1678 = arith.index_cast %parallel_loop3A_1677 : i32 to index
        %parallel_loop3A_1679 = arith.index_cast %parallel_loop3A_1644 : i32 to index
        %parallel_loop3A_1680 = arith.constant 32 : index
        %parallel_loop3A_1681 = tpu.vector_load %arg6[%parallel_loop3A_1678, %parallel_loop3A_1679, %parallel_loop3A_1680] {strides = array<i32>} : memref<8x128x64xf32, #tpu.memory_space<vmem>>, vector<1x1x16xf32>,
        %parallel_loop3A_1682 = vector.shape_cast %parallel_loop3A_1681 : vector<1x1x16xf32> to vector<16xf32>
        %parallel_loop3A_1683 = arith.constant 8.000000e+00 : f32
        %parallel_loop3A_1684 = vector.broadcast %parallel_loop3A_1683 : f32 to vector<16xf32>
        %parallel_loop3A_1685 = arith.mulf %parallel_loop3A_1682, %parallel_loop3A_1684 : vector<16xf32>
        %parallel_loop3A_1686 = arith.constant 2 : i32
        %parallel_loop3A_1687 = arith.index_cast %parallel_loop3A_1686 : i32 to index
        %parallel_loop3A_1688 = arith.index_cast %parallel_loop3A_1644 : i32 to index
        %parallel_loop3A_1689 = arith.constant 32 : index
        %parallel_loop3A_1690 = tpu.vector_load %arg6[%parallel_loop3A_1687, %parallel_loop3A_1688, %parallel_loop3A_1689] {strides = array<i32>} : memref<8x128x64xf32, #tpu.memory_space<vmem>>, vector<1x1x16xf32>,
        %parallel_loop3A_1691 = vector.shape_cast %parallel_loop3A_1690 : vector<1x1x16xf32> to vector<16xf32>
        %parallel_loop3A_1692 = vector.shape_cast %parallel_loop3A_1685 : vector<16xf32> to vector<1x1x16xf32>
        tpu.vector_store %arg6[%parallel_loop3A_1687, %parallel_loop3A_1688, %parallel_loop3A_1689], %parallel_loop3A_1692 {strides = array<i32>} : memref<8x128x64xf32, #tpu.memory_space<vmem>>, vector<1x1x16xf32>,
        %parallel_loop3A_1693 = arith.constant 2 : i32
        %parallel_loop3A_1694 = arith.index_cast %parallel_loop3A_1693 : i32 to index
        %parallel_loop3A_1695 = arith.index_cast %parallel_loop3A_1644 : i32 to index
        %parallel_loop3A_1696 = arith.constant 48 : index
        %parallel_loop3A_1697 = tpu.vector_load %arg6[%parallel_loop3A_1694, %parallel_loop3A_1695, %parallel_loop3A_1696] {strides = array<i32>} : memref<8x128x64xf32, #tpu.memory_space<vmem>>, vector<1x1x16xf32>,
        %parallel_loop3A_1698 = vector.shape_cast %parallel_loop3A_1697 : vector<1x1x16xf32> to vector<16xf32>
        %parallel_loop3A_1699 = arith.constant 8.000000e+00 : f32
        %parallel_loop3A_1700 = vector.broadcast %parallel_loop3A_1699 : f32 to vector<16xf32>
        %parallel_loop3A_1701 = arith.mulf %parallel_loop3A_1698, %parallel_loop3A_1700 : vector<16xf32>
        %parallel_loop3A_1702 = arith.constant 2 : i32
        %parallel_loop3A_1703 = arith.index_cast %parallel_loop3A_1702 : i32 to index
        %parallel_loop3A_1704 = arith.index_cast %parallel_loop3A_1644 : i32 to index
        %parallel_loop3A_1705 = arith.constant 48 : index
        %parallel_loop3A_1706 = tpu.vector_load %arg6[%parallel_loop3A_1703, %parallel_loop3A_1704, %parallel_loop3A_1705] {strides = array<i32>} : memref<8x128x64xf32, #tpu.memory_space<vmem>>, vector<1x1x16xf32>,
        %parallel_loop3A_1707 = vector.shape_cast %parallel_loop3A_1706 : vector<1x1x16xf32> to vector<16xf32>
        %parallel_loop3A_1708 = vector.shape_cast %parallel_loop3A_1701 : vector<16xf32> to vector<1x1x16xf32>
        tpu.vector_store %arg6[%parallel_loop3A_1703, %parallel_loop3A_1704, %parallel_loop3A_1705], %parallel_loop3A_1708 {strides = array<i32>} : memref<8x128x64xf32, #tpu.memory_space<vmem>>, vector<1x1x16xf32>,
      } {sc.loop_unroll_factor = 4 : i64, sc.parallel_access}
      %dma_start3A_1158 = arith.constant 2 : i32
      %dma_start3A_1159 = arith.constant 0 : i32
      %dma_start3A_1160 = arith.constant 0 : i32
      %dma_start3A_1161 = tpu.memref_slice %arg6[%dma_start3A_1158, %dma_start3A_1159, %dma_start3A_1160] : memref<8x128x64xf32, #tpu.memory_space<vmem>> -> memref<1x128x64xf32, #tpu.memory_space<vmem>>
      %dma_start3A_1162 = tpu.memref_squeeze %dma_start3A_1161 : memref<1x128x64xf32, #tpu.memory_space<vmem>> -> memref<128x64xf32, #tpu.memory_space<vmem>>
      %dma_start3A_1163 = arith.constant 0 : i32
      %dma_start3A_1164 = tpu.memref_slice %arg4[%mul3A_2, %add3A_1141, %dma_start3A_1163] : memref<4096x200x128xf32, #tpu.memory_space<hbm>> -> memref<128x1x64xf32, #tpu.memory_space<hbm>>
      %dma_start3A_1165 = tpu.memref_squeeze %dma_start3A_1164 : memref<128x1x64xf32, #tpu.memory_space<hbm>> -> memref<128x64xf32, #tpu.memory_space<hbm>>
      %dma_start3A_1166 = arith.constant 0 : i32
      %dma_start3A_1167 = tpu.memref_slice %arg4[%mul3A_2, %add3A_1141, %dma_start3A_1166] : memref<4096x200x128xf32, #tpu.memory_space<hbm>> -> memref<128x1x64xf32, #tpu.memory_space<hbm>>
      %dma_start3A_1168 = tpu.memref_squeeze %dma_start3A_1167 : memref<128x1x64xf32, #tpu.memory_space<hbm>> -> memref<128x64xf32, #tpu.memory_space<hbm>>
      %dma_start3A_1169 = arith.constant 0 : i32
      %dma_start3A_1170 = arith.constant 0 : i32
      %dma_start3A_1171 = tpu.memref_slice %arg6[%dma_start3A_1158, %dma_start3A_1169, %dma_start3A_1170] : memref<8x128x64xf32, #tpu.memory_space<vmem>> -> memref<1x128x64xf32, #tpu.memory_space<vmem>>
      %dma_start3A_1172 = tpu.memref_squeeze %dma_start3A_1171 : memref<1x128x64xf32, #tpu.memory_space<vmem>> -> memref<128x64xf32, #tpu.memory_space<vmem>>
      tpu.enqueue_dma source(%dma_start3A_1172 : memref<128x64xf32, #tpu.memory_space<vmem>>) target(%dma_start3A_1168 : memref<128x64xf32, #tpu.memory_space<hbm>>) target_semaphore(%arg8 : memref<!tpu.dma_semaphore, #tpu.memory_space<semaphore_mem>>)
      %dma_wait3A_1173 = arith.constant 0 : i32
      %dma_wait3A_1174 = arith.constant 0 : i32
      %dma_wait3A_1175 = arith.constant 0 : i32
      %dma_wait3A_1176 = arith.constant 0 : i32
      %dma_wait3A_1177 = tpu.memref_slice %arg6[%dma_wait3A_1173, %dma_wait3A_1175, %dma_wait3A_1176] : memref<8x128x64xf32, #tpu.memory_space<vmem>> -> memref<1x128x64xf32, #tpu.memory_space<vmem>>
      %dma_wait3A_1178 = tpu.memref_squeeze %dma_wait3A_1177 : memref<1x128x64xf32, #tpu.memory_space<vmem>> -> memref<128x64xf32, #tpu.memory_space<vmem>>
      %dma_wait3A_1179 = arith.constant 0 : i32
      %dma_wait3A_1180 = tpu.memref_slice %arg4[%mul3A_2, %dma_wait3A_1174, %dma_wait3A_1179] : memref<4096x200x128xf32, #tpu.memory_space<hbm>> -> memref<128x1x64xf32, #tpu.memory_space<hbm>>
      %dma_wait3A_1181 = tpu.memref_squeeze %dma_wait3A_1180 : memref<128x1x64xf32, #tpu.memory_space<hbm>> -> memref<128x64xf32, #tpu.memory_space<hbm>>
      %dma_wait3A_1182 = arith.constant 0 : i32
      %dma_wait3A_1183 = tpu.memref_slice %arg4[%mul3A_2, %dma_wait3A_1174, %dma_wait3A_1182] : memref<4096x200x128xf32, #tpu.memory_space<hbm>> -> memref<128x1x64xf32, #tpu.memory_space<hbm>>
      %dma_wait3A_1184 = tpu.memref_squeeze %dma_wait3A_1183 : memref<128x1x64xf32, #tpu.memory_space<hbm>> -> memref<128x64xf32, #tpu.memory_space<hbm>>
      %dma_wait3A_1185 = arith.constant 0 : i32
      %dma_wait3A_1186 = arith.constant 0 : i32
      %dma_wait3A_1187 = tpu.memref_slice %arg6[%dma_wait3A_1173, %dma_wait3A_1185, %dma_wait3A_1186] : memref<8x128x64xf32, #tpu.memory_space<vmem>> -> memref<1x128x64xf32, #tpu.memory_space<vmem>>
      %dma_wait3A_1188 = tpu.memref_squeeze %dma_wait3A_1187 : memref<1x128x64xf32, #tpu.memory_space<vmem>> -> memref<128x64xf32, #tpu.memory_space<vmem>>
      tpu.wait_dma2 semaphore(%arg8 : memref<!tpu.dma_semaphore, #tpu.memory_space<semaphore_mem>>) src(%dma_wait3A_1188 : memref<128x64xf32, #tpu.memory_space<vmem>>) dst(%dma_wait3A_1184 : memref<128x64xf32, #tpu.memory_space<hbm>>)
      %add3A_1189 = arith.constant 0 : i32
      %add3A_1190 = arith.addi %scan3A_982, %add3A_1189 : i32
      %jit3A_1191 = arith.constant 2 : i32
      %eq3A_1192 = arith.constant 0 : i32
      %eq3A_1193 = arith.cmpi eq, %jit3A_1191, %eq3A_1192 : i32
      %jit3A_1194 = arith.constant 1 : i32
      %select_n3A_1195 = arith.select %eq3A_1193, %jit3A_1194, %jit3A_1191 : i32
      %rem3A_1196 = arith.remsi %add3A_1190, %select_n3A_1195 : i32
      %ne3A_1197 = arith.constant 0 : i32
      %ne3A_1198 = arith.cmpi ne, %rem3A_1196, %ne3A_1197 : i32
      %lt3A_1199 = arith.constant 0 : i32
      %lt3A_1200 = arith.cmpi slt, %rem3A_1196, %lt3A_1199 : i32
      %lt3A_1201 = arith.constant 0 : i32
      %lt3A_1202 = arith.cmpi slt, %select_n3A_1195, %lt3A_1201 : i32
      %ne3A_1203 = arith.xori %lt3A_1200, %lt3A_1202 : i1
      %and3A_1204 = arith.andi %ne3A_1203, %ne3A_1198 : i1
      %add3A_1205 = arith.addi %rem3A_1196, %select_n3A_1195 : i32
      %select_n3A_1206 = arith.select %and3A_1204, %add3A_1205, %rem3A_1196 : i32
      %dma_start3A_1207 = arith.constant 6 : i32
      %dma_start3A_1208 = arith.constant 6 : i32
      %dma_start3A_1209 = arith.constant 0 : i32
      %dma_start3A_1210 = arith.constant 0 : i32
      %dma_start3A_1211 = tpu.memref_slice %arg6[%dma_start3A_1208, %dma_start3A_1209, %dma_start3A_1210] : memref<8x128x64xf32, #tpu.memory_space<vmem>> -> memref<1x128x64xf32, #tpu.memory_space<vmem>>
      %dma_start3A_1212 = tpu.memref_squeeze %dma_start3A_1211 : memref<1x128x64xf32, #tpu.memory_space<vmem>> -> memref<128x64xf32, #tpu.memory_space<vmem>>
      %dma_start3A_1213 = arith.constant 0 : i32
      %dma_start3A_1214 = tpu.memref_slice %arg5[%select_n3A_1206, %dma_start3A_1207, %dma_start3A_1213] : memref<2x8x128xi32, #tpu.memory_space<vmem>> -> memref<1x1x128xi32, #tpu.memory_space<vmem>>
      %dma_start3A_1215 = tpu.memref_squeeze %dma_start3A_1214 : memref<1x1x128xi32, #tpu.memory_space<vmem>> -> memref<128xi32, #tpu.memory_space<vmem>>
      %dma_start3A_1216 = arith.constant 0 : i32
      %dma_start3A_1217 = arith.constant 0 : i32
      %dma_start3A_1218 = tpu.memref_slice %arg3[%dma_start3A_1216, %dma_start3A_1217] : memref<1000000x64xf32, #tpu.memory_space<hbm>> -> memref<1000000x64xf32, #tpu.memory_space<hbm>>
      tpu.enqueue_indirect_dma source(%dma_start3A_1218 : memref<1000000x64xf32, #tpu.memory_space<hbm>>) target(%dma_start3A_1212 : memref<128x64xf32, #tpu.memory_space<vmem>>) offsets(%dma_start3A_1215 : memref<128xi32, #tpu.memory_space<vmem>>) semaphore(%arg7 : memref<!tpu.dma_semaphore, #tpu.memory_space<semaphore_mem>>)
      %mul3A_1219 = arith.constant 8 : i32
      %mul3A_1220 = arith.muli %scan3A_982, %mul3A_1219 : i32
      %add3A_1221 = arith.constant 3 : i32
      %add3A_1222 = arith.addi %mul3A_1220, %add3A_1221 : i32
      %dma_wait3A_1223 = arith.constant 0 : i32
      %dma_wait3A_1224 = arith.constant 0 : i32
      %dma_wait3A_1225 = arith.constant 3 : i32
      %dma_wait3A_1226 = arith.constant 0 : i32
      %dma_wait3A_1227 = arith.constant 0 : i32
      %dma_wait3A_1228 = tpu.memref_slice %arg6[%dma_wait3A_1225, %dma_wait3A_1226, %dma_wait3A_1227] : memref<8x128x64xf32, #tpu.memory_space<vmem>> -> memref<1x128x64xf32, #tpu.memory_space<vmem>>
      %dma_wait3A_1229 = tpu.memref_squeeze %dma_wait3A_1228 : memref<1x128x64xf32, #tpu.memory_space<vmem>> -> memref<128x64xf32, #tpu.memory_space<vmem>>
      %dma_wait3A_1230 = arith.constant 0 : i32
      %dma_wait3A_1231 = tpu.memref_slice %arg5[%dma_wait3A_1223, %dma_wait3A_1224, %dma_wait3A_1230] : memref<2x8x128xi32, #tpu.memory_space<vmem>> -> memref<1x1x128xi32, #tpu.memory_space<vmem>>
      %dma_wait3A_1232 = tpu.memref_squeeze %dma_wait3A_1231 : memref<1x1x128xi32, #tpu.memory_space<vmem>> -> memref<128xi32, #tpu.memory_space<vmem>>
      %dma_wait3A_1233 = arith.constant 0 : i32
      %dma_wait3A_1234 = arith.constant 0 : i32
      %dma_wait3A_1235 = tpu.memref_slice %arg3[%dma_wait3A_1233, %dma_wait3A_1234] : memref<1000000x64xf32, #tpu.memory_space<hbm>> -> memref<1000000x64xf32, #tpu.memory_space<hbm>>
      tpu.wait_indirect_dma semaphore(%arg7 : memref<!tpu.dma_semaphore, #tpu.memory_space<semaphore_mem>>) src(%dma_wait3A_1235 : memref<1000000x64xf32, #tpu.memory_space<hbm>>) dst(%dma_wait3A_1229 : memref<128x64xf32, #tpu.memory_space<vmem>>)
      %parallel_loop3A_1236 = arith.constant 0 : i32
      %parallel_loop3A_1237 = arith.constant 128 : i32
      %parallel_loop3A_1238 = arith.constant 1 : i32
      scf.for %parallel_loop3A_1644 = %parallel_loop3A_1236 to %parallel_loop3A_1237 step %parallel_loop3A_1238  : i32 {
        %parallel_loop3A_1645 = arith.constant 3 : i32
        %parallel_loop3A_1646 = arith.index_cast %parallel_loop3A_1645 : i32 to index
        %parallel_loop3A_1647 = arith.index_cast %parallel_loop3A_1644 : i32 to index
        %parallel_loop3A_1648 = arith.constant 0 : index
        %parallel_loop3A_1649 = tpu.vector_load %arg6[%parallel_loop3A_1646, %parallel_loop3A_1647, %parallel_loop3A_1648] {strides = array<i32>} : memref<8x128x64xf32, #tpu.memory_space<vmem>>, vector<1x1x16xf32>,
        %parallel_loop3A_1650 = vector.shape_cast %parallel_loop3A_1649 : vector<1x1x16xf32> to vector<16xf32>
        %parallel_loop3A_1651 = arith.constant 8.000000e+00 : f32
        %parallel_loop3A_1652 = vector.broadcast %parallel_loop3A_1651 : f32 to vector<16xf32>
        %parallel_loop3A_1653 = arith.mulf %parallel_loop3A_1650, %parallel_loop3A_1652 : vector<16xf32>
        %parallel_loop3A_1654 = arith.constant 3 : i32
        %parallel_loop3A_1655 = arith.index_cast %parallel_loop3A_1654 : i32 to index
        %parallel_loop3A_1656 = arith.index_cast %parallel_loop3A_1644 : i32 to index
        %parallel_loop3A_1657 = arith.constant 0 : index
        %parallel_loop3A_1658 = tpu.vector_load %arg6[%parallel_loop3A_1655, %parallel_loop3A_1656, %parallel_loop3A_1657] {strides = array<i32>} : memref<8x128x64xf32, #tpu.memory_space<vmem>>, vector<1x1x16xf32>,
        %parallel_loop3A_1659 = vector.shape_cast %parallel_loop3A_1658 : vector<1x1x16xf32> to vector<16xf32>
        %parallel_loop3A_1660 = vector.shape_cast %parallel_loop3A_1653 : vector<16xf32> to vector<1x1x16xf32>
        tpu.vector_store %arg6[%parallel_loop3A_1655, %parallel_loop3A_1656, %parallel_loop3A_1657], %parallel_loop3A_1660 {strides = array<i32>} : memref<8x128x64xf32, #tpu.memory_space<vmem>>, vector<1x1x16xf32>,
        %parallel_loop3A_1661 = arith.constant 3 : i32
        %parallel_loop3A_1662 = arith.index_cast %parallel_loop3A_1661 : i32 to index
        %parallel_loop3A_1663 = arith.index_cast %parallel_loop3A_1644 : i32 to index
        %parallel_loop3A_1664 = arith.constant 16 : index
        %parallel_loop3A_1665 = tpu.vector_load %arg6[%parallel_loop3A_1662, %parallel_loop3A_1663, %parallel_loop3A_1664] {strides = array<i32>} : memref<8x128x64xf32, #tpu.memory_space<vmem>>, vector<1x1x16xf32>,
        %parallel_loop3A_1666 = vector.shape_cast %parallel_loop3A_1665 : vector<1x1x16xf32> to vector<16xf32>
        %parallel_loop3A_1667 = arith.constant 8.000000e+00 : f32
        %parallel_loop3A_1668 = vector.broadcast %parallel_loop3A_1667 : f32 to vector<16xf32>
        %parallel_loop3A_1669 = arith.mulf %parallel_loop3A_1666, %parallel_loop3A_1668 : vector<16xf32>
        %parallel_loop3A_1670 = arith.constant 3 : i32
        %parallel_loop3A_1671 = arith.index_cast %parallel_loop3A_1670 : i32 to index
        %parallel_loop3A_1672 = arith.index_cast %parallel_loop3A_1644 : i32 to index
        %parallel_loop3A_1673 = arith.constant 16 : index
        %parallel_loop3A_1674 = tpu.vector_load %arg6[%parallel_loop3A_1671, %parallel_loop3A_1672, %parallel_loop3A_1673] {strides = array<i32>} : memref<8x128x64xf32, #tpu.memory_space<vmem>>, vector<1x1x16xf32>,
        %parallel_loop3A_1675 = vector.shape_cast %parallel_loop3A_1674 : vector<1x1x16xf32> to vector<16xf32>
        %parallel_loop3A_1676 = vector.shape_cast %parallel_loop3A_1669 : vector<16xf32> to vector<1x1x16xf32>
        tpu.vector_store %arg6[%parallel_loop3A_1671, %parallel_loop3A_1672, %parallel_loop3A_1673], %parallel_loop3A_1676 {strides = array<i32>} : memref<8x128x64xf32, #tpu.memory_space<vmem>>, vector<1x1x16xf32>,
        %parallel_loop3A_1677 = arith.constant 3 : i32
        %parallel_loop3A_1678 = arith.index_cast %parallel_loop3A_1677 : i32 to index
        %parallel_loop3A_1679 = arith.index_cast %parallel_loop3A_1644 : i32 to index
        %parallel_loop3A_1680 = arith.constant 32 : index
        %parallel_loop3A_1681 = tpu.vector_load %arg6[%parallel_loop3A_1678, %parallel_loop3A_1679, %parallel_loop3A_1680] {strides = array<i32>} : memref<8x128x64xf32, #tpu.memory_space<vmem>>, vector<1x1x16xf32>,
        %parallel_loop3A_1682 = vector.shape_cast %parallel_loop3A_1681 : vector<1x1x16xf32> to vector<16xf32>
        %parallel_loop3A_1683 = arith.constant 8.000000e+00 : f32
        %parallel_loop3A_1684 = vector.broadcast %parallel_loop3A_1683 : f32 to vector<16xf32>
        %parallel_loop3A_1685 = arith.mulf %parallel_loop3A_1682, %parallel_loop3A_1684 : vector<16xf32>
        %parallel_loop3A_1686 = arith.constant 3 : i32
        %parallel_loop3A_1687 = arith.index_cast %parallel_loop3A_1686 : i32 to index
        %parallel_loop3A_1688 = arith.index_cast %parallel_loop3A_1644 : i32 to index
        %parallel_loop3A_1689 = arith.constant 32 : index
        %parallel_loop3A_1690 = tpu.vector_load %arg6[%parallel_loop3A_1687, %parallel_loop3A_1688, %parallel_loop3A_1689] {strides = array<i32>} : memref<8x128x64xf32, #tpu.memory_space<vmem>>, vector<1x1x16xf32>,
        %parallel_loop3A_1691 = vector.shape_cast %parallel_loop3A_1690 : vector<1x1x16xf32> to vector<16xf32>
        %parallel_loop3A_1692 = vector.shape_cast %parallel_loop3A_1685 : vector<16xf32> to vector<1x1x16xf32>
        tpu.vector_store %arg6[%parallel_loop3A_1687, %parallel_loop3A_1688, %parallel_loop3A_1689], %parallel_loop3A_1692 {strides = array<i32>} : memref<8x128x64xf32, #tpu.memory_space<vmem>>, vector<1x1x16xf32>,
        %parallel_loop3A_1693 = arith.constant 3 : i32
        %parallel_loop3A_1694 = arith.index_cast %parallel_loop3A_1693 : i32 to index
        %parallel_loop3A_1695 = arith.index_cast %parallel_loop3A_1644 : i32 to index
        %parallel_loop3A_1696 = arith.constant 48 : index
        %parallel_loop3A_1697 = tpu.vector_load %arg6[%parallel_loop3A_1694, %parallel_loop3A_1695, %parallel_loop3A_1696] {strides = array<i32>} : memref<8x128x64xf32, #tpu.memory_space<vmem>>, vector<1x1x16xf32>,
        %parallel_loop3A_1698 = vector.shape_cast %parallel_loop3A_1697 : vector<1x1x16xf32> to vector<16xf32>
        %parallel_loop3A_1699 = arith.constant 8.000000e+00 : f32
        %parallel_loop3A_1700 = vector.broadcast %parallel_loop3A_1699 : f32 to vector<16xf32>
        %parallel_loop3A_1701 = arith.mulf %parallel_loop3A_1698, %parallel_loop3A_1700 : vector<16xf32>
        %parallel_loop3A_1702 = arith.constant 3 : i32
        %parallel_loop3A_1703 = arith.index_cast %parallel_loop3A_1702 : i32 to index
        %parallel_loop3A_1704 = arith.index_cast %parallel_loop3A_1644 : i32 to index
        %parallel_loop3A_1705 = arith.constant 48 : index
        %parallel_loop3A_1706 = tpu.vector_load %arg6[%parallel_loop3A_1703, %parallel_loop3A_1704, %parallel_loop3A_1705] {strides = array<i32>} : memref<8x128x64xf32, #tpu.memory_space<vmem>>, vector<1x1x16xf32>,
        %parallel_loop3A_1707 = vector.shape_cast %parallel_loop3A_1706 : vector<1x1x16xf32> to vector<16xf32>
        %parallel_loop3A_1708 = vector.shape_cast %parallel_loop3A_1701 : vector<16xf32> to vector<1x1x16xf32>
        tpu.vector_store %arg6[%parallel_loop3A_1703, %parallel_loop3A_1704, %parallel_loop3A_1705], %parallel_loop3A_1708 {strides = array<i32>} : memref<8x128x64xf32, #tpu.memory_space<vmem>>, vector<1x1x16xf32>,
      } {sc.loop_unroll_factor = 4 : i64, sc.parallel_access}
      %dma_start3A_1239 = arith.constant 3 : i32
      %dma_start3A_1240 = arith.constant 0 : i32
      %dma_start3A_1241 = arith.constant 0 : i32
      %dma_start3A_1242 = tpu.memref_slice %arg6[%dma_start3A_1239, %dma_start3A_1240, %dma_start3A_1241] : memref<8x128x64xf32, #tpu.memory_space<vmem>> -> memref<1x128x64xf32, #tpu.memory_space<vmem>>
      %dma_start3A_1243 = tpu.memref_squeeze %dma_start3A_1242 : memref<1x128x64xf32, #tpu.memory_space<vmem>> -> memref<128x64xf32, #tpu.memory_space<vmem>>
      %dma_start3A_1244 = arith.constant 0 : i32
      %dma_start3A_1245 = tpu.memref_slice %arg4[%mul3A_2, %add3A_1222, %dma_start3A_1244] : memref<4096x200x128xf32, #tpu.memory_space<hbm>> -> memref<128x1x64xf32, #tpu.memory_space<hbm>>
      %dma_start3A_1246 = tpu.memref_squeeze %dma_start3A_1245 : memref<128x1x64xf32, #tpu.memory_space<hbm>> -> memref<128x64xf32, #tpu.memory_space<hbm>>
      %dma_start3A_1247 = arith.constant 0 : i32
      %dma_start3A_1248 = tpu.memref_slice %arg4[%mul3A_2, %add3A_1222, %dma_start3A_1247] : memref<4096x200x128xf32, #tpu.memory_space<hbm>> -> memref<128x1x64xf32, #tpu.memory_space<hbm>>
      %dma_start3A_1249 = tpu.memref_squeeze %dma_start3A_1248 : memref<128x1x64xf32, #tpu.memory_space<hbm>> -> memref<128x64xf32, #tpu.memory_space<hbm>>
      %dma_start3A_1250 = arith.constant 0 : i32
      %dma_start3A_1251 = arith.constant 0 : i32
      %dma_start3A_1252 = tpu.memref_slice %arg6[%dma_start3A_1239, %dma_start3A_1250, %dma_start3A_1251] : memref<8x128x64xf32, #tpu.memory_space<vmem>> -> memref<1x128x64xf32, #tpu.memory_space<vmem>>
      %dma_start3A_1253 = tpu.memref_squeeze %dma_start3A_1252 : memref<1x128x64xf32, #tpu.memory_space<vmem>> -> memref<128x64xf32, #tpu.memory_space<vmem>>
      tpu.enqueue_dma source(%dma_start3A_1253 : memref<128x64xf32, #tpu.memory_space<vmem>>) target(%dma_start3A_1249 : memref<128x64xf32, #tpu.memory_space<hbm>>) target_semaphore(%arg8 : memref<!tpu.dma_semaphore, #tpu.memory_space<semaphore_mem>>)
      %dma_wait3A_1254 = arith.constant 0 : i32
      %dma_wait3A_1255 = arith.constant 0 : i32
      %dma_wait3A_1256 = arith.constant 0 : i32
      %dma_wait3A_1257 = arith.constant 0 : i32
      %dma_wait3A_1258 = tpu.memref_slice %arg6[%dma_wait3A_1254, %dma_wait3A_1256, %dma_wait3A_1257] : memref<8x128x64xf32, #tpu.memory_space<vmem>> -> memref<1x128x64xf32, #tpu.memory_space<vmem>>
      %dma_wait3A_1259 = tpu.memref_squeeze %dma_wait3A_1258 : memref<1x128x64xf32, #tpu.memory_space<vmem>> -> memref<128x64xf32, #tpu.memory_space<vmem>>
      %dma_wait3A_1260 = arith.constant 0 : i32
      %dma_wait3A_1261 = tpu.memref_slice %arg4[%mul3A_2, %dma_wait3A_1255, %dma_wait3A_1260] : memref<4096x200x128xf32, #tpu.memory_space<hbm>> -> memref<128x1x64xf32, #tpu.memory_space<hbm>>
      %dma_wait3A_1262 = tpu.memref_squeeze %dma_wait3A_1261 : memref<128x1x64xf32, #tpu.memory_space<hbm>> -> memref<128x64xf32, #tpu.memory_space<hbm>>
      %dma_wait3A_1263 = arith.constant 0 : i32
      %dma_wait3A_1264 = tpu.memref_slice %arg4[%mul3A_2, %dma_wait3A_1255, %dma_wait3A_1263] : memref<4096x200x128xf32, #tpu.memory_space<hbm>> -> memref<128x1x64xf32, #tpu.memory_space<hbm>>
      %dma_wait3A_1265 = tpu.memref_squeeze %dma_wait3A_1264 : memref<128x1x64xf32, #tpu.memory_space<hbm>> -> memref<128x64xf32, #tpu.memory_space<hbm>>
      %dma_wait3A_1266 = arith.constant 0 : i32
      %dma_wait3A_1267 = arith.constant 0 : i32
      %dma_wait3A_1268 = tpu.memref_slice %arg6[%dma_wait3A_1254, %dma_wait3A_1266, %dma_wait3A_1267] : memref<8x128x64xf32, #tpu.memory_space<vmem>> -> memref<1x128x64xf32, #tpu.memory_space<vmem>>
      %dma_wait3A_1269 = tpu.memref_squeeze %dma_wait3A_1268 : memref<1x128x64xf32, #tpu.memory_space<vmem>> -> memref<128x64xf32, #tpu.memory_space<vmem>>
      tpu.wait_dma2 semaphore(%arg8 : memref<!tpu.dma_semaphore, #tpu.memory_space<semaphore_mem>>) src(%dma_wait3A_1269 : memref<128x64xf32, #tpu.memory_space<vmem>>) dst(%dma_wait3A_1265 : memref<128x64xf32, #tpu.memory_space<hbm>>)
      %add3A_1270 = arith.constant 0 : i32
      %add3A_1271 = arith.addi %scan3A_982, %add3A_1270 : i32
      %jit3A_1272 = arith.constant 2 : i32
      %eq3A_1273 = arith.constant 0 : i32
      %eq3A_1274 = arith.cmpi eq, %jit3A_1272, %eq3A_1273 : i32
      %jit3A_1275 = arith.constant 1 : i32
      %select_n3A_1276 = arith.select %eq3A_1274, %jit3A_1275, %jit3A_1272 : i32
      %rem3A_1277 = arith.remsi %add3A_1271, %select_n3A_1276 : i32
      %ne3A_1278 = arith.constant 0 : i32
      %ne3A_1279 = arith.cmpi ne, %rem3A_1277, %ne3A_1278 : i32
      %lt3A_1280 = arith.constant 0 : i32
      %lt3A_1281 = arith.cmpi slt, %rem3A_1277, %lt3A_1280 : i32
      %lt3A_1282 = arith.constant 0 : i32
      %lt3A_1283 = arith.cmpi slt, %select_n3A_1276, %lt3A_1282 : i32
      %ne3A_1284 = arith.xori %lt3A_1281, %lt3A_1283 : i1
      %and3A_1285 = arith.andi %ne3A_1284, %ne3A_1279 : i1
      %add3A_1286 = arith.addi %rem3A_1277, %select_n3A_1276 : i32
      %select_n3A_1287 = arith.select %and3A_1285, %add3A_1286, %rem3A_1277 : i32
      %dma_start3A_1288 = arith.constant 7 : i32
      %dma_start3A_1289 = arith.constant 7 : i32
      %dma_start3A_1290 = arith.constant 0 : i32
      %dma_start3A_1291 = arith.constant 0 : i32
      %dma_start3A_1292 = tpu.memref_slice %arg6[%dma_start3A_1289, %dma_start3A_1290, %dma_start3A_1291] : memref<8x128x64xf32, #tpu.memory_space<vmem>> -> memref<1x128x64xf32, #tpu.memory_space<vmem>>
      %dma_start3A_1293 = tpu.memref_squeeze %dma_start3A_1292 : memref<1x128x64xf32, #tpu.memory_space<vmem>> -> memref<128x64xf32, #tpu.memory_space<vmem>>
      %dma_start3A_1294 = arith.constant 0 : i32
      %dma_start3A_1295 = tpu.memref_slice %arg5[%select_n3A_1287, %dma_start3A_1288, %dma_start3A_1294] : memref<2x8x128xi32, #tpu.memory_space<vmem>> -> memref<1x1x128xi32, #tpu.memory_space<vmem>>
      %dma_start3A_1296 = tpu.memref_squeeze %dma_start3A_1295 : memref<1x1x128xi32, #tpu.memory_space<vmem>> -> memref<128xi32, #tpu.memory_space<vmem>>
      %dma_start3A_1297 = arith.constant 0 : i32
      %dma_start3A_1298 = arith.constant 0 : i32
      %dma_start3A_1299 = tpu.memref_slice %arg3[%dma_start3A_1297, %dma_start3A_1298] : memref<1000000x64xf32, #tpu.memory_space<hbm>> -> memref<1000000x64xf32, #tpu.memory_space<hbm>>
      tpu.enqueue_indirect_dma source(%dma_start3A_1299 : memref<1000000x64xf32, #tpu.memory_space<hbm>>) target(%dma_start3A_1293 : memref<128x64xf32, #tpu.memory_space<vmem>>) offsets(%dma_start3A_1296 : memref<128xi32, #tpu.memory_space<vmem>>) semaphore(%arg7 : memref<!tpu.dma_semaphore, #tpu.memory_space<semaphore_mem>>)
      %mul3A_1300 = arith.constant 8 : i32
      %mul3A_1301 = arith.muli %scan3A_982, %mul3A_1300 : i32
      %add3A_1302 = arith.constant 4 : i32
      %add3A_1303 = arith.addi %mul3A_1301, %add3A_1302 : i32
      %add3A_1304 = arith.constant 1 : i32
      %add3A_1305 = arith.addi %scan3A_982, %add3A_1304 : i32
      %mul3A_1306 = arith.constant 8 : i32
      %mul3A_1307 = arith.muli %add3A_1305, %mul3A_1306 : i32
      %jit3A_1308 = arith.constant 2 : i32
      %eq3A_1309 = arith.constant 0 : i32
      %eq3A_1310 = arith.cmpi eq, %jit3A_1308, %eq3A_1309 : i32
      %jit3A_1311 = arith.constant 1 : i32
      %select_n3A_1312 = arith.select %eq3A_1310, %jit3A_1311, %jit3A_1308 : i32
      %rem3A_1313 = arith.remsi %add3A_1305, %select_n3A_1312 : i32
      %ne3A_1314 = arith.constant 0 : i32
      %ne3A_1315 = arith.cmpi ne, %rem3A_1313, %ne3A_1314 : i32
      %lt3A_1316 = arith.constant 0 : i32
      %lt3A_1317 = arith.cmpi slt, %rem3A_1313, %lt3A_1316 : i32
      %lt3A_1318 = arith.constant 0 : i32
      %lt3A_1319 = arith.cmpi slt, %select_n3A_1312, %lt3A_1318 : i32
      %ne3A_1320 = arith.xori %lt3A_1317, %lt3A_1319 : i1
      %and3A_1321 = arith.andi %ne3A_1320, %ne3A_1315 : i1
      %add3A_1322 = arith.addi %rem3A_1313, %select_n3A_1312 : i32
      %select_n3A_1323 = arith.select %and3A_1321, %add3A_1322, %rem3A_1313 : i32
      "tpu.region"() ({
        %run_scoped3A_1644 = tpu.sem_alloc : memref<!tpu.dma_semaphore, #tpu.memory_space<semaphore_mem>>
        %dma_start3A_1645 = arith.constant 0 : i32
        %dma_start3A_1646 = arith.constant 0 : i32
        %dma_start3A_1647 = tpu.memref_slice %arg5[%select_n3A_1323, %dma_start3A_1645, %dma_start3A_1646] : memref<2x8x128xi32, #tpu.memory_space<vmem>> -> memref<1x8x128xi32, #tpu.memory_space<vmem>>
        %dma_start3A_1648 = tpu.memref_squeeze %dma_start3A_1647 : memref<1x8x128xi32, #tpu.memory_space<vmem>> -> memref<8x128xi32, #tpu.memory_space<vmem>>
        %dma_start3A_1649 = tpu.memref_slice %arg2[%mul3A_1307, %mul3A_2] : memref<200x4096xi32, #tpu.memory_space<hbm>> -> memref<8x128xi32, #tpu.memory_space<hbm>>
        %dma_start3A_1650 = arith.constant 0 : i32
        %dma_start3A_1651 = arith.constant 0 : i32
        %dma_start3A_1652 = tpu.memref_slice %arg5[%select_n3A_1323, %dma_start3A_1650, %dma_start3A_1651] : memref<2x8x128xi32, #tpu.memory_space<vmem>> -> memref<1x8x128xi32, #tpu.memory_space<vmem>>
        %dma_start3A_1653 = tpu.memref_squeeze %dma_start3A_1652 : memref<1x8x128xi32, #tpu.memory_space<vmem>> -> memref<8x128xi32, #tpu.memory_space<vmem>>
        %dma_start3A_1654 = tpu.memref_slice %arg2[%mul3A_1307, %mul3A_2] : memref<200x4096xi32, #tpu.memory_space<hbm>> -> memref<8x128xi32, #tpu.memory_space<hbm>>
        tpu.enqueue_dma source(%dma_start3A_1654 : memref<8x128xi32, #tpu.memory_space<hbm>>) target(%dma_start3A_1653 : memref<8x128xi32, #tpu.memory_space<vmem>>) target_semaphore(%run_scoped3A_1644 : memref<!tpu.dma_semaphore, #tpu.memory_space<semaphore_mem>>)
        %dma_wait3A_1655 = arith.constant 0 : i32
        %dma_wait3A_1656 = arith.constant 0 : i32
        %dma_wait3A_1657 = tpu.memref_slice %arg5[%select_n3A_1323, %dma_wait3A_1655, %dma_wait3A_1656] : memref<2x8x128xi32, #tpu.memory_space<vmem>> -> memref<1x8x128xi32, #tpu.memory_space<vmem>>
        %dma_wait3A_1658 = tpu.memref_squeeze %dma_wait3A_1657 : memref<1x8x128xi32, #tpu.memory_space<vmem>> -> memref<8x128xi32, #tpu.memory_space<vmem>>
        %dma_wait3A_1659 = tpu.memref_slice %arg2[%mul3A_1307, %mul3A_2] : memref<200x4096xi32, #tpu.memory_space<hbm>> -> memref<8x128xi32, #tpu.memory_space<hbm>>
        %dma_wait3A_1660 = arith.constant 0 : i32
        %dma_wait3A_1661 = arith.constant 0 : i32
        %dma_wait3A_1662 = tpu.memref_slice %arg5[%select_n3A_1323, %dma_wait3A_1660, %dma_wait3A_1661] : memref<2x8x128xi32, #tpu.memory_space<vmem>> -> memref<1x8x128xi32, #tpu.memory_space<vmem>>
        %dma_wait3A_1663 = tpu.memref_squeeze %dma_wait3A_1662 : memref<1x8x128xi32, #tpu.memory_space<vmem>> -> memref<8x128xi32, #tpu.memory_space<vmem>>
        %dma_wait3A_1664 = tpu.memref_slice %arg2[%mul3A_1307, %mul3A_2] : memref<200x4096xi32, #tpu.memory_space<hbm>> -> memref<8x128xi32, #tpu.memory_space<hbm>>
        tpu.wait_dma2 semaphore(%run_scoped3A_1644 : memref<!tpu.dma_semaphore, #tpu.memory_space<semaphore_mem>>) src(%dma_wait3A_1664 : memref<8x128xi32, #tpu.memory_space<hbm>>) dst(%dma_wait3A_1663 : memref<8x128xi32, #tpu.memory_space<vmem>>)
        tpu.yield
      }) : () -> ()
      %dma_wait3A_1324 = arith.constant 0 : i32
      %dma_wait3A_1325 = arith.constant 0 : i32
      %dma_wait3A_1326 = arith.constant 4 : i32
      %dma_wait3A_1327 = arith.constant 0 : i32
      %dma_wait3A_1328 = arith.constant 0 : i32
      %dma_wait3A_1329 = tpu.memref_slice %arg6[%dma_wait3A_1326, %dma_wait3A_1327, %dma_wait3A_1328] : memref<8x128x64xf32, #tpu.memory_space<vmem>> -> memref<1x128x64xf32, #tpu.memory_space<vmem>>
      %dma_wait3A_1330 = tpu.memref_squeeze %dma_wait3A_1329 : memref<1x128x64xf32, #tpu.memory_space<vmem>> -> memref<128x64xf32, #tpu.memory_space<vmem>>
      %dma_wait3A_1331 = arith.constant 0 : i32
      %dma_wait3A_1332 = tpu.memref_slice %arg5[%dma_wait3A_1324, %dma_wait3A_1325, %dma_wait3A_1331] : memref<2x8x128xi32, #tpu.memory_space<vmem>> -> memref<1x1x128xi32, #tpu.memory_space<vmem>>
      %dma_wait3A_1333 = tpu.memref_squeeze %dma_wait3A_1332 : memref<1x1x128xi32, #tpu.memory_space<vmem>> -> memref<128xi32, #tpu.memory_space<vmem>>
      %dma_wait3A_1334 = arith.constant 0 : i32
      %dma_wait3A_1335 = arith.constant 0 : i32
      %dma_wait3A_1336 = tpu.memref_slice %arg3[%dma_wait3A_1334, %dma_wait3A_1335] : memref<1000000x64xf32, #tpu.memory_space<hbm>> -> memref<1000000x64xf32, #tpu.memory_space<hbm>>
      tpu.wait_indirect_dma semaphore(%arg7 : memref<!tpu.dma_semaphore, #tpu.memory_space<semaphore_mem>>) src(%dma_wait3A_1336 : memref<1000000x64xf32, #tpu.memory_space<hbm>>) dst(%dma_wait3A_1330 : memref<128x64xf32, #tpu.memory_space<vmem>>)
      %parallel_loop3A_1337 = arith.constant 0 : i32
      %parallel_loop3A_1338 = arith.constant 128 : i32
      %parallel_loop3A_1339 = arith.constant 1 : i32
      scf.for %parallel_loop3A_1644 = %parallel_loop3A_1337 to %parallel_loop3A_1338 step %parallel_loop3A_1339  : i32 {
        %parallel_loop3A_1645 = arith.constant 4 : i32
        %parallel_loop3A_1646 = arith.index_cast %parallel_loop3A_1645 : i32 to index
        %parallel_loop3A_1647 = arith.index_cast %parallel_loop3A_1644 : i32 to index
        %parallel_loop3A_1648 = arith.constant 0 : index
        %parallel_loop3A_1649 = tpu.vector_load %arg6[%parallel_loop3A_1646, %parallel_loop3A_1647, %parallel_loop3A_1648] {strides = array<i32>} : memref<8x128x64xf32, #tpu.memory_space<vmem>>, vector<1x1x16xf32>,
        %parallel_loop3A_1650 = vector.shape_cast %parallel_loop3A_1649 : vector<1x1x16xf32> to vector<16xf32>
        %parallel_loop3A_1651 = arith.constant 8.000000e+00 : f32
        %parallel_loop3A_1652 = vector.broadcast %parallel_loop3A_1651 : f32 to vector<16xf32>
        %parallel_loop3A_1653 = arith.mulf %parallel_loop3A_1650, %parallel_loop3A_1652 : vector<16xf32>
        %parallel_loop3A_1654 = arith.constant 4 : i32
        %parallel_loop3A_1655 = arith.index_cast %parallel_loop3A_1654 : i32 to index
        %parallel_loop3A_1656 = arith.index_cast %parallel_loop3A_1644 : i32 to index
        %parallel_loop3A_1657 = arith.constant 0 : index
        %parallel_loop3A_1658 = tpu.vector_load %arg6[%parallel_loop3A_1655, %parallel_loop3A_1656, %parallel_loop3A_1657] {strides = array<i32>} : memref<8x128x64xf32, #tpu.memory_space<vmem>>, vector<1x1x16xf32>,
        %parallel_loop3A_1659 = vector.shape_cast %parallel_loop3A_1658 : vector<1x1x16xf32> to vector<16xf32>
        %parallel_loop3A_1660 = vector.shape_cast %parallel_loop3A_1653 : vector<16xf32> to vector<1x1x16xf32>
        tpu.vector_store %arg6[%parallel_loop3A_1655, %parallel_loop3A_1656, %parallel_loop3A_1657], %parallel_loop3A_1660 {strides = array<i32>} : memref<8x128x64xf32, #tpu.memory_space<vmem>>, vector<1x1x16xf32>,
        %parallel_loop3A_1661 = arith.constant 4 : i32
        %parallel_loop3A_1662 = arith.index_cast %parallel_loop3A_1661 : i32 to index
        %parallel_loop3A_1663 = arith.index_cast %parallel_loop3A_1644 : i32 to index
        %parallel_loop3A_1664 = arith.constant 16 : index
        %parallel_loop3A_1665 = tpu.vector_load %arg6[%parallel_loop3A_1662, %parallel_loop3A_1663, %parallel_loop3A_1664] {strides = array<i32>} : memref<8x128x64xf32, #tpu.memory_space<vmem>>, vector<1x1x16xf32>,
        %parallel_loop3A_1666 = vector.shape_cast %parallel_loop3A_1665 : vector<1x1x16xf32> to vector<16xf32>
        %parallel_loop3A_1667 = arith.constant 8.000000e+00 : f32
        %parallel_loop3A_1668 = vector.broadcast %parallel_loop3A_1667 : f32 to vector<16xf32>
        %parallel_loop3A_1669 = arith.mulf %parallel_loop3A_1666, %parallel_loop3A_1668 : vector<16xf32>
        %parallel_loop3A_1670 = arith.constant 4 : i32
        %parallel_loop3A_1671 = arith.index_cast %parallel_loop3A_1670 : i32 to index
        %parallel_loop3A_1672 = arith.index_cast %parallel_loop3A_1644 : i32 to index
        %parallel_loop3A_1673 = arith.constant 16 : index
        %parallel_loop3A_1674 = tpu.vector_load %arg6[%parallel_loop3A_1671, %parallel_loop3A_1672, %parallel_loop3A_1673] {strides = array<i32>} : memref<8x128x64xf32, #tpu.memory_space<vmem>>, vector<1x1x16xf32>,
        %parallel_loop3A_1675 = vector.shape_cast %parallel_loop3A_1674 : vector<1x1x16xf32> to vector<16xf32>
        %parallel_loop3A_1676 = vector.shape_cast %parallel_loop3A_1669 : vector<16xf32> to vector<1x1x16xf32>
        tpu.vector_store %arg6[%parallel_loop3A_1671, %parallel_loop3A_1672, %parallel_loop3A_1673], %parallel_loop3A_1676 {strides = array<i32>} : memref<8x128x64xf32, #tpu.memory_space<vmem>>, vector<1x1x16xf32>,
        %parallel_loop3A_1677 = arith.constant 4 : i32
        %parallel_loop3A_1678 = arith.index_cast %parallel_loop3A_1677 : i32 to index
        %parallel_loop3A_1679 = arith.index_cast %parallel_loop3A_1644 : i32 to index
        %parallel_loop3A_1680 = arith.constant 32 : index
        %parallel_loop3A_1681 = tpu.vector_load %arg6[%parallel_loop3A_1678, %parallel_loop3A_1679, %parallel_loop3A_1680] {strides = array<i32>} : memref<8x128x64xf32, #tpu.memory_space<vmem>>, vector<1x1x16xf32>,
        %parallel_loop3A_1682 = vector.shape_cast %parallel_loop3A_1681 : vector<1x1x16xf32> to vector<16xf32>
        %parallel_loop3A_1683 = arith.constant 8.000000e+00 : f32
        %parallel_loop3A_1684 = vector.broadcast %parallel_loop3A_1683 : f32 to vector<16xf32>
        %parallel_loop3A_1685 = arith.mulf %parallel_loop3A_1682, %parallel_loop3A_1684 : vector<16xf32>
        %parallel_loop3A_1686 = arith.constant 4 : i32
        %parallel_loop3A_1687 = arith.index_cast %parallel_loop3A_1686 : i32 to index
        %parallel_loop3A_1688 = arith.index_cast %parallel_loop3A_1644 : i32 to index
        %parallel_loop3A_1689 = arith.constant 32 : index
        %parallel_loop3A_1690 = tpu.vector_load %arg6[%parallel_loop3A_1687, %parallel_loop3A_1688, %parallel_loop3A_1689] {strides = array<i32>} : memref<8x128x64xf32, #tpu.memory_space<vmem>>, vector<1x1x16xf32>,
        %parallel_loop3A_1691 = vector.shape_cast %parallel_loop3A_1690 : vector<1x1x16xf32> to vector<16xf32>
        %parallel_loop3A_1692 = vector.shape_cast %parallel_loop3A_1685 : vector<16xf32> to vector<1x1x16xf32>
        tpu.vector_store %arg6[%parallel_loop3A_1687, %parallel_loop3A_1688, %parallel_loop3A_1689], %parallel_loop3A_1692 {strides = array<i32>} : memref<8x128x64xf32, #tpu.memory_space<vmem>>, vector<1x1x16xf32>,
        %parallel_loop3A_1693 = arith.constant 4 : i32
        %parallel_loop3A_1694 = arith.index_cast %parallel_loop3A_1693 : i32 to index
        %parallel_loop3A_1695 = arith.index_cast %parallel_loop3A_1644 : i32 to index
        %parallel_loop3A_1696 = arith.constant 48 : index
        %parallel_loop3A_1697 = tpu.vector_load %arg6[%parallel_loop3A_1694, %parallel_loop3A_1695, %parallel_loop3A_1696] {strides = array<i32>} : memref<8x128x64xf32, #tpu.memory_space<vmem>>, vector<1x1x16xf32>,
        %parallel_loop3A_1698 = vector.shape_cast %parallel_loop3A_1697 : vector<1x1x16xf32> to vector<16xf32>
        %parallel_loop3A_1699 = arith.constant 8.000000e+00 : f32
        %parallel_loop3A_1700 = vector.broadcast %parallel_loop3A_1699 : f32 to vector<16xf32>
        %parallel_loop3A_1701 = arith.mulf %parallel_loop3A_1698, %parallel_loop3A_1700 : vector<16xf32>
        %parallel_loop3A_1702 = arith.constant 4 : i32
        %parallel_loop3A_1703 = arith.index_cast %parallel_loop3A_1702 : i32 to index
        %parallel_loop3A_1704 = arith.index_cast %parallel_loop3A_1644 : i32 to index
        %parallel_loop3A_1705 = arith.constant 48 : index
        %parallel_loop3A_1706 = tpu.vector_load %arg6[%parallel_loop3A_1703, %parallel_loop3A_1704, %parallel_loop3A_1705] {strides = array<i32>} : memref<8x128x64xf32, #tpu.memory_space<vmem>>, vector<1x1x16xf32>,
        %parallel_loop3A_1707 = vector.shape_cast %parallel_loop3A_1706 : vector<1x1x16xf32> to vector<16xf32>
        %parallel_loop3A_1708 = vector.shape_cast %parallel_loop3A_1701 : vector<16xf32> to vector<1x1x16xf32>
        tpu.vector_store %arg6[%parallel_loop3A_1703, %parallel_loop3A_1704, %parallel_loop3A_1705], %parallel_loop3A_1708 {strides = array<i32>} : memref<8x128x64xf32, #tpu.memory_space<vmem>>, vector<1x1x16xf32>,
      } {sc.loop_unroll_factor = 4 : i64, sc.parallel_access}
      %dma_start3A_1340 = arith.constant 4 : i32
      %dma_start3A_1341 = arith.constant 0 : i32
      %dma_start3A_1342 = arith.constant 0 : i32
      %dma_start3A_1343 = tpu.memref_slice %arg6[%dma_start3A_1340, %dma_start3A_1341, %dma_start3A_1342] : memref<8x128x64xf32, #tpu.memory_space<vmem>> -> memref<1x128x64xf32, #tpu.memory_space<vmem>>
      %dma_start3A_1344 = tpu.memref_squeeze %dma_start3A_1343 : memref<1x128x64xf32, #tpu.memory_space<vmem>> -> memref<128x64xf32, #tpu.memory_space<vmem>>
      %dma_start3A_1345 = arith.constant 0 : i32
      %dma_start3A_1346 = tpu.memref_slice %arg4[%mul3A_2, %add3A_1303, %dma_start3A_1345] : memref<4096x200x128xf32, #tpu.memory_space<hbm>> -> memref<128x1x64xf32, #tpu.memory_space<hbm>>
      %dma_start3A_1347 = tpu.memref_squeeze %dma_start3A_1346 : memref<128x1x64xf32, #tpu.memory_space<hbm>> -> memref<128x64xf32, #tpu.memory_space<hbm>>
      %dma_start3A_1348 = arith.constant 0 : i32
      %dma_start3A_1349 = tpu.memref_slice %arg4[%mul3A_2, %add3A_1303, %dma_start3A_1348] : memref<4096x200x128xf32, #tpu.memory_space<hbm>> -> memref<128x1x64xf32, #tpu.memory_space<hbm>>
      %dma_start3A_1350 = tpu.memref_squeeze %dma_start3A_1349 : memref<128x1x64xf32, #tpu.memory_space<hbm>> -> memref<128x64xf32, #tpu.memory_space<hbm>>
      %dma_start3A_1351 = arith.constant 0 : i32
      %dma_start3A_1352 = arith.constant 0 : i32
      %dma_start3A_1353 = tpu.memref_slice %arg6[%dma_start3A_1340, %dma_start3A_1351, %dma_start3A_1352] : memref<8x128x64xf32, #tpu.memory_space<vmem>> -> memref<1x128x64xf32, #tpu.memory_space<vmem>>
      %dma_start3A_1354 = tpu.memref_squeeze %dma_start3A_1353 : memref<1x128x64xf32, #tpu.memory_space<vmem>> -> memref<128x64xf32, #tpu.memory_space<vmem>>
      tpu.enqueue_dma source(%dma_start3A_1354 : memref<128x64xf32, #tpu.memory_space<vmem>>) target(%dma_start3A_1350 : memref<128x64xf32, #tpu.memory_space<hbm>>) target_semaphore(%arg8 : memref<!tpu.dma_semaphore, #tpu.memory_space<semaphore_mem>>)
      %dma_wait3A_1355 = arith.constant 0 : i32
      %dma_wait3A_1356 = arith.constant 0 : i32
      %dma_wait3A_1357 = arith.constant 0 : i32
      %dma_wait3A_1358 = arith.constant 0 : i32
      %dma_wait3A_1359 = tpu.memref_slice %arg6[%dma_wait3A_1355, %dma_wait3A_1357, %dma_wait3A_1358] : memref<8x128x64xf32, #tpu.memory_space<vmem>> -> memref<1x128x64xf32, #tpu.memory_space<vmem>>
      %dma_wait3A_1360 = tpu.memref_squeeze %dma_wait3A_1359 : memref<1x128x64xf32, #tpu.memory_space<vmem>> -> memref<128x64xf32, #tpu.memory_space<vmem>>
      %dma_wait3A_1361 = arith.constant 0 : i32
      %dma_wait3A_1362 = tpu.memref_slice %arg4[%mul3A_2, %dma_wait3A_1356, %dma_wait3A_1361] : memref<4096x200x128xf32, #tpu.memory_space<hbm>> -> memref<128x1x64xf32, #tpu.memory_space<hbm>>
      %dma_wait3A_1363 = tpu.memref_squeeze %dma_wait3A_1362 : memref<128x1x64xf32, #tpu.memory_space<hbm>> -> memref<128x64xf32, #tpu.memory_space<hbm>>
      %dma_wait3A_1364 = arith.constant 0 : i32
      %dma_wait3A_1365 = tpu.memref_slice %arg4[%mul3A_2, %dma_wait3A_1356, %dma_wait3A_1364] : memref<4096x200x128xf32, #tpu.memory_space<hbm>> -> memref<128x1x64xf32, #tpu.memory_space<hbm>>
      %dma_wait3A_1366 = tpu.memref_squeeze %dma_wait3A_1365 : memref<128x1x64xf32, #tpu.memory_space<hbm>> -> memref<128x64xf32, #tpu.memory_space<hbm>>
      %dma_wait3A_1367 = arith.constant 0 : i32
      %dma_wait3A_1368 = arith.constant 0 : i32
      %dma_wait3A_1369 = tpu.memref_slice %arg6[%dma_wait3A_1355, %dma_wait3A_1367, %dma_wait3A_1368] : memref<8x128x64xf32, #tpu.memory_space<vmem>> -> memref<1x128x64xf32, #tpu.memory_space<vmem>>
      %dma_wait3A_1370 = tpu.memref_squeeze %dma_wait3A_1369 : memref<1x128x64xf32, #tpu.memory_space<vmem>> -> memref<128x64xf32, #tpu.memory_space<vmem>>
      tpu.wait_dma2 semaphore(%arg8 : memref<!tpu.dma_semaphore, #tpu.memory_space<semaphore_mem>>) src(%dma_wait3A_1370 : memref<128x64xf32, #tpu.memory_space<vmem>>) dst(%dma_wait3A_1366 : memref<128x64xf32, #tpu.memory_space<hbm>>)
      %add3A_1371 = arith.constant 1 : i32
      %add3A_1372 = arith.addi %scan3A_982, %add3A_1371 : i32
      %jit3A_1373 = arith.constant 2 : i32
      %eq3A_1374 = arith.constant 0 : i32
      %eq3A_1375 = arith.cmpi eq, %jit3A_1373, %eq3A_1374 : i32
      %jit3A_1376 = arith.constant 1 : i32
      %select_n3A_1377 = arith.select %eq3A_1375, %jit3A_1376, %jit3A_1373 : i32
      %rem3A_1378 = arith.remsi %add3A_1372, %select_n3A_1377 : i32
      %ne3A_1379 = arith.constant 0 : i32
      %ne3A_1380 = arith.cmpi ne, %rem3A_1378, %ne3A_1379 : i32
      %lt3A_1381 = arith.constant 0 : i32
      %lt3A_1382 = arith.cmpi slt, %rem3A_1378, %lt3A_1381 : i32
      %lt3A_1383 = arith.constant 0 : i32
      %lt3A_1384 = arith.cmpi slt, %select_n3A_1377, %lt3A_1383 : i32
      %ne3A_1385 = arith.xori %lt3A_1382, %lt3A_1384 : i1
      %and3A_1386 = arith.andi %ne3A_1385, %ne3A_1380 : i1
      %add3A_1387 = arith.addi %rem3A_1378, %select_n3A_1377 : i32
      %select_n3A_1388 = arith.select %and3A_1386, %add3A_1387, %rem3A_1378 : i32
      %dma_start3A_1389 = arith.constant 0 : i32
      %dma_start3A_1390 = arith.constant 0 : i32
      %dma_start3A_1391 = arith.constant 0 : i32
      %dma_start3A_1392 = arith.constant 0 : i32
      %dma_start3A_1393 = tpu.memref_slice %arg6[%dma_start3A_1390, %dma_start3A_1391, %dma_start3A_1392] : memref<8x128x64xf32, #tpu.memory_space<vmem>> -> memref<1x128x64xf32, #tpu.memory_space<vmem>>
      %dma_start3A_1394 = tpu.memref_squeeze %dma_start3A_1393 : memref<1x128x64xf32, #tpu.memory_space<vmem>> -> memref<128x64xf32, #tpu.memory_space<vmem>>
      %dma_start3A_1395 = arith.constant 0 : i32
      %dma_start3A_1396 = tpu.memref_slice %arg5[%select_n3A_1388, %dma_start3A_1389, %dma_start3A_1395] : memref<2x8x128xi32, #tpu.memory_space<vmem>> -> memref<1x1x128xi32, #tpu.memory_space<vmem>>
      %dma_start3A_1397 = tpu.memref_squeeze %dma_start3A_1396 : memref<1x1x128xi32, #tpu.memory_space<vmem>> -> memref<128xi32, #tpu.memory_space<vmem>>
      %dma_start3A_1398 = arith.constant 0 : i32
      %dma_start3A_1399 = arith.constant 0 : i32
      %dma_start3A_1400 = tpu.memref_slice %arg3[%dma_start3A_1398, %dma_start3A_1399] : memref<1000000x64xf32, #tpu.memory_space<hbm>> -> memref<1000000x64xf32, #tpu.memory_space<hbm>>
      tpu.enqueue_indirect_dma source(%dma_start3A_1400 : memref<1000000x64xf32, #tpu.memory_space<hbm>>) target(%dma_start3A_1394 : memref<128x64xf32, #tpu.memory_space<vmem>>) offsets(%dma_start3A_1397 : memref<128xi32, #tpu.memory_space<vmem>>) semaphore(%arg7 : memref<!tpu.dma_semaphore, #tpu.memory_space<semaphore_mem>>)
      %mul3A_1401 = arith.constant 8 : i32
      %mul3A_1402 = arith.muli %scan3A_982, %mul3A_1401 : i32
      %add3A_1403 = arith.constant 5 : i32
      %add3A_1404 = arith.addi %mul3A_1402, %add3A_1403 : i32
      %dma_wait3A_1405 = arith.constant 0 : i32
      %dma_wait3A_1406 = arith.constant 0 : i32
      %dma_wait3A_1407 = arith.constant 5 : i32
      %dma_wait3A_1408 = arith.constant 0 : i32
      %dma_wait3A_1409 = arith.constant 0 : i32
      %dma_wait3A_1410 = tpu.memref_slice %arg6[%dma_wait3A_1407, %dma_wait3A_1408, %dma_wait3A_1409] : memref<8x128x64xf32, #tpu.memory_space<vmem>> -> memref<1x128x64xf32, #tpu.memory_space<vmem>>
      %dma_wait3A_1411 = tpu.memref_squeeze %dma_wait3A_1410 : memref<1x128x64xf32, #tpu.memory_space<vmem>> -> memref<128x64xf32, #tpu.memory_space<vmem>>
      %dma_wait3A_1412 = arith.constant 0 : i32
      %dma_wait3A_1413 = tpu.memref_slice %arg5[%dma_wait3A_1405, %dma_wait3A_1406, %dma_wait3A_1412] : memref<2x8x128xi32, #tpu.memory_space<vmem>> -> memref<1x1x128xi32, #tpu.memory_space<vmem>>
      %dma_wait3A_1414 = tpu.memref_squeeze %dma_wait3A_1413 : memref<1x1x128xi32, #tpu.memory_space<vmem>> -> memref<128xi32, #tpu.memory_space<vmem>>
      %dma_wait3A_1415 = arith.constant 0 : i32
      %dma_wait3A_1416 = arith.constant 0 : i32
      %dma_wait3A_1417 = tpu.memref_slice %arg3[%dma_wait3A_1415, %dma_wait3A_1416] : memref<1000000x64xf32, #tpu.memory_space<hbm>> -> memref<1000000x64xf32, #tpu.memory_space<hbm>>
      tpu.wait_indirect_dma semaphore(%arg7 : memref<!tpu.dma_semaphore, #tpu.memory_space<semaphore_mem>>) src(%dma_wait3A_1417 : memref<1000000x64xf32, #tpu.memory_space<hbm>>) dst(%dma_wait3A_1411 : memref<128x64xf32, #tpu.memory_space<vmem>>)
      %parallel_loop3A_1418 = arith.constant 0 : i32
      %parallel_loop3A_1419 = arith.constant 128 : i32
      %parallel_loop3A_1420 = arith.constant 1 : i32
      scf.for %parallel_loop3A_1644 = %parallel_loop3A_1418 to %parallel_loop3A_1419 step %parallel_loop3A_1420  : i32 {
        %parallel_loop3A_1645 = arith.constant 5 : i32
        %parallel_loop3A_1646 = arith.index_cast %parallel_loop3A_1645 : i32 to index
        %parallel_loop3A_1647 = arith.index_cast %parallel_loop3A_1644 : i32 to index
        %parallel_loop3A_1648 = arith.constant 0 : index
        %parallel_loop3A_1649 = tpu.vector_load %arg6[%parallel_loop3A_1646, %parallel_loop3A_1647, %parallel_loop3A_1648] {strides = array<i32>} : memref<8x128x64xf32, #tpu.memory_space<vmem>>, vector<1x1x16xf32>,
        %parallel_loop3A_1650 = vector.shape_cast %parallel_loop3A_1649 : vector<1x1x16xf32> to vector<16xf32>
        %parallel_loop3A_1651 = arith.constant 8.000000e+00 : f32
        %parallel_loop3A_1652 = vector.broadcast %parallel_loop3A_1651 : f32 to vector<16xf32>
        %parallel_loop3A_1653 = arith.mulf %parallel_loop3A_1650, %parallel_loop3A_1652 : vector<16xf32>
        %parallel_loop3A_1654 = arith.constant 5 : i32
        %parallel_loop3A_1655 = arith.index_cast %parallel_loop3A_1654 : i32 to index
        %parallel_loop3A_1656 = arith.index_cast %parallel_loop3A_1644 : i32 to index
        %parallel_loop3A_1657 = arith.constant 0 : index
        %parallel_loop3A_1658 = tpu.vector_load %arg6[%parallel_loop3A_1655, %parallel_loop3A_1656, %parallel_loop3A_1657] {strides = array<i32>} : memref<8x128x64xf32, #tpu.memory_space<vmem>>, vector<1x1x16xf32>,
        %parallel_loop3A_1659 = vector.shape_cast %parallel_loop3A_1658 : vector<1x1x16xf32> to vector<16xf32>
        %parallel_loop3A_1660 = vector.shape_cast %parallel_loop3A_1653 : vector<16xf32> to vector<1x1x16xf32>
        tpu.vector_store %arg6[%parallel_loop3A_1655, %parallel_loop3A_1656, %parallel_loop3A_1657], %parallel_loop3A_1660 {strides = array<i32>} : memref<8x128x64xf32, #tpu.memory_space<vmem>>, vector<1x1x16xf32>,
        %parallel_loop3A_1661 = arith.constant 5 : i32
        %parallel_loop3A_1662 = arith.index_cast %parallel_loop3A_1661 : i32 to index
        %parallel_loop3A_1663 = arith.index_cast %parallel_loop3A_1644 : i32 to index
        %parallel_loop3A_1664 = arith.constant 16 : index
        %parallel_loop3A_1665 = tpu.vector_load %arg6[%parallel_loop3A_1662, %parallel_loop3A_1663, %parallel_loop3A_1664] {strides = array<i32>} : memref<8x128x64xf32, #tpu.memory_space<vmem>>, vector<1x1x16xf32>,
        %parallel_loop3A_1666 = vector.shape_cast %parallel_loop3A_1665 : vector<1x1x16xf32> to vector<16xf32>
        %parallel_loop3A_1667 = arith.constant 8.000000e+00 : f32
        %parallel_loop3A_1668 = vector.broadcast %parallel_loop3A_1667 : f32 to vector<16xf32>
        %parallel_loop3A_1669 = arith.mulf %parallel_loop3A_1666, %parallel_loop3A_1668 : vector<16xf32>
        %parallel_loop3A_1670 = arith.constant 5 : i32
        %parallel_loop3A_1671 = arith.index_cast %parallel_loop3A_1670 : i32 to index
        %parallel_loop3A_1672 = arith.index_cast %parallel_loop3A_1644 : i32 to index
        %parallel_loop3A_1673 = arith.constant 16 : index
        %parallel_loop3A_1674 = tpu.vector_load %arg6[%parallel_loop3A_1671, %parallel_loop3A_1672, %parallel_loop3A_1673] {strides = array<i32>} : memref<8x128x64xf32, #tpu.memory_space<vmem>>, vector<1x1x16xf32>,
        %parallel_loop3A_1675 = vector.shape_cast %parallel_loop3A_1674 : vector<1x1x16xf32> to vector<16xf32>
        %parallel_loop3A_1676 = vector.shape_cast %parallel_loop3A_1669 : vector<16xf32> to vector<1x1x16xf32>
        tpu.vector_store %arg6[%parallel_loop3A_1671, %parallel_loop3A_1672, %parallel_loop3A_1673], %parallel_loop3A_1676 {strides = array<i32>} : memref<8x128x64xf32, #tpu.memory_space<vmem>>, vector<1x1x16xf32>,
        %parallel_loop3A_1677 = arith.constant 5 : i32
        %parallel_loop3A_1678 = arith.index_cast %parallel_loop3A_1677 : i32 to index
        %parallel_loop3A_1679 = arith.index_cast %parallel_loop3A_1644 : i32 to index
        %parallel_loop3A_1680 = arith.constant 32 : index
        %parallel_loop3A_1681 = tpu.vector_load %arg6[%parallel_loop3A_1678, %parallel_loop3A_1679, %parallel_loop3A_1680] {strides = array<i32>} : memref<8x128x64xf32, #tpu.memory_space<vmem>>, vector<1x1x16xf32>,
        %parallel_loop3A_1682 = vector.shape_cast %parallel_loop3A_1681 : vector<1x1x16xf32> to vector<16xf32>
        %parallel_loop3A_1683 = arith.constant 8.000000e+00 : f32
        %parallel_loop3A_1684 = vector.broadcast %parallel_loop3A_1683 : f32 to vector<16xf32>
        %parallel_loop3A_1685 = arith.mulf %parallel_loop3A_1682, %parallel_loop3A_1684 : vector<16xf32>
        %parallel_loop3A_1686 = arith.constant 5 : i32
        %parallel_loop3A_1687 = arith.index_cast %parallel_loop3A_1686 : i32 to index
        %parallel_loop3A_1688 = arith.index_cast %parallel_loop3A_1644 : i32 to index
        %parallel_loop3A_1689 = arith.constant 32 : index
        %parallel_loop3A_1690 = tpu.vector_load %arg6[%parallel_loop3A_1687, %parallel_loop3A_1688, %parallel_loop3A_1689] {strides = array<i32>} : memref<8x128x64xf32, #tpu.memory_space<vmem>>, vector<1x1x16xf32>,
        %parallel_loop3A_1691 = vector.shape_cast %parallel_loop3A_1690 : vector<1x1x16xf32> to vector<16xf32>
        %parallel_loop3A_1692 = vector.shape_cast %parallel_loop3A_1685 : vector<16xf32> to vector<1x1x16xf32>
        tpu.vector_store %arg6[%parallel_loop3A_1687, %parallel_loop3A_1688, %parallel_loop3A_1689], %parallel_loop3A_1692 {strides = array<i32>} : memref<8x128x64xf32, #tpu.memory_space<vmem>>, vector<1x1x16xf32>,
        %parallel_loop3A_1693 = arith.constant 5 : i32
        %parallel_loop3A_1694 = arith.index_cast %parallel_loop3A_1693 : i32 to index
        %parallel_loop3A_1695 = arith.index_cast %parallel_loop3A_1644 : i32 to index
        %parallel_loop3A_1696 = arith.constant 48 : index
        %parallel_loop3A_1697 = tpu.vector_load %arg6[%parallel_loop3A_1694, %parallel_loop3A_1695, %parallel_loop3A_1696] {strides = array<i32>} : memref<8x128x64xf32, #tpu.memory_space<vmem>>, vector<1x1x16xf32>,
        %parallel_loop3A_1698 = vector.shape_cast %parallel_loop3A_1697 : vector<1x1x16xf32> to vector<16xf32>
        %parallel_loop3A_1699 = arith.constant 8.000000e+00 : f32
        %parallel_loop3A_1700 = vector.broadcast %parallel_loop3A_1699 : f32 to vector<16xf32>
        %parallel_loop3A_1701 = arith.mulf %parallel_loop3A_1698, %parallel_loop3A_1700 : vector<16xf32>
        %parallel_loop3A_1702 = arith.constant 5 : i32
        %parallel_loop3A_1703 = arith.index_cast %parallel_loop3A_1702 : i32 to index
        %parallel_loop3A_1704 = arith.index_cast %parallel_loop3A_1644 : i32 to index
        %parallel_loop3A_1705 = arith.constant 48 : index
        %parallel_loop3A_1706 = tpu.vector_load %arg6[%parallel_loop3A_1703, %parallel_loop3A_1704, %parallel_loop3A_1705] {strides = array<i32>} : memref<8x128x64xf32, #tpu.memory_space<vmem>>, vector<1x1x16xf32>,
        %parallel_loop3A_1707 = vector.shape_cast %parallel_loop3A_1706 : vector<1x1x16xf32> to vector<16xf32>
        %parallel_loop3A_1708 = vector.shape_cast %parallel_loop3A_1701 : vector<16xf32> to vector<1x1x16xf32>
        tpu.vector_store %arg6[%parallel_loop3A_1703, %parallel_loop3A_1704, %parallel_loop3A_1705], %parallel_loop3A_1708 {strides = array<i32>} : memref<8x128x64xf32, #tpu.memory_space<vmem>>, vector<1x1x16xf32>,
      } {sc.loop_unroll_factor = 4 : i64, sc.parallel_access}
      %dma_start3A_1421 = arith.constant 5 : i32
      %dma_start3A_1422 = arith.constant 0 : i32
      %dma_start3A_1423 = arith.constant 0 : i32
      %dma_start3A_1424 = tpu.memref_slice %arg6[%dma_start3A_1421, %dma_start3A_1422, %dma_start3A_1423] : memref<8x128x64xf32, #tpu.memory_space<vmem>> -> memref<1x128x64xf32, #tpu.memory_space<vmem>>
      %dma_start3A_1425 = tpu.memref_squeeze %dma_start3A_1424 : memref<1x128x64xf32, #tpu.memory_space<vmem>> -> memref<128x64xf32, #tpu.memory_space<vmem>>
      %dma_start3A_1426 = arith.constant 0 : i32
      %dma_start3A_1427 = tpu.memref_slice %arg4[%mul3A_2, %add3A_1404, %dma_start3A_1426] : memref<4096x200x128xf32, #tpu.memory_space<hbm>> -> memref<128x1x64xf32, #tpu.memory_space<hbm>>
      %dma_start3A_1428 = tpu.memref_squeeze %dma_start3A_1427 : memref<128x1x64xf32, #tpu.memory_space<hbm>> -> memref<128x64xf32, #tpu.memory_space<hbm>>
      %dma_start3A_1429 = arith.constant 0 : i32
      %dma_start3A_1430 = tpu.memref_slice %arg4[%mul3A_2, %add3A_1404, %dma_start3A_1429] : memref<4096x200x128xf32, #tpu.memory_space<hbm>> -> memref<128x1x64xf32, #tpu.memory_space<hbm>>
      %dma_start3A_1431 = tpu.memref_squeeze %dma_start3A_1430 : memref<128x1x64xf32, #tpu.memory_space<hbm>> -> memref<128x64xf32, #tpu.memory_space<hbm>>
      %dma_start3A_1432 = arith.constant 0 : i32
      %dma_start3A_1433 = arith.constant 0 : i32
      %dma_start3A_1434 = tpu.memref_slice %arg6[%dma_start3A_1421, %dma_start3A_1432, %dma_start3A_1433] : memref<8x128x64xf32, #tpu.memory_space<vmem>> -> memref<1x128x64xf32, #tpu.memory_space<vmem>>
      %dma_start3A_1435 = tpu.memref_squeeze %dma_start3A_1434 : memref<1x128x64xf32, #tpu.memory_space<vmem>> -> memref<128x64xf32, #tpu.memory_space<vmem>>
      tpu.enqueue_dma source(%dma_start3A_1435 : memref<128x64xf32, #tpu.memory_space<vmem>>) target(%dma_start3A_1431 : memref<128x64xf32, #tpu.memory_space<hbm>>) target_semaphore(%arg8 : memref<!tpu.dma_semaphore, #tpu.memory_space<semaphore_mem>>)
      %dma_wait3A_1436 = arith.constant 0 : i32
      %dma_wait3A_1437 = arith.constant 0 : i32
      %dma_wait3A_1438 = arith.constant 0 : i32
      %dma_wait3A_1439 = arith.constant 0 : i32
      %dma_wait3A_1440 = tpu.memref_slice %arg6[%dma_wait3A_1436, %dma_wait3A_1438, %dma_wait3A_1439] : memref<8x128x64xf32, #tpu.memory_space<vmem>> -> memref<1x128x64xf32, #tpu.memory_space<vmem>>
      %dma_wait3A_1441 = tpu.memref_squeeze %dma_wait3A_1440 : memref<1x128x64xf32, #tpu.memory_space<vmem>> -> memref<128x64xf32, #tpu.memory_space<vmem>>
      %dma_wait3A_1442 = arith.constant 0 : i32
      %dma_wait3A_1443 = tpu.memref_slice %arg4[%mul3A_2, %dma_wait3A_1437, %dma_wait3A_1442] : memref<4096x200x128xf32, #tpu.memory_space<hbm>> -> memref<128x1x64xf32, #tpu.memory_space<hbm>>
      %dma_wait3A_1444 = tpu.memref_squeeze %dma_wait3A_1443 : memref<128x1x64xf32, #tpu.memory_space<hbm>> -> memref<128x64xf32, #tpu.memory_space<hbm>>
      %dma_wait3A_1445 = arith.constant 0 : i32
      %dma_wait3A_1446 = tpu.memref_slice %arg4[%mul3A_2, %dma_wait3A_1437, %dma_wait3A_1445] : memref<4096x200x128xf32, #tpu.memory_space<hbm>> -> memref<128x1x64xf32, #tpu.memory_space<hbm>>
      %dma_wait3A_1447 = tpu.memref_squeeze %dma_wait3A_1446 : memref<128x1x64xf32, #tpu.memory_space<hbm>> -> memref<128x64xf32, #tpu.memory_space<hbm>>
      %dma_wait3A_1448 = arith.constant 0 : i32
      %dma_wait3A_1449 = arith.constant 0 : i32
      %dma_wait3A_1450 = tpu.memref_slice %arg6[%dma_wait3A_1436, %dma_wait3A_1448, %dma_wait3A_1449] : memref<8x128x64xf32, #tpu.memory_space<vmem>> -> memref<1x128x64xf32, #tpu.memory_space<vmem>>
      %dma_wait3A_1451 = tpu.memref_squeeze %dma_wait3A_1450 : memref<1x128x64xf32, #tpu.memory_space<vmem>> -> memref<128x64xf32, #tpu.memory_space<vmem>>
      tpu.wait_dma2 semaphore(%arg8 : memref<!tpu.dma_semaphore, #tpu.memory_space<semaphore_mem>>) src(%dma_wait3A_1451 : memref<128x64xf32, #tpu.memory_space<vmem>>) dst(%dma_wait3A_1447 : memref<128x64xf32, #tpu.memory_space<hbm>>)
      %add3A_1452 = arith.constant 1 : i32
      %add3A_1453 = arith.addi %scan3A_982, %add3A_1452 : i32
      %jit3A_1454 = arith.constant 2 : i32
      %eq3A_1455 = arith.constant 0 : i32
      %eq3A_1456 = arith.cmpi eq, %jit3A_1454, %eq3A_1455 : i32
      %jit3A_1457 = arith.constant 1 : i32
      %select_n3A_1458 = arith.select %eq3A_1456, %jit3A_1457, %jit3A_1454 : i32
      %rem3A_1459 = arith.remsi %add3A_1453, %select_n3A_1458 : i32
      %ne3A_1460 = arith.constant 0 : i32
      %ne3A_1461 = arith.cmpi ne, %rem3A_1459, %ne3A_1460 : i32
      %lt3A_1462 = arith.constant 0 : i32
      %lt3A_1463 = arith.cmpi slt, %rem3A_1459, %lt3A_1462 : i32
      %lt3A_1464 = arith.constant 0 : i32
      %lt3A_1465 = arith.cmpi slt, %select_n3A_1458, %lt3A_1464 : i32
      %ne3A_1466 = arith.xori %lt3A_1463, %lt3A_1465 : i1
      %and3A_1467 = arith.andi %ne3A_1466, %ne3A_1461 : i1
      %add3A_1468 = arith.addi %rem3A_1459, %select_n3A_1458 : i32
      %select_n3A_1469 = arith.select %and3A_1467, %add3A_1468, %rem3A_1459 : i32
      %dma_start3A_1470 = arith.constant 1 : i32
      %dma_start3A_1471 = arith.constant 1 : i32
      %dma_start3A_1472 = arith.constant 0 : i32
      %dma_start3A_1473 = arith.constant 0 : i32
      %dma_start3A_1474 = tpu.memref_slice %arg6[%dma_start3A_1471, %dma_start3A_1472, %dma_start3A_1473] : memref<8x128x64xf32, #tpu.memory_space<vmem>> -> memref<1x128x64xf32, #tpu.memory_space<vmem>>
      %dma_start3A_1475 = tpu.memref_squeeze %dma_start3A_1474 : memref<1x128x64xf32, #tpu.memory_space<vmem>> -> memref<128x64xf32, #tpu.memory_space<vmem>>
      %dma_start3A_1476 = arith.constant 0 : i32
      %dma_start3A_1477 = tpu.memref_slice %arg5[%select_n3A_1469, %dma_start3A_1470, %dma_start3A_1476] : memref<2x8x128xi32, #tpu.memory_space<vmem>> -> memref<1x1x128xi32, #tpu.memory_space<vmem>>
      %dma_start3A_1478 = tpu.memref_squeeze %dma_start3A_1477 : memref<1x1x128xi32, #tpu.memory_space<vmem>> -> memref<128xi32, #tpu.memory_space<vmem>>
      %dma_start3A_1479 = arith.constant 0 : i32
      %dma_start3A_1480 = arith.constant 0 : i32
      %dma_start3A_1481 = tpu.memref_slice %arg3[%dma_start3A_1479, %dma_start3A_1480] : memref<1000000x64xf32, #tpu.memory_space<hbm>> -> memref<1000000x64xf32, #tpu.memory_space<hbm>>
      tpu.enqueue_indirect_dma source(%dma_start3A_1481 : memref<1000000x64xf32, #tpu.memory_space<hbm>>) target(%dma_start3A_1475 : memref<128x64xf32, #tpu.memory_space<vmem>>) offsets(%dma_start3A_1478 : memref<128xi32, #tpu.memory_space<vmem>>) semaphore(%arg7 : memref<!tpu.dma_semaphore, #tpu.memory_space<semaphore_mem>>)
      %mul3A_1482 = arith.constant 8 : i32
      %mul3A_1483 = arith.muli %scan3A_982, %mul3A_1482 : i32
      %add3A_1484 = arith.constant 6 : i32
      %add3A_1485 = arith.addi %mul3A_1483, %add3A_1484 : i32
      %dma_wait3A_1486 = arith.constant 0 : i32
      %dma_wait3A_1487 = arith.constant 0 : i32
      %dma_wait3A_1488 = arith.constant 6 : i32
      %dma_wait3A_1489 = arith.constant 0 : i32
      %dma_wait3A_1490 = arith.constant 0 : i32
      %dma_wait3A_1491 = tpu.memref_slice %arg6[%dma_wait3A_1488, %dma_wait3A_1489, %dma_wait3A_1490] : memref<8x128x64xf32, #tpu.memory_space<vmem>> -> memref<1x128x64xf32, #tpu.memory_space<vmem>>
      %dma_wait3A_1492 = tpu.memref_squeeze %dma_wait3A_1491 : memref<1x128x64xf32, #tpu.memory_space<vmem>> -> memref<128x64xf32, #tpu.memory_space<vmem>>
      %dma_wait3A_1493 = arith.constant 0 : i32
      %dma_wait3A_1494 = tpu.memref_slice %arg5[%dma_wait3A_1486, %dma_wait3A_1487, %dma_wait3A_1493] : memref<2x8x128xi32, #tpu.memory_space<vmem>> -> memref<1x1x128xi32, #tpu.memory_space<vmem>>
      %dma_wait3A_1495 = tpu.memref_squeeze %dma_wait3A_1494 : memref<1x1x128xi32, #tpu.memory_space<vmem>> -> memref<128xi32, #tpu.memory_space<vmem>>
      %dma_wait3A_1496 = arith.constant 0 : i32
      %dma_wait3A_1497 = arith.constant 0 : i32
      %dma_wait3A_1498 = tpu.memref_slice %arg3[%dma_wait3A_1496, %dma_wait3A_1497] : memref<1000000x64xf32, #tpu.memory_space<hbm>> -> memref<1000000x64xf32, #tpu.memory_space<hbm>>
      tpu.wait_indirect_dma semaphore(%arg7 : memref<!tpu.dma_semaphore, #tpu.memory_space<semaphore_mem>>) src(%dma_wait3A_1498 : memref<1000000x64xf32, #tpu.memory_space<hbm>>) dst(%dma_wait3A_1492 : memref<128x64xf32, #tpu.memory_space<vmem>>)
      %parallel_loop3A_1499 = arith.constant 0 : i32
      %parallel_loop3A_1500 = arith.constant 128 : i32
      %parallel_loop3A_1501 = arith.constant 1 : i32
      scf.for %parallel_loop3A_1644 = %parallel_loop3A_1499 to %parallel_loop3A_1500 step %parallel_loop3A_1501  : i32 {
        %parallel_loop3A_1645 = arith.constant 6 : i32
        %parallel_loop3A_1646 = arith.index_cast %parallel_loop3A_1645 : i32 to index
        %parallel_loop3A_1647 = arith.index_cast %parallel_loop3A_1644 : i32 to index
        %parallel_loop3A_1648 = arith.constant 0 : index
        %parallel_loop3A_1649 = tpu.vector_load %arg6[%parallel_loop3A_1646, %parallel_loop3A_1647, %parallel_loop3A_1648] {strides = array<i32>} : memref<8x128x64xf32, #tpu.memory_space<vmem>>, vector<1x1x16xf32>,
        %parallel_loop3A_1650 = vector.shape_cast %parallel_loop3A_1649 : vector<1x1x16xf32> to vector<16xf32>
        %parallel_loop3A_1651 = arith.constant 8.000000e+00 : f32
        %parallel_loop3A_1652 = vector.broadcast %parallel_loop3A_1651 : f32 to vector<16xf32>
        %parallel_loop3A_1653 = arith.mulf %parallel_loop3A_1650, %parallel_loop3A_1652 : vector<16xf32>
        %parallel_loop3A_1654 = arith.constant 6 : i32
        %parallel_loop3A_1655 = arith.index_cast %parallel_loop3A_1654 : i32 to index
        %parallel_loop3A_1656 = arith.index_cast %parallel_loop3A_1644 : i32 to index
        %parallel_loop3A_1657 = arith.constant 0 : index
        %parallel_loop3A_1658 = tpu.vector_load %arg6[%parallel_loop3A_1655, %parallel_loop3A_1656, %parallel_loop3A_1657] {strides = array<i32>} : memref<8x128x64xf32, #tpu.memory_space<vmem>>, vector<1x1x16xf32>,
        %parallel_loop3A_1659 = vector.shape_cast %parallel_loop3A_1658 : vector<1x1x16xf32> to vector<16xf32>
        %parallel_loop3A_1660 = vector.shape_cast %parallel_loop3A_1653 : vector<16xf32> to vector<1x1x16xf32>
        tpu.vector_store %arg6[%parallel_loop3A_1655, %parallel_loop3A_1656, %parallel_loop3A_1657], %parallel_loop3A_1660 {strides = array<i32>} : memref<8x128x64xf32, #tpu.memory_space<vmem>>, vector<1x1x16xf32>,
        %parallel_loop3A_1661 = arith.constant 6 : i32
        %parallel_loop3A_1662 = arith.index_cast %parallel_loop3A_1661 : i32 to index
        %parallel_loop3A_1663 = arith.index_cast %parallel_loop3A_1644 : i32 to index
        %parallel_loop3A_1664 = arith.constant 16 : index
        %parallel_loop3A_1665 = tpu.vector_load %arg6[%parallel_loop3A_1662, %parallel_loop3A_1663, %parallel_loop3A_1664] {strides = array<i32>} : memref<8x128x64xf32, #tpu.memory_space<vmem>>, vector<1x1x16xf32>,
        %parallel_loop3A_1666 = vector.shape_cast %parallel_loop3A_1665 : vector<1x1x16xf32> to vector<16xf32>
        %parallel_loop3A_1667 = arith.constant 8.000000e+00 : f32
        %parallel_loop3A_1668 = vector.broadcast %parallel_loop3A_1667 : f32 to vector<16xf32>
        %parallel_loop3A_1669 = arith.mulf %parallel_loop3A_1666, %parallel_loop3A_1668 : vector<16xf32>
        %parallel_loop3A_1670 = arith.constant 6 : i32
        %parallel_loop3A_1671 = arith.index_cast %parallel_loop3A_1670 : i32 to index
        %parallel_loop3A_1672 = arith.index_cast %parallel_loop3A_1644 : i32 to index
        %parallel_loop3A_1673 = arith.constant 16 : index
        %parallel_loop3A_1674 = tpu.vector_load %arg6[%parallel_loop3A_1671, %parallel_loop3A_1672, %parallel_loop3A_1673] {strides = array<i32>} : memref<8x128x64xf32, #tpu.memory_space<vmem>>, vector<1x1x16xf32>,
        %parallel_loop3A_1675 = vector.shape_cast %parallel_loop3A_1674 : vector<1x1x16xf32> to vector<16xf32>
        %parallel_loop3A_1676 = vector.shape_cast %parallel_loop3A_1669 : vector<16xf32> to vector<1x1x16xf32>
        tpu.vector_store %arg6[%parallel_loop3A_1671, %parallel_loop3A_1672, %parallel_loop3A_1673], %parallel_loop3A_1676 {strides = array<i32>} : memref<8x128x64xf32, #tpu.memory_space<vmem>>, vector<1x1x16xf32>,
        %parallel_loop3A_1677 = arith.constant 6 : i32
        %parallel_loop3A_1678 = arith.index_cast %parallel_loop3A_1677 : i32 to index
        %parallel_loop3A_1679 = arith.index_cast %parallel_loop3A_1644 : i32 to index
        %parallel_loop3A_1680 = arith.constant 32 : index
        %parallel_loop3A_1681 = tpu.vector_load %arg6[%parallel_loop3A_1678, %parallel_loop3A_1679, %parallel_loop3A_1680] {strides = array<i32>} : memref<8x128x64xf32, #tpu.memory_space<vmem>>, vector<1x1x16xf32>,
        %parallel_loop3A_1682 = vector.shape_cast %parallel_loop3A_1681 : vector<1x1x16xf32> to vector<16xf32>
        %parallel_loop3A_1683 = arith.constant 8.000000e+00 : f32
        %parallel_loop3A_1684 = vector.broadcast %parallel_loop3A_1683 : f32 to vector<16xf32>
        %parallel_loop3A_1685 = arith.mulf %parallel_loop3A_1682, %parallel_loop3A_1684 : vector<16xf32>
        %parallel_loop3A_1686 = arith.constant 6 : i32
        %parallel_loop3A_1687 = arith.index_cast %parallel_loop3A_1686 : i32 to index
        %parallel_loop3A_1688 = arith.index_cast %parallel_loop3A_1644 : i32 to index
        %parallel_loop3A_1689 = arith.constant 32 : index
        %parallel_loop3A_1690 = tpu.vector_load %arg6[%parallel_loop3A_1687, %parallel_loop3A_1688, %parallel_loop3A_1689] {strides = array<i32>} : memref<8x128x64xf32, #tpu.memory_space<vmem>>, vector<1x1x16xf32>,
        %parallel_loop3A_1691 = vector.shape_cast %parallel_loop3A_1690 : vector<1x1x16xf32> to vector<16xf32>
        %parallel_loop3A_1692 = vector.shape_cast %parallel_loop3A_1685 : vector<16xf32> to vector<1x1x16xf32>
        tpu.vector_store %arg6[%parallel_loop3A_1687, %parallel_loop3A_1688, %parallel_loop3A_1689], %parallel_loop3A_1692 {strides = array<i32>} : memref<8x128x64xf32, #tpu.memory_space<vmem>>, vector<1x1x16xf32>,
        %parallel_loop3A_1693 = arith.constant 6 : i32
        %parallel_loop3A_1694 = arith.index_cast %parallel_loop3A_1693 : i32 to index
        %parallel_loop3A_1695 = arith.index_cast %parallel_loop3A_1644 : i32 to index
        %parallel_loop3A_1696 = arith.constant 48 : index
        %parallel_loop3A_1697 = tpu.vector_load %arg6[%parallel_loop3A_1694, %parallel_loop3A_1695, %parallel_loop3A_1696] {strides = array<i32>} : memref<8x128x64xf32, #tpu.memory_space<vmem>>, vector<1x1x16xf32>,
        %parallel_loop3A_1698 = vector.shape_cast %parallel_loop3A_1697 : vector<1x1x16xf32> to vector<16xf32>
        %parallel_loop3A_1699 = arith.constant 8.000000e+00 : f32
        %parallel_loop3A_1700 = vector.broadcast %parallel_loop3A_1699 : f32 to vector<16xf32>
        %parallel_loop3A_1701 = arith.mulf %parallel_loop3A_1698, %parallel_loop3A_1700 : vector<16xf32>
        %parallel_loop3A_1702 = arith.constant 6 : i32
        %parallel_loop3A_1703 = arith.index_cast %parallel_loop3A_1702 : i32 to index
        %parallel_loop3A_1704 = arith.index_cast %parallel_loop3A_1644 : i32 to index
        %parallel_loop3A_1705 = arith.constant 48 : index
        %parallel_loop3A_1706 = tpu.vector_load %arg6[%parallel_loop3A_1703, %parallel_loop3A_1704, %parallel_loop3A_1705] {strides = array<i32>} : memref<8x128x64xf32, #tpu.memory_space<vmem>>, vector<1x1x16xf32>,
        %parallel_loop3A_1707 = vector.shape_cast %parallel_loop3A_1706 : vector<1x1x16xf32> to vector<16xf32>
        %parallel_loop3A_1708 = vector.shape_cast %parallel_loop3A_1701 : vector<16xf32> to vector<1x1x16xf32>
        tpu.vector_store %arg6[%parallel_loop3A_1703, %parallel_loop3A_1704, %parallel_loop3A_1705], %parallel_loop3A_1708 {strides = array<i32>} : memref<8x128x64xf32, #tpu.memory_space<vmem>>, vector<1x1x16xf32>,
      } {sc.loop_unroll_factor = 4 : i64, sc.parallel_access}
      %dma_start3A_1502 = arith.constant 6 : i32
      %dma_start3A_1503 = arith.constant 0 : i32
      %dma_start3A_1504 = arith.constant 0 : i32
      %dma_start3A_1505 = tpu.memref_slice %arg6[%dma_start3A_1502, %dma_start3A_1503, %dma_start3A_1504] : memref<8x128x64xf32, #tpu.memory_space<vmem>> -> memref<1x128x64xf32, #tpu.memory_space<vmem>>
      %dma_start3A_1506 = tpu.memref_squeeze %dma_start3A_1505 : memref<1x128x64xf32, #tpu.memory_space<vmem>> -> memref<128x64xf32, #tpu.memory_space<vmem>>
      %dma_start3A_1507 = arith.constant 0 : i32
      %dma_start3A_1508 = tpu.memref_slice %arg4[%mul3A_2, %add3A_1485, %dma_start3A_1507] : memref<4096x200x128xf32, #tpu.memory_space<hbm>> -> memref<128x1x64xf32, #tpu.memory_space<hbm>>
      %dma_start3A_1509 = tpu.memref_squeeze %dma_start3A_1508 : memref<128x1x64xf32, #tpu.memory_space<hbm>> -> memref<128x64xf32, #tpu.memory_space<hbm>>
      %dma_start3A_1510 = arith.constant 0 : i32
      %dma_start3A_1511 = tpu.memref_slice %arg4[%mul3A_2, %add3A_1485, %dma_start3A_1510] : memref<4096x200x128xf32, #tpu.memory_space<hbm>> -> memref<128x1x64xf32, #tpu.memory_space<hbm>>
      %dma_start3A_1512 = tpu.memref_squeeze %dma_start3A_1511 : memref<128x1x64xf32, #tpu.memory_space<hbm>> -> memref<128x64xf32, #tpu.memory_space<hbm>>
      %dma_start3A_1513 = arith.constant 0 : i32
      %dma_start3A_1514 = arith.constant 0 : i32
      %dma_start3A_1515 = tpu.memref_slice %arg6[%dma_start3A_1502, %dma_start3A_1513, %dma_start3A_1514] : memref<8x128x64xf32, #tpu.memory_space<vmem>> -> memref<1x128x64xf32, #tpu.memory_space<vmem>>
      %dma_start3A_1516 = tpu.memref_squeeze %dma_start3A_1515 : memref<1x128x64xf32, #tpu.memory_space<vmem>> -> memref<128x64xf32, #tpu.memory_space<vmem>>
      tpu.enqueue_dma source(%dma_start3A_1516 : memref<128x64xf32, #tpu.memory_space<vmem>>) target(%dma_start3A_1512 : memref<128x64xf32, #tpu.memory_space<hbm>>) target_semaphore(%arg8 : memref<!tpu.dma_semaphore, #tpu.memory_space<semaphore_mem>>)
      %dma_wait3A_1517 = arith.constant 0 : i32
      %dma_wait3A_1518 = arith.constant 0 : i32
      %dma_wait3A_1519 = arith.constant 0 : i32
      %dma_wait3A_1520 = arith.constant 0 : i32
      %dma_wait3A_1521 = tpu.memref_slice %arg6[%dma_wait3A_1517, %dma_wait3A_1519, %dma_wait3A_1520] : memref<8x128x64xf32, #tpu.memory_space<vmem>> -> memref<1x128x64xf32, #tpu.memory_space<vmem>>
      %dma_wait3A_1522 = tpu.memref_squeeze %dma_wait3A_1521 : memref<1x128x64xf32, #tpu.memory_space<vmem>> -> memref<128x64xf32, #tpu.memory_space<vmem>>
      %dma_wait3A_1523 = arith.constant 0 : i32
      %dma_wait3A_1524 = tpu.memref_slice %arg4[%mul3A_2, %dma_wait3A_1518, %dma_wait3A_1523] : memref<4096x200x128xf32, #tpu.memory_space<hbm>> -> memref<128x1x64xf32, #tpu.memory_space<hbm>>
      %dma_wait3A_1525 = tpu.memref_squeeze %dma_wait3A_1524 : memref<128x1x64xf32, #tpu.memory_space<hbm>> -> memref<128x64xf32, #tpu.memory_space<hbm>>
      %dma_wait3A_1526 = arith.constant 0 : i32
      %dma_wait3A_1527 = tpu.memref_slice %arg4[%mul3A_2, %dma_wait3A_1518, %dma_wait3A_1526] : memref<4096x200x128xf32, #tpu.memory_space<hbm>> -> memref<128x1x64xf32, #tpu.memory_space<hbm>>
      %dma_wait3A_1528 = tpu.memref_squeeze %dma_wait3A_1527 : memref<128x1x64xf32, #tpu.memory_space<hbm>> -> memref<128x64xf32, #tpu.memory_space<hbm>>
      %dma_wait3A_1529 = arith.constant 0 : i32
      %dma_wait3A_1530 = arith.constant 0 : i32
      %dma_wait3A_1531 = tpu.memref_slice %arg6[%dma_wait3A_1517, %dma_wait3A_1529, %dma_wait3A_1530] : memref<8x128x64xf32, #tpu.memory_space<vmem>> -> memref<1x128x64xf32, #tpu.memory_space<vmem>>
      %dma_wait3A_1532 = tpu.memref_squeeze %dma_wait3A_1531 : memref<1x128x64xf32, #tpu.memory_space<vmem>> -> memref<128x64xf32, #tpu.memory_space<vmem>>
      tpu.wait_dma2 semaphore(%arg8 : memref<!tpu.dma_semaphore, #tpu.memory_space<semaphore_mem>>) src(%dma_wait3A_1532 : memref<128x64xf32, #tpu.memory_space<vmem>>) dst(%dma_wait3A_1528 : memref<128x64xf32, #tpu.memory_space<hbm>>)
      %add3A_1533 = arith.constant 1 : i32
      %add3A_1534 = arith.addi %scan3A_982, %add3A_1533 : i32
      %jit3A_1535 = arith.constant 2 : i32
      %eq3A_1536 = arith.constant 0 : i32
      %eq3A_1537 = arith.cmpi eq, %jit3A_1535, %eq3A_1536 : i32
      %jit3A_1538 = arith.constant 1 : i32
      %select_n3A_1539 = arith.select %eq3A_1537, %jit3A_1538, %jit3A_1535 : i32
      %rem3A_1540 = arith.remsi %add3A_1534, %select_n3A_1539 : i32
      %ne3A_1541 = arith.constant 0 : i32
      %ne3A_1542 = arith.cmpi ne, %rem3A_1540, %ne3A_1541 : i32
      %lt3A_1543 = arith.constant 0 : i32
      %lt3A_1544 = arith.cmpi slt, %rem3A_1540, %lt3A_1543 : i32
      %lt3A_1545 = arith.constant 0 : i32
      %lt3A_1546 = arith.cmpi slt, %select_n3A_1539, %lt3A_1545 : i32
      %ne3A_1547 = arith.xori %lt3A_1544, %lt3A_1546 : i1
      %and3A_1548 = arith.andi %ne3A_1547, %ne3A_1542 : i1
      %add3A_1549 = arith.addi %rem3A_1540, %select_n3A_1539 : i32
      %select_n3A_1550 = arith.select %and3A_1548, %add3A_1549, %rem3A_1540 : i32
      %dma_start3A_1551 = arith.constant 2 : i32
      %dma_start3A_1552 = arith.constant 2 : i32
      %dma_start3A_1553 = arith.constant 0 : i32
      %dma_start3A_1554 = arith.constant 0 : i32
      %dma_start3A_1555 = tpu.memref_slice %arg6[%dma_start3A_1552, %dma_start3A_1553, %dma_start3A_1554] : memref<8x128x64xf32, #tpu.memory_space<vmem>> -> memref<1x128x64xf32, #tpu.memory_space<vmem>>
      %dma_start3A_1556 = tpu.memref_squeeze %dma_start3A_1555 : memref<1x128x64xf32, #tpu.memory_space<vmem>> -> memref<128x64xf32, #tpu.memory_space<vmem>>
      %dma_start3A_1557 = arith.constant 0 : i32
      %dma_start3A_1558 = tpu.memref_slice %arg5[%select_n3A_1550, %dma_start3A_1551, %dma_start3A_1557] : memref<2x8x128xi32, #tpu.memory_space<vmem>> -> memref<1x1x128xi32, #tpu.memory_space<vmem>>
      %dma_start3A_1559 = tpu.memref_squeeze %dma_start3A_1558 : memref<1x1x128xi32, #tpu.memory_space<vmem>> -> memref<128xi32, #tpu.memory_space<vmem>>
      %dma_start3A_1560 = arith.constant 0 : i32
      %dma_start3A_1561 = arith.constant 0 : i32
      %dma_start3A_1562 = tpu.memref_slice %arg3[%dma_start3A_1560, %dma_start3A_1561] : memref<1000000x64xf32, #tpu.memory_space<hbm>> -> memref<1000000x64xf32, #tpu.memory_space<hbm>>
      tpu.enqueue_indirect_dma source(%dma_start3A_1562 : memref<1000000x64xf32, #tpu.memory_space<hbm>>) target(%dma_start3A_1556 : memref<128x64xf32, #tpu.memory_space<vmem>>) offsets(%dma_start3A_1559 : memref<128xi32, #tpu.memory_space<vmem>>) semaphore(%arg7 : memref<!tpu.dma_semaphore, #tpu.memory_space<semaphore_mem>>)
      %mul3A_1563 = arith.constant 8 : i32
      %mul3A_1564 = arith.muli %scan3A_982, %mul3A_1563 : i32
      %add3A_1565 = arith.constant 7 : i32
      %add3A_1566 = arith.addi %mul3A_1564, %add3A_1565 : i32
      %dma_wait3A_1567 = arith.constant 0 : i32
      %dma_wait3A_1568 = arith.constant 0 : i32
      %dma_wait3A_1569 = arith.constant 7 : i32
      %dma_wait3A_1570 = arith.constant 0 : i32
      %dma_wait3A_1571 = arith.constant 0 : i32
      %dma_wait3A_1572 = tpu.memref_slice %arg6[%dma_wait3A_1569, %dma_wait3A_1570, %dma_wait3A_1571] : memref<8x128x64xf32, #tpu.memory_space<vmem>> -> memref<1x128x64xf32, #tpu.memory_space<vmem>>
      %dma_wait3A_1573 = tpu.memref_squeeze %dma_wait3A_1572 : memref<1x128x64xf32, #tpu.memory_space<vmem>> -> memref<128x64xf32, #tpu.memory_space<vmem>>
      %dma_wait3A_1574 = arith.constant 0 : i32
      %dma_wait3A_1575 = tpu.memref_slice %arg5[%dma_wait3A_1567, %dma_wait3A_1568, %dma_wait3A_1574] : memref<2x8x128xi32, #tpu.memory_space<vmem>> -> memref<1x1x128xi32, #tpu.memory_space<vmem>>
      %dma_wait3A_1576 = tpu.memref_squeeze %dma_wait3A_1575 : memref<1x1x128xi32, #tpu.memory_space<vmem>> -> memref<128xi32, #tpu.memory_space<vmem>>
      %dma_wait3A_1577 = arith.constant 0 : i32
      %dma_wait3A_1578 = arith.constant 0 : i32
      %dma_wait3A_1579 = tpu.memref_slice %arg3[%dma_wait3A_1577, %dma_wait3A_1578] : memref<1000000x64xf32, #tpu.memory_space<hbm>> -> memref<1000000x64xf32, #tpu.memory_space<hbm>>
      tpu.wait_indirect_dma semaphore(%arg7 : memref<!tpu.dma_semaphore, #tpu.memory_space<semaphore_mem>>) src(%dma_wait3A_1579 : memref<1000000x64xf32, #tpu.memory_space<hbm>>) dst(%dma_wait3A_1573 : memref<128x64xf32, #tpu.memory_space<vmem>>)
      %parallel_loop3A_1580 = arith.constant 0 : i32
      %parallel_loop3A_1581 = arith.constant 128 : i32
      %parallel_loop3A_1582 = arith.constant 1 : i32
      scf.for %parallel_loop3A_1644 = %parallel_loop3A_1580 to %parallel_loop3A_1581 step %parallel_loop3A_1582  : i32 {
        %parallel_loop3A_1645 = arith.constant 7 : i32
        %parallel_loop3A_1646 = arith.index_cast %parallel_loop3A_1645 : i32 to index
        %parallel_loop3A_1647 = arith.index_cast %parallel_loop3A_1644 : i32 to index
        %parallel_loop3A_1648 = arith.constant 0 : index
        %parallel_loop3A_1649 = tpu.vector_load %arg6[%parallel_loop3A_1646, %parallel_loop3A_1647, %parallel_loop3A_1648] {strides = array<i32>} : memref<8x128x64xf32, #tpu.memory_space<vmem>>, vector<1x1x16xf32>,
        %parallel_loop3A_1650 = vector.shape_cast %parallel_loop3A_1649 : vector<1x1x16xf32> to vector<16xf32>
        %parallel_loop3A_1651 = arith.constant 8.000000e+00 : f32
        %parallel_loop3A_1652 = vector.broadcast %parallel_loop3A_1651 : f32 to vector<16xf32>
        %parallel_loop3A_1653 = arith.mulf %parallel_loop3A_1650, %parallel_loop3A_1652 : vector<16xf32>
        %parallel_loop3A_1654 = arith.constant 7 : i32
        %parallel_loop3A_1655 = arith.index_cast %parallel_loop3A_1654 : i32 to index
        %parallel_loop3A_1656 = arith.index_cast %parallel_loop3A_1644 : i32 to index
        %parallel_loop3A_1657 = arith.constant 0 : index
        %parallel_loop3A_1658 = tpu.vector_load %arg6[%parallel_loop3A_1655, %parallel_loop3A_1656, %parallel_loop3A_1657] {strides = array<i32>} : memref<8x128x64xf32, #tpu.memory_space<vmem>>, vector<1x1x16xf32>,
        %parallel_loop3A_1659 = vector.shape_cast %parallel_loop3A_1658 : vector<1x1x16xf32> to vector<16xf32>
        %parallel_loop3A_1660 = vector.shape_cast %parallel_loop3A_1653 : vector<16xf32> to vector<1x1x16xf32>
        tpu.vector_store %arg6[%parallel_loop3A_1655, %parallel_loop3A_1656, %parallel_loop3A_1657], %parallel_loop3A_1660 {strides = array<i32>} : memref<8x128x64xf32, #tpu.memory_space<vmem>>, vector<1x1x16xf32>,
        %parallel_loop3A_1661 = arith.constant 7 : i32
        %parallel_loop3A_1662 = arith.index_cast %parallel_loop3A_1661 : i32 to index
        %parallel_loop3A_1663 = arith.index_cast %parallel_loop3A_1644 : i32 to index
        %parallel_loop3A_1664 = arith.constant 16 : index
        %parallel_loop3A_1665 = tpu.vector_load %arg6[%parallel_loop3A_1662, %parallel_loop3A_1663, %parallel_loop3A_1664] {strides = array<i32>} : memref<8x128x64xf32, #tpu.memory_space<vmem>>, vector<1x1x16xf32>,
        %parallel_loop3A_1666 = vector.shape_cast %parallel_loop3A_1665 : vector<1x1x16xf32> to vector<16xf32>
        %parallel_loop3A_1667 = arith.constant 8.000000e+00 : f32
        %parallel_loop3A_1668 = vector.broadcast %parallel_loop3A_1667 : f32 to vector<16xf32>
        %parallel_loop3A_1669 = arith.mulf %parallel_loop3A_1666, %parallel_loop3A_1668 : vector<16xf32>
        %parallel_loop3A_1670 = arith.constant 7 : i32
        %parallel_loop3A_1671 = arith.index_cast %parallel_loop3A_1670 : i32 to index
        %parallel_loop3A_1672 = arith.index_cast %parallel_loop3A_1644 : i32 to index
        %parallel_loop3A_1673 = arith.constant 16 : index
        %parallel_loop3A_1674 = tpu.vector_load %arg6[%parallel_loop3A_1671, %parallel_loop3A_1672, %parallel_loop3A_1673] {strides = array<i32>} : memref<8x128x64xf32, #tpu.memory_space<vmem>>, vector<1x1x16xf32>,
        %parallel_loop3A_1675 = vector.shape_cast %parallel_loop3A_1674 : vector<1x1x16xf32> to vector<16xf32>
        %parallel_loop3A_1676 = vector.shape_cast %parallel_loop3A_1669 : vector<16xf32> to vector<1x1x16xf32>
        tpu.vector_store %arg6[%parallel_loop3A_1671, %parallel_loop3A_1672, %parallel_loop3A_1673], %parallel_loop3A_1676 {strides = array<i32>} : memref<8x128x64xf32, #tpu.memory_space<vmem>>, vector<1x1x16xf32>,
        %parallel_loop3A_1677 = arith.constant 7 : i32
        %parallel_loop3A_1678 = arith.index_cast %parallel_loop3A_1677 : i32 to index
        %parallel_loop3A_1679 = arith.index_cast %parallel_loop3A_1644 : i32 to index
        %parallel_loop3A_1680 = arith.constant 32 : index
        %parallel_loop3A_1681 = tpu.vector_load %arg6[%parallel_loop3A_1678, %parallel_loop3A_1679, %parallel_loop3A_1680] {strides = array<i32>} : memref<8x128x64xf32, #tpu.memory_space<vmem>>, vector<1x1x16xf32>,
        %parallel_loop3A_1682 = vector.shape_cast %parallel_loop3A_1681 : vector<1x1x16xf32> to vector<16xf32>
        %parallel_loop3A_1683 = arith.constant 8.000000e+00 : f32
        %parallel_loop3A_1684 = vector.broadcast %parallel_loop3A_1683 : f32 to vector<16xf32>
        %parallel_loop3A_1685 = arith.mulf %parallel_loop3A_1682, %parallel_loop3A_1684 : vector<16xf32>
        %parallel_loop3A_1686 = arith.constant 7 : i32
        %parallel_loop3A_1687 = arith.index_cast %parallel_loop3A_1686 : i32 to index
        %parallel_loop3A_1688 = arith.index_cast %parallel_loop3A_1644 : i32 to index
        %parallel_loop3A_1689 = arith.constant 32 : index
        %parallel_loop3A_1690 = tpu.vector_load %arg6[%parallel_loop3A_1687, %parallel_loop3A_1688, %parallel_loop3A_1689] {strides = array<i32>} : memref<8x128x64xf32, #tpu.memory_space<vmem>>, vector<1x1x16xf32>,
        %parallel_loop3A_1691 = vector.shape_cast %parallel_loop3A_1690 : vector<1x1x16xf32> to vector<16xf32>
        %parallel_loop3A_1692 = vector.shape_cast %parallel_loop3A_1685 : vector<16xf32> to vector<1x1x16xf32>
        tpu.vector_store %arg6[%parallel_loop3A_1687, %parallel_loop3A_1688, %parallel_loop3A_1689], %parallel_loop3A_1692 {strides = array<i32>} : memref<8x128x64xf32, #tpu.memory_space<vmem>>, vector<1x1x16xf32>,
        %parallel_loop3A_1693 = arith.constant 7 : i32
        %parallel_loop3A_1694 = arith.index_cast %parallel_loop3A_1693 : i32 to index
        %parallel_loop3A_1695 = arith.index_cast %parallel_loop3A_1644 : i32 to index
        %parallel_loop3A_1696 = arith.constant 48 : index
        %parallel_loop3A_1697 = tpu.vector_load %arg6[%parallel_loop3A_1694, %parallel_loop3A_1695, %parallel_loop3A_1696] {strides = array<i32>} : memref<8x128x64xf32, #tpu.memory_space<vmem>>, vector<1x1x16xf32>,
        %parallel_loop3A_1698 = vector.shape_cast %parallel_loop3A_1697 : vector<1x1x16xf32> to vector<16xf32>
        %parallel_loop3A_1699 = arith.constant 8.000000e+00 : f32
        %parallel_loop3A_1700 = vector.broadcast %parallel_loop3A_1699 : f32 to vector<16xf32>
        %parallel_loop3A_1701 = arith.mulf %parallel_loop3A_1698, %parallel_loop3A_1700 : vector<16xf32>
        %parallel_loop3A_1702 = arith.constant 7 : i32
        %parallel_loop3A_1703 = arith.index_cast %parallel_loop3A_1702 : i32 to index
        %parallel_loop3A_1704 = arith.index_cast %parallel_loop3A_1644 : i32 to index
        %parallel_loop3A_1705 = arith.constant 48 : index
        %parallel_loop3A_1706 = tpu.vector_load %arg6[%parallel_loop3A_1703, %parallel_loop3A_1704, %parallel_loop3A_1705] {strides = array<i32>} : memref<8x128x64xf32, #tpu.memory_space<vmem>>, vector<1x1x16xf32>,
        %parallel_loop3A_1707 = vector.shape_cast %parallel_loop3A_1706 : vector<1x1x16xf32> to vector<16xf32>
        %parallel_loop3A_1708 = vector.shape_cast %parallel_loop3A_1701 : vector<16xf32> to vector<1x1x16xf32>
        tpu.vector_store %arg6[%parallel_loop3A_1703, %parallel_loop3A_1704, %parallel_loop3A_1705], %parallel_loop3A_1708 {strides = array<i32>} : memref<8x128x64xf32, #tpu.memory_space<vmem>>, vector<1x1x16xf32>,
      } {sc.loop_unroll_factor = 4 : i64, sc.parallel_access}
      %dma_start3A_1583 = arith.constant 7 : i32
      %dma_start3A_1584 = arith.constant 0 : i32
      %dma_start3A_1585 = arith.constant 0 : i32
      %dma_start3A_1586 = tpu.memref_slice %arg6[%dma_start3A_1583, %dma_start3A_1584, %dma_start3A_1585] : memref<8x128x64xf32, #tpu.memory_space<vmem>> -> memref<1x128x64xf32, #tpu.memory_space<vmem>>
      %dma_start3A_1587 = tpu.memref_squeeze %dma_start3A_1586 : memref<1x128x64xf32, #tpu.memory_space<vmem>> -> memref<128x64xf32, #tpu.memory_space<vmem>>
      %dma_start3A_1588 = arith.constant 0 : i32
      %dma_start3A_1589 = tpu.memref_slice %arg4[%mul3A_2, %add3A_1566, %dma_start3A_1588] : memref<4096x200x128xf32, #tpu.memory_space<hbm>> -> memref<128x1x64xf32, #tpu.memory_space<hbm>>
      %dma_start3A_1590 = tpu.memref_squeeze %dma_start3A_1589 : memref<128x1x64xf32, #tpu.memory_space<hbm>> -> memref<128x64xf32, #tpu.memory_space<hbm>>
      %dma_start3A_1591 = arith.constant 0 : i32
      %dma_start3A_1592 = tpu.memref_slice %arg4[%mul3A_2, %add3A_1566, %dma_start3A_1591] : memref<4096x200x128xf32, #tpu.memory_space<hbm>> -> memref<128x1x64xf32, #tpu.memory_space<hbm>>
      %dma_start3A_1593 = tpu.memref_squeeze %dma_start3A_1592 : memref<128x1x64xf32, #tpu.memory_space<hbm>> -> memref<128x64xf32, #tpu.memory_space<hbm>>
      %dma_start3A_1594 = arith.constant 0 : i32
      %dma_start3A_1595 = arith.constant 0 : i32
      %dma_start3A_1596 = tpu.memref_slice %arg6[%dma_start3A_1583, %dma_start3A_1594, %dma_start3A_1595] : memref<8x128x64xf32, #tpu.memory_space<vmem>> -> memref<1x128x64xf32, #tpu.memory_space<vmem>>
      %dma_start3A_1597 = tpu.memref_squeeze %dma_start3A_1596 : memref<1x128x64xf32, #tpu.memory_space<vmem>> -> memref<128x64xf32, #tpu.memory_space<vmem>>
      tpu.enqueue_dma source(%dma_start3A_1597 : memref<128x64xf32, #tpu.memory_space<vmem>>) target(%dma_start3A_1593 : memref<128x64xf32, #tpu.memory_space<hbm>>) target_semaphore(%arg8 : memref<!tpu.dma_semaphore, #tpu.memory_space<semaphore_mem>>)
      %dma_wait3A_1598 = arith.constant 0 : i32
      %dma_wait3A_1599 = arith.constant 0 : i32
      %dma_wait3A_1600 = arith.constant 0 : i32
      %dma_wait3A_1601 = arith.constant 0 : i32
      %dma_wait3A_1602 = tpu.memref_slice %arg6[%dma_wait3A_1598, %dma_wait3A_1600, %dma_wait3A_1601] : memref<8x128x64xf32, #tpu.memory_space<vmem>> -> memref<1x128x64xf32, #tpu.memory_space<vmem>>
      %dma_wait3A_1603 = tpu.memref_squeeze %dma_wait3A_1602 : memref<1x128x64xf32, #tpu.memory_space<vmem>> -> memref<128x64xf32, #tpu.memory_space<vmem>>
      %dma_wait3A_1604 = arith.constant 0 : i32
      %dma_wait3A_1605 = tpu.memref_slice %arg4[%mul3A_2, %dma_wait3A_1599, %dma_wait3A_1604] : memref<4096x200x128xf32, #tpu.memory_space<hbm>> -> memref<128x1x64xf32, #tpu.memory_space<hbm>>
      %dma_wait3A_1606 = tpu.memref_squeeze %dma_wait3A_1605 : memref<128x1x64xf32, #tpu.memory_space<hbm>> -> memref<128x64xf32, #tpu.memory_space<hbm>>
      %dma_wait3A_1607 = arith.constant 0 : i32
      %dma_wait3A_1608 = tpu.memref_slice %arg4[%mul3A_2, %dma_wait3A_1599, %dma_wait3A_1607] : memref<4096x200x128xf32, #tpu.memory_space<hbm>> -> memref<128x1x64xf32, #tpu.memory_space<hbm>>
      %dma_wait3A_1609 = tpu.memref_squeeze %dma_wait3A_1608 : memref<128x1x64xf32, #tpu.memory_space<hbm>> -> memref<128x64xf32, #tpu.memory_space<hbm>>
      %dma_wait3A_1610 = arith.constant 0 : i32
      %dma_wait3A_1611 = arith.constant 0 : i32
      %dma_wait3A_1612 = tpu.memref_slice %arg6[%dma_wait3A_1598, %dma_wait3A_1610, %dma_wait3A_1611] : memref<8x128x64xf32, #tpu.memory_space<vmem>> -> memref<1x128x64xf32, #tpu.memory_space<vmem>>
      %dma_wait3A_1613 = tpu.memref_squeeze %dma_wait3A_1612 : memref<1x128x64xf32, #tpu.memory_space<vmem>> -> memref<128x64xf32, #tpu.memory_space<vmem>>
      tpu.wait_dma2 semaphore(%arg8 : memref<!tpu.dma_semaphore, #tpu.memory_space<semaphore_mem>>) src(%dma_wait3A_1613 : memref<128x64xf32, #tpu.memory_space<vmem>>) dst(%dma_wait3A_1609 : memref<128x64xf32, #tpu.memory_space<hbm>>)
      %add3A_1614 = arith.constant 1 : i32
      %add3A_1615 = arith.addi %scan3A_982, %add3A_1614 : i32
      %jit3A_1616 = arith.constant 2 : i32
      %eq3A_1617 = arith.constant 0 : i32
      %eq3A_1618 = arith.cmpi eq, %jit3A_1616, %eq3A_1617 : i32
      %jit3A_1619 = arith.constant 1 : i32
      %select_n3A_1620 = arith.select %eq3A_1618, %jit3A_1619, %jit3A_1616 : i32
      %rem3A_1621 = arith.remsi %add3A_1615, %select_n3A_1620 : i32
      %ne3A_1622 = arith.constant 0 : i32
      %ne3A_1623 = arith.cmpi ne, %rem3A_1621, %ne3A_1622 : i32
      %lt3A_1624 = arith.constant 0 : i32
      %lt3A_1625 = arith.cmpi slt, %rem3A_1621, %lt3A_1624 : i32
      %lt3A_1626 = arith.constant 0 : i32
      %lt3A_1627 = arith.cmpi slt, %select_n3A_1620, %lt3A_1626 : i32
      %ne3A_1628 = arith.xori %lt3A_1625, %lt3A_1627 : i1
      %and3A_1629 = arith.andi %ne3A_1628, %ne3A_1623 : i1
      %add3A_1630 = arith.addi %rem3A_1621, %select_n3A_1620 : i32
      %select_n3A_1631 = arith.select %and3A_1629, %add3A_1630, %rem3A_1621 : i32
      %dma_start3A_1632 = arith.constant 3 : i32
      %dma_start3A_1633 = arith.constant 3 : i32
      %dma_start3A_1634 = arith.constant 0 : i32
      %dma_start3A_1635 = arith.constant 0 : i32
      %dma_start3A_1636 = tpu.memref_slice %arg6[%dma_start3A_1633, %dma_start3A_1634, %dma_start3A_1635] : memref<8x128x64xf32, #tpu.memory_space<vmem>> -> memref<1x128x64xf32, #tpu.memory_space<vmem>>
      %dma_start3A_1637 = tpu.memref_squeeze %dma_start3A_1636 : memref<1x128x64xf32, #tpu.memory_space<vmem>> -> memref<128x64xf32, #tpu.memory_space<vmem>>
      %dma_start3A_1638 = arith.constant 0 : i32
      %dma_start3A_1639 = tpu.memref_slice %arg5[%select_n3A_1631, %dma_start3A_1632, %dma_start3A_1638] : memref<2x8x128xi32, #tpu.memory_space<vmem>> -> memref<1x1x128xi32, #tpu.memory_space<vmem>>
      %dma_start3A_1640 = tpu.memref_squeeze %dma_start3A_1639 : memref<1x1x128xi32, #tpu.memory_space<vmem>> -> memref<128xi32, #tpu.memory_space<vmem>>
      %dma_start3A_1641 = arith.constant 0 : i32
      %dma_start3A_1642 = arith.constant 0 : i32
      %dma_start3A_1643 = tpu.memref_slice %arg3[%dma_start3A_1641, %dma_start3A_1642] : memref<1000000x64xf32, #tpu.memory_space<hbm>> -> memref<1000000x64xf32, #tpu.memory_space<hbm>>
      tpu.enqueue_indirect_dma source(%dma_start3A_1643 : memref<1000000x64xf32, #tpu.memory_space<hbm>>) target(%dma_start3A_1637 : memref<128x64xf32, #tpu.memory_space<vmem>>) offsets(%dma_start3A_1640 : memref<128xi32, #tpu.memory_space<vmem>>) semaphore(%arg7 : memref<!tpu.dma_semaphore, #tpu.memory_space<semaphore_mem>>)
    }
    %scan3A_481 = arith.constant 23 : i32
    %dma_wait3A_482 = arith.constant 0 : i32
    %dma_wait3A_483 = arith.constant 0 : i32
    %dma_wait3A_484 = arith.constant 0 : i32
    %dma_wait3A_485 = arith.constant 0 : i32
    %dma_wait3A_486 = arith.constant 0 : i32
    %dma_wait3A_487 = tpu.memref_slice %arg6[%dma_wait3A_484, %dma_wait3A_485, %dma_wait3A_486] : memref<8x128x64xf32, #tpu.memory_space<vmem>> -> memref<1x128x64xf32, #tpu.memory_space<vmem>>
    %dma_wait3A_488 = tpu.memref_squeeze %dma_wait3A_487 : memref<1x128x64xf32, #tpu.memory_space<vmem>> -> memref<128x64xf32, #tpu.memory_space<vmem>>
    %dma_wait3A_489 = arith.constant 0 : i32
    %dma_wait3A_490 = tpu.memref_slice %arg5[%dma_wait3A_482, %dma_wait3A_483, %dma_wait3A_489] : memref<2x8x128xi32, #tpu.memory_space<vmem>> -> memref<1x1x128xi32, #tpu.memory_space<vmem>>
    %dma_wait3A_491 = tpu.memref_squeeze %dma_wait3A_490 : memref<1x1x128xi32, #tpu.memory_space<vmem>> -> memref<128xi32, #tpu.memory_space<vmem>>
    %dma_wait3A_492 = arith.constant 0 : i32
    %dma_wait3A_493 = arith.constant 0 : i32
    %dma_wait3A_494 = tpu.memref_slice %arg3[%dma_wait3A_492, %dma_wait3A_493] : memref<1000000x64xf32, #tpu.memory_space<hbm>> -> memref<1000000x64xf32, #tpu.memory_space<hbm>>
    tpu.wait_indirect_dma semaphore(%arg7 : memref<!tpu.dma_semaphore, #tpu.memory_space<semaphore_mem>>) src(%dma_wait3A_494 : memref<1000000x64xf32, #tpu.memory_space<hbm>>) dst(%dma_wait3A_488 : memref<128x64xf32, #tpu.memory_space<vmem>>)
    %parallel_loop3A_495 = arith.constant 0 : i32
    %parallel_loop3A_496 = arith.constant 128 : i32
    %parallel_loop3A_497 = arith.constant 1 : i32
    scf.for %parallel_loop3A_982 = %parallel_loop3A_495 to %parallel_loop3A_496 step %parallel_loop3A_497  : i32 {
      %parallel_loop3A_983 = arith.constant 0 : i32
      %parallel_loop3A_984 = arith.index_cast %parallel_loop3A_983 : i32 to index
      %parallel_loop3A_985 = arith.index_cast %parallel_loop3A_982 : i32 to index
      %parallel_loop3A_986 = arith.constant 0 : index
      %parallel_loop3A_987 = tpu.vector_load %arg6[%parallel_loop3A_984, %parallel_loop3A_985, %parallel_loop3A_986] {strides = array<i32>} : memref<8x128x64xf32, #tpu.memory_space<vmem>>, vector<1x1x16xf32>,
      %parallel_loop3A_988 = vector.shape_cast %parallel_loop3A_987 : vector<1x1x16xf32> to vector<16xf32>
      %parallel_loop3A_989 = arith.constant 8.000000e+00 : f32
      %parallel_loop3A_990 = vector.broadcast %parallel_loop3A_989 : f32 to vector<16xf32>
      %parallel_loop3A_991 = arith.mulf %parallel_loop3A_988, %parallel_loop3A_990 : vector<16xf32>
      %parallel_loop3A_992 = arith.constant 0 : i32
      %parallel_loop3A_993 = arith.index_cast %parallel_loop3A_992 : i32 to index
      %parallel_loop3A_994 = arith.index_cast %parallel_loop3A_982 : i32 to index
      %parallel_loop3A_995 = arith.constant 0 : index
      %parallel_loop3A_996 = tpu.vector_load %arg6[%parallel_loop3A_993, %parallel_loop3A_994, %parallel_loop3A_995] {strides = array<i32>} : memref<8x128x64xf32, #tpu.memory_space<vmem>>, vector<1x1x16xf32>,
      %parallel_loop3A_997 = vector.shape_cast %parallel_loop3A_996 : vector<1x1x16xf32> to vector<16xf32>
      %parallel_loop3A_998 = vector.shape_cast %parallel_loop3A_991 : vector<16xf32> to vector<1x1x16xf32>
      tpu.vector_store %arg6[%parallel_loop3A_993, %parallel_loop3A_994, %parallel_loop3A_995], %parallel_loop3A_998 {strides = array<i32>} : memref<8x128x64xf32, #tpu.memory_space<vmem>>, vector<1x1x16xf32>,
      %parallel_loop3A_999 = arith.constant 0 : i32
      %parallel_loop3A_1000 = arith.index_cast %parallel_loop3A_999 : i32 to index
      %parallel_loop3A_1001 = arith.index_cast %parallel_loop3A_982 : i32 to index
      %parallel_loop3A_1002 = arith.constant 16 : index
      %parallel_loop3A_1003 = tpu.vector_load %arg6[%parallel_loop3A_1000, %parallel_loop3A_1001, %parallel_loop3A_1002] {strides = array<i32>} : memref<8x128x64xf32, #tpu.memory_space<vmem>>, vector<1x1x16xf32>,
      %parallel_loop3A_1004 = vector.shape_cast %parallel_loop3A_1003 : vector<1x1x16xf32> to vector<16xf32>
      %parallel_loop3A_1005 = arith.constant 8.000000e+00 : f32
      %parallel_loop3A_1006 = vector.broadcast %parallel_loop3A_1005 : f32 to vector<16xf32>
      %parallel_loop3A_1007 = arith.mulf %parallel_loop3A_1004, %parallel_loop3A_1006 : vector<16xf32>
      %parallel_loop3A_1008 = arith.constant 0 : i32
      %parallel_loop3A_1009 = arith.index_cast %parallel_loop3A_1008 : i32 to index
      %parallel_loop3A_1010 = arith.index_cast %parallel_loop3A_982 : i32 to index
      %parallel_loop3A_1011 = arith.constant 16 : index
      %parallel_loop3A_1012 = tpu.vector_load %arg6[%parallel_loop3A_1009, %parallel_loop3A_1010, %parallel_loop3A_1011] {strides = array<i32>} : memref<8x128x64xf32, #tpu.memory_space<vmem>>, vector<1x1x16xf32>,
      %parallel_loop3A_1013 = vector.shape_cast %parallel_loop3A_1012 : vector<1x1x16xf32> to vector<16xf32>
      %parallel_loop3A_1014 = vector.shape_cast %parallel_loop3A_1007 : vector<16xf32> to vector<1x1x16xf32>
      tpu.vector_store %arg6[%parallel_loop3A_1009, %parallel_loop3A_1010, %parallel_loop3A_1011], %parallel_loop3A_1014 {strides = array<i32>} : memref<8x128x64xf32, #tpu.memory_space<vmem>>, vector<1x1x16xf32>,
      %parallel_loop3A_1015 = arith.constant 0 : i32
      %parallel_loop3A_1016 = arith.index_cast %parallel_loop3A_1015 : i32 to index
      %parallel_loop3A_1017 = arith.index_cast %parallel_loop3A_982 : i32 to index
      %parallel_loop3A_1018 = arith.constant 32 : index
      %parallel_loop3A_1019 = tpu.vector_load %arg6[%parallel_loop3A_1016, %parallel_loop3A_1017, %parallel_loop3A_1018] {strides = array<i32>} : memref<8x128x64xf32, #tpu.memory_space<vmem>>, vector<1x1x16xf32>,
      %parallel_loop3A_1020 = vector.shape_cast %parallel_loop3A_1019 : vector<1x1x16xf32> to vector<16xf32>
      %parallel_loop3A_1021 = arith.constant 8.000000e+00 : f32
      %parallel_loop3A_1022 = vector.broadcast %parallel_loop3A_1021 : f32 to vector<16xf32>
      %parallel_loop3A_1023 = arith.mulf %parallel_loop3A_1020, %parallel_loop3A_1022 : vector<16xf32>
      %parallel_loop3A_1024 = arith.constant 0 : i32
      %parallel_loop3A_1025 = arith.index_cast %parallel_loop3A_1024 : i32 to index
      %parallel_loop3A_1026 = arith.index_cast %parallel_loop3A_982 : i32 to index
      %parallel_loop3A_1027 = arith.constant 32 : index
      %parallel_loop3A_1028 = tpu.vector_load %arg6[%parallel_loop3A_1025, %parallel_loop3A_1026, %parallel_loop3A_1027] {strides = array<i32>} : memref<8x128x64xf32, #tpu.memory_space<vmem>>, vector<1x1x16xf32>,
      %parallel_loop3A_1029 = vector.shape_cast %parallel_loop3A_1028 : vector<1x1x16xf32> to vector<16xf32>
      %parallel_loop3A_1030 = vector.shape_cast %parallel_loop3A_1023 : vector<16xf32> to vector<1x1x16xf32>
      tpu.vector_store %arg6[%parallel_loop3A_1025, %parallel_loop3A_1026, %parallel_loop3A_1027], %parallel_loop3A_1030 {strides = array<i32>} : memref<8x128x64xf32, #tpu.memory_space<vmem>>, vector<1x1x16xf32>,
      %parallel_loop3A_1031 = arith.constant 0 : i32
      %parallel_loop3A_1032 = arith.index_cast %parallel_loop3A_1031 : i32 to index
      %parallel_loop3A_1033 = arith.index_cast %parallel_loop3A_982 : i32 to index
      %parallel_loop3A_1034 = arith.constant 48 : index
      %parallel_loop3A_1035 = tpu.vector_load %arg6[%parallel_loop3A_1032, %parallel_loop3A_1033, %parallel_loop3A_1034] {strides = array<i32>} : memref<8x128x64xf32, #tpu.memory_space<vmem>>, vector<1x1x16xf32>,
      %parallel_loop3A_1036 = vector.shape_cast %parallel_loop3A_1035 : vector<1x1x16xf32> to vector<16xf32>
      %parallel_loop3A_1037 = arith.constant 8.000000e+00 : f32
      %parallel_loop3A_1038 = vector.broadcast %parallel_loop3A_1037 : f32 to vector<16xf32>
      %parallel_loop3A_1039 = arith.mulf %parallel_loop3A_1036, %parallel_loop3A_1038 : vector<16xf32>
      %parallel_loop3A_1040 = arith.constant 0 : i32
      %parallel_loop3A_1041 = arith.index_cast %parallel_loop3A_1040 : i32 to index
      %parallel_loop3A_1042 = arith.index_cast %parallel_loop3A_982 : i32 to index
      %parallel_loop3A_1043 = arith.constant 48 : index
      %parallel_loop3A_1044 = tpu.vector_load %arg6[%parallel_loop3A_1041, %parallel_loop3A_1042, %parallel_loop3A_1043] {strides = array<i32>} : memref<8x128x64xf32, #tpu.memory_space<vmem>>, vector<1x1x16xf32>,
      %parallel_loop3A_1045 = vector.shape_cast %parallel_loop3A_1044 : vector<1x1x16xf32> to vector<16xf32>
      %parallel_loop3A_1046 = vector.shape_cast %parallel_loop3A_1039 : vector<16xf32> to vector<1x1x16xf32>
      tpu.vector_store %arg6[%parallel_loop3A_1041, %parallel_loop3A_1042, %parallel_loop3A_1043], %parallel_loop3A_1046 {strides = array<i32>} : memref<8x128x64xf32, #tpu.memory_space<vmem>>, vector<1x1x16xf32>,
    } {sc.loop_unroll_factor = 4 : i64, sc.parallel_access}
    %dma_start3A_498 = arith.constant 0 : i32
    %dma_start3A_499 = arith.constant 192 : i32
    %dma_start3A_500 = arith.constant 0 : i32
    %dma_start3A_501 = arith.constant 0 : i32
    %dma_start3A_502 = tpu.memref_slice %arg6[%dma_start3A_498, %dma_start3A_500, %dma_start3A_501] : memref<8x128x64xf32, #tpu.memory_space<vmem>> -> memref<1x128x64xf32, #tpu.memory_space<vmem>>
    %dma_start3A_503 = tpu.memref_squeeze %dma_start3A_502 : memref<1x128x64xf32, #tpu.memory_space<vmem>> -> memref<128x64xf32, #tpu.memory_space<vmem>>
    %dma_start3A_504 = arith.constant 0 : i32
    %dma_start3A_505 = tpu.memref_slice %arg4[%mul3A_2, %dma_start3A_499, %dma_start3A_504] : memref<4096x200x128xf32, #tpu.memory_space<hbm>> -> memref<128x1x64xf32, #tpu.memory_space<hbm>>
    %dma_start3A_506 = tpu.memref_squeeze %dma_start3A_505 : memref<128x1x64xf32, #tpu.memory_space<hbm>> -> memref<128x64xf32, #tpu.memory_space<hbm>>
    %dma_start3A_507 = arith.constant 0 : i32
    %dma_start3A_508 = tpu.memref_slice %arg4[%mul3A_2, %dma_start3A_499, %dma_start3A_507] : memref<4096x200x128xf32, #tpu.memory_space<hbm>> -> memref<128x1x64xf32, #tpu.memory_space<hbm>>
    %dma_start3A_509 = tpu.memref_squeeze %dma_start3A_508 : memref<128x1x64xf32, #tpu.memory_space<hbm>> -> memref<128x64xf32, #tpu.memory_space<hbm>>
    %dma_start3A_510 = arith.constant 0 : i32
    %dma_start3A_511 = arith.constant 0 : i32
    %dma_start3A_512 = tpu.memref_slice %arg6[%dma_start3A_498, %dma_start3A_510, %dma_start3A_511] : memref<8x128x64xf32, #tpu.memory_space<vmem>> -> memref<1x128x64xf32, #tpu.memory_space<vmem>>
    %dma_start3A_513 = tpu.memref_squeeze %dma_start3A_512 : memref<1x128x64xf32, #tpu.memory_space<vmem>> -> memref<128x64xf32, #tpu.memory_space<vmem>>
    tpu.enqueue_dma source(%dma_start3A_513 : memref<128x64xf32, #tpu.memory_space<vmem>>) target(%dma_start3A_509 : memref<128x64xf32, #tpu.memory_space<hbm>>) target_semaphore(%arg8 : memref<!tpu.dma_semaphore, #tpu.memory_space<semaphore_mem>>)
    %dma_wait3A_514 = arith.constant 0 : i32
    %dma_wait3A_515 = arith.constant 0 : i32
    %dma_wait3A_516 = arith.constant 0 : i32
    %dma_wait3A_517 = arith.constant 0 : i32
    %dma_wait3A_518 = tpu.memref_slice %arg6[%dma_wait3A_514, %dma_wait3A_516, %dma_wait3A_517] : memref<8x128x64xf32, #tpu.memory_space<vmem>> -> memref<1x128x64xf32, #tpu.memory_space<vmem>>
    %dma_wait3A_519 = tpu.memref_squeeze %dma_wait3A_518 : memref<1x128x64xf32, #tpu.memory_space<vmem>> -> memref<128x64xf32, #tpu.memory_space<vmem>>
    %dma_wait3A_520 = arith.constant 0 : i32
    %dma_wait3A_521 = tpu.memref_slice %arg4[%mul3A_2, %dma_wait3A_515, %dma_wait3A_520] : memref<4096x200x128xf32, #tpu.memory_space<hbm>> -> memref<128x1x64xf32, #tpu.memory_space<hbm>>
    %dma_wait3A_522 = tpu.memref_squeeze %dma_wait3A_521 : memref<128x1x64xf32, #tpu.memory_space<hbm>> -> memref<128x64xf32, #tpu.memory_space<hbm>>
    %dma_wait3A_523 = arith.constant 0 : i32
    %dma_wait3A_524 = tpu.memref_slice %arg4[%mul3A_2, %dma_wait3A_515, %dma_wait3A_523] : memref<4096x200x128xf32, #tpu.memory_space<hbm>> -> memref<128x1x64xf32, #tpu.memory_space<hbm>>
    %dma_wait3A_525 = tpu.memref_squeeze %dma_wait3A_524 : memref<128x1x64xf32, #tpu.memory_space<hbm>> -> memref<128x64xf32, #tpu.memory_space<hbm>>
    %dma_wait3A_526 = arith.constant 0 : i32
    %dma_wait3A_527 = arith.constant 0 : i32
    %dma_wait3A_528 = tpu.memref_slice %arg6[%dma_wait3A_514, %dma_wait3A_526, %dma_wait3A_527] : memref<8x128x64xf32, #tpu.memory_space<vmem>> -> memref<1x128x64xf32, #tpu.memory_space<vmem>>
    %dma_wait3A_529 = tpu.memref_squeeze %dma_wait3A_528 : memref<1x128x64xf32, #tpu.memory_space<vmem>> -> memref<128x64xf32, #tpu.memory_space<vmem>>
    tpu.wait_dma2 semaphore(%arg8 : memref<!tpu.dma_semaphore, #tpu.memory_space<semaphore_mem>>) src(%dma_wait3A_529 : memref<128x64xf32, #tpu.memory_space<vmem>>) dst(%dma_wait3A_525 : memref<128x64xf32, #tpu.memory_space<hbm>>)
    %dma_start3A_530 = arith.constant 0 : i32
    %dma_start3A_531 = arith.constant 4 : i32
    %dma_start3A_532 = arith.constant 4 : i32
    %dma_start3A_533 = arith.constant 0 : i32
    %dma_start3A_534 = arith.constant 0 : i32
    %dma_start3A_535 = tpu.memref_slice %arg6[%dma_start3A_532, %dma_start3A_533, %dma_start3A_534] : memref<8x128x64xf32, #tpu.memory_space<vmem>> -> memref<1x128x64xf32, #tpu.memory_space<vmem>>
    %dma_start3A_536 = tpu.memref_squeeze %dma_start3A_535 : memref<1x128x64xf32, #tpu.memory_space<vmem>> -> memref<128x64xf32, #tpu.memory_space<vmem>>
    %dma_start3A_537 = arith.constant 0 : i32
    %dma_start3A_538 = tpu.memref_slice %arg5[%dma_start3A_530, %dma_start3A_531, %dma_start3A_537] : memref<2x8x128xi32, #tpu.memory_space<vmem>> -> memref<1x1x128xi32, #tpu.memory_space<vmem>>
    %dma_start3A_539 = tpu.memref_squeeze %dma_start3A_538 : memref<1x1x128xi32, #tpu.memory_space<vmem>> -> memref<128xi32, #tpu.memory_space<vmem>>
    %dma_start3A_540 = arith.constant 0 : i32
    %dma_start3A_541 = arith.constant 0 : i32
    %dma_start3A_542 = tpu.memref_slice %arg3[%dma_start3A_540, %dma_start3A_541] : memref<1000000x64xf32, #tpu.memory_space<hbm>> -> memref<1000000x64xf32, #tpu.memory_space<hbm>>
    tpu.enqueue_indirect_dma source(%dma_start3A_542 : memref<1000000x64xf32, #tpu.memory_space<hbm>>) target(%dma_start3A_536 : memref<128x64xf32, #tpu.memory_space<vmem>>) offsets(%dma_start3A_539 : memref<128xi32, #tpu.memory_space<vmem>>) semaphore(%arg7 : memref<!tpu.dma_semaphore, #tpu.memory_space<semaphore_mem>>)
    %dma_wait3A_543 = arith.constant 0 : i32
    %dma_wait3A_544 = arith.constant 0 : i32
    %dma_wait3A_545 = arith.constant 1 : i32
    %dma_wait3A_546 = arith.constant 0 : i32
    %dma_wait3A_547 = arith.constant 0 : i32
    %dma_wait3A_548 = tpu.memref_slice %arg6[%dma_wait3A_545, %dma_wait3A_546, %dma_wait3A_547] : memref<8x128x64xf32, #tpu.memory_space<vmem>> -> memref<1x128x64xf32, #tpu.memory_space<vmem>>
    %dma_wait3A_549 = tpu.memref_squeeze %dma_wait3A_548 : memref<1x128x64xf32, #tpu.memory_space<vmem>> -> memref<128x64xf32, #tpu.memory_space<vmem>>
    %dma_wait3A_550 = arith.constant 0 : i32
    %dma_wait3A_551 = tpu.memref_slice %arg5[%dma_wait3A_543, %dma_wait3A_544, %dma_wait3A_550] : memref<2x8x128xi32, #tpu.memory_space<vmem>> -> memref<1x1x128xi32, #tpu.memory_space<vmem>>
    %dma_wait3A_552 = tpu.memref_squeeze %dma_wait3A_551 : memref<1x1x128xi32, #tpu.memory_space<vmem>> -> memref<128xi32, #tpu.memory_space<vmem>>
    %dma_wait3A_553 = arith.constant 0 : i32
    %dma_wait3A_554 = arith.constant 0 : i32
    %dma_wait3A_555 = tpu.memref_slice %arg3[%dma_wait3A_553, %dma_wait3A_554] : memref<1000000x64xf32, #tpu.memory_space<hbm>> -> memref<1000000x64xf32, #tpu.memory_space<hbm>>
    tpu.wait_indirect_dma semaphore(%arg7 : memref<!tpu.dma_semaphore, #tpu.memory_space<semaphore_mem>>) src(%dma_wait3A_555 : memref<1000000x64xf32, #tpu.memory_space<hbm>>) dst(%dma_wait3A_549 : memref<128x64xf32, #tpu.memory_space<vmem>>)
    %parallel_loop3A_556 = arith.constant 0 : i32
    %parallel_loop3A_557 = arith.constant 128 : i32
    %parallel_loop3A_558 = arith.constant 1 : i32
    scf.for %parallel_loop3A_982 = %parallel_loop3A_556 to %parallel_loop3A_557 step %parallel_loop3A_558  : i32 {
      %parallel_loop3A_983 = arith.constant 1 : i32
      %parallel_loop3A_984 = arith.index_cast %parallel_loop3A_983 : i32 to index
      %parallel_loop3A_985 = arith.index_cast %parallel_loop3A_982 : i32 to index
      %parallel_loop3A_986 = arith.constant 0 : index
      %parallel_loop3A_987 = tpu.vector_load %arg6[%parallel_loop3A_984, %parallel_loop3A_985, %parallel_loop3A_986] {strides = array<i32>} : memref<8x128x64xf32, #tpu.memory_space<vmem>>, vector<1x1x16xf32>,
      %parallel_loop3A_988 = vector.shape_cast %parallel_loop3A_987 : vector<1x1x16xf32> to vector<16xf32>
      %parallel_loop3A_989 = arith.constant 8.000000e+00 : f32
      %parallel_loop3A_990 = vector.broadcast %parallel_loop3A_989 : f32 to vector<16xf32>
      %parallel_loop3A_991 = arith.mulf %parallel_loop3A_988, %parallel_loop3A_990 : vector<16xf32>
      %parallel_loop3A_992 = arith.constant 1 : i32
      %parallel_loop3A_993 = arith.index_cast %parallel_loop3A_992 : i32 to index
      %parallel_loop3A_994 = arith.index_cast %parallel_loop3A_982 : i32 to index
      %parallel_loop3A_995 = arith.constant 0 : index
      %parallel_loop3A_996 = tpu.vector_load %arg6[%parallel_loop3A_993, %parallel_loop3A_994, %parallel_loop3A_995] {strides = array<i32>} : memref<8x128x64xf32, #tpu.memory_space<vmem>>, vector<1x1x16xf32>,
      %parallel_loop3A_997 = vector.shape_cast %parallel_loop3A_996 : vector<1x1x16xf32> to vector<16xf32>
      %parallel_loop3A_998 = vector.shape_cast %parallel_loop3A_991 : vector<16xf32> to vector<1x1x16xf32>
      tpu.vector_store %arg6[%parallel_loop3A_993, %parallel_loop3A_994, %parallel_loop3A_995], %parallel_loop3A_998 {strides = array<i32>} : memref<8x128x64xf32, #tpu.memory_space<vmem>>, vector<1x1x16xf32>,
      %parallel_loop3A_999 = arith.constant 1 : i32
      %parallel_loop3A_1000 = arith.index_cast %parallel_loop3A_999 : i32 to index
      %parallel_loop3A_1001 = arith.index_cast %parallel_loop3A_982 : i32 to index
      %parallel_loop3A_1002 = arith.constant 16 : index
      %parallel_loop3A_1003 = tpu.vector_load %arg6[%parallel_loop3A_1000, %parallel_loop3A_1001, %parallel_loop3A_1002] {strides = array<i32>} : memref<8x128x64xf32, #tpu.memory_space<vmem>>, vector<1x1x16xf32>,
      %parallel_loop3A_1004 = vector.shape_cast %parallel_loop3A_1003 : vector<1x1x16xf32> to vector<16xf32>
      %parallel_loop3A_1005 = arith.constant 8.000000e+00 : f32
      %parallel_loop3A_1006 = vector.broadcast %parallel_loop3A_1005 : f32 to vector<16xf32>
      %parallel_loop3A_1007 = arith.mulf %parallel_loop3A_1004, %parallel_loop3A_1006 : vector<16xf32>
      %parallel_loop3A_1008 = arith.constant 1 : i32
      %parallel_loop3A_1009 = arith.index_cast %parallel_loop3A_1008 : i32 to index
      %parallel_loop3A_1010 = arith.index_cast %parallel_loop3A_982 : i32 to index
      %parallel_loop3A_1011 = arith.constant 16 : index
      %parallel_loop3A_1012 = tpu.vector_load %arg6[%parallel_loop3A_1009, %parallel_loop3A_1010, %parallel_loop3A_1011] {strides = array<i32>} : memref<8x128x64xf32, #tpu.memory_space<vmem>>, vector<1x1x16xf32>,
      %parallel_loop3A_1013 = vector.shape_cast %parallel_loop3A_1012 : vector<1x1x16xf32> to vector<16xf32>
      %parallel_loop3A_1014 = vector.shape_cast %parallel_loop3A_1007 : vector<16xf32> to vector<1x1x16xf32>
      tpu.vector_store %arg6[%parallel_loop3A_1009, %parallel_loop3A_1010, %parallel_loop3A_1011], %parallel_loop3A_1014 {strides = array<i32>} : memref<8x128x64xf32, #tpu.memory_space<vmem>>, vector<1x1x16xf32>,
      %parallel_loop3A_1015 = arith.constant 1 : i32
      %parallel_loop3A_1016 = arith.index_cast %parallel_loop3A_1015 : i32 to index
      %parallel_loop3A_1017 = arith.index_cast %parallel_loop3A_982 : i32 to index
      %parallel_loop3A_1018 = arith.constant 32 : index
      %parallel_loop3A_1019 = tpu.vector_load %arg6[%parallel_loop3A_1016, %parallel_loop3A_1017, %parallel_loop3A_1018] {strides = array<i32>} : memref<8x128x64xf32, #tpu.memory_space<vmem>>, vector<1x1x16xf32>,
      %parallel_loop3A_1020 = vector.shape_cast %parallel_loop3A_1019 : vector<1x1x16xf32> to vector<16xf32>
      %parallel_loop3A_1021 = arith.constant 8.000000e+00 : f32
      %parallel_loop3A_1022 = vector.broadcast %parallel_loop3A_1021 : f32 to vector<16xf32>
      %parallel_loop3A_1023 = arith.mulf %parallel_loop3A_1020, %parallel_loop3A_1022 : vector<16xf32>
      %parallel_loop3A_1024 = arith.constant 1 : i32
      %parallel_loop3A_1025 = arith.index_cast %parallel_loop3A_1024 : i32 to index
      %parallel_loop3A_1026 = arith.index_cast %parallel_loop3A_982 : i32 to index
      %parallel_loop3A_1027 = arith.constant 32 : index
      %parallel_loop3A_1028 = tpu.vector_load %arg6[%parallel_loop3A_1025, %parallel_loop3A_1026, %parallel_loop3A_1027] {strides = array<i32>} : memref<8x128x64xf32, #tpu.memory_space<vmem>>, vector<1x1x16xf32>,
      %parallel_loop3A_1029 = vector.shape_cast %parallel_loop3A_1028 : vector<1x1x16xf32> to vector<16xf32>
      %parallel_loop3A_1030 = vector.shape_cast %parallel_loop3A_1023 : vector<16xf32> to vector<1x1x16xf32>
      tpu.vector_store %arg6[%parallel_loop3A_1025, %parallel_loop3A_1026, %parallel_loop3A_1027], %parallel_loop3A_1030 {strides = array<i32>} : memref<8x128x64xf32, #tpu.memory_space<vmem>>, vector<1x1x16xf32>,
      %parallel_loop3A_1031 = arith.constant 1 : i32
      %parallel_loop3A_1032 = arith.index_cast %parallel_loop3A_1031 : i32 to index
      %parallel_loop3A_1033 = arith.index_cast %parallel_loop3A_982 : i32 to index
      %parallel_loop3A_1034 = arith.constant 48 : index
      %parallel_loop3A_1035 = tpu.vector_load %arg6[%parallel_loop3A_1032, %parallel_loop3A_1033, %parallel_loop3A_1034] {strides = array<i32>} : memref<8x128x64xf32, #tpu.memory_space<vmem>>, vector<1x1x16xf32>,
      %parallel_loop3A_1036 = vector.shape_cast %parallel_loop3A_1035 : vector<1x1x16xf32> to vector<16xf32>
      %parallel_loop3A_1037 = arith.constant 8.000000e+00 : f32
      %parallel_loop3A_1038 = vector.broadcast %parallel_loop3A_1037 : f32 to vector<16xf32>
      %parallel_loop3A_1039 = arith.mulf %parallel_loop3A_1036, %parallel_loop3A_1038 : vector<16xf32>
      %parallel_loop3A_1040 = arith.constant 1 : i32
      %parallel_loop3A_1041 = arith.index_cast %parallel_loop3A_1040 : i32 to index
      %parallel_loop3A_1042 = arith.index_cast %parallel_loop3A_982 : i32 to index
      %parallel_loop3A_1043 = arith.constant 48 : index
      %parallel_loop3A_1044 = tpu.vector_load %arg6[%parallel_loop3A_1041, %parallel_loop3A_1042, %parallel_loop3A_1043] {strides = array<i32>} : memref<8x128x64xf32, #tpu.memory_space<vmem>>, vector<1x1x16xf32>,
      %parallel_loop3A_1045 = vector.shape_cast %parallel_loop3A_1044 : vector<1x1x16xf32> to vector<16xf32>
      %parallel_loop3A_1046 = vector.shape_cast %parallel_loop3A_1039 : vector<16xf32> to vector<1x1x16xf32>
      tpu.vector_store %arg6[%parallel_loop3A_1041, %parallel_loop3A_1042, %parallel_loop3A_1043], %parallel_loop3A_1046 {strides = array<i32>} : memref<8x128x64xf32, #tpu.memory_space<vmem>>, vector<1x1x16xf32>,
    } {sc.loop_unroll_factor = 4 : i64, sc.parallel_access}
    %dma_start3A_559 = arith.constant 1 : i32
    %dma_start3A_560 = arith.constant 193 : i32
    %dma_start3A_561 = arith.constant 0 : i32
    %dma_start3A_562 = arith.constant 0 : i32
    %dma_start3A_563 = tpu.memref_slice %arg6[%dma_start3A_559, %dma_start3A_561, %dma_start3A_562] : memref<8x128x64xf32, #tpu.memory_space<vmem>> -> memref<1x128x64xf32, #tpu.memory_space<vmem>>
    %dma_start3A_564 = tpu.memref_squeeze %dma_start3A_563 : memref<1x128x64xf32, #tpu.memory_space<vmem>> -> memref<128x64xf32, #tpu.memory_space<vmem>>
    %dma_start3A_565 = arith.constant 0 : i32
    %dma_start3A_566 = tpu.memref_slice %arg4[%mul3A_2, %dma_start3A_560, %dma_start3A_565] : memref<4096x200x128xf32, #tpu.memory_space<hbm>> -> memref<128x1x64xf32, #tpu.memory_space<hbm>>
    %dma_start3A_567 = tpu.memref_squeeze %dma_start3A_566 : memref<128x1x64xf32, #tpu.memory_space<hbm>> -> memref<128x64xf32, #tpu.memory_space<hbm>>
    %dma_start3A_568 = arith.constant 0 : i32
    %dma_start3A_569 = tpu.memref_slice %arg4[%mul3A_2, %dma_start3A_560, %dma_start3A_568] : memref<4096x200x128xf32, #tpu.memory_space<hbm>> -> memref<128x1x64xf32, #tpu.memory_space<hbm>>
    %dma_start3A_570 = tpu.memref_squeeze %dma_start3A_569 : memref<128x1x64xf32, #tpu.memory_space<hbm>> -> memref<128x64xf32, #tpu.memory_space<hbm>>
    %dma_start3A_571 = arith.constant 0 : i32
    %dma_start3A_572 = arith.constant 0 : i32
    %dma_start3A_573 = tpu.memref_slice %arg6[%dma_start3A_559, %dma_start3A_571, %dma_start3A_572] : memref<8x128x64xf32, #tpu.memory_space<vmem>> -> memref<1x128x64xf32, #tpu.memory_space<vmem>>
    %dma_start3A_574 = tpu.memref_squeeze %dma_start3A_573 : memref<1x128x64xf32, #tpu.memory_space<vmem>> -> memref<128x64xf32, #tpu.memory_space<vmem>>
    tpu.enqueue_dma source(%dma_start3A_574 : memref<128x64xf32, #tpu.memory_space<vmem>>) target(%dma_start3A_570 : memref<128x64xf32, #tpu.memory_space<hbm>>) target_semaphore(%arg8 : memref<!tpu.dma_semaphore, #tpu.memory_space<semaphore_mem>>)
    %dma_wait3A_575 = arith.constant 0 : i32
    %dma_wait3A_576 = arith.constant 0 : i32
    %dma_wait3A_577 = arith.constant 0 : i32
    %dma_wait3A_578 = arith.constant 0 : i32
    %dma_wait3A_579 = tpu.memref_slice %arg6[%dma_wait3A_575, %dma_wait3A_577, %dma_wait3A_578] : memref<8x128x64xf32, #tpu.memory_space<vmem>> -> memref<1x128x64xf32, #tpu.memory_space<vmem>>
    %dma_wait3A_580 = tpu.memref_squeeze %dma_wait3A_579 : memref<1x128x64xf32, #tpu.memory_space<vmem>> -> memref<128x64xf32, #tpu.memory_space<vmem>>
    %dma_wait3A_581 = arith.constant 0 : i32
    %dma_wait3A_582 = tpu.memref_slice %arg4[%mul3A_2, %dma_wait3A_576, %dma_wait3A_581] : memref<4096x200x128xf32, #tpu.memory_space<hbm>> -> memref<128x1x64xf32, #tpu.memory_space<hbm>>
    %dma_wait3A_583 = tpu.memref_squeeze %dma_wait3A_582 : memref<128x1x64xf32, #tpu.memory_space<hbm>> -> memref<128x64xf32, #tpu.memory_space<hbm>>
    %dma_wait3A_584 = arith.constant 0 : i32
    %dma_wait3A_585 = tpu.memref_slice %arg4[%mul3A_2, %dma_wait3A_576, %dma_wait3A_584] : memref<4096x200x128xf32, #tpu.memory_space<hbm>> -> memref<128x1x64xf32, #tpu.memory_space<hbm>>
    %dma_wait3A_586 = tpu.memref_squeeze %dma_wait3A_585 : memref<128x1x64xf32, #tpu.memory_space<hbm>> -> memref<128x64xf32, #tpu.memory_space<hbm>>
    %dma_wait3A_587 = arith.constant 0 : i32
    %dma_wait3A_588 = arith.constant 0 : i32
    %dma_wait3A_589 = tpu.memref_slice %arg6[%dma_wait3A_575, %dma_wait3A_587, %dma_wait3A_588] : memref<8x128x64xf32, #tpu.memory_space<vmem>> -> memref<1x128x64xf32, #tpu.memory_space<vmem>>
    %dma_wait3A_590 = tpu.memref_squeeze %dma_wait3A_589 : memref<1x128x64xf32, #tpu.memory_space<vmem>> -> memref<128x64xf32, #tpu.memory_space<vmem>>
    tpu.wait_dma2 semaphore(%arg8 : memref<!tpu.dma_semaphore, #tpu.memory_space<semaphore_mem>>) src(%dma_wait3A_590 : memref<128x64xf32, #tpu.memory_space<vmem>>) dst(%dma_wait3A_586 : memref<128x64xf32, #tpu.memory_space<hbm>>)
    %dma_start3A_591 = arith.constant 0 : i32
    %dma_start3A_592 = arith.constant 5 : i32
    %dma_start3A_593 = arith.constant 5 : i32
    %dma_start3A_594 = arith.constant 0 : i32
    %dma_start3A_595 = arith.constant 0 : i32
    %dma_start3A_596 = tpu.memref_slice %arg6[%dma_start3A_593, %dma_start3A_594, %dma_start3A_595] : memref<8x128x64xf32, #tpu.memory_space<vmem>> -> memref<1x128x64xf32, #tpu.memory_space<vmem>>
    %dma_start3A_597 = tpu.memref_squeeze %dma_start3A_596 : memref<1x128x64xf32, #tpu.memory_space<vmem>> -> memref<128x64xf32, #tpu.memory_space<vmem>>
    %dma_start3A_598 = arith.constant 0 : i32
    %dma_start3A_599 = tpu.memref_slice %arg5[%dma_start3A_591, %dma_start3A_592, %dma_start3A_598] : memref<2x8x128xi32, #tpu.memory_space<vmem>> -> memref<1x1x128xi32, #tpu.memory_space<vmem>>
    %dma_start3A_600 = tpu.memref_squeeze %dma_start3A_599 : memref<1x1x128xi32, #tpu.memory_space<vmem>> -> memref<128xi32, #tpu.memory_space<vmem>>
    %dma_start3A_601 = arith.constant 0 : i32
    %dma_start3A_602 = arith.constant 0 : i32
    %dma_start3A_603 = tpu.memref_slice %arg3[%dma_start3A_601, %dma_start3A_602] : memref<1000000x64xf32, #tpu.memory_space<hbm>> -> memref<1000000x64xf32, #tpu.memory_space<hbm>>
    tpu.enqueue_indirect_dma source(%dma_start3A_603 : memref<1000000x64xf32, #tpu.memory_space<hbm>>) target(%dma_start3A_597 : memref<128x64xf32, #tpu.memory_space<vmem>>) offsets(%dma_start3A_600 : memref<128xi32, #tpu.memory_space<vmem>>) semaphore(%arg7 : memref<!tpu.dma_semaphore, #tpu.memory_space<semaphore_mem>>)
    %dma_wait3A_604 = arith.constant 0 : i32
    %dma_wait3A_605 = arith.constant 0 : i32
    %dma_wait3A_606 = arith.constant 2 : i32
    %dma_wait3A_607 = arith.constant 0 : i32
    %dma_wait3A_608 = arith.constant 0 : i32
    %dma_wait3A_609 = tpu.memref_slice %arg6[%dma_wait3A_606, %dma_wait3A_607, %dma_wait3A_608] : memref<8x128x64xf32, #tpu.memory_space<vmem>> -> memref<1x128x64xf32, #tpu.memory_space<vmem>>
    %dma_wait3A_610 = tpu.memref_squeeze %dma_wait3A_609 : memref<1x128x64xf32, #tpu.memory_space<vmem>> -> memref<128x64xf32, #tpu.memory_space<vmem>>
    %dma_wait3A_611 = arith.constant 0 : i32
    %dma_wait3A_612 = tpu.memref_slice %arg5[%dma_wait3A_604, %dma_wait3A_605, %dma_wait3A_611] : memref<2x8x128xi32, #tpu.memory_space<vmem>> -> memref<1x1x128xi32, #tpu.memory_space<vmem>>
    %dma_wait3A_613 = tpu.memref_squeeze %dma_wait3A_612 : memref<1x1x128xi32, #tpu.memory_space<vmem>> -> memref<128xi32, #tpu.memory_space<vmem>>
    %dma_wait3A_614 = arith.constant 0 : i32
    %dma_wait3A_615 = arith.constant 0 : i32
    %dma_wait3A_616 = tpu.memref_slice %arg3[%dma_wait3A_614, %dma_wait3A_615] : memref<1000000x64xf32, #tpu.memory_space<hbm>> -> memref<1000000x64xf32, #tpu.memory_space<hbm>>
    tpu.wait_indirect_dma semaphore(%arg7 : memref<!tpu.dma_semaphore, #tpu.memory_space<semaphore_mem>>) src(%dma_wait3A_616 : memref<1000000x64xf32, #tpu.memory_space<hbm>>) dst(%dma_wait3A_610 : memref<128x64xf32, #tpu.memory_space<vmem>>)
    %parallel_loop3A_617 = arith.constant 0 : i32
    %parallel_loop3A_618 = arith.constant 128 : i32
    %parallel_loop3A_619 = arith.constant 1 : i32
    scf.for %parallel_loop3A_982 = %parallel_loop3A_617 to %parallel_loop3A_618 step %parallel_loop3A_619  : i32 {
      %parallel_loop3A_983 = arith.constant 2 : i32
      %parallel_loop3A_984 = arith.index_cast %parallel_loop3A_983 : i32 to index
      %parallel_loop3A_985 = arith.index_cast %parallel_loop3A_982 : i32 to index
      %parallel_loop3A_986 = arith.constant 0 : index
      %parallel_loop3A_987 = tpu.vector_load %arg6[%parallel_loop3A_984, %parallel_loop3A_985, %parallel_loop3A_986] {strides = array<i32>} : memref<8x128x64xf32, #tpu.memory_space<vmem>>, vector<1x1x16xf32>,
      %parallel_loop3A_988 = vector.shape_cast %parallel_loop3A_987 : vector<1x1x16xf32> to vector<16xf32>
      %parallel_loop3A_989 = arith.constant 8.000000e+00 : f32
      %parallel_loop3A_990 = vector.broadcast %parallel_loop3A_989 : f32 to vector<16xf32>
      %parallel_loop3A_991 = arith.mulf %parallel_loop3A_988, %parallel_loop3A_990 : vector<16xf32>
      %parallel_loop3A_992 = arith.constant 2 : i32
      %parallel_loop3A_993 = arith.index_cast %parallel_loop3A_992 : i32 to index
      %parallel_loop3A_994 = arith.index_cast %parallel_loop3A_982 : i32 to index
      %parallel_loop3A_995 = arith.constant 0 : index
      %parallel_loop3A_996 = tpu.vector_load %arg6[%parallel_loop3A_993, %parallel_loop3A_994, %parallel_loop3A_995] {strides = array<i32>} : memref<8x128x64xf32, #tpu.memory_space<vmem>>, vector<1x1x16xf32>,
      %parallel_loop3A_997 = vector.shape_cast %parallel_loop3A_996 : vector<1x1x16xf32> to vector<16xf32>
      %parallel_loop3A_998 = vector.shape_cast %parallel_loop3A_991 : vector<16xf32> to vector<1x1x16xf32>
      tpu.vector_store %arg6[%parallel_loop3A_993, %parallel_loop3A_994, %parallel_loop3A_995], %parallel_loop3A_998 {strides = array<i32>} : memref<8x128x64xf32, #tpu.memory_space<vmem>>, vector<1x1x16xf32>,
      %parallel_loop3A_999 = arith.constant 2 : i32
      %parallel_loop3A_1000 = arith.index_cast %parallel_loop3A_999 : i32 to index
      %parallel_loop3A_1001 = arith.index_cast %parallel_loop3A_982 : i32 to index
      %parallel_loop3A_1002 = arith.constant 16 : index
      %parallel_loop3A_1003 = tpu.vector_load %arg6[%parallel_loop3A_1000, %parallel_loop3A_1001, %parallel_loop3A_1002] {strides = array<i32>} : memref<8x128x64xf32, #tpu.memory_space<vmem>>, vector<1x1x16xf32>,
      %parallel_loop3A_1004 = vector.shape_cast %parallel_loop3A_1003 : vector<1x1x16xf32> to vector<16xf32>
      %parallel_loop3A_1005 = arith.constant 8.000000e+00 : f32
      %parallel_loop3A_1006 = vector.broadcast %parallel_loop3A_1005 : f32 to vector<16xf32>
      %parallel_loop3A_1007 = arith.mulf %parallel_loop3A_1004, %parallel_loop3A_1006 : vector<16xf32>
      %parallel_loop3A_1008 = arith.constant 2 : i32
      %parallel_loop3A_1009 = arith.index_cast %parallel_loop3A_1008 : i32 to index
      %parallel_loop3A_1010 = arith.index_cast %parallel_loop3A_982 : i32 to index
      %parallel_loop3A_1011 = arith.constant 16 : index
      %parallel_loop3A_1012 = tpu.vector_load %arg6[%parallel_loop3A_1009, %parallel_loop3A_1010, %parallel_loop3A_1011] {strides = array<i32>} : memref<8x128x64xf32, #tpu.memory_space<vmem>>, vector<1x1x16xf32>,
      %parallel_loop3A_1013 = vector.shape_cast %parallel_loop3A_1012 : vector<1x1x16xf32> to vector<16xf32>
      %parallel_loop3A_1014 = vector.shape_cast %parallel_loop3A_1007 : vector<16xf32> to vector<1x1x16xf32>
      tpu.vector_store %arg6[%parallel_loop3A_1009, %parallel_loop3A_1010, %parallel_loop3A_1011], %parallel_loop3A_1014 {strides = array<i32>} : memref<8x128x64xf32, #tpu.memory_space<vmem>>, vector<1x1x16xf32>,
      %parallel_loop3A_1015 = arith.constant 2 : i32
      %parallel_loop3A_1016 = arith.index_cast %parallel_loop3A_1015 : i32 to index
      %parallel_loop3A_1017 = arith.index_cast %parallel_loop3A_982 : i32 to index
      %parallel_loop3A_1018 = arith.constant 32 : index
      %parallel_loop3A_1019 = tpu.vector_load %arg6[%parallel_loop3A_1016, %parallel_loop3A_1017, %parallel_loop3A_1018] {strides = array<i32>} : memref<8x128x64xf32, #tpu.memory_space<vmem>>, vector<1x1x16xf32>,
      %parallel_loop3A_1020 = vector.shape_cast %parallel_loop3A_1019 : vector<1x1x16xf32> to vector<16xf32>
      %parallel_loop3A_1021 = arith.constant 8.000000e+00 : f32
      %parallel_loop3A_1022 = vector.broadcast %parallel_loop3A_1021 : f32 to vector<16xf32>
      %parallel_loop3A_1023 = arith.mulf %parallel_loop3A_1020, %parallel_loop3A_1022 : vector<16xf32>
      %parallel_loop3A_1024 = arith.constant 2 : i32
      %parallel_loop3A_1025 = arith.index_cast %parallel_loop3A_1024 : i32 to index
      %parallel_loop3A_1026 = arith.index_cast %parallel_loop3A_982 : i32 to index
      %parallel_loop3A_1027 = arith.constant 32 : index
      %parallel_loop3A_1028 = tpu.vector_load %arg6[%parallel_loop3A_1025, %parallel_loop3A_1026, %parallel_loop3A_1027] {strides = array<i32>} : memref<8x128x64xf32, #tpu.memory_space<vmem>>, vector<1x1x16xf32>,
      %parallel_loop3A_1029 = vector.shape_cast %parallel_loop3A_1028 : vector<1x1x16xf32> to vector<16xf32>
      %parallel_loop3A_1030 = vector.shape_cast %parallel_loop3A_1023 : vector<16xf32> to vector<1x1x16xf32>
      tpu.vector_store %arg6[%parallel_loop3A_1025, %parallel_loop3A_1026, %parallel_loop3A_1027], %parallel_loop3A_1030 {strides = array<i32>} : memref<8x128x64xf32, #tpu.memory_space<vmem>>, vector<1x1x16xf32>,
      %parallel_loop3A_1031 = arith.constant 2 : i32
      %parallel_loop3A_1032 = arith.index_cast %parallel_loop3A_1031 : i32 to index
      %parallel_loop3A_1033 = arith.index_cast %parallel_loop3A_982 : i32 to index
      %parallel_loop3A_1034 = arith.constant 48 : index
      %parallel_loop3A_1035 = tpu.vector_load %arg6[%parallel_loop3A_1032, %parallel_loop3A_1033, %parallel_loop3A_1034] {strides = array<i32>} : memref<8x128x64xf32, #tpu.memory_space<vmem>>, vector<1x1x16xf32>,
      %parallel_loop3A_1036 = vector.shape_cast %parallel_loop3A_1035 : vector<1x1x16xf32> to vector<16xf32>
      %parallel_loop3A_1037 = arith.constant 8.000000e+00 : f32
      %parallel_loop3A_1038 = vector.broadcast %parallel_loop3A_1037 : f32 to vector<16xf32>
      %parallel_loop3A_1039 = arith.mulf %parallel_loop3A_1036, %parallel_loop3A_1038 : vector<16xf32>
      %parallel_loop3A_1040 = arith.constant 2 : i32
      %parallel_loop3A_1041 = arith.index_cast %parallel_loop3A_1040 : i32 to index
      %parallel_loop3A_1042 = arith.index_cast %parallel_loop3A_982 : i32 to index
      %parallel_loop3A_1043 = arith.constant 48 : index
      %parallel_loop3A_1044 = tpu.vector_load %arg6[%parallel_loop3A_1041, %parallel_loop3A_1042, %parallel_loop3A_1043] {strides = array<i32>} : memref<8x128x64xf32, #tpu.memory_space<vmem>>, vector<1x1x16xf32>,
      %parallel_loop3A_1045 = vector.shape_cast %parallel_loop3A_1044 : vector<1x1x16xf32> to vector<16xf32>
      %parallel_loop3A_1046 = vector.shape_cast %parallel_loop3A_1039 : vector<16xf32> to vector<1x1x16xf32>
      tpu.vector_store %arg6[%parallel_loop3A_1041, %parallel_loop3A_1042, %parallel_loop3A_1043], %parallel_loop3A_1046 {strides = array<i32>} : memref<8x128x64xf32, #tpu.memory_space<vmem>>, vector<1x1x16xf32>,
    } {sc.loop_unroll_factor = 4 : i64, sc.parallel_access}
    %dma_start3A_620 = arith.constant 2 : i32
    %dma_start3A_621 = arith.constant 194 : i32
    %dma_start3A_622 = arith.constant 0 : i32
    %dma_start3A_623 = arith.constant 0 : i32
    %dma_start3A_624 = tpu.memref_slice %arg6[%dma_start3A_620, %dma_start3A_622, %dma_start3A_623] : memref<8x128x64xf32, #tpu.memory_space<vmem>> -> memref<1x128x64xf32, #tpu.memory_space<vmem>>
    %dma_start3A_625 = tpu.memref_squeeze %dma_start3A_624 : memref<1x128x64xf32, #tpu.memory_space<vmem>> -> memref<128x64xf32, #tpu.memory_space<vmem>>
    %dma_start3A_626 = arith.constant 0 : i32
    %dma_start3A_627 = tpu.memref_slice %arg4[%mul3A_2, %dma_start3A_621, %dma_start3A_626] : memref<4096x200x128xf32, #tpu.memory_space<hbm>> -> memref<128x1x64xf32, #tpu.memory_space<hbm>>
    %dma_start3A_628 = tpu.memref_squeeze %dma_start3A_627 : memref<128x1x64xf32, #tpu.memory_space<hbm>> -> memref<128x64xf32, #tpu.memory_space<hbm>>
    %dma_start3A_629 = arith.constant 0 : i32
    %dma_start3A_630 = tpu.memref_slice %arg4[%mul3A_2, %dma_start3A_621, %dma_start3A_629] : memref<4096x200x128xf32, #tpu.memory_space<hbm>> -> memref<128x1x64xf32, #tpu.memory_space<hbm>>
    %dma_start3A_631 = tpu.memref_squeeze %dma_start3A_630 : memref<128x1x64xf32, #tpu.memory_space<hbm>> -> memref<128x64xf32, #tpu.memory_space<hbm>>
    %dma_start3A_632 = arith.constant 0 : i32
    %dma_start3A_633 = arith.constant 0 : i32
    %dma_start3A_634 = tpu.memref_slice %arg6[%dma_start3A_620, %dma_start3A_632, %dma_start3A_633] : memref<8x128x64xf32, #tpu.memory_space<vmem>> -> memref<1x128x64xf32, #tpu.memory_space<vmem>>
    %dma_start3A_635 = tpu.memref_squeeze %dma_start3A_634 : memref<1x128x64xf32, #tpu.memory_space<vmem>> -> memref<128x64xf32, #tpu.memory_space<vmem>>
    tpu.enqueue_dma source(%dma_start3A_635 : memref<128x64xf32, #tpu.memory_space<vmem>>) target(%dma_start3A_631 : memref<128x64xf32, #tpu.memory_space<hbm>>) target_semaphore(%arg8 : memref<!tpu.dma_semaphore, #tpu.memory_space<semaphore_mem>>)
    %dma_wait3A_636 = arith.constant 0 : i32
    %dma_wait3A_637 = arith.constant 0 : i32
    %dma_wait3A_638 = arith.constant 0 : i32
    %dma_wait3A_639 = arith.constant 0 : i32
    %dma_wait3A_640 = tpu.memref_slice %arg6[%dma_wait3A_636, %dma_wait3A_638, %dma_wait3A_639] : memref<8x128x64xf32, #tpu.memory_space<vmem>> -> memref<1x128x64xf32, #tpu.memory_space<vmem>>
    %dma_wait3A_641 = tpu.memref_squeeze %dma_wait3A_640 : memref<1x128x64xf32, #tpu.memory_space<vmem>> -> memref<128x64xf32, #tpu.memory_space<vmem>>
    %dma_wait3A_642 = arith.constant 0 : i32
    %dma_wait3A_643 = tpu.memref_slice %arg4[%mul3A_2, %dma_wait3A_637, %dma_wait3A_642] : memref<4096x200x128xf32, #tpu.memory_space<hbm>> -> memref<128x1x64xf32, #tpu.memory_space<hbm>>
    %dma_wait3A_644 = tpu.memref_squeeze %dma_wait3A_643 : memref<128x1x64xf32, #tpu.memory_space<hbm>> -> memref<128x64xf32, #tpu.memory_space<hbm>>
    %dma_wait3A_645 = arith.constant 0 : i32
    %dma_wait3A_646 = tpu.memref_slice %arg4[%mul3A_2, %dma_wait3A_637, %dma_wait3A_645] : memref<4096x200x128xf32, #tpu.memory_space<hbm>> -> memref<128x1x64xf32, #tpu.memory_space<hbm>>
    %dma_wait3A_647 = tpu.memref_squeeze %dma_wait3A_646 : memref<128x1x64xf32, #tpu.memory_space<hbm>> -> memref<128x64xf32, #tpu.memory_space<hbm>>
    %dma_wait3A_648 = arith.constant 0 : i32
    %dma_wait3A_649 = arith.constant 0 : i32
    %dma_wait3A_650 = tpu.memref_slice %arg6[%dma_wait3A_636, %dma_wait3A_648, %dma_wait3A_649] : memref<8x128x64xf32, #tpu.memory_space<vmem>> -> memref<1x128x64xf32, #tpu.memory_space<vmem>>
    %dma_wait3A_651 = tpu.memref_squeeze %dma_wait3A_650 : memref<1x128x64xf32, #tpu.memory_space<vmem>> -> memref<128x64xf32, #tpu.memory_space<vmem>>
    tpu.wait_dma2 semaphore(%arg8 : memref<!tpu.dma_semaphore, #tpu.memory_space<semaphore_mem>>) src(%dma_wait3A_651 : memref<128x64xf32, #tpu.memory_space<vmem>>) dst(%dma_wait3A_647 : memref<128x64xf32, #tpu.memory_space<hbm>>)
    %dma_start3A_652 = arith.constant 0 : i32
    %dma_start3A_653 = arith.constant 6 : i32
    %dma_start3A_654 = arith.constant 6 : i32
    %dma_start3A_655 = arith.constant 0 : i32
    %dma_start3A_656 = arith.constant 0 : i32
    %dma_start3A_657 = tpu.memref_slice %arg6[%dma_start3A_654, %dma_start3A_655, %dma_start3A_656] : memref<8x128x64xf32, #tpu.memory_space<vmem>> -> memref<1x128x64xf32, #tpu.memory_space<vmem>>
    %dma_start3A_658 = tpu.memref_squeeze %dma_start3A_657 : memref<1x128x64xf32, #tpu.memory_space<vmem>> -> memref<128x64xf32, #tpu.memory_space<vmem>>
    %dma_start3A_659 = arith.constant 0 : i32
    %dma_start3A_660 = tpu.memref_slice %arg5[%dma_start3A_652, %dma_start3A_653, %dma_start3A_659] : memref<2x8x128xi32, #tpu.memory_space<vmem>> -> memref<1x1x128xi32, #tpu.memory_space<vmem>>
    %dma_start3A_661 = tpu.memref_squeeze %dma_start3A_660 : memref<1x1x128xi32, #tpu.memory_space<vmem>> -> memref<128xi32, #tpu.memory_space<vmem>>
    %dma_start3A_662 = arith.constant 0 : i32
    %dma_start3A_663 = arith.constant 0 : i32
    %dma_start3A_664 = tpu.memref_slice %arg3[%dma_start3A_662, %dma_start3A_663] : memref<1000000x64xf32, #tpu.memory_space<hbm>> -> memref<1000000x64xf32, #tpu.memory_space<hbm>>
    tpu.enqueue_indirect_dma source(%dma_start3A_664 : memref<1000000x64xf32, #tpu.memory_space<hbm>>) target(%dma_start3A_658 : memref<128x64xf32, #tpu.memory_space<vmem>>) offsets(%dma_start3A_661 : memref<128xi32, #tpu.memory_space<vmem>>) semaphore(%arg7 : memref<!tpu.dma_semaphore, #tpu.memory_space<semaphore_mem>>)
    %dma_wait3A_665 = arith.constant 0 : i32
    %dma_wait3A_666 = arith.constant 0 : i32
    %dma_wait3A_667 = arith.constant 3 : i32
    %dma_wait3A_668 = arith.constant 0 : i32
    %dma_wait3A_669 = arith.constant 0 : i32
    %dma_wait3A_670 = tpu.memref_slice %arg6[%dma_wait3A_667, %dma_wait3A_668, %dma_wait3A_669] : memref<8x128x64xf32, #tpu.memory_space<vmem>> -> memref<1x128x64xf32, #tpu.memory_space<vmem>>
    %dma_wait3A_671 = tpu.memref_squeeze %dma_wait3A_670 : memref<1x128x64xf32, #tpu.memory_space<vmem>> -> memref<128x64xf32, #tpu.memory_space<vmem>>
    %dma_wait3A_672 = arith.constant 0 : i32
    %dma_wait3A_673 = tpu.memref_slice %arg5[%dma_wait3A_665, %dma_wait3A_666, %dma_wait3A_672] : memref<2x8x128xi32, #tpu.memory_space<vmem>> -> memref<1x1x128xi32, #tpu.memory_space<vmem>>
    %dma_wait3A_674 = tpu.memref_squeeze %dma_wait3A_673 : memref<1x1x128xi32, #tpu.memory_space<vmem>> -> memref<128xi32, #tpu.memory_space<vmem>>
    %dma_wait3A_675 = arith.constant 0 : i32
    %dma_wait3A_676 = arith.constant 0 : i32
    %dma_wait3A_677 = tpu.memref_slice %arg3[%dma_wait3A_675, %dma_wait3A_676] : memref<1000000x64xf32, #tpu.memory_space<hbm>> -> memref<1000000x64xf32, #tpu.memory_space<hbm>>
    tpu.wait_indirect_dma semaphore(%arg7 : memref<!tpu.dma_semaphore, #tpu.memory_space<semaphore_mem>>) src(%dma_wait3A_677 : memref<1000000x64xf32, #tpu.memory_space<hbm>>) dst(%dma_wait3A_671 : memref<128x64xf32, #tpu.memory_space<vmem>>)
    %parallel_loop3A_678 = arith.constant 0 : i32
    %parallel_loop3A_679 = arith.constant 128 : i32
    %parallel_loop3A_680 = arith.constant 1 : i32
    scf.for %parallel_loop3A_982 = %parallel_loop3A_678 to %parallel_loop3A_679 step %parallel_loop3A_680  : i32 {
      %parallel_loop3A_983 = arith.constant 3 : i32
      %parallel_loop3A_984 = arith.index_cast %parallel_loop3A_983 : i32 to index
      %parallel_loop3A_985 = arith.index_cast %parallel_loop3A_982 : i32 to index
      %parallel_loop3A_986 = arith.constant 0 : index
      %parallel_loop3A_987 = tpu.vector_load %arg6[%parallel_loop3A_984, %parallel_loop3A_985, %parallel_loop3A_986] {strides = array<i32>} : memref<8x128x64xf32, #tpu.memory_space<vmem>>, vector<1x1x16xf32>,
      %parallel_loop3A_988 = vector.shape_cast %parallel_loop3A_987 : vector<1x1x16xf32> to vector<16xf32>
      %parallel_loop3A_989 = arith.constant 8.000000e+00 : f32
      %parallel_loop3A_990 = vector.broadcast %parallel_loop3A_989 : f32 to vector<16xf32>
      %parallel_loop3A_991 = arith.mulf %parallel_loop3A_988, %parallel_loop3A_990 : vector<16xf32>
      %parallel_loop3A_992 = arith.constant 3 : i32
      %parallel_loop3A_993 = arith.index_cast %parallel_loop3A_992 : i32 to index
      %parallel_loop3A_994 = arith.index_cast %parallel_loop3A_982 : i32 to index
      %parallel_loop3A_995 = arith.constant 0 : index
      %parallel_loop3A_996 = tpu.vector_load %arg6[%parallel_loop3A_993, %parallel_loop3A_994, %parallel_loop3A_995] {strides = array<i32>} : memref<8x128x64xf32, #tpu.memory_space<vmem>>, vector<1x1x16xf32>,
      %parallel_loop3A_997 = vector.shape_cast %parallel_loop3A_996 : vector<1x1x16xf32> to vector<16xf32>
      %parallel_loop3A_998 = vector.shape_cast %parallel_loop3A_991 : vector<16xf32> to vector<1x1x16xf32>
      tpu.vector_store %arg6[%parallel_loop3A_993, %parallel_loop3A_994, %parallel_loop3A_995], %parallel_loop3A_998 {strides = array<i32>} : memref<8x128x64xf32, #tpu.memory_space<vmem>>, vector<1x1x16xf32>,
      %parallel_loop3A_999 = arith.constant 3 : i32
      %parallel_loop3A_1000 = arith.index_cast %parallel_loop3A_999 : i32 to index
      %parallel_loop3A_1001 = arith.index_cast %parallel_loop3A_982 : i32 to index
      %parallel_loop3A_1002 = arith.constant 16 : index
      %parallel_loop3A_1003 = tpu.vector_load %arg6[%parallel_loop3A_1000, %parallel_loop3A_1001, %parallel_loop3A_1002] {strides = array<i32>} : memref<8x128x64xf32, #tpu.memory_space<vmem>>, vector<1x1x16xf32>,
      %parallel_loop3A_1004 = vector.shape_cast %parallel_loop3A_1003 : vector<1x1x16xf32> to vector<16xf32>
      %parallel_loop3A_1005 = arith.constant 8.000000e+00 : f32
      %parallel_loop3A_1006 = vector.broadcast %parallel_loop3A_1005 : f32 to vector<16xf32>
      %parallel_loop3A_1007 = arith.mulf %parallel_loop3A_1004, %parallel_loop3A_1006 : vector<16xf32>
      %parallel_loop3A_1008 = arith.constant 3 : i32
      %parallel_loop3A_1009 = arith.index_cast %parallel_loop3A_1008 : i32 to index
      %parallel_loop3A_1010 = arith.index_cast %parallel_loop3A_982 : i32 to index
      %parallel_loop3A_1011 = arith.constant 16 : index
      %parallel_loop3A_1012 = tpu.vector_load %arg6[%parallel_loop3A_1009, %parallel_loop3A_1010, %parallel_loop3A_1011] {strides = array<i32>} : memref<8x128x64xf32, #tpu.memory_space<vmem>>, vector<1x1x16xf32>,
      %parallel_loop3A_1013 = vector.shape_cast %parallel_loop3A_1012 : vector<1x1x16xf32> to vector<16xf32>
      %parallel_loop3A_1014 = vector.shape_cast %parallel_loop3A_1007 : vector<16xf32> to vector<1x1x16xf32>
      tpu.vector_store %arg6[%parallel_loop3A_1009, %parallel_loop3A_1010, %parallel_loop3A_1011], %parallel_loop3A_1014 {strides = array<i32>} : memref<8x128x64xf32, #tpu.memory_space<vmem>>, vector<1x1x16xf32>,
      %parallel_loop3A_1015 = arith.constant 3 : i32
      %parallel_loop3A_1016 = arith.index_cast %parallel_loop3A_1015 : i32 to index
      %parallel_loop3A_1017 = arith.index_cast %parallel_loop3A_982 : i32 to index
      %parallel_loop3A_1018 = arith.constant 32 : index
      %parallel_loop3A_1019 = tpu.vector_load %arg6[%parallel_loop3A_1016, %parallel_loop3A_1017, %parallel_loop3A_1018] {strides = array<i32>} : memref<8x128x64xf32, #tpu.memory_space<vmem>>, vector<1x1x16xf32>,
      %parallel_loop3A_1020 = vector.shape_cast %parallel_loop3A_1019 : vector<1x1x16xf32> to vector<16xf32>
      %parallel_loop3A_1021 = arith.constant 8.000000e+00 : f32
      %parallel_loop3A_1022 = vector.broadcast %parallel_loop3A_1021 : f32 to vector<16xf32>
      %parallel_loop3A_1023 = arith.mulf %parallel_loop3A_1020, %parallel_loop3A_1022 : vector<16xf32>
      %parallel_loop3A_1024 = arith.constant 3 : i32
      %parallel_loop3A_1025 = arith.index_cast %parallel_loop3A_1024 : i32 to index
      %parallel_loop3A_1026 = arith.index_cast %parallel_loop3A_982 : i32 to index
      %parallel_loop3A_1027 = arith.constant 32 : index
      %parallel_loop3A_1028 = tpu.vector_load %arg6[%parallel_loop3A_1025, %parallel_loop3A_1026, %parallel_loop3A_1027] {strides = array<i32>} : memref<8x128x64xf32, #tpu.memory_space<vmem>>, vector<1x1x16xf32>,
      %parallel_loop3A_1029 = vector.shape_cast %parallel_loop3A_1028 : vector<1x1x16xf32> to vector<16xf32>
      %parallel_loop3A_1030 = vector.shape_cast %parallel_loop3A_1023 : vector<16xf32> to vector<1x1x16xf32>
      tpu.vector_store %arg6[%parallel_loop3A_1025, %parallel_loop3A_1026, %parallel_loop3A_1027], %parallel_loop3A_1030 {strides = array<i32>} : memref<8x128x64xf32, #tpu.memory_space<vmem>>, vector<1x1x16xf32>,
      %parallel_loop3A_1031 = arith.constant 3 : i32
      %parallel_loop3A_1032 = arith.index_cast %parallel_loop3A_1031 : i32 to index
      %parallel_loop3A_1033 = arith.index_cast %parallel_loop3A_982 : i32 to index
      %parallel_loop3A_1034 = arith.constant 48 : index
      %parallel_loop3A_1035 = tpu.vector_load %arg6[%parallel_loop3A_1032, %parallel_loop3A_1033, %parallel_loop3A_1034] {strides = array<i32>} : memref<8x128x64xf32, #tpu.memory_space<vmem>>, vector<1x1x16xf32>,
      %parallel_loop3A_1036 = vector.shape_cast %parallel_loop3A_1035 : vector<1x1x16xf32> to vector<16xf32>
      %parallel_loop3A_1037 = arith.constant 8.000000e+00 : f32
      %parallel_loop3A_1038 = vector.broadcast %parallel_loop3A_1037 : f32 to vector<16xf32>
      %parallel_loop3A_1039 = arith.mulf %parallel_loop3A_1036, %parallel_loop3A_1038 : vector<16xf32>
      %parallel_loop3A_1040 = arith.constant 3 : i32
      %parallel_loop3A_1041 = arith.index_cast %parallel_loop3A_1040 : i32 to index
      %parallel_loop3A_1042 = arith.index_cast %parallel_loop3A_982 : i32 to index
      %parallel_loop3A_1043 = arith.constant 48 : index
      %parallel_loop3A_1044 = tpu.vector_load %arg6[%parallel_loop3A_1041, %parallel_loop3A_1042, %parallel_loop3A_1043] {strides = array<i32>} : memref<8x128x64xf32, #tpu.memory_space<vmem>>, vector<1x1x16xf32>,
      %parallel_loop3A_1045 = vector.shape_cast %parallel_loop3A_1044 : vector<1x1x16xf32> to vector<16xf32>
      %parallel_loop3A_1046 = vector.shape_cast %parallel_loop3A_1039 : vector<16xf32> to vector<1x1x16xf32>
      tpu.vector_store %arg6[%parallel_loop3A_1041, %parallel_loop3A_1042, %parallel_loop3A_1043], %parallel_loop3A_1046 {strides = array<i32>} : memref<8x128x64xf32, #tpu.memory_space<vmem>>, vector<1x1x16xf32>,
    } {sc.loop_unroll_factor = 4 : i64, sc.parallel_access}
    %dma_start3A_681 = arith.constant 3 : i32
    %dma_start3A_682 = arith.constant 195 : i32
    %dma_start3A_683 = arith.constant 0 : i32
    %dma_start3A_684 = arith.constant 0 : i32
    %dma_start3A_685 = tpu.memref_slice %arg6[%dma_start3A_681, %dma_start3A_683, %dma_start3A_684] : memref<8x128x64xf32, #tpu.memory_space<vmem>> -> memref<1x128x64xf32, #tpu.memory_space<vmem>>
    %dma_start3A_686 = tpu.memref_squeeze %dma_start3A_685 : memref<1x128x64xf32, #tpu.memory_space<vmem>> -> memref<128x64xf32, #tpu.memory_space<vmem>>
    %dma_start3A_687 = arith.constant 0 : i32
    %dma_start3A_688 = tpu.memref_slice %arg4[%mul3A_2, %dma_start3A_682, %dma_start3A_687] : memref<4096x200x128xf32, #tpu.memory_space<hbm>> -> memref<128x1x64xf32, #tpu.memory_space<hbm>>
    %dma_start3A_689 = tpu.memref_squeeze %dma_start3A_688 : memref<128x1x64xf32, #tpu.memory_space<hbm>> -> memref<128x64xf32, #tpu.memory_space<hbm>>
    %dma_start3A_690 = arith.constant 0 : i32
    %dma_start3A_691 = tpu.memref_slice %arg4[%mul3A_2, %dma_start3A_682, %dma_start3A_690] : memref<4096x200x128xf32, #tpu.memory_space<hbm>> -> memref<128x1x64xf32, #tpu.memory_space<hbm>>
    %dma_start3A_692 = tpu.memref_squeeze %dma_start3A_691 : memref<128x1x64xf32, #tpu.memory_space<hbm>> -> memref<128x64xf32, #tpu.memory_space<hbm>>
    %dma_start3A_693 = arith.constant 0 : i32
    %dma_start3A_694 = arith.constant 0 : i32
    %dma_start3A_695 = tpu.memref_slice %arg6[%dma_start3A_681, %dma_start3A_693, %dma_start3A_694] : memref<8x128x64xf32, #tpu.memory_space<vmem>> -> memref<1x128x64xf32, #tpu.memory_space<vmem>>
    %dma_start3A_696 = tpu.memref_squeeze %dma_start3A_695 : memref<1x128x64xf32, #tpu.memory_space<vmem>> -> memref<128x64xf32, #tpu.memory_space<vmem>>
    tpu.enqueue_dma source(%dma_start3A_696 : memref<128x64xf32, #tpu.memory_space<vmem>>) target(%dma_start3A_692 : memref<128x64xf32, #tpu.memory_space<hbm>>) target_semaphore(%arg8 : memref<!tpu.dma_semaphore, #tpu.memory_space<semaphore_mem>>)
    %dma_wait3A_697 = arith.constant 0 : i32
    %dma_wait3A_698 = arith.constant 0 : i32
    %dma_wait3A_699 = arith.constant 0 : i32
    %dma_wait3A_700 = arith.constant 0 : i32
    %dma_wait3A_701 = tpu.memref_slice %arg6[%dma_wait3A_697, %dma_wait3A_699, %dma_wait3A_700] : memref<8x128x64xf32, #tpu.memory_space<vmem>> -> memref<1x128x64xf32, #tpu.memory_space<vmem>>
    %dma_wait3A_702 = tpu.memref_squeeze %dma_wait3A_701 : memref<1x128x64xf32, #tpu.memory_space<vmem>> -> memref<128x64xf32, #tpu.memory_space<vmem>>
    %dma_wait3A_703 = arith.constant 0 : i32
    %dma_wait3A_704 = tpu.memref_slice %arg4[%mul3A_2, %dma_wait3A_698, %dma_wait3A_703] : memref<4096x200x128xf32, #tpu.memory_space<hbm>> -> memref<128x1x64xf32, #tpu.memory_space<hbm>>
    %dma_wait3A_705 = tpu.memref_squeeze %dma_wait3A_704 : memref<128x1x64xf32, #tpu.memory_space<hbm>> -> memref<128x64xf32, #tpu.memory_space<hbm>>
    %dma_wait3A_706 = arith.constant 0 : i32
    %dma_wait3A_707 = tpu.memref_slice %arg4[%mul3A_2, %dma_wait3A_698, %dma_wait3A_706] : memref<4096x200x128xf32, #tpu.memory_space<hbm>> -> memref<128x1x64xf32, #tpu.memory_space<hbm>>
    %dma_wait3A_708 = tpu.memref_squeeze %dma_wait3A_707 : memref<128x1x64xf32, #tpu.memory_space<hbm>> -> memref<128x64xf32, #tpu.memory_space<hbm>>
    %dma_wait3A_709 = arith.constant 0 : i32
    %dma_wait3A_710 = arith.constant 0 : i32
    %dma_wait3A_711 = tpu.memref_slice %arg6[%dma_wait3A_697, %dma_wait3A_709, %dma_wait3A_710] : memref<8x128x64xf32, #tpu.memory_space<vmem>> -> memref<1x128x64xf32, #tpu.memory_space<vmem>>
    %dma_wait3A_712 = tpu.memref_squeeze %dma_wait3A_711 : memref<1x128x64xf32, #tpu.memory_space<vmem>> -> memref<128x64xf32, #tpu.memory_space<vmem>>
    tpu.wait_dma2 semaphore(%arg8 : memref<!tpu.dma_semaphore, #tpu.memory_space<semaphore_mem>>) src(%dma_wait3A_712 : memref<128x64xf32, #tpu.memory_space<vmem>>) dst(%dma_wait3A_708 : memref<128x64xf32, #tpu.memory_space<hbm>>)
    %dma_start3A_713 = arith.constant 0 : i32
    %dma_start3A_714 = arith.constant 7 : i32
    %dma_start3A_715 = arith.constant 7 : i32
    %dma_start3A_716 = arith.constant 0 : i32
    %dma_start3A_717 = arith.constant 0 : i32
    %dma_start3A_718 = tpu.memref_slice %arg6[%dma_start3A_715, %dma_start3A_716, %dma_start3A_717] : memref<8x128x64xf32, #tpu.memory_space<vmem>> -> memref<1x128x64xf32, #tpu.memory_space<vmem>>
    %dma_start3A_719 = tpu.memref_squeeze %dma_start3A_718 : memref<1x128x64xf32, #tpu.memory_space<vmem>> -> memref<128x64xf32, #tpu.memory_space<vmem>>
    %dma_start3A_720 = arith.constant 0 : i32
    %dma_start3A_721 = tpu.memref_slice %arg5[%dma_start3A_713, %dma_start3A_714, %dma_start3A_720] : memref<2x8x128xi32, #tpu.memory_space<vmem>> -> memref<1x1x128xi32, #tpu.memory_space<vmem>>
    %dma_start3A_722 = tpu.memref_squeeze %dma_start3A_721 : memref<1x1x128xi32, #tpu.memory_space<vmem>> -> memref<128xi32, #tpu.memory_space<vmem>>
    %dma_start3A_723 = arith.constant 0 : i32
    %dma_start3A_724 = arith.constant 0 : i32
    %dma_start3A_725 = tpu.memref_slice %arg3[%dma_start3A_723, %dma_start3A_724] : memref<1000000x64xf32, #tpu.memory_space<hbm>> -> memref<1000000x64xf32, #tpu.memory_space<hbm>>
    tpu.enqueue_indirect_dma source(%dma_start3A_725 : memref<1000000x64xf32, #tpu.memory_space<hbm>>) target(%dma_start3A_719 : memref<128x64xf32, #tpu.memory_space<vmem>>) offsets(%dma_start3A_722 : memref<128xi32, #tpu.memory_space<vmem>>) semaphore(%arg7 : memref<!tpu.dma_semaphore, #tpu.memory_space<semaphore_mem>>)
    %dma_wait3A_726 = arith.constant 0 : i32
    %dma_wait3A_727 = arith.constant 0 : i32
    %dma_wait3A_728 = arith.constant 4 : i32
    %dma_wait3A_729 = arith.constant 0 : i32
    %dma_wait3A_730 = arith.constant 0 : i32
    %dma_wait3A_731 = tpu.memref_slice %arg6[%dma_wait3A_728, %dma_wait3A_729, %dma_wait3A_730] : memref<8x128x64xf32, #tpu.memory_space<vmem>> -> memref<1x128x64xf32, #tpu.memory_space<vmem>>
    %dma_wait3A_732 = tpu.memref_squeeze %dma_wait3A_731 : memref<1x128x64xf32, #tpu.memory_space<vmem>> -> memref<128x64xf32, #tpu.memory_space<vmem>>
    %dma_wait3A_733 = arith.constant 0 : i32
    %dma_wait3A_734 = tpu.memref_slice %arg5[%dma_wait3A_726, %dma_wait3A_727, %dma_wait3A_733] : memref<2x8x128xi32, #tpu.memory_space<vmem>> -> memref<1x1x128xi32, #tpu.memory_space<vmem>>
    %dma_wait3A_735 = tpu.memref_squeeze %dma_wait3A_734 : memref<1x1x128xi32, #tpu.memory_space<vmem>> -> memref<128xi32, #tpu.memory_space<vmem>>
    %dma_wait3A_736 = arith.constant 0 : i32
    %dma_wait3A_737 = arith.constant 0 : i32
    %dma_wait3A_738 = tpu.memref_slice %arg3[%dma_wait3A_736, %dma_wait3A_737] : memref<1000000x64xf32, #tpu.memory_space<hbm>> -> memref<1000000x64xf32, #tpu.memory_space<hbm>>
    tpu.wait_indirect_dma semaphore(%arg7 : memref<!tpu.dma_semaphore, #tpu.memory_space<semaphore_mem>>) src(%dma_wait3A_738 : memref<1000000x64xf32, #tpu.memory_space<hbm>>) dst(%dma_wait3A_732 : memref<128x64xf32, #tpu.memory_space<vmem>>)
    %parallel_loop3A_739 = arith.constant 0 : i32
    %parallel_loop3A_740 = arith.constant 128 : i32
    %parallel_loop3A_741 = arith.constant 1 : i32
    scf.for %parallel_loop3A_982 = %parallel_loop3A_739 to %parallel_loop3A_740 step %parallel_loop3A_741  : i32 {
      %parallel_loop3A_983 = arith.constant 4 : i32
      %parallel_loop3A_984 = arith.index_cast %parallel_loop3A_983 : i32 to index
      %parallel_loop3A_985 = arith.index_cast %parallel_loop3A_982 : i32 to index
      %parallel_loop3A_986 = arith.constant 0 : index
      %parallel_loop3A_987 = tpu.vector_load %arg6[%parallel_loop3A_984, %parallel_loop3A_985, %parallel_loop3A_986] {strides = array<i32>} : memref<8x128x64xf32, #tpu.memory_space<vmem>>, vector<1x1x16xf32>,
      %parallel_loop3A_988 = vector.shape_cast %parallel_loop3A_987 : vector<1x1x16xf32> to vector<16xf32>
      %parallel_loop3A_989 = arith.constant 8.000000e+00 : f32
      %parallel_loop3A_990 = vector.broadcast %parallel_loop3A_989 : f32 to vector<16xf32>
      %parallel_loop3A_991 = arith.mulf %parallel_loop3A_988, %parallel_loop3A_990 : vector<16xf32>
      %parallel_loop3A_992 = arith.constant 4 : i32
      %parallel_loop3A_993 = arith.index_cast %parallel_loop3A_992 : i32 to index
      %parallel_loop3A_994 = arith.index_cast %parallel_loop3A_982 : i32 to index
      %parallel_loop3A_995 = arith.constant 0 : index
      %parallel_loop3A_996 = tpu.vector_load %arg6[%parallel_loop3A_993, %parallel_loop3A_994, %parallel_loop3A_995] {strides = array<i32>} : memref<8x128x64xf32, #tpu.memory_space<vmem>>, vector<1x1x16xf32>,
      %parallel_loop3A_997 = vector.shape_cast %parallel_loop3A_996 : vector<1x1x16xf32> to vector<16xf32>
      %parallel_loop3A_998 = vector.shape_cast %parallel_loop3A_991 : vector<16xf32> to vector<1x1x16xf32>
      tpu.vector_store %arg6[%parallel_loop3A_993, %parallel_loop3A_994, %parallel_loop3A_995], %parallel_loop3A_998 {strides = array<i32>} : memref<8x128x64xf32, #tpu.memory_space<vmem>>, vector<1x1x16xf32>,
      %parallel_loop3A_999 = arith.constant 4 : i32
      %parallel_loop3A_1000 = arith.index_cast %parallel_loop3A_999 : i32 to index
      %parallel_loop3A_1001 = arith.index_cast %parallel_loop3A_982 : i32 to index
      %parallel_loop3A_1002 = arith.constant 16 : index
      %parallel_loop3A_1003 = tpu.vector_load %arg6[%parallel_loop3A_1000, %parallel_loop3A_1001, %parallel_loop3A_1002] {strides = array<i32>} : memref<8x128x64xf32, #tpu.memory_space<vmem>>, vector<1x1x16xf32>,
      %parallel_loop3A_1004 = vector.shape_cast %parallel_loop3A_1003 : vector<1x1x16xf32> to vector<16xf32>
      %parallel_loop3A_1005 = arith.constant 8.000000e+00 : f32
      %parallel_loop3A_1006 = vector.broadcast %parallel_loop3A_1005 : f32 to vector<16xf32>
      %parallel_loop3A_1007 = arith.mulf %parallel_loop3A_1004, %parallel_loop3A_1006 : vector<16xf32>
      %parallel_loop3A_1008 = arith.constant 4 : i32
      %parallel_loop3A_1009 = arith.index_cast %parallel_loop3A_1008 : i32 to index
      %parallel_loop3A_1010 = arith.index_cast %parallel_loop3A_982 : i32 to index
      %parallel_loop3A_1011 = arith.constant 16 : index
      %parallel_loop3A_1012 = tpu.vector_load %arg6[%parallel_loop3A_1009, %parallel_loop3A_1010, %parallel_loop3A_1011] {strides = array<i32>} : memref<8x128x64xf32, #tpu.memory_space<vmem>>, vector<1x1x16xf32>,
      %parallel_loop3A_1013 = vector.shape_cast %parallel_loop3A_1012 : vector<1x1x16xf32> to vector<16xf32>
      %parallel_loop3A_1014 = vector.shape_cast %parallel_loop3A_1007 : vector<16xf32> to vector<1x1x16xf32>
      tpu.vector_store %arg6[%parallel_loop3A_1009, %parallel_loop3A_1010, %parallel_loop3A_1011], %parallel_loop3A_1014 {strides = array<i32>} : memref<8x128x64xf32, #tpu.memory_space<vmem>>, vector<1x1x16xf32>,
      %parallel_loop3A_1015 = arith.constant 4 : i32
      %parallel_loop3A_1016 = arith.index_cast %parallel_loop3A_1015 : i32 to index
      %parallel_loop3A_1017 = arith.index_cast %parallel_loop3A_982 : i32 to index
      %parallel_loop3A_1018 = arith.constant 32 : index
      %parallel_loop3A_1019 = tpu.vector_load %arg6[%parallel_loop3A_1016, %parallel_loop3A_1017, %parallel_loop3A_1018] {strides = array<i32>} : memref<8x128x64xf32, #tpu.memory_space<vmem>>, vector<1x1x16xf32>,
      %parallel_loop3A_1020 = vector.shape_cast %parallel_loop3A_1019 : vector<1x1x16xf32> to vector<16xf32>
      %parallel_loop3A_1021 = arith.constant 8.000000e+00 : f32
      %parallel_loop3A_1022 = vector.broadcast %parallel_loop3A_1021 : f32 to vector<16xf32>
      %parallel_loop3A_1023 = arith.mulf %parallel_loop3A_1020, %parallel_loop3A_1022 : vector<16xf32>
      %parallel_loop3A_1024 = arith.constant 4 : i32
      %parallel_loop3A_1025 = arith.index_cast %parallel_loop3A_1024 : i32 to index
      %parallel_loop3A_1026 = arith.index_cast %parallel_loop3A_982 : i32 to index
      %parallel_loop3A_1027 = arith.constant 32 : index
      %parallel_loop3A_1028 = tpu.vector_load %arg6[%parallel_loop3A_1025, %parallel_loop3A_1026, %parallel_loop3A_1027] {strides = array<i32>} : memref<8x128x64xf32, #tpu.memory_space<vmem>>, vector<1x1x16xf32>,
      %parallel_loop3A_1029 = vector.shape_cast %parallel_loop3A_1028 : vector<1x1x16xf32> to vector<16xf32>
      %parallel_loop3A_1030 = vector.shape_cast %parallel_loop3A_1023 : vector<16xf32> to vector<1x1x16xf32>
      tpu.vector_store %arg6[%parallel_loop3A_1025, %parallel_loop3A_1026, %parallel_loop3A_1027], %parallel_loop3A_1030 {strides = array<i32>} : memref<8x128x64xf32, #tpu.memory_space<vmem>>, vector<1x1x16xf32>,
      %parallel_loop3A_1031 = arith.constant 4 : i32
      %parallel_loop3A_1032 = arith.index_cast %parallel_loop3A_1031 : i32 to index
      %parallel_loop3A_1033 = arith.index_cast %parallel_loop3A_982 : i32 to index
      %parallel_loop3A_1034 = arith.constant 48 : index
      %parallel_loop3A_1035 = tpu.vector_load %arg6[%parallel_loop3A_1032, %parallel_loop3A_1033, %parallel_loop3A_1034] {strides = array<i32>} : memref<8x128x64xf32, #tpu.memory_space<vmem>>, vector<1x1x16xf32>,
      %parallel_loop3A_1036 = vector.shape_cast %parallel_loop3A_1035 : vector<1x1x16xf32> to vector<16xf32>
      %parallel_loop3A_1037 = arith.constant 8.000000e+00 : f32
      %parallel_loop3A_1038 = vector.broadcast %parallel_loop3A_1037 : f32 to vector<16xf32>
      %parallel_loop3A_1039 = arith.mulf %parallel_loop3A_1036, %parallel_loop3A_1038 : vector<16xf32>
      %parallel_loop3A_1040 = arith.constant 4 : i32
      %parallel_loop3A_1041 = arith.index_cast %parallel_loop3A_1040 : i32 to index
      %parallel_loop3A_1042 = arith.index_cast %parallel_loop3A_982 : i32 to index
      %parallel_loop3A_1043 = arith.constant 48 : index
      %parallel_loop3A_1044 = tpu.vector_load %arg6[%parallel_loop3A_1041, %parallel_loop3A_1042, %parallel_loop3A_1043] {strides = array<i32>} : memref<8x128x64xf32, #tpu.memory_space<vmem>>, vector<1x1x16xf32>,
      %parallel_loop3A_1045 = vector.shape_cast %parallel_loop3A_1044 : vector<1x1x16xf32> to vector<16xf32>
      %parallel_loop3A_1046 = vector.shape_cast %parallel_loop3A_1039 : vector<16xf32> to vector<1x1x16xf32>
      tpu.vector_store %arg6[%parallel_loop3A_1041, %parallel_loop3A_1042, %parallel_loop3A_1043], %parallel_loop3A_1046 {strides = array<i32>} : memref<8x128x64xf32, #tpu.memory_space<vmem>>, vector<1x1x16xf32>,
    } {sc.loop_unroll_factor = 4 : i64, sc.parallel_access}
    %dma_start3A_742 = arith.constant 4 : i32
    %dma_start3A_743 = arith.constant 196 : i32
    %dma_start3A_744 = arith.constant 0 : i32
    %dma_start3A_745 = arith.constant 0 : i32
    %dma_start3A_746 = tpu.memref_slice %arg6[%dma_start3A_742, %dma_start3A_744, %dma_start3A_745] : memref<8x128x64xf32, #tpu.memory_space<vmem>> -> memref<1x128x64xf32, #tpu.memory_space<vmem>>
    %dma_start3A_747 = tpu.memref_squeeze %dma_start3A_746 : memref<1x128x64xf32, #tpu.memory_space<vmem>> -> memref<128x64xf32, #tpu.memory_space<vmem>>
    %dma_start3A_748 = arith.constant 0 : i32
    %dma_start3A_749 = tpu.memref_slice %arg4[%mul3A_2, %dma_start3A_743, %dma_start3A_748] : memref<4096x200x128xf32, #tpu.memory_space<hbm>> -> memref<128x1x64xf32, #tpu.memory_space<hbm>>
    %dma_start3A_750 = tpu.memref_squeeze %dma_start3A_749 : memref<128x1x64xf32, #tpu.memory_space<hbm>> -> memref<128x64xf32, #tpu.memory_space<hbm>>
    %dma_start3A_751 = arith.constant 0 : i32
    %dma_start3A_752 = tpu.memref_slice %arg4[%mul3A_2, %dma_start3A_743, %dma_start3A_751] : memref<4096x200x128xf32, #tpu.memory_space<hbm>> -> memref<128x1x64xf32, #tpu.memory_space<hbm>>
    %dma_start3A_753 = tpu.memref_squeeze %dma_start3A_752 : memref<128x1x64xf32, #tpu.memory_space<hbm>> -> memref<128x64xf32, #tpu.memory_space<hbm>>
    %dma_start3A_754 = arith.constant 0 : i32
    %dma_start3A_755 = arith.constant 0 : i32
    %dma_start3A_756 = tpu.memref_slice %arg6[%dma_start3A_742, %dma_start3A_754, %dma_start3A_755] : memref<8x128x64xf32, #tpu.memory_space<vmem>> -> memref<1x128x64xf32, #tpu.memory_space<vmem>>
    %dma_start3A_757 = tpu.memref_squeeze %dma_start3A_756 : memref<1x128x64xf32, #tpu.memory_space<vmem>> -> memref<128x64xf32, #tpu.memory_space<vmem>>
    tpu.enqueue_dma source(%dma_start3A_757 : memref<128x64xf32, #tpu.memory_space<vmem>>) target(%dma_start3A_753 : memref<128x64xf32, #tpu.memory_space<hbm>>) target_semaphore(%arg8 : memref<!tpu.dma_semaphore, #tpu.memory_space<semaphore_mem>>)
    %dma_wait3A_758 = arith.constant 0 : i32
    %dma_wait3A_759 = arith.constant 0 : i32
    %dma_wait3A_760 = arith.constant 0 : i32
    %dma_wait3A_761 = arith.constant 0 : i32
    %dma_wait3A_762 = tpu.memref_slice %arg6[%dma_wait3A_758, %dma_wait3A_760, %dma_wait3A_761] : memref<8x128x64xf32, #tpu.memory_space<vmem>> -> memref<1x128x64xf32, #tpu.memory_space<vmem>>
    %dma_wait3A_763 = tpu.memref_squeeze %dma_wait3A_762 : memref<1x128x64xf32, #tpu.memory_space<vmem>> -> memref<128x64xf32, #tpu.memory_space<vmem>>
    %dma_wait3A_764 = arith.constant 0 : i32
    %dma_wait3A_765 = tpu.memref_slice %arg4[%mul3A_2, %dma_wait3A_759, %dma_wait3A_764] : memref<4096x200x128xf32, #tpu.memory_space<hbm>> -> memref<128x1x64xf32, #tpu.memory_space<hbm>>
    %dma_wait3A_766 = tpu.memref_squeeze %dma_wait3A_765 : memref<128x1x64xf32, #tpu.memory_space<hbm>> -> memref<128x64xf32, #tpu.memory_space<hbm>>
    %dma_wait3A_767 = arith.constant 0 : i32
    %dma_wait3A_768 = tpu.memref_slice %arg4[%mul3A_2, %dma_wait3A_759, %dma_wait3A_767] : memref<4096x200x128xf32, #tpu.memory_space<hbm>> -> memref<128x1x64xf32, #tpu.memory_space<hbm>>
    %dma_wait3A_769 = tpu.memref_squeeze %dma_wait3A_768 : memref<128x1x64xf32, #tpu.memory_space<hbm>> -> memref<128x64xf32, #tpu.memory_space<hbm>>
    %dma_wait3A_770 = arith.constant 0 : i32
    %dma_wait3A_771 = arith.constant 0 : i32
    %dma_wait3A_772 = tpu.memref_slice %arg6[%dma_wait3A_758, %dma_wait3A_770, %dma_wait3A_771] : memref<8x128x64xf32, #tpu.memory_space<vmem>> -> memref<1x128x64xf32, #tpu.memory_space<vmem>>
    %dma_wait3A_773 = tpu.memref_squeeze %dma_wait3A_772 : memref<1x128x64xf32, #tpu.memory_space<vmem>> -> memref<128x64xf32, #tpu.memory_space<vmem>>
    tpu.wait_dma2 semaphore(%arg8 : memref<!tpu.dma_semaphore, #tpu.memory_space<semaphore_mem>>) src(%dma_wait3A_773 : memref<128x64xf32, #tpu.memory_space<vmem>>) dst(%dma_wait3A_769 : memref<128x64xf32, #tpu.memory_space<hbm>>)
    %dma_wait3A_774 = arith.constant 0 : i32
    %dma_wait3A_775 = arith.constant 0 : i32
    %dma_wait3A_776 = arith.constant 5 : i32
    %dma_wait3A_777 = arith.constant 0 : i32
    %dma_wait3A_778 = arith.constant 0 : i32
    %dma_wait3A_779 = tpu.memref_slice %arg6[%dma_wait3A_776, %dma_wait3A_777, %dma_wait3A_778] : memref<8x128x64xf32, #tpu.memory_space<vmem>> -> memref<1x128x64xf32, #tpu.memory_space<vmem>>
    %dma_wait3A_780 = tpu.memref_squeeze %dma_wait3A_779 : memref<1x128x64xf32, #tpu.memory_space<vmem>> -> memref<128x64xf32, #tpu.memory_space<vmem>>
    %dma_wait3A_781 = arith.constant 0 : i32
    %dma_wait3A_782 = tpu.memref_slice %arg5[%dma_wait3A_774, %dma_wait3A_775, %dma_wait3A_781] : memref<2x8x128xi32, #tpu.memory_space<vmem>> -> memref<1x1x128xi32, #tpu.memory_space<vmem>>
    %dma_wait3A_783 = tpu.memref_squeeze %dma_wait3A_782 : memref<1x1x128xi32, #tpu.memory_space<vmem>> -> memref<128xi32, #tpu.memory_space<vmem>>
    %dma_wait3A_784 = arith.constant 0 : i32
    %dma_wait3A_785 = arith.constant 0 : i32
    %dma_wait3A_786 = tpu.memref_slice %arg3[%dma_wait3A_784, %dma_wait3A_785] : memref<1000000x64xf32, #tpu.memory_space<hbm>> -> memref<1000000x64xf32, #tpu.memory_space<hbm>>
    tpu.wait_indirect_dma semaphore(%arg7 : memref<!tpu.dma_semaphore, #tpu.memory_space<semaphore_mem>>) src(%dma_wait3A_786 : memref<1000000x64xf32, #tpu.memory_space<hbm>>) dst(%dma_wait3A_780 : memref<128x64xf32, #tpu.memory_space<vmem>>)
    %parallel_loop3A_787 = arith.constant 0 : i32
    %parallel_loop3A_788 = arith.constant 128 : i32
    %parallel_loop3A_789 = arith.constant 1 : i32
    scf.for %parallel_loop3A_982 = %parallel_loop3A_787 to %parallel_loop3A_788 step %parallel_loop3A_789  : i32 {
      %parallel_loop3A_983 = arith.constant 5 : i32
      %parallel_loop3A_984 = arith.index_cast %parallel_loop3A_983 : i32 to index
      %parallel_loop3A_985 = arith.index_cast %parallel_loop3A_982 : i32 to index
      %parallel_loop3A_986 = arith.constant 0 : index
      %parallel_loop3A_987 = tpu.vector_load %arg6[%parallel_loop3A_984, %parallel_loop3A_985, %parallel_loop3A_986] {strides = array<i32>} : memref<8x128x64xf32, #tpu.memory_space<vmem>>, vector<1x1x16xf32>,
      %parallel_loop3A_988 = vector.shape_cast %parallel_loop3A_987 : vector<1x1x16xf32> to vector<16xf32>
      %parallel_loop3A_989 = arith.constant 8.000000e+00 : f32
      %parallel_loop3A_990 = vector.broadcast %parallel_loop3A_989 : f32 to vector<16xf32>
      %parallel_loop3A_991 = arith.mulf %parallel_loop3A_988, %parallel_loop3A_990 : vector<16xf32>
      %parallel_loop3A_992 = arith.constant 5 : i32
      %parallel_loop3A_993 = arith.index_cast %parallel_loop3A_992 : i32 to index
      %parallel_loop3A_994 = arith.index_cast %parallel_loop3A_982 : i32 to index
      %parallel_loop3A_995 = arith.constant 0 : index
      %parallel_loop3A_996 = tpu.vector_load %arg6[%parallel_loop3A_993, %parallel_loop3A_994, %parallel_loop3A_995] {strides = array<i32>} : memref<8x128x64xf32, #tpu.memory_space<vmem>>, vector<1x1x16xf32>,
      %parallel_loop3A_997 = vector.shape_cast %parallel_loop3A_996 : vector<1x1x16xf32> to vector<16xf32>
      %parallel_loop3A_998 = vector.shape_cast %parallel_loop3A_991 : vector<16xf32> to vector<1x1x16xf32>
      tpu.vector_store %arg6[%parallel_loop3A_993, %parallel_loop3A_994, %parallel_loop3A_995], %parallel_loop3A_998 {strides = array<i32>} : memref<8x128x64xf32, #tpu.memory_space<vmem>>, vector<1x1x16xf32>,
      %parallel_loop3A_999 = arith.constant 5 : i32
      %parallel_loop3A_1000 = arith.index_cast %parallel_loop3A_999 : i32 to index
      %parallel_loop3A_1001 = arith.index_cast %parallel_loop3A_982 : i32 to index
      %parallel_loop3A_1002 = arith.constant 16 : index
      %parallel_loop3A_1003 = tpu.vector_load %arg6[%parallel_loop3A_1000, %parallel_loop3A_1001, %parallel_loop3A_1002] {strides = array<i32>} : memref<8x128x64xf32, #tpu.memory_space<vmem>>, vector<1x1x16xf32>,
      %parallel_loop3A_1004 = vector.shape_cast %parallel_loop3A_1003 : vector<1x1x16xf32> to vector<16xf32>
      %parallel_loop3A_1005 = arith.constant 8.000000e+00 : f32
      %parallel_loop3A_1006 = vector.broadcast %parallel_loop3A_1005 : f32 to vector<16xf32>
      %parallel_loop3A_1007 = arith.mulf %parallel_loop3A_1004, %parallel_loop3A_1006 : vector<16xf32>
      %parallel_loop3A_1008 = arith.constant 5 : i32
      %parallel_loop3A_1009 = arith.index_cast %parallel_loop3A_1008 : i32 to index
      %parallel_loop3A_1010 = arith.index_cast %parallel_loop3A_982 : i32 to index
      %parallel_loop3A_1011 = arith.constant 16 : index
      %parallel_loop3A_1012 = tpu.vector_load %arg6[%parallel_loop3A_1009, %parallel_loop3A_1010, %parallel_loop3A_1011] {strides = array<i32>} : memref<8x128x64xf32, #tpu.memory_space<vmem>>, vector<1x1x16xf32>,
      %parallel_loop3A_1013 = vector.shape_cast %parallel_loop3A_1012 : vector<1x1x16xf32> to vector<16xf32>
      %parallel_loop3A_1014 = vector.shape_cast %parallel_loop3A_1007 : vector<16xf32> to vector<1x1x16xf32>
      tpu.vector_store %arg6[%parallel_loop3A_1009, %parallel_loop3A_1010, %parallel_loop3A_1011], %parallel_loop3A_1014 {strides = array<i32>} : memref<8x128x64xf32, #tpu.memory_space<vmem>>, vector<1x1x16xf32>,
      %parallel_loop3A_1015 = arith.constant 5 : i32
      %parallel_loop3A_1016 = arith.index_cast %parallel_loop3A_1015 : i32 to index
      %parallel_loop3A_1017 = arith.index_cast %parallel_loop3A_982 : i32 to index
      %parallel_loop3A_1018 = arith.constant 32 : index
      %parallel_loop3A_1019 = tpu.vector_load %arg6[%parallel_loop3A_1016, %parallel_loop3A_1017, %parallel_loop3A_1018] {strides = array<i32>} : memref<8x128x64xf32, #tpu.memory_space<vmem>>, vector<1x1x16xf32>,
      %parallel_loop3A_1020 = vector.shape_cast %parallel_loop3A_1019 : vector<1x1x16xf32> to vector<16xf32>
      %parallel_loop3A_1021 = arith.constant 8.000000e+00 : f32
      %parallel_loop3A_1022 = vector.broadcast %parallel_loop3A_1021 : f32 to vector<16xf32>
      %parallel_loop3A_1023 = arith.mulf %parallel_loop3A_1020, %parallel_loop3A_1022 : vector<16xf32>
      %parallel_loop3A_1024 = arith.constant 5 : i32
      %parallel_loop3A_1025 = arith.index_cast %parallel_loop3A_1024 : i32 to index
      %parallel_loop3A_1026 = arith.index_cast %parallel_loop3A_982 : i32 to index
      %parallel_loop3A_1027 = arith.constant 32 : index
      %parallel_loop3A_1028 = tpu.vector_load %arg6[%parallel_loop3A_1025, %parallel_loop3A_1026, %parallel_loop3A_1027] {strides = array<i32>} : memref<8x128x64xf32, #tpu.memory_space<vmem>>, vector<1x1x16xf32>,
      %parallel_loop3A_1029 = vector.shape_cast %parallel_loop3A_1028 : vector<1x1x16xf32> to vector<16xf32>
      %parallel_loop3A_1030 = vector.shape_cast %parallel_loop3A_1023 : vector<16xf32> to vector<1x1x16xf32>
      tpu.vector_store %arg6[%parallel_loop3A_1025, %parallel_loop3A_1026, %parallel_loop3A_1027], %parallel_loop3A_1030 {strides = array<i32>} : memref<8x128x64xf32, #tpu.memory_space<vmem>>, vector<1x1x16xf32>,
      %parallel_loop3A_1031 = arith.constant 5 : i32
      %parallel_loop3A_1032 = arith.index_cast %parallel_loop3A_1031 : i32 to index
      %parallel_loop3A_1033 = arith.index_cast %parallel_loop3A_982 : i32 to index
      %parallel_loop3A_1034 = arith.constant 48 : index
      %parallel_loop3A_1035 = tpu.vector_load %arg6[%parallel_loop3A_1032, %parallel_loop3A_1033, %parallel_loop3A_1034] {strides = array<i32>} : memref<8x128x64xf32, #tpu.memory_space<vmem>>, vector<1x1x16xf32>,
      %parallel_loop3A_1036 = vector.shape_cast %parallel_loop3A_1035 : vector<1x1x16xf32> to vector<16xf32>
      %parallel_loop3A_1037 = arith.constant 8.000000e+00 : f32
      %parallel_loop3A_1038 = vector.broadcast %parallel_loop3A_1037 : f32 to vector<16xf32>
      %parallel_loop3A_1039 = arith.mulf %parallel_loop3A_1036, %parallel_loop3A_1038 : vector<16xf32>
      %parallel_loop3A_1040 = arith.constant 5 : i32
      %parallel_loop3A_1041 = arith.index_cast %parallel_loop3A_1040 : i32 to index
      %parallel_loop3A_1042 = arith.index_cast %parallel_loop3A_982 : i32 to index
      %parallel_loop3A_1043 = arith.constant 48 : index
      %parallel_loop3A_1044 = tpu.vector_load %arg6[%parallel_loop3A_1041, %parallel_loop3A_1042, %parallel_loop3A_1043] {strides = array<i32>} : memref<8x128x64xf32, #tpu.memory_space<vmem>>, vector<1x1x16xf32>,
      %parallel_loop3A_1045 = vector.shape_cast %parallel_loop3A_1044 : vector<1x1x16xf32> to vector<16xf32>
      %parallel_loop3A_1046 = vector.shape_cast %parallel_loop3A_1039 : vector<16xf32> to vector<1x1x16xf32>
      tpu.vector_store %arg6[%parallel_loop3A_1041, %parallel_loop3A_1042, %parallel_loop3A_1043], %parallel_loop3A_1046 {strides = array<i32>} : memref<8x128x64xf32, #tpu.memory_space<vmem>>, vector<1x1x16xf32>,
    } {sc.loop_unroll_factor = 4 : i64, sc.parallel_access}
    %dma_start3A_790 = arith.constant 5 : i32
    %dma_start3A_791 = arith.constant 197 : i32
    %dma_start3A_792 = arith.constant 0 : i32
    %dma_start3A_793 = arith.constant 0 : i32
    %dma_start3A_794 = tpu.memref_slice %arg6[%dma_start3A_790, %dma_start3A_792, %dma_start3A_793] : memref<8x128x64xf32, #tpu.memory_space<vmem>> -> memref<1x128x64xf32, #tpu.memory_space<vmem>>
    %dma_start3A_795 = tpu.memref_squeeze %dma_start3A_794 : memref<1x128x64xf32, #tpu.memory_space<vmem>> -> memref<128x64xf32, #tpu.memory_space<vmem>>
    %dma_start3A_796 = arith.constant 0 : i32
    %dma_start3A_797 = tpu.memref_slice %arg4[%mul3A_2, %dma_start3A_791, %dma_start3A_796] : memref<4096x200x128xf32, #tpu.memory_space<hbm>> -> memref<128x1x64xf32, #tpu.memory_space<hbm>>
    %dma_start3A_798 = tpu.memref_squeeze %dma_start3A_797 : memref<128x1x64xf32, #tpu.memory_space<hbm>> -> memref<128x64xf32, #tpu.memory_space<hbm>>
    %dma_start3A_799 = arith.constant 0 : i32
    %dma_start3A_800 = tpu.memref_slice %arg4[%mul3A_2, %dma_start3A_791, %dma_start3A_799] : memref<4096x200x128xf32, #tpu.memory_space<hbm>> -> memref<128x1x64xf32, #tpu.memory_space<hbm>>
    %dma_start3A_801 = tpu.memref_squeeze %dma_start3A_800 : memref<128x1x64xf32, #tpu.memory_space<hbm>> -> memref<128x64xf32, #tpu.memory_space<hbm>>
    %dma_start3A_802 = arith.constant 0 : i32
    %dma_start3A_803 = arith.constant 0 : i32
    %dma_start3A_804 = tpu.memref_slice %arg6[%dma_start3A_790, %dma_start3A_802, %dma_start3A_803] : memref<8x128x64xf32, #tpu.memory_space<vmem>> -> memref<1x128x64xf32, #tpu.memory_space<vmem>>
    %dma_start3A_805 = tpu.memref_squeeze %dma_start3A_804 : memref<1x128x64xf32, #tpu.memory_space<vmem>> -> memref<128x64xf32, #tpu.memory_space<vmem>>
    tpu.enqueue_dma source(%dma_start3A_805 : memref<128x64xf32, #tpu.memory_space<vmem>>) target(%dma_start3A_801 : memref<128x64xf32, #tpu.memory_space<hbm>>) target_semaphore(%arg8 : memref<!tpu.dma_semaphore, #tpu.memory_space<semaphore_mem>>)
    %dma_wait3A_806 = arith.constant 0 : i32
    %dma_wait3A_807 = arith.constant 0 : i32
    %dma_wait3A_808 = arith.constant 0 : i32
    %dma_wait3A_809 = arith.constant 0 : i32
    %dma_wait3A_810 = tpu.memref_slice %arg6[%dma_wait3A_806, %dma_wait3A_808, %dma_wait3A_809] : memref<8x128x64xf32, #tpu.memory_space<vmem>> -> memref<1x128x64xf32, #tpu.memory_space<vmem>>
    %dma_wait3A_811 = tpu.memref_squeeze %dma_wait3A_810 : memref<1x128x64xf32, #tpu.memory_space<vmem>> -> memref<128x64xf32, #tpu.memory_space<vmem>>
    %dma_wait3A_812 = arith.constant 0 : i32
    %dma_wait3A_813 = tpu.memref_slice %arg4[%mul3A_2, %dma_wait3A_807, %dma_wait3A_812] : memref<4096x200x128xf32, #tpu.memory_space<hbm>> -> memref<128x1x64xf32, #tpu.memory_space<hbm>>
    %dma_wait3A_814 = tpu.memref_squeeze %dma_wait3A_813 : memref<128x1x64xf32, #tpu.memory_space<hbm>> -> memref<128x64xf32, #tpu.memory_space<hbm>>
    %dma_wait3A_815 = arith.constant 0 : i32
    %dma_wait3A_816 = tpu.memref_slice %arg4[%mul3A_2, %dma_wait3A_807, %dma_wait3A_815] : memref<4096x200x128xf32, #tpu.memory_space<hbm>> -> memref<128x1x64xf32, #tpu.memory_space<hbm>>
    %dma_wait3A_817 = tpu.memref_squeeze %dma_wait3A_816 : memref<128x1x64xf32, #tpu.memory_space<hbm>> -> memref<128x64xf32, #tpu.memory_space<hbm>>
    %dma_wait3A_818 = arith.constant 0 : i32
    %dma_wait3A_819 = arith.constant 0 : i32
    %dma_wait3A_820 = tpu.memref_slice %arg6[%dma_wait3A_806, %dma_wait3A_818, %dma_wait3A_819] : memref<8x128x64xf32, #tpu.memory_space<vmem>> -> memref<1x128x64xf32, #tpu.memory_space<vmem>>
    %dma_wait3A_821 = tpu.memref_squeeze %dma_wait3A_820 : memref<1x128x64xf32, #tpu.memory_space<vmem>> -> memref<128x64xf32, #tpu.memory_space<vmem>>
    tpu.wait_dma2 semaphore(%arg8 : memref<!tpu.dma_semaphore, #tpu.memory_space<semaphore_mem>>) src(%dma_wait3A_821 : memref<128x64xf32, #tpu.memory_space<vmem>>) dst(%dma_wait3A_817 : memref<128x64xf32, #tpu.memory_space<hbm>>)
    %dma_wait3A_822 = arith.constant 0 : i32
    %dma_wait3A_823 = arith.constant 0 : i32
    %dma_wait3A_824 = arith.constant 6 : i32
    %dma_wait3A_825 = arith.constant 0 : i32
    %dma_wait3A_826 = arith.constant 0 : i32
    %dma_wait3A_827 = tpu.memref_slice %arg6[%dma_wait3A_824, %dma_wait3A_825, %dma_wait3A_826] : memref<8x128x64xf32, #tpu.memory_space<vmem>> -> memref<1x128x64xf32, #tpu.memory_space<vmem>>
    %dma_wait3A_828 = tpu.memref_squeeze %dma_wait3A_827 : memref<1x128x64xf32, #tpu.memory_space<vmem>> -> memref<128x64xf32, #tpu.memory_space<vmem>>
    %dma_wait3A_829 = arith.constant 0 : i32
    %dma_wait3A_830 = tpu.memref_slice %arg5[%dma_wait3A_822, %dma_wait3A_823, %dma_wait3A_829] : memref<2x8x128xi32, #tpu.memory_space<vmem>> -> memref<1x1x128xi32, #tpu.memory_space<vmem>>
    %dma_wait3A_831 = tpu.memref_squeeze %dma_wait3A_830 : memref<1x1x128xi32, #tpu.memory_space<vmem>> -> memref<128xi32, #tpu.memory_space<vmem>>
    %dma_wait3A_832 = arith.constant 0 : i32
    %dma_wait3A_833 = arith.constant 0 : i32
    %dma_wait3A_834 = tpu.memref_slice %arg3[%dma_wait3A_832, %dma_wait3A_833] : memref<1000000x64xf32, #tpu.memory_space<hbm>> -> memref<1000000x64xf32, #tpu.memory_space<hbm>>
    tpu.wait_indirect_dma semaphore(%arg7 : memref<!tpu.dma_semaphore, #tpu.memory_space<semaphore_mem>>) src(%dma_wait3A_834 : memref<1000000x64xf32, #tpu.memory_space<hbm>>) dst(%dma_wait3A_828 : memref<128x64xf32, #tpu.memory_space<vmem>>)
    %parallel_loop3A_835 = arith.constant 0 : i32
    %parallel_loop3A_836 = arith.constant 128 : i32
    %parallel_loop3A_837 = arith.constant 1 : i32
    scf.for %parallel_loop3A_982 = %parallel_loop3A_835 to %parallel_loop3A_836 step %parallel_loop3A_837  : i32 {
      %parallel_loop3A_983 = arith.constant 6 : i32
      %parallel_loop3A_984 = arith.index_cast %parallel_loop3A_983 : i32 to index
      %parallel_loop3A_985 = arith.index_cast %parallel_loop3A_982 : i32 to index
      %parallel_loop3A_986 = arith.constant 0 : index
      %parallel_loop3A_987 = tpu.vector_load %arg6[%parallel_loop3A_984, %parallel_loop3A_985, %parallel_loop3A_986] {strides = array<i32>} : memref<8x128x64xf32, #tpu.memory_space<vmem>>, vector<1x1x16xf32>,
      %parallel_loop3A_988 = vector.shape_cast %parallel_loop3A_987 : vector<1x1x16xf32> to vector<16xf32>
      %parallel_loop3A_989 = arith.constant 8.000000e+00 : f32
      %parallel_loop3A_990 = vector.broadcast %parallel_loop3A_989 : f32 to vector<16xf32>
      %parallel_loop3A_991 = arith.mulf %parallel_loop3A_988, %parallel_loop3A_990 : vector<16xf32>
      %parallel_loop3A_992 = arith.constant 6 : i32
      %parallel_loop3A_993 = arith.index_cast %parallel_loop3A_992 : i32 to index
      %parallel_loop3A_994 = arith.index_cast %parallel_loop3A_982 : i32 to index
      %parallel_loop3A_995 = arith.constant 0 : index
      %parallel_loop3A_996 = tpu.vector_load %arg6[%parallel_loop3A_993, %parallel_loop3A_994, %parallel_loop3A_995] {strides = array<i32>} : memref<8x128x64xf32, #tpu.memory_space<vmem>>, vector<1x1x16xf32>,
      %parallel_loop3A_997 = vector.shape_cast %parallel_loop3A_996 : vector<1x1x16xf32> to vector<16xf32>
      %parallel_loop3A_998 = vector.shape_cast %parallel_loop3A_991 : vector<16xf32> to vector<1x1x16xf32>
      tpu.vector_store %arg6[%parallel_loop3A_993, %parallel_loop3A_994, %parallel_loop3A_995], %parallel_loop3A_998 {strides = array<i32>} : memref<8x128x64xf32, #tpu.memory_space<vmem>>, vector<1x1x16xf32>,
      %parallel_loop3A_999 = arith.constant 6 : i32
      %parallel_loop3A_1000 = arith.index_cast %parallel_loop3A_999 : i32 to index
      %parallel_loop3A_1001 = arith.index_cast %parallel_loop3A_982 : i32 to index
      %parallel_loop3A_1002 = arith.constant 16 : index
      %parallel_loop3A_1003 = tpu.vector_load %arg6[%parallel_loop3A_1000, %parallel_loop3A_1001, %parallel_loop3A_1002] {strides = array<i32>} : memref<8x128x64xf32, #tpu.memory_space<vmem>>, vector<1x1x16xf32>,
      %parallel_loop3A_1004 = vector.shape_cast %parallel_loop3A_1003 : vector<1x1x16xf32> to vector<16xf32>
      %parallel_loop3A_1005 = arith.constant 8.000000e+00 : f32
      %parallel_loop3A_1006 = vector.broadcast %parallel_loop3A_1005 : f32 to vector<16xf32>
      %parallel_loop3A_1007 = arith.mulf %parallel_loop3A_1004, %parallel_loop3A_1006 : vector<16xf32>
      %parallel_loop3A_1008 = arith.constant 6 : i32
      %parallel_loop3A_1009 = arith.index_cast %parallel_loop3A_1008 : i32 to index
      %parallel_loop3A_1010 = arith.index_cast %parallel_loop3A_982 : i32 to index
      %parallel_loop3A_1011 = arith.constant 16 : index
      %parallel_loop3A_1012 = tpu.vector_load %arg6[%parallel_loop3A_1009, %parallel_loop3A_1010, %parallel_loop3A_1011] {strides = array<i32>} : memref<8x128x64xf32, #tpu.memory_space<vmem>>, vector<1x1x16xf32>,
      %parallel_loop3A_1013 = vector.shape_cast %parallel_loop3A_1012 : vector<1x1x16xf32> to vector<16xf32>
      %parallel_loop3A_1014 = vector.shape_cast %parallel_loop3A_1007 : vector<16xf32> to vector<1x1x16xf32>
      tpu.vector_store %arg6[%parallel_loop3A_1009, %parallel_loop3A_1010, %parallel_loop3A_1011], %parallel_loop3A_1014 {strides = array<i32>} : memref<8x128x64xf32, #tpu.memory_space<vmem>>, vector<1x1x16xf32>,
      %parallel_loop3A_1015 = arith.constant 6 : i32
      %parallel_loop3A_1016 = arith.index_cast %parallel_loop3A_1015 : i32 to index
      %parallel_loop3A_1017 = arith.index_cast %parallel_loop3A_982 : i32 to index
      %parallel_loop3A_1018 = arith.constant 32 : index
      %parallel_loop3A_1019 = tpu.vector_load %arg6[%parallel_loop3A_1016, %parallel_loop3A_1017, %parallel_loop3A_1018] {strides = array<i32>} : memref<8x128x64xf32, #tpu.memory_space<vmem>>, vector<1x1x16xf32>,
      %parallel_loop3A_1020 = vector.shape_cast %parallel_loop3A_1019 : vector<1x1x16xf32> to vector<16xf32>
      %parallel_loop3A_1021 = arith.constant 8.000000e+00 : f32
      %parallel_loop3A_1022 = vector.broadcast %parallel_loop3A_1021 : f32 to vector<16xf32>
      %parallel_loop3A_1023 = arith.mulf %parallel_loop3A_1020, %parallel_loop3A_1022 : vector<16xf32>
      %parallel_loop3A_1024 = arith.constant 6 : i32
      %parallel_loop3A_1025 = arith.index_cast %parallel_loop3A_1024 : i32 to index
      %parallel_loop3A_1026 = arith.index_cast %parallel_loop3A_982 : i32 to index
      %parallel_loop3A_1027 = arith.constant 32 : index
      %parallel_loop3A_1028 = tpu.vector_load %arg6[%parallel_loop3A_1025, %parallel_loop3A_1026, %parallel_loop3A_1027] {strides = array<i32>} : memref<8x128x64xf32, #tpu.memory_space<vmem>>, vector<1x1x16xf32>,
      %parallel_loop3A_1029 = vector.shape_cast %parallel_loop3A_1028 : vector<1x1x16xf32> to vector<16xf32>
      %parallel_loop3A_1030 = vector.shape_cast %parallel_loop3A_1023 : vector<16xf32> to vector<1x1x16xf32>
      tpu.vector_store %arg6[%parallel_loop3A_1025, %parallel_loop3A_1026, %parallel_loop3A_1027], %parallel_loop3A_1030 {strides = array<i32>} : memref<8x128x64xf32, #tpu.memory_space<vmem>>, vector<1x1x16xf32>,
      %parallel_loop3A_1031 = arith.constant 6 : i32
      %parallel_loop3A_1032 = arith.index_cast %parallel_loop3A_1031 : i32 to index
      %parallel_loop3A_1033 = arith.index_cast %parallel_loop3A_982 : i32 to index
      %parallel_loop3A_1034 = arith.constant 48 : index
      %parallel_loop3A_1035 = tpu.vector_load %arg6[%parallel_loop3A_1032, %parallel_loop3A_1033, %parallel_loop3A_1034] {strides = array<i32>} : memref<8x128x64xf32, #tpu.memory_space<vmem>>, vector<1x1x16xf32>,
      %parallel_loop3A_1036 = vector.shape_cast %parallel_loop3A_1035 : vector<1x1x16xf32> to vector<16xf32>
      %parallel_loop3A_1037 = arith.constant 8.000000e+00 : f32
      %parallel_loop3A_1038 = vector.broadcast %parallel_loop3A_1037 : f32 to vector<16xf32>
      %parallel_loop3A_1039 = arith.mulf %parallel_loop3A_1036, %parallel_loop3A_1038 : vector<16xf32>
      %parallel_loop3A_1040 = arith.constant 6 : i32
      %parallel_loop3A_1041 = arith.index_cast %parallel_loop3A_1040 : i32 to index
      %parallel_loop3A_1042 = arith.index_cast %parallel_loop3A_982 : i32 to index
      %parallel_loop3A_1043 = arith.constant 48 : index
      %parallel_loop3A_1044 = tpu.vector_load %arg6[%parallel_loop3A_1041, %parallel_loop3A_1042, %parallel_loop3A_1043] {strides = array<i32>} : memref<8x128x64xf32, #tpu.memory_space<vmem>>, vector<1x1x16xf32>,
      %parallel_loop3A_1045 = vector.shape_cast %parallel_loop3A_1044 : vector<1x1x16xf32> to vector<16xf32>
      %parallel_loop3A_1046 = vector.shape_cast %parallel_loop3A_1039 : vector<16xf32> to vector<1x1x16xf32>
      tpu.vector_store %arg6[%parallel_loop3A_1041, %parallel_loop3A_1042, %parallel_loop3A_1043], %parallel_loop3A_1046 {strides = array<i32>} : memref<8x128x64xf32, #tpu.memory_space<vmem>>, vector<1x1x16xf32>,
    } {sc.loop_unroll_factor = 4 : i64, sc.parallel_access}
    %dma_start3A_838 = arith.constant 6 : i32
    %dma_start3A_839 = arith.constant 198 : i32
    %dma_start3A_840 = arith.constant 0 : i32
    %dma_start3A_841 = arith.constant 0 : i32
    %dma_start3A_842 = tpu.memref_slice %arg6[%dma_start3A_838, %dma_start3A_840, %dma_start3A_841] : memref<8x128x64xf32, #tpu.memory_space<vmem>> -> memref<1x128x64xf32, #tpu.memory_space<vmem>>
    %dma_start3A_843 = tpu.memref_squeeze %dma_start3A_842 : memref<1x128x64xf32, #tpu.memory_space<vmem>> -> memref<128x64xf32, #tpu.memory_space<vmem>>
    %dma_start3A_844 = arith.constant 0 : i32
    %dma_start3A_845 = tpu.memref_slice %arg4[%mul3A_2, %dma_start3A_839, %dma_start3A_844] : memref<4096x200x128xf32, #tpu.memory_space<hbm>> -> memref<128x1x64xf32, #tpu.memory_space<hbm>>
    %dma_start3A_846 = tpu.memref_squeeze %dma_start3A_845 : memref<128x1x64xf32, #tpu.memory_space<hbm>> -> memref<128x64xf32, #tpu.memory_space<hbm>>
    %dma_start3A_847 = arith.constant 0 : i32
    %dma_start3A_848 = tpu.memref_slice %arg4[%mul3A_2, %dma_start3A_839, %dma_start3A_847] : memref<4096x200x128xf32, #tpu.memory_space<hbm>> -> memref<128x1x64xf32, #tpu.memory_space<hbm>>
    %dma_start3A_849 = tpu.memref_squeeze %dma_start3A_848 : memref<128x1x64xf32, #tpu.memory_space<hbm>> -> memref<128x64xf32, #tpu.memory_space<hbm>>
    %dma_start3A_850 = arith.constant 0 : i32
    %dma_start3A_851 = arith.constant 0 : i32
    %dma_start3A_852 = tpu.memref_slice %arg6[%dma_start3A_838, %dma_start3A_850, %dma_start3A_851] : memref<8x128x64xf32, #tpu.memory_space<vmem>> -> memref<1x128x64xf32, #tpu.memory_space<vmem>>
    %dma_start3A_853 = tpu.memref_squeeze %dma_start3A_852 : memref<1x128x64xf32, #tpu.memory_space<vmem>> -> memref<128x64xf32, #tpu.memory_space<vmem>>
    tpu.enqueue_dma source(%dma_start3A_853 : memref<128x64xf32, #tpu.memory_space<vmem>>) target(%dma_start3A_849 : memref<128x64xf32, #tpu.memory_space<hbm>>) target_semaphore(%arg8 : memref<!tpu.dma_semaphore, #tpu.memory_space<semaphore_mem>>)
    %dma_wait3A_854 = arith.constant 0 : i32
    %dma_wait3A_855 = arith.constant 0 : i32
    %dma_wait3A_856 = arith.constant 0 : i32
    %dma_wait3A_857 = arith.constant 0 : i32
    %dma_wait3A_858 = tpu.memref_slice %arg6[%dma_wait3A_854, %dma_wait3A_856, %dma_wait3A_857] : memref<8x128x64xf32, #tpu.memory_space<vmem>> -> memref<1x128x64xf32, #tpu.memory_space<vmem>>
    %dma_wait3A_859 = tpu.memref_squeeze %dma_wait3A_858 : memref<1x128x64xf32, #tpu.memory_space<vmem>> -> memref<128x64xf32, #tpu.memory_space<vmem>>
    %dma_wait3A_860 = arith.constant 0 : i32
    %dma_wait3A_861 = tpu.memref_slice %arg4[%mul3A_2, %dma_wait3A_855, %dma_wait3A_860] : memref<4096x200x128xf32, #tpu.memory_space<hbm>> -> memref<128x1x64xf32, #tpu.memory_space<hbm>>
    %dma_wait3A_862 = tpu.memref_squeeze %dma_wait3A_861 : memref<128x1x64xf32, #tpu.memory_space<hbm>> -> memref<128x64xf32, #tpu.memory_space<hbm>>
    %dma_wait3A_863 = arith.constant 0 : i32
    %dma_wait3A_864 = tpu.memref_slice %arg4[%mul3A_2, %dma_wait3A_855, %dma_wait3A_863] : memref<4096x200x128xf32, #tpu.memory_space<hbm>> -> memref<128x1x64xf32, #tpu.memory_space<hbm>>
    %dma_wait3A_865 = tpu.memref_squeeze %dma_wait3A_864 : memref<128x1x64xf32, #tpu.memory_space<hbm>> -> memref<128x64xf32, #tpu.memory_space<hbm>>
    %dma_wait3A_866 = arith.constant 0 : i32
    %dma_wait3A_867 = arith.constant 0 : i32
    %dma_wait3A_868 = tpu.memref_slice %arg6[%dma_wait3A_854, %dma_wait3A_866, %dma_wait3A_867] : memref<8x128x64xf32, #tpu.memory_space<vmem>> -> memref<1x128x64xf32, #tpu.memory_space<vmem>>
    %dma_wait3A_869 = tpu.memref_squeeze %dma_wait3A_868 : memref<1x128x64xf32, #tpu.memory_space<vmem>> -> memref<128x64xf32, #tpu.memory_space<vmem>>
    tpu.wait_dma2 semaphore(%arg8 : memref<!tpu.dma_semaphore, #tpu.memory_space<semaphore_mem>>) src(%dma_wait3A_869 : memref<128x64xf32, #tpu.memory_space<vmem>>) dst(%dma_wait3A_865 : memref<128x64xf32, #tpu.memory_space<hbm>>)
    %dma_wait3A_870 = arith.constant 0 : i32
    %dma_wait3A_871 = arith.constant 0 : i32
    %dma_wait3A_872 = arith.constant 7 : i32
    %dma_wait3A_873 = arith.constant 0 : i32
    %dma_wait3A_874 = arith.constant 0 : i32
    %dma_wait3A_875 = tpu.memref_slice %arg6[%dma_wait3A_872, %dma_wait3A_873, %dma_wait3A_874] : memref<8x128x64xf32, #tpu.memory_space<vmem>> -> memref<1x128x64xf32, #tpu.memory_space<vmem>>
    %dma_wait3A_876 = tpu.memref_squeeze %dma_wait3A_875 : memref<1x128x64xf32, #tpu.memory_space<vmem>> -> memref<128x64xf32, #tpu.memory_space<vmem>>
    %dma_wait3A_877 = arith.constant 0 : i32
    %dma_wait3A_878 = tpu.memref_slice %arg5[%dma_wait3A_870, %dma_wait3A_871, %dma_wait3A_877] : memref<2x8x128xi32, #tpu.memory_space<vmem>> -> memref<1x1x128xi32, #tpu.memory_space<vmem>>
    %dma_wait3A_879 = tpu.memref_squeeze %dma_wait3A_878 : memref<1x1x128xi32, #tpu.memory_space<vmem>> -> memref<128xi32, #tpu.memory_space<vmem>>
    %dma_wait3A_880 = arith.constant 0 : i32
    %dma_wait3A_881 = arith.constant 0 : i32
    %dma_wait3A_882 = tpu.memref_slice %arg3[%dma_wait3A_880, %dma_wait3A_881] : memref<1000000x64xf32, #tpu.memory_space<hbm>> -> memref<1000000x64xf32, #tpu.memory_space<hbm>>
    tpu.wait_indirect_dma semaphore(%arg7 : memref<!tpu.dma_semaphore, #tpu.memory_space<semaphore_mem>>) src(%dma_wait3A_882 : memref<1000000x64xf32, #tpu.memory_space<hbm>>) dst(%dma_wait3A_876 : memref<128x64xf32, #tpu.memory_space<vmem>>)
    %parallel_loop3A_883 = arith.constant 0 : i32
    %parallel_loop3A_884 = arith.constant 128 : i32
    %parallel_loop3A_885 = arith.constant 1 : i32
    scf.for %parallel_loop3A_982 = %parallel_loop3A_883 to %parallel_loop3A_884 step %parallel_loop3A_885  : i32 {
      %parallel_loop3A_983 = arith.constant 7 : i32
      %parallel_loop3A_984 = arith.index_cast %parallel_loop3A_983 : i32 to index
      %parallel_loop3A_985 = arith.index_cast %parallel_loop3A_982 : i32 to index
      %parallel_loop3A_986 = arith.constant 0 : index
      %parallel_loop3A_987 = tpu.vector_load %arg6[%parallel_loop3A_984, %parallel_loop3A_985, %parallel_loop3A_986] {strides = array<i32>} : memref<8x128x64xf32, #tpu.memory_space<vmem>>, vector<1x1x16xf32>,
      %parallel_loop3A_988 = vector.shape_cast %parallel_loop3A_987 : vector<1x1x16xf32> to vector<16xf32>
      %parallel_loop3A_989 = arith.constant 8.000000e+00 : f32
      %parallel_loop3A_990 = vector.broadcast %parallel_loop3A_989 : f32 to vector<16xf32>
      %parallel_loop3A_991 = arith.mulf %parallel_loop3A_988, %parallel_loop3A_990 : vector<16xf32>
      %parallel_loop3A_992 = arith.constant 7 : i32
      %parallel_loop3A_993 = arith.index_cast %parallel_loop3A_992 : i32 to index
      %parallel_loop3A_994 = arith.index_cast %parallel_loop3A_982 : i32 to index
      %parallel_loop3A_995 = arith.constant 0 : index
      %parallel_loop3A_996 = tpu.vector_load %arg6[%parallel_loop3A_993, %parallel_loop3A_994, %parallel_loop3A_995] {strides = array<i32>} : memref<8x128x64xf32, #tpu.memory_space<vmem>>, vector<1x1x16xf32>,
      %parallel_loop3A_997 = vector.shape_cast %parallel_loop3A_996 : vector<1x1x16xf32> to vector<16xf32>
      %parallel_loop3A_998 = vector.shape_cast %parallel_loop3A_991 : vector<16xf32> to vector<1x1x16xf32>
      tpu.vector_store %arg6[%parallel_loop3A_993, %parallel_loop3A_994, %parallel_loop3A_995], %parallel_loop3A_998 {strides = array<i32>} : memref<8x128x64xf32, #tpu.memory_space<vmem>>, vector<1x1x16xf32>,
      %parallel_loop3A_999 = arith.constant 7 : i32
      %parallel_loop3A_1000 = arith.index_cast %parallel_loop3A_999 : i32 to index
      %parallel_loop3A_1001 = arith.index_cast %parallel_loop3A_982 : i32 to index
      %parallel_loop3A_1002 = arith.constant 16 : index
      %parallel_loop3A_1003 = tpu.vector_load %arg6[%parallel_loop3A_1000, %parallel_loop3A_1001, %parallel_loop3A_1002] {strides = array<i32>} : memref<8x128x64xf32, #tpu.memory_space<vmem>>, vector<1x1x16xf32>,
      %parallel_loop3A_1004 = vector.shape_cast %parallel_loop3A_1003 : vector<1x1x16xf32> to vector<16xf32>
      %parallel_loop3A_1005 = arith.constant 8.000000e+00 : f32
      %parallel_loop3A_1006 = vector.broadcast %parallel_loop3A_1005 : f32 to vector<16xf32>
      %parallel_loop3A_1007 = arith.mulf %parallel_loop3A_1004, %parallel_loop3A_1006 : vector<16xf32>
      %parallel_loop3A_1008 = arith.constant 7 : i32
      %parallel_loop3A_1009 = arith.index_cast %parallel_loop3A_1008 : i32 to index
      %parallel_loop3A_1010 = arith.index_cast %parallel_loop3A_982 : i32 to index
      %parallel_loop3A_1011 = arith.constant 16 : index
      %parallel_loop3A_1012 = tpu.vector_load %arg6[%parallel_loop3A_1009, %parallel_loop3A_1010, %parallel_loop3A_1011] {strides = array<i32>} : memref<8x128x64xf32, #tpu.memory_space<vmem>>, vector<1x1x16xf32>,
      %parallel_loop3A_1013 = vector.shape_cast %parallel_loop3A_1012 : vector<1x1x16xf32> to vector<16xf32>
      %parallel_loop3A_1014 = vector.shape_cast %parallel_loop3A_1007 : vector<16xf32> to vector<1x1x16xf32>
      tpu.vector_store %arg6[%parallel_loop3A_1009, %parallel_loop3A_1010, %parallel_loop3A_1011], %parallel_loop3A_1014 {strides = array<i32>} : memref<8x128x64xf32, #tpu.memory_space<vmem>>, vector<1x1x16xf32>,
      %parallel_loop3A_1015 = arith.constant 7 : i32
      %parallel_loop3A_1016 = arith.index_cast %parallel_loop3A_1015 : i32 to index
      %parallel_loop3A_1017 = arith.index_cast %parallel_loop3A_982 : i32 to index
      %parallel_loop3A_1018 = arith.constant 32 : index
      %parallel_loop3A_1019 = tpu.vector_load %arg6[%parallel_loop3A_1016, %parallel_loop3A_1017, %parallel_loop3A_1018] {strides = array<i32>} : memref<8x128x64xf32, #tpu.memory_space<vmem>>, vector<1x1x16xf32>,
      %parallel_loop3A_1020 = vector.shape_cast %parallel_loop3A_1019 : vector<1x1x16xf32> to vector<16xf32>
      %parallel_loop3A_1021 = arith.constant 8.000000e+00 : f32
      %parallel_loop3A_1022 = vector.broadcast %parallel_loop3A_1021 : f32 to vector<16xf32>
      %parallel_loop3A_1023 = arith.mulf %parallel_loop3A_1020, %parallel_loop3A_1022 : vector<16xf32>
      %parallel_loop3A_1024 = arith.constant 7 : i32
      %parallel_loop3A_1025 = arith.index_cast %parallel_loop3A_1024 : i32 to index
      %parallel_loop3A_1026 = arith.index_cast %parallel_loop3A_982 : i32 to index
      %parallel_loop3A_1027 = arith.constant 32 : index
      %parallel_loop3A_1028 = tpu.vector_load %arg6[%parallel_loop3A_1025, %parallel_loop3A_1026, %parallel_loop3A_1027] {strides = array<i32>} : memref<8x128x64xf32, #tpu.memory_space<vmem>>, vector<1x1x16xf32>,
      %parallel_loop3A_1029 = vector.shape_cast %parallel_loop3A_1028 : vector<1x1x16xf32> to vector<16xf32>
      %parallel_loop3A_1030 = vector.shape_cast %parallel_loop3A_1023 : vector<16xf32> to vector<1x1x16xf32>
      tpu.vector_store %arg6[%parallel_loop3A_1025, %parallel_loop3A_1026, %parallel_loop3A_1027], %parallel_loop3A_1030 {strides = array<i32>} : memref<8x128x64xf32, #tpu.memory_space<vmem>>, vector<1x1x16xf32>,
      %parallel_loop3A_1031 = arith.constant 7 : i32
      %parallel_loop3A_1032 = arith.index_cast %parallel_loop3A_1031 : i32 to index
      %parallel_loop3A_1033 = arith.index_cast %parallel_loop3A_982 : i32 to index
      %parallel_loop3A_1034 = arith.constant 48 : index
      %parallel_loop3A_1035 = tpu.vector_load %arg6[%parallel_loop3A_1032, %parallel_loop3A_1033, %parallel_loop3A_1034] {strides = array<i32>} : memref<8x128x64xf32, #tpu.memory_space<vmem>>, vector<1x1x16xf32>,
      %parallel_loop3A_1036 = vector.shape_cast %parallel_loop3A_1035 : vector<1x1x16xf32> to vector<16xf32>
      %parallel_loop3A_1037 = arith.constant 8.000000e+00 : f32
      %parallel_loop3A_1038 = vector.broadcast %parallel_loop3A_1037 : f32 to vector<16xf32>
      %parallel_loop3A_1039 = arith.mulf %parallel_loop3A_1036, %parallel_loop3A_1038 : vector<16xf32>
      %parallel_loop3A_1040 = arith.constant 7 : i32
      %parallel_loop3A_1041 = arith.index_cast %parallel_loop3A_1040 : i32 to index
      %parallel_loop3A_1042 = arith.index_cast %parallel_loop3A_982 : i32 to index
      %parallel_loop3A_1043 = arith.constant 48 : index
      %parallel_loop3A_1044 = tpu.vector_load %arg6[%parallel_loop3A_1041, %parallel_loop3A_1042, %parallel_loop3A_1043] {strides = array<i32>} : memref<8x128x64xf32, #tpu.memory_space<vmem>>, vector<1x1x16xf32>,
      %parallel_loop3A_1045 = vector.shape_cast %parallel_loop3A_1044 : vector<1x1x16xf32> to vector<16xf32>
      %parallel_loop3A_1046 = vector.shape_cast %parallel_loop3A_1039 : vector<16xf32> to vector<1x1x16xf32>
      tpu.vector_store %arg6[%parallel_loop3A_1041, %parallel_loop3A_1042, %parallel_loop3A_1043], %parallel_loop3A_1046 {strides = array<i32>} : memref<8x128x64xf32, #tpu.memory_space<vmem>>, vector<1x1x16xf32>,
    } {sc.loop_unroll_factor = 4 : i64, sc.parallel_access}
    %dma_start3A_886 = arith.constant 7 : i32
    %dma_start3A_887 = arith.constant 199 : i32
    %dma_start3A_888 = arith.constant 0 : i32
    %dma_start3A_889 = arith.constant 0 : i32
    %dma_start3A_890 = tpu.memref_slice %arg6[%dma_start3A_886, %dma_start3A_888, %dma_start3A_889] : memref<8x128x64xf32, #tpu.memory_space<vmem>> -> memref<1x128x64xf32, #tpu.memory_space<vmem>>
    %dma_start3A_891 = tpu.memref_squeeze %dma_start3A_890 : memref<1x128x64xf32, #tpu.memory_space<vmem>> -> memref<128x64xf32, #tpu.memory_space<vmem>>
    %dma_start3A_892 = arith.constant 0 : i32
    %dma_start3A_893 = tpu.memref_slice %arg4[%mul3A_2, %dma_start3A_887, %dma_start3A_892] : memref<4096x200x128xf32, #tpu.memory_space<hbm>> -> memref<128x1x64xf32, #tpu.memory_space<hbm>>
    %dma_start3A_894 = tpu.memref_squeeze %dma_start3A_893 : memref<128x1x64xf32, #tpu.memory_space<hbm>> -> memref<128x64xf32, #tpu.memory_space<hbm>>
    %dma_start3A_895 = arith.constant 0 : i32
    %dma_start3A_896 = tpu.memref_slice %arg4[%mul3A_2, %dma_start3A_887, %dma_start3A_895] : memref<4096x200x128xf32, #tpu.memory_space<hbm>> -> memref<128x1x64xf32, #tpu.memory_space<hbm>>
    %dma_start3A_897 = tpu.memref_squeeze %dma_start3A_896 : memref<128x1x64xf32, #tpu.memory_space<hbm>> -> memref<128x64xf32, #tpu.memory_space<hbm>>
    %dma_start3A_898 = arith.constant 0 : i32
    %dma_start3A_899 = arith.constant 0 : i32
    %dma_start3A_900 = tpu.memref_slice %arg6[%dma_start3A_886, %dma_start3A_898, %dma_start3A_899] : memref<8x128x64xf32, #tpu.memory_space<vmem>> -> memref<1x128x64xf32, #tpu.memory_space<vmem>>
    %dma_start3A_901 = tpu.memref_squeeze %dma_start3A_900 : memref<1x128x64xf32, #tpu.memory_space<vmem>> -> memref<128x64xf32, #tpu.memory_space<vmem>>
    tpu.enqueue_dma source(%dma_start3A_901 : memref<128x64xf32, #tpu.memory_space<vmem>>) target(%dma_start3A_897 : memref<128x64xf32, #tpu.memory_space<hbm>>) target_semaphore(%arg8 : memref<!tpu.dma_semaphore, #tpu.memory_space<semaphore_mem>>)
    %dma_wait3A_902 = arith.constant 0 : i32
    %dma_wait3A_903 = arith.constant 0 : i32
    %dma_wait3A_904 = arith.constant 0 : i32
    %dma_wait3A_905 = arith.constant 0 : i32
    %dma_wait3A_906 = tpu.memref_slice %arg6[%dma_wait3A_902, %dma_wait3A_904, %dma_wait3A_905] : memref<8x128x64xf32, #tpu.memory_space<vmem>> -> memref<1x128x64xf32, #tpu.memory_space<vmem>>
    %dma_wait3A_907 = tpu.memref_squeeze %dma_wait3A_906 : memref<1x128x64xf32, #tpu.memory_space<vmem>> -> memref<128x64xf32, #tpu.memory_space<vmem>>
    %dma_wait3A_908 = arith.constant 0 : i32
    %dma_wait3A_909 = tpu.memref_slice %arg4[%mul3A_2, %dma_wait3A_903, %dma_wait3A_908] : memref<4096x200x128xf32, #tpu.memory_space<hbm>> -> memref<128x1x64xf32, #tpu.memory_space<hbm>>
    %dma_wait3A_910 = tpu.memref_squeeze %dma_wait3A_909 : memref<128x1x64xf32, #tpu.memory_space<hbm>> -> memref<128x64xf32, #tpu.memory_space<hbm>>
    %dma_wait3A_911 = arith.constant 0 : i32
    %dma_wait3A_912 = tpu.memref_slice %arg4[%mul3A_2, %dma_wait3A_903, %dma_wait3A_911] : memref<4096x200x128xf32, #tpu.memory_space<hbm>> -> memref<128x1x64xf32, #tpu.memory_space<hbm>>
    %dma_wait3A_913 = tpu.memref_squeeze %dma_wait3A_912 : memref<128x1x64xf32, #tpu.memory_space<hbm>> -> memref<128x64xf32, #tpu.memory_space<hbm>>
    %dma_wait3A_914 = arith.constant 0 : i32
    %dma_wait3A_915 = arith.constant 0 : i32
    %dma_wait3A_916 = tpu.memref_slice %arg6[%dma_wait3A_902, %dma_wait3A_914, %dma_wait3A_915] : memref<8x128x64xf32, #tpu.memory_space<vmem>> -> memref<1x128x64xf32, #tpu.memory_space<vmem>>
    %dma_wait3A_917 = tpu.memref_squeeze %dma_wait3A_916 : memref<1x128x64xf32, #tpu.memory_space<vmem>> -> memref<128x64xf32, #tpu.memory_space<vmem>>
    tpu.wait_dma2 semaphore(%arg8 : memref<!tpu.dma_semaphore, #tpu.memory_space<semaphore_mem>>) src(%dma_wait3A_917 : memref<128x64xf32, #tpu.memory_space<vmem>>) dst(%dma_wait3A_913 : memref<128x64xf32, #tpu.memory_space<hbm>>)
    %dma_wait3A_918 = arith.constant 0 : i32
    %dma_wait3A_919 = arith.constant 0 : i32
    %dma_wait3A_920 = arith.constant 0 : i32
    %dma_wait3A_921 = arith.constant 0 : i32
    %dma_wait3A_922 = tpu.memref_slice %arg6[%dma_wait3A_918, %dma_wait3A_920, %dma_wait3A_921] : memref<8x128x64xf32, #tpu.memory_space<vmem>> -> memref<1x128x64xf32, #tpu.memory_space<vmem>>
    %dma_wait3A_923 = tpu.memref_squeeze %dma_wait3A_922 : memref<1x128x64xf32, #tpu.memory_space<vmem>> -> memref<128x64xf32, #tpu.memory_space<vmem>>
    %dma_wait3A_924 = arith.constant 0 : i32
    %dma_wait3A_925 = tpu.memref_slice %arg4[%mul3A_2, %dma_wait3A_919, %dma_wait3A_924] : memref<4096x200x128xf32, #tpu.memory_space<hbm>> -> memref<128x1x64xf32, #tpu.memory_space<hbm>>
    %dma_wait3A_926 = tpu.memref_squeeze %dma_wait3A_925 : memref<128x1x64xf32, #tpu.memory_space<hbm>> -> memref<128x64xf32, #tpu.memory_space<hbm>>
    %dma_wait3A_927 = arith.constant 0 : i32
    %dma_wait3A_928 = tpu.memref_slice %arg4[%mul3A_2, %dma_wait3A_919, %dma_wait3A_927] : memref<4096x200x128xf32, #tpu.memory_space<hbm>> -> memref<128x1x64xf32, #tpu.memory_space<hbm>>
    %dma_wait3A_929 = tpu.memref_squeeze %dma_wait3A_928 : memref<128x1x64xf32, #tpu.memory_space<hbm>> -> memref<128x64xf32, #tpu.memory_space<hbm>>
    %dma_wait3A_930 = arith.constant 0 : i32
    %dma_wait3A_931 = arith.constant 0 : i32
    %dma_wait3A_932 = tpu.memref_slice %arg6[%dma_wait3A_918, %dma_wait3A_930, %dma_wait3A_931] : memref<8x128x64xf32, #tpu.memory_space<vmem>> -> memref<1x128x64xf32, #tpu.memory_space<vmem>>
    %dma_wait3A_933 = tpu.memref_squeeze %dma_wait3A_932 : memref<1x128x64xf32, #tpu.memory_space<vmem>> -> memref<128x64xf32, #tpu.memory_space<vmem>>
    tpu.wait_dma2 semaphore(%arg8 : memref<!tpu.dma_semaphore, #tpu.memory_space<semaphore_mem>>) src(%dma_wait3A_933 : memref<128x64xf32, #tpu.memory_space<vmem>>) dst(%dma_wait3A_929 : memref<128x64xf32, #tpu.memory_space<hbm>>)
    %dma_wait3A_934 = arith.constant 0 : i32
    %dma_wait3A_935 = arith.constant 0 : i32
    %dma_wait3A_936 = arith.constant 0 : i32
    %dma_wait3A_937 = arith.constant 0 : i32
    %dma_wait3A_938 = tpu.memref_slice %arg6[%dma_wait3A_934, %dma_wait3A_936, %dma_wait3A_937] : memref<8x128x64xf32, #tpu.memory_space<vmem>> -> memref<1x128x64xf32, #tpu.memory_space<vmem>>
    %dma_wait3A_939 = tpu.memref_squeeze %dma_wait3A_938 : memref<1x128x64xf32, #tpu.memory_space<vmem>> -> memref<128x64xf32, #tpu.memory_space<vmem>>
    %dma_wait3A_940 = arith.constant 0 : i32
    %dma_wait3A_941 = tpu.memref_slice %arg4[%mul3A_2, %dma_wait3A_935, %dma_wait3A_940] : memref<4096x200x128xf32, #tpu.memory_space<hbm>> -> memref<128x1x64xf32, #tpu.memory_space<hbm>>
    %dma_wait3A_942 = tpu.memref_squeeze %dma_wait3A_941 : memref<128x1x64xf32, #tpu.memory_space<hbm>> -> memref<128x64xf32, #tpu.memory_space<hbm>>
    %dma_wait3A_943 = arith.constant 0 : i32
    %dma_wait3A_944 = tpu.memref_slice %arg4[%mul3A_2, %dma_wait3A_935, %dma_wait3A_943] : memref<4096x200x128xf32, #tpu.memory_space<hbm>> -> memref<128x1x64xf32, #tpu.memory_space<hbm>>
    %dma_wait3A_945 = tpu.memref_squeeze %dma_wait3A_944 : memref<128x1x64xf32, #tpu.memory_space<hbm>> -> memref<128x64xf32, #tpu.memory_space<hbm>>
    %dma_wait3A_946 = arith.constant 0 : i32
    %dma_wait3A_947 = arith.constant 0 : i32
    %dma_wait3A_948 = tpu.memref_slice %arg6[%dma_wait3A_934, %dma_wait3A_946, %dma_wait3A_947] : memref<8x128x64xf32, #tpu.memory_space<vmem>> -> memref<1x128x64xf32, #tpu.memory_space<vmem>>
    %dma_wait3A_949 = tpu.memref_squeeze %dma_wait3A_948 : memref<1x128x64xf32, #tpu.memory_space<vmem>> -> memref<128x64xf32, #tpu.memory_space<vmem>>
    tpu.wait_dma2 semaphore(%arg8 : memref<!tpu.dma_semaphore, #tpu.memory_space<semaphore_mem>>) src(%dma_wait3A_949 : memref<128x64xf32, #tpu.memory_space<vmem>>) dst(%dma_wait3A_945 : memref<128x64xf32, #tpu.memory_space<hbm>>)
    %dma_wait3A_950 = arith.constant 0 : i32
    %dma_wait3A_951 = arith.constant 0 : i32
    %dma_wait3A_952 = arith.constant 0 : i32
    %dma_wait3A_953 = arith.constant 0 : i32
    %dma_wait3A_954 = tpu.memref_slice %arg6[%dma_wait3A_950, %dma_wait3A_952, %dma_wait3A_953] : memref<8x128x64xf32, #tpu.memory_space<vmem>> -> memref<1x128x64xf32, #tpu.memory_space<vmem>>
    %dma_wait3A_955 = tpu.memref_squeeze %dma_wait3A_954 : memref<1x128x64xf32, #tpu.memory_space<vmem>> -> memref<128x64xf32, #tpu.memory_space<vmem>>
    %dma_wait3A_956 = arith.constant 0 : i32
    %dma_wait3A_957 = tpu.memref_slice %arg4[%mul3A_2, %dma_wait3A_951, %dma_wait3A_956] : memref<4096x200x128xf32, #tpu.memory_space<hbm>> -> memref<128x1x64xf32, #tpu.memory_space<hbm>>
    %dma_wait3A_958 = tpu.memref_squeeze %dma_wait3A_957 : memref<128x1x64xf32, #tpu.memory_space<hbm>> -> memref<128x64xf32, #tpu.memory_space<hbm>>
    %dma_wait3A_959 = arith.constant 0 : i32
    %dma_wait3A_960 = tpu.memref_slice %arg4[%mul3A_2, %dma_wait3A_951, %dma_wait3A_959] : memref<4096x200x128xf32, #tpu.memory_space<hbm>> -> memref<128x1x64xf32, #tpu.memory_space<hbm>>
    %dma_wait3A_961 = tpu.memref_squeeze %dma_wait3A_960 : memref<128x1x64xf32, #tpu.memory_space<hbm>> -> memref<128x64xf32, #tpu.memory_space<hbm>>
    %dma_wait3A_962 = arith.constant 0 : i32
    %dma_wait3A_963 = arith.constant 0 : i32
    %dma_wait3A_964 = tpu.memref_slice %arg6[%dma_wait3A_950, %dma_wait3A_962, %dma_wait3A_963] : memref<8x128x64xf32, #tpu.memory_space<vmem>> -> memref<1x128x64xf32, #tpu.memory_space<vmem>>
    %dma_wait3A_965 = tpu.memref_squeeze %dma_wait3A_964 : memref<1x128x64xf32, #tpu.memory_space<vmem>> -> memref<128x64xf32, #tpu.memory_space<vmem>>
    tpu.wait_dma2 semaphore(%arg8 : memref<!tpu.dma_semaphore, #tpu.memory_space<semaphore_mem>>) src(%dma_wait3A_965 : memref<128x64xf32, #tpu.memory_space<vmem>>) dst(%dma_wait3A_961 : memref<128x64xf32, #tpu.memory_space<hbm>>)
    %dma_wait3A_966 = arith.constant 0 : i32
    %dma_wait3A_967 = arith.constant 0 : i32
    %dma_wait3A_968 = arith.constant 0 : i32
    %dma_wait3A_969 = arith.constant 0 : i32
    %dma_wait3A_970 = tpu.memref_slice %arg6[%dma_wait3A_966, %dma_wait3A_968, %dma_wait3A_969] : memref<8x128x64xf32, #tpu.memory_space<vmem>> -> memref<1x128x64xf32, #tpu.memory_space<vmem>>
    %dma_wait3A_971 = tpu.memref_squeeze %dma_wait3A_970 : memref<1x128x64xf32, #tpu.memory_space<vmem>> -> memref<128x64xf32, #tpu.memory_space<vmem>>
    %dma_wait3A_972 = arith.constant 0 : i32
    %dma_wait3A_973 = tpu.memref_slice %arg4[%mul3A_2, %dma_wait3A_967, %dma_wait3A_972] : memref<4096x200x128xf32, #tpu.memory_space<hbm>> -> memref<128x1x64xf32, #tpu.memory_space<hbm>>
    %dma_wait3A_974 = tpu.memref_squeeze %dma_wait3A_973 : memref<128x1x64xf32, #tpu.memory_space<hbm>> -> memref<128x64xf32, #tpu.memory_space<hbm>>
    %dma_wait3A_975 = arith.constant 0 : i32
    %dma_wait3A_976 = tpu.memref_slice %arg4[%mul3A_2, %dma_wait3A_967, %dma_wait3A_975] : memref<4096x200x128xf32, #tpu.memory_space<hbm>> -> memref<128x1x64xf32, #tpu.memory_space<hbm>>
    %dma_wait3A_977 = tpu.memref_squeeze %dma_wait3A_976 : memref<128x1x64xf32, #tpu.memory_space<hbm>> -> memref<128x64xf32, #tpu.memory_space<hbm>>
    %dma_wait3A_978 = arith.constant 0 : i32
    %dma_wait3A_979 = arith.constant 0 : i32
    %dma_wait3A_980 = tpu.memref_slice %arg6[%dma_wait3A_966, %dma_wait3A_978, %dma_wait3A_979] : memref<8x128x64xf32, #tpu.memory_space<vmem>> -> memref<1x128x64xf32, #tpu.memory_space<vmem>>
    %dma_wait3A_981 = tpu.memref_squeeze %dma_wait3A_980 : memref<1x128x64xf32, #tpu.memory_space<vmem>> -> memref<128x64xf32, #tpu.memory_space<vmem>>
    tpu.wait_dma2 semaphore(%arg8 : memref<!tpu.dma_semaphore, #tpu.memory_space<semaphore_mem>>) src(%dma_wait3A_981 : memref<128x64xf32, #tpu.memory_space<vmem>>) dst(%dma_wait3A_977 : memref<128x64xf32, #tpu.memory_space<hbm>>)
    return
  }
}

</mosaic_0001>

<sc_bundles>
// kernel: _run.3.cloned.1.call-start
scs
__scs_entry_jumppad:
0x0: {  	(pc) =	sbr.rel $0x88, $3  }
0x1: {  	(tag) =	ssettag $0x0;
	lr =	simm.s32 $0x1  }
0x2: {  	[smem:$0x3F9F] =	sst lr;
	_ =	strace $0xD0000000  }
0x3: {  	_ = 	snop  }
0x4: {  	_ = 	snop  }
0x5: {  	_ = 	snop  }
0x6: {  	_ = 	snop  }
0x7: {  	_ = 	snop  }
__scs_overlays_trampoline_lowered:
0x8: {  	[smem:$0x3FAE] =	sst s0  }
0x9: {  	[smem:$0x3FAF] =	sst s1  }
0xa: {  	[smem:$0x3FB0] =	sst s2  }
0xb: {  	[smem:$0x3FB1] =	sst s3  }
0xc: {  	[smem:$0x3FB2] =	sst s4  }
0xd: {  	[smem:$0x3FB3] =	sst s5  }
0xe: {  	[smem:$0x3FB4] =	sst s6  }
0xf: {  	[smem:$0x3FB5] =	sst s7  }
0x10: {  	[smem:$0x3FB6] =	sst s8  }
0x11: {  	[smem:$0x3FB7] =	sst s9;
	s0 =	simm.s32 @!p0 $0x0  }
0x12: {  	s1 =	sld [smem:$0x3F9D];
	s0 =	simm.s32 @p0 $0x1  }
0x13: {  	[smem:$0x3FB8] =	sst s0;
	s0 =	simm.s32 @!p1 $0x0  }
0x14: {  	s2 =	sld [smem:$0x3F9C];
	s0 =	simm.s32 @p1 $0x1  }
0x15: {  	[smem:$0x3FB9] =	sst s0;
	s0 =	simm.s32 @!p2 $0x0  }
0x16: {  	s3 =	sld [smem:$0x3FDB];
	s0 =	simm.s32 @p2 $0x1  }
0x17: {  	s4 =	simm.s32 $0x1BF5;
	[smem:$0x3FBB] =	sst s0  }
0x18: {  	s0 =	sld [smem:$0x3F9E];
	_ =	swait.ge [sflag:s4], $0x0  }
0x19: {  	s7 =	sld [smem:$0x3F9F]  }
0x1a: {  	s8 =	sadd.s32 $0xFFFFE003, lr  }
0x1b: {  	s9 =	sadd.s32 $0xFFFFFEF7, lr;
	s5 =	simm.s32 $0xFFFFFFFF;
	p2 =	slt.u32 s8, $0xFFFFF086  }
0x1c: {  	p1 =	slt.u32 s9, $0xF7A;
	s5 =	simm.s32 @!p2 $0x0  }
0x1d: {  	s5 =	simm.s32 @p1 $0x1;
	p0 =	seq.s32 s7, s2  }
0x1e: {  	s7 =	smul.u32 @!p0 $0xF7A, s2;
	p2 =	seq.s32 @!p0 s5, $0x0  }
0x1f: {  	s9 =	smul.u32 $0xF7A, s1;
	s8 =	simm.s32 @!p0 $0x1BF5;
	p2 =	por !p2, p0  }
0x20: {  	[sflag:s8] =	ssyncset.s32 @!p0 $0xFFFFF086;
	s6 =	sadd.s32 @!p0 s3, s7;
	s7 =	simm.s32 @!p0 $0x108  }
0x21: {  	s3 =	sadd.s32 s3, s9;
	s6 =	sadd.s32 @!p0 $0x88, s6;
	s7 =	simm.s32 @p2 $0x1082  }
0x22: {  	[simem:s7], [sflag:s8] =	dma.local @!p0 [hbm:s6], $0xF7A  }
0x23: {  	s9 =	sor.u32 $0xD0000000, s2;
	s6 =	simm.s32 $0x108;
	_ =	swait.ge @!p0 [sflag:s8], $0x0  }
0x24: {  	s3 =	sadd.s32 $0x88, s3;
	s6 =	simm.s32 @!p1 $0x1082;
	[sflag:s4] =	ssyncset.s32 $0xFFFFF086  }
0x25: {  	[simem:s6], [sflag:s4] =	dma.local [hbm:s3], $0xF7A  }
0x26: {  	[smem:$0x3F9F] =	sst s1;
	(tag) =	ssettag s2;
	_ =	strace s9  }
0x27: {  	s1 =	sld [smem:$0x3FAF]  }
0x28: {  	s2 =	sld [smem:$0x3FB0]  }
0x29: {  	s4 =	sld [smem:$0x3FB2]  }
0x2a: {  	p0 =	seq.s32 s5, $0x0;
	s5 =	sld [smem:$0x3FB3]  }
0x2b: {  	s6 =	sld [smem:$0x3FB4]  }
0x2c: {  	s7 =	sld [smem:$0x3FB5]  }
0x2d: {  	s3 =	simm.s32 $0x108;
	s8 =	sld [smem:$0x3FB6]  }
0x2e: {  	s3 =	simm.s32 @!p0 $0x1082;
	s9 =	sld [smem:$0x3FB7]  }
0x2f: {  	lr =	sadd.s32 s0, s3;
	s0 =	sld [smem:$0x3FAE]  }
0x30: {  	s3 =	sld [smem:$0x3FB1]  }
0x31: {  	[smem:$0x3FBA] =	sst s10  }
0x32: {  	s10 =	sld [smem:$0x3FB8];
	_ =	sdelay $0x3  }
0x33: {  	p0 =	seq.s32 s10, $0x1;
	s10 =	sld [smem:$0x3FBA];
	_ =	sdelay $0x3  }
0x34: {  	[smem:$0x3FBA] =	sst s10  }
0x35: {  	s10 =	sld [smem:$0x3FB9];
	_ =	sdelay $0x3  }
0x36: {  	p1 =	seq.s32 s10, $0x1;
	s10 =	sld [smem:$0x3FBA];
	_ =	sdelay $0x3  }
0x37: {  	[smem:$0x3FBA] =	sst s10  }
0x38: {  	s10 =	sld [smem:$0x3FBB]  }
0x39: {  	_ = 	snop;
	(pc) =	sbr.ind lr, $3  }
0x3a: {  	_ = 	snop  }
0x3b: {  	_ = 	snop  }
0x3c: {  	p2 =	seq.s32 s10, $0x1;
	s10 =	sld [smem:$0x3FBA]  }
0x3d: {  	_ =	shalt  }
0x3e: {  	_ =	shalt  }
0x3f: {  	_ =	shalt  }
0x40: {  	_ =	shalt  }
0x41: {  	_ =	shalt  }
0x42: {  	_ =	shalt  }
0x43: {  	_ =	shalt  }
0x44: {  	_ =	shalt  }
0x45: {  	_ =	shalt  }
0x46: {  	_ =	shalt  }
0x47: {  	_ =	shalt  }
0x48: {  	_ =	shalt  }
0x49: {  	_ =	shalt  }
0x4a: {  	_ =	shalt  }
0x4b: {  	_ =	shalt  }
0x4c: {  	_ =	shalt  }
0x4d: {  	_ =	shalt  }
0x4e: {  	_ =	shalt  }
0x4f: {  	_ =	shalt  }
0x50: {  	_ =	shalt  }
0x51: {  	_ =	shalt  }
0x52: {  	_ =	shalt  }
0x53: {  	_ =	shalt  }
0x54: {  	_ =	shalt  }
0x55: {  	_ =	shalt  }
0x56: {  	_ =	shalt  }
0x57: {  	_ =	shalt  }
0x58: {  	_ =	shalt  }
0x59: {  	_ =	shalt  }
0x5a: {  	_ =	shalt  }
0x5b: {  	_ =	shalt  }
0x5c: {  	_ =	shalt  }
0x5d: {  	_ =	shalt  }
0x5e: {  	_ =	shalt  }
0x5f: {  	_ =	shalt  }
0x60: {  	_ =	shalt  }
0x61: {  	_ =	shalt  }
0x62: {  	_ =	shalt  }
0x63: {  	_ =	shalt  }
0x64: {  	_ =	shalt  }
0x65: {  	_ =	shalt  }
0x66: {  	_ =	shalt  }
0x67: {  	_ =	shalt  }
0x68: {  	_ =	shalt  }
0x69: {  	_ =	shalt  }
0x6a: {  	_ =	shalt  }
0x6b: {  	_ =	shalt  }
0x6c: {  	_ =	shalt  }
0x6d: {  	_ =	shalt  }
0x6e: {  	_ =	shalt  }
0x6f: {  	_ =	shalt  }
0x70: {  	_ =	shalt  }
0x71: {  	_ =	shalt  }
0x72: {  	_ =	shalt  }
0x73: {  	_ =	shalt  }
0x74: {  	_ =	shalt  }
0x75: {  	_ =	shalt  }
0x76: {  	_ =	shalt  }
0x77: {  	_ =	shalt  }
0x78: {  	_ =	shalt  }
0x79: {  	_ =	shalt  }
0x7a: {  	_ =	shalt  }
0x7b: {  	_ =	shalt  }
0x7c: {  	_ =	shalt  }
0x7d: {  	_ =	shalt  }
0x7e: {  	_ =	shalt  }
0x7f: {  	_ =	shalt  }
0x80: {  	_ =	shalt  }
0x81: {  	_ =	shalt  }
0x82: {  	_ =	shalt  }
0x83: {  	_ =	shalt  }
0x84: {  	_ =	shalt  }
0x85: {  	_ =	shalt  }
0x86: {  	_ =	shalt  }
0x87: {  	_ =	shalt  }
.Lfunc_end0:
.L_simem_size_0:
called_computation_lowered:
.L_overlay_start_0:
0x88: {  	s2 =	sld [smem:$0x3FD9]  }
0x89: {  	s3 =	sld [smem:$0x3FFE];
	_ =	sdelay $0x1  }
0x8a: {  	s1 =	srdreg.scid  }
0x8b: {  	s0 =	sand.u32 $0x1, s1  }
0x8c: {  	s17 =	sshll.u32 s0, $0xA;
	s2 =	sadd.s32 s3, s2  }
0x8d: {  	s2 =	sadd.s32 s2, s17  }
0x8e: {  	[smem:$0x3FC6] =	sst s2  }
0x8f: {  	_ = 	snop  }
0x90: {  	s2 =	sld [smem:$0x3FD0];
	(tm) =	ssettm $0x1  }
0x91: {  	s18 =	sld [smem:$0x3FFB];
	_ =	sdelay $0x3  }
0x92: {  	_ =	strace s18  }
0x93: {  	s3 =	sld [smem:$0x3FFC];
	_ =	sdelay $0x3  }
0x94: {  	_ =	strace s3  }
0x95: {  	s3 =	sld [smem:$0x3FFD];
	_ =	sdelay $0x3  }
0x96: {  	_ =	strace s3  }
0x97: {  	_ =	strace $0x8FFFFFFF  }
0x98: {  	s19 =	sld [smem:$0x3FDB];
	_ =	sdelay $0x1  }
0x99: {  	s4 =	simm.s32 $_scs_section_size  }
0x9a: {  	s5 =	simm.s32 $_size__tile_overlayer_lowered;
	s6 =	simm.s32 $_tile_overlayer_lowered  }
0x9b: {  	s22 =	simm.s32 $0x1BFF;
	s21 =	sshll.u32 s6, $0x1;
	s3 =	sadd.s32 s4, s19  }
0x9c: {  	s7 =	simm.s32 $0x0;
	s20 =	sshll.u32 s5, $0x1;
	s5 =	sadd.s32 s21, s3  }
0x9d: {  	[timem:s7], [sflag:s22] =	dma.local [hbm:s5], s20  }
0x9e: {  	_ =	swait.ge [sflag:s22], s20  }
0x9f: {  	s4 =	ssub.s32 $0x0, s20;
	[sflag:s22] =	ssyncset.done $0x0  }
0xa0: {  	[sflag:s22] =	ssyncadd.s32 s4;
	_ =	sdelay $0x1  }
0xa1: {  	s23 =	simm.s32 $0x1B8B  }
0xa2: {  	_ =	swait.ge [sflag:s23], $0x1  }
0xa3: {  	[sflag:s23] =	ssyncset.done $0x0  }
0xa4: {  	s25 =	simm.s32 $0x1B8E;
	s24 =	sld [smem:$0x3FFE];
	[sflag:s23] =	ssyncadd.s32 $0xFFFFFFFF  }
0xa5: {  	s26 =	simm.s32 $execute0_lowered;
	[smem:$0x3FD2] =	sst s25  }
0xa6: {  	s5 =	sshll.u32 s26, $0x1;
	_ =	strace $0x80000046;
	[dreg:$0x1] =	wrdreg $0xFFFFFFFF  }
0xa7: {  	s28 =	simm.s32 $_size_execute0_lowered;
	s3 =	sadd.s32 s3, s5;
	[dreg:$0x0] =	wrdreg $0x0  }
0xa8: {  	s5 =	sshll.u32 s28, $0x1;
	[dreg:$0x2] =	wrdreg s3  }
0xa9: {  	[dreg:$0x3] =	wrdreg s5  }
0xaa: {  	[dreg:$0x4] =	wrdreg $0xC0  }
0xab: {  	_ =	task [dreg:s7], $0x5FFFF  }
0xac: {  	[dreg:$0x1] =	wrdreg $0xFFFFFFFF  }
0xad: {  	[dreg:$0x0] =	wrdreg $0x60  }
0xae: {  	[dreg:$0x2] =	wrdreg s24  }
0xaf: {  	[dreg:$0x3] =	wrdreg s2  }
0xb0: {  	[dreg:$0x4] =	wrdreg $0x9  }
0xb1: {  	_ =	task.clear_ibuf [dreg:s7], $0x5FFFF;
	_ =	strace $0x90000046  }
0xb2: {  	s29 =	simm.s32 $0x9;
	_ =	strace $0x80000048  }
0xb3: {  	_ =	swait.ge [sflag:s29], $0x1  }
0xb4: {  	[sflag:s29] =	ssyncadd.s32 $0xFFFFFFFF  }
0xb5: {  	_ =	strace $0x90000048  }
0xb6: {  	_ =	sfence  }
0xb7: {  	s30 =	sld [smem:$0x0];
	_ =	sdelay $0x2  }
0xb8: {  	s31 =	sshll.u32 s1, $0xD;
	s1 =	sshrl.u32 s1, $0x2  }
0xb9: {  	s3 =	sand.u32 $0x4000, s31;
	s1 =	sadd.s32 s1, s30  }
0xba: {  	s0 =	sor.u32 s3, s0;
	s1 =	sshll.u32 s1, $0x11  }
0xbb: {  	s0 =	sor.u32 s1, s0  }
0xbc: {  	s0 =	sadd.s32 $0x8F2B, s0  }
0xbd: {  	[sflag:s0] =	ssyncadd.remote.s32 $0x1  }
0xbe: {  	_ =	sfence.sel $0xFFFF  }
0xbf: {  	[dreg:$0x0] =	wrdreg $0xFFFFFFFF;
	(pc) =	sbr.abs _section_cstart, $3  }
0xc0: {  	[dreg:$0x1] =	wrdreg $0xFFFFFFFF  }
0xc1: {  	_ =	task.clear_ibuf [dreg:s7], $0x2FFFF;
	_ =	strace $0x9FFFFFFF  }
0xc2: {  	(tm) =	ssettm $0x7FFFFFFF  }
0xc3: {  	_ =	shalt  }
tec
execute0_lowered:
.L_overlay_start_1:
0x0: {  	(tag) =	ssettag $0x1  }
0x1: {  	s0 =	srdreg.scid  }
0x2: {  	s3 =	stileid.u32;
	s0 =	sand.u32 $0x1, s0  }
0x3: {  	s3 =	sshll.u32 s3, $0x8;
	s4 =	sshll.u32 s0, $0x7  }
0x4: {  	s1 =	rddreg [dreg:$0x0];
	s5 =	simm.s32 $0x0;
	s4 =	sor.u32 s4, s3  }
0x5: {  	[smem:$0x7FF] =	sst s5;
	s5 =	smul.u32 $0x6400, s4  }
0x6: {  	s6 =	sadd.s32 $0x600, s1;
	s9 =	sshrl.u32 s4, $0x3  }
0x7: {  	s2 =	rddreg [dreg:$0x1];
	s9 =	sadd.s32 s6, s9;
	s11 =	sshrl.u32 s5, $0x3  }
0x8: {  	s7 =	sadd.s32 $0xF42A00, s1;
	s15 =	sadd.s32 $0x1000, s9;
	s8 =	sadd.s32 s2, s11  }
0x9: {  	_ =	strace $0x80000047;
	[dreg:$0x6] =	wrdreg s15;
	s1 =	sadd.s32 $0x10, s8  }
0xa: {  	s13 =	sadd.s32 $0x20, s8;
	[dreg:$0x3] =	wrdreg s1  }
0xb: {  	s14 =	sadd.s32 $0x30, s8;
	[dreg:$0x4] =	wrdreg s13  }
0xc: {  	s16 =	sadd.s32 $0x40, s8;
	[dreg:$0x5] =	wrdreg s14  }
0xd: {  	s28 =	simm.s32 $0x80;
	s17 =	sadd.s32 $0x50, s8;
	[dreg:$0x7] =	wrdreg s16  }
0xe: {  	s29 =	simm.s32 $0x1000;
	s18 =	sadd.s32 $0x60, s8;
	[dreg:$0x8] =	wrdreg s17  }
0xf: {  	s30 =	simm.s32 $0x3;
	s19 =	sadd.s32 $0x70, s8;
	[dreg:$0x9] =	wrdreg s18  }
0x10: {  	s31 =	simm.s32 $0x800;
	s20 =	sadd.s32 $0xC00, s8;
	[dreg:$0xa] =	wrdreg s19  }
0x11: {  	s10 =	simm.s32 $0x1;
	s21 =	sadd.s32 $0xC10, s8;
	[dreg:$0xb] =	wrdreg s20  }
0x12: {  	s0 =	ssub.s32 $0x2, s0;
	s22 =	sadd.s32 $0xC20, s8;
	[dreg:$0xc] =	wrdreg s21  }
0x13: {  	s12 =	sshrl.u32 s0, $0x1;
	s23 =	sadd.s32 $0xC30, s8;
	[dreg:$0xd] =	wrdreg s22  }
0x14: {  	s3 =	simm.s32 $0x6800;
	s24 =	sadd.s32 $0xC40, s8;
	[dreg:$0xe] =	wrdreg s23  }
0x15: {  	s0 =	ssub.s32 s0, s12;
	s25 =	sadd.s32 $0xC50, s8;
	[dreg:$0xf] =	wrdreg s24  }
0x16: {  	s12 =	simm.s32 $0x6400;
	s26 =	sadd.s32 $0xC60, s8;
	[dreg:$0x10] =	wrdreg s25  }
0x17: {  	s11 =	simm.s32 $0x40;
	s15 =	simm.s32 $0xC800;
	[dreg:$0x11] =	wrdreg s26  }
0x18: {  	s25 =	smax.u32 s0, $0x1;
	s26 =	sadd.s32 $0xC70, s8;
	s1 =	simm.s32 $0x2800  }
0x19: {  	s0 =	simm.s32 $0x4800;
	s22 =	simm.s32 $0x200;
	s13 =	simm.s32 $0x8800  }
0x1a: {  	s23 =	simm.s32 $0x280;
	s14 =	simm.s32 $0xA800;
	s24 =	simm.s32 $0x300  }
0x1b: {  	s16 =	simm.s32 $0xE800;
	s17 =	simm.s32 $0x2;
	s18 =	simm.s32 $0x0  }
.LBB2_1:
0x1c: {  	s19 =	simm.s32 $0x0  }
0x1d: {  	[tilespmem:s19], [sflag:$0x3] =	stream.strided.gather [hbm4b:s9+s28], $0x400, s29, s28, $0x38;
	[tilespmem:$0x10800] =	vst v63  }
0x1e: {  	_ =	swait.ge [sflag:s30], $0x400  }
0x1f: {  	[sflag:s30] =	ssyncset.done $0x0  }
0x20: {  	[sflag:s30] =	ssyncadd.s32 $0xFFFFFC00  }
0x21: {  	[tilespmem:s31], [sflag:$0x1] =	stream.indirect.gather [hbm4b:s7+s28], $0x40, s19, s28, $0xb8;
	[tilespmem:$0x10800] =	vst v63  }
0x22: {  	_ = 	snop  }
0x23: {  	[tilespmem:s1], [sflag:$0x1] =	stream.indirect.gather [hbm4b:s7+s28], $0x40, s28, s28, $0xb8;
	[tilespmem:$0x10800] =	vst v63  }
0x24: {  	s20 =	simm.s32 $0x100  }
0x25: {  	[tilespmem:s0], [sflag:$0x1] =	stream.indirect.gather [hbm4b:s7+s28], $0x40, s20, s28, $0xb8;
	[tilespmem:$0x10800] =	vst v63  }
0x26: {  	s21 =	simm.s32 $0x180  }
0x27: {  	[tilespmem:s3], [sflag:$0x1] =	stream.indirect.gather [hbm4b:s7+s28], $0x40, s21, s28, $0xb8;
	[tilespmem:$0x10800] =	vst v63  }
0x28: {  	_ =	swait.ge [sflag:s10], $0x2000  }
0x29: {  	[sflag:s10] =	ssyncset.done $0x0  }
0x2a: {  	s19 =	simm.s32 $0x880;
	[sflag:s10] =	ssyncadd.s32 $0xFFFFE000  }
0x2b: {  	v0 =	vld [tilespmem:s19+$0x70]  }
0x2c: {  	v1 =	vld [tilespmem:s19+$0xFFFFFF90]  }
0x2d: {  	v2 =	vld [tilespmem:s19+$0xFFFFFFA0]  }
0x2e: {  	v3 =	vld [tilespmem:s19+$0xFFFFFFB0]  }
0x2f: {  	v4 =	vld [tilespmem:s19+$0xFFFFFFC0]  }
0x30: {  	v5 =	vld [tilespmem:s19+$0xFFFFFFD0];
	v0 =	vmul.f32 $8.000000000e+00, v0  }
0x31: {  	v6 =	vld [tilespmem:s19+$0xFFFFFFE0];
	v1 =	vmul.f32 $8.000000000e+00, v1  }
0x32: {  	v7 =	vld [tilespmem:s19+$0xFFFFFFF0];
	v2 =	vmul.f32 $8.000000000e+00, v2;
	[tilespmem:s19+$0x70] =	vst v0  }
0x33: {  	[tilespmem:s19+$0xFFFFFF90] =	vst v1;
	v0 =	vmul.f32 $8.000000000e+00, v3;
	v3 =	vld [tilespmem:s19+$0x0]  }
0x34: {  	[tilespmem:s19+$0xFFFFFFA0] =	vst v2;
	v1 =	vmul.f32 $8.000000000e+00, v4;
	v4 =	vld [tilespmem:s19+$0x10]  }
0x35: {  	v8 =	vld [tilespmem:s19+$0x20];
	v2 =	vmul.f32 $8.000000000e+00, v5;
	[tilespmem:s19+$0xFFFFFFB0] =	vst v0  }
0x36: {  	v5 =	vmul.f32 $8.000000000e+00, v6;
	[tilespmem:s19+$0xFFFFFFC0] =	vst v1;
	v0 =	vld [tilespmem:s19+$0x30]  }
0x37: {  	v6 =	vmul.f32 $8.000000000e+00, v7;
	[tilespmem:s19+$0xFFFFFFD0] =	vst v2;
	v1 =	vld [tilespmem:s19+$0x40]  }
0x38: {  	[tilespmem:s19+$0xFFFFFFE0] =	vst v5;
	v2 =	vld [tilespmem:s19+$0x50];
	v7 =	vmul.f32 $8.000000000e+00, v3  }
0x39: {  	[tilespmem:s19+$0xFFFFFFF0] =	vst v6;
	v3 =	vld [tilespmem:s19+$0x60];
	v5 =	vmul.f32 $8.000000000e+00, v4  }
0x3a: {  	s20 =	simm.s32 $0x0;
	s21 =	simm.s32 $0x980;
	v6 =	vmul.f32 $8.000000000e+00, v8;
	v4 =	vld [tilespmem:s19+$0xFFFFFF80];
	[tilespmem:s19+$0x0] =	vst v7  }
.LBB2_2:
0x3b: {  	v7 =	vld [tilespmem:s21+$0x70];
	s20 =	sadd.s32 $0x4, s20;
	[tilespmem:s19+$0x10] =	vst v5;
	v0 =	vmul.f32 $8.000000000e+00, v0  }
0x3c: {  	v5 =	vld [tilespmem:s21+$0xFFFFFF90];
	p0 =	slt.u32 s20, $0x7C;
	[tilespmem:s19+$0x20] =	vst v6;
	v1 =	vmul.f32 $8.000000000e+00, v1  }
0x3d: {  	v6 =	vld [tilespmem:s21+$0xFFFFFFA0];
	[tilespmem:s19+$0x30] =	vst v0;
	v0 =	vmul.f32 $8.000000000e+00, v2  }
0x3e: {  	v2 =	vld [tilespmem:s21+$0xFFFFFFB0];
	[tilespmem:s19+$0x40] =	vst v1;
	v1 =	vmul.f32 $8.000000000e+00, v3  }
0x3f: {  	v3 =	vld [tilespmem:s21+$0xFFFFFFC0];
	v4 =	vmul.f32 $8.000000000e+00, v4;
	[tilespmem:s19+$0x50] =	vst v0  }
0x40: {  	v0 =	vld [tilespmem:s21+$0xFFFFFFD0];
	v7 =	vmul.f32 $8.000000000e+00, v7;
	[tilespmem:s19+$0x60] =	vst v1  }
0x41: {  	v1 =	vmul.f32 $8.000000000e+00, v5;
	v5 =	vld [tilespmem:s21+$0xFFFFFFE0];
	[tilespmem:s19+$0xFFFFFF80] =	vst v4;
	s19 =	smov.u32 s21  }
0x42: {  	v4 =	vmul.f32 $8.000000000e+00, v6;
	v6 =	vld [tilespmem:s21+$0xFFFFFFF0];
	[tilespmem:s21+$0x70] =	vst v7  }
0x43: {  	[tilespmem:s21+$0xFFFFFF90] =	vst v1;
	v1 =	vmul.f32 $8.000000000e+00, v2;
	v2 =	vld [tilespmem:s21+$0x0]  }
0x44: {  	[tilespmem:s21+$0xFFFFFFA0] =	vst v4;
	v3 =	vmul.f32 $8.000000000e+00, v3;
	v4 =	vld [tilespmem:s21+$0x10]  }
0x45: {  	[tilespmem:s21+$0xFFFFFFB0] =	vst v1;
	v1 =	vmul.f32 $8.000000000e+00, v0;
	v7 =	vld [tilespmem:s21+$0x20]  }
.Ltmp0:
0x46: {  	[tilespmem:s21+$0xFFFFFFC0] =	vst v3;
	v3 =	vmul.f32 $8.000000000e+00, v5;
	v0 =	vld [tilespmem:s21+$0x30];
	(pc) =	sbr.rel @p0 .LBB2_2-.Ltmp0, $4  }
0x47: {  	[tilespmem:s21+$0xFFFFFFD0] =	vst v1;
	v5 =	vmul.f32 $8.000000000e+00, v6;
	v1 =	vld [tilespmem:s21+$0x40]  }
0x48: {  	[tilespmem:s21+$0xFFFFFFE0] =	vst v3;
	v6 =	vmul.f32 $8.000000000e+00, v2;
	v2 =	vld [tilespmem:s21+$0x50]  }
0x49: {  	[tilespmem:s21+$0xFFFFFFF0] =	vst v5;
	v5 =	vmul.f32 $8.000000000e+00, v4;
	v3 =	vld [tilespmem:s21+$0x60]  }
0x4a: {  	s21 =	sadd.s32 $0x100, s21;
	v4 =	vld [tilespmem:s19+$0xFFFFFF80];
	[tilespmem:s19+$0x0] =	vst v6;
	v6 =	vmul.f32 $8.000000000e+00, v7  }
0x4b: {  	[tilespmem:s19+$0x10] =	vst v5;
	v0 =	vmul.f32 $8.000000000e+00, v0  }
0x4c: {  	[tilespmem:s19+$0x20] =	vst v6;
	v1 =	vmul.f32 $8.000000000e+00, v1  }
0x4d: {  	[tilespmem:s19+$0x30] =	vst v0;
	v0 =	vmul.f32 $8.000000000e+00, v2  }
0x4e: {  	[tilespmem:s19+$0x40] =	vst v1;
	v1 =	vmul.f32 $8.000000000e+00, v3  }
0x4f: {  	v2 =	vmul.f32 $8.000000000e+00, v4;
	[tilespmem:s19+$0x50] =	vst v0  }
0x50: {  	[tilespmem:s19+$0x60] =	vst v1  }
0x51: {  	[tilespmem:s19+$0xFFFFFF80] =	vst v2  }
0x52: {  	[hbm4b:s8+s11] =	stream.strided.scatter [tilespmem:s31], [sflag:$0x2], $0x2000, s12, s11, $0x38;
	[tilespmem:$0x10800] =	vst v63  }
0x53: {  	_ = 	snop  }
0x54: {  	[tilespmem:s13], [sflag:$0x1] =	stream.indirect.gather [hbm4b:s7+s28], $0x40, s22, s28, $0xb8;
	[tilespmem:$0x10800] =	vst v63  }
0x55: {  	_ =	swait.ge [sflag:s10], $0x2000  }
0x56: {  	[sflag:s10] =	ssyncset.done $0x0  }
0x57: {  	s19 =	simm.s32 $0x28F0;
	[sflag:s10] =	ssyncadd.s32 $0xFFFFE000  }
0x58: {  	v0 =	vld [tilespmem:s19+$0x0]  }
0x59: {  	v1 =	vld [tilespmem:s19+$0xFFFFFF20]  }
0x5a: {  	v2 =	vld [tilespmem:s19+$0xFFFFFF30]  }
0x5b: {  	v3 =	vld [tilespmem:s19+$0xFFFFFF40]  }
0x5c: {  	v4 =	vld [tilespmem:s19+$0xFFFFFF50]  }
0x5d: {  	v5 =	vld [tilespmem:s19+$0xFFFFFF60];
	v0 =	vmul.f32 $8.000000000e+00, v0  }
0x5e: {  	v6 =	vld [tilespmem:s19+$0xFFFFFF70];
	v1 =	vmul.f32 $8.000000000e+00, v1  }
0x5f: {  	v7 =	vld [tilespmem:s19+$0xFFFFFF80];
	v2 =	vmul.f32 $8.000000000e+00, v2;
	[tilespmem:s19+$0x0] =	vst v0  }
0x60: {  	[tilespmem:s19+$0xFFFFFF20] =	vst v1;
	v0 =	vmul.f32 $8.000000000e+00, v3;
	v3 =	vld [tilespmem:s19+$0xFFFFFF90]  }
0x61: {  	[tilespmem:s19+$0xFFFFFF30] =	vst v2;
	v1 =	vmul.f32 $8.000000000e+00, v4;
	v4 =	vld [tilespmem:s19+$0xFFFFFFA0]  }
0x62: {  	v8 =	vld [tilespmem:s19+$0xFFFFFFB0];
	v2 =	vmul.f32 $8.000000000e+00, v5;
	[tilespmem:s19+$0xFFFFFF40] =	vst v0  }
0x63: {  	v5 =	vmul.f32 $8.000000000e+00, v6;
	[tilespmem:s19+$0xFFFFFF50] =	vst v1;
	v0 =	vld [tilespmem:s19+$0xFFFFFFC0]  }
0x64: {  	v6 =	vmul.f32 $8.000000000e+00, v7;
	[tilespmem:s19+$0xFFFFFF60] =	vst v2;
	v1 =	vld [tilespmem:s19+$0xFFFFFFD0]  }
0x65: {  	[tilespmem:s19+$0xFFFFFF70] =	vst v5;
	v2 =	vld [tilespmem:s19+$0xFFFFFFE0];
	v7 =	vmul.f32 $8.000000000e+00, v3  }
0x66: {  	[tilespmem:s19+$0xFFFFFF80] =	vst v6;
	v3 =	vld [tilespmem:s19+$0xFFFFFFF0];
	v5 =	vmul.f32 $8.000000000e+00, v4  }
0x67: {  	s20 =	simm.s32 $0x0;
	s21 =	simm.s32 $0x29F0;
	v6 =	vmul.f32 $8.000000000e+00, v8;
	v4 =	vld [tilespmem:s19+$0xFFFFFF10];
	[tilespmem:s19+$0xFFFFFF90] =	vst v7  }
.LBB2_4:
0x68: {  	v7 =	vld [tilespmem:s21+$0x0];
	s20 =	sadd.s32 $0x4, s20;
	[tilespmem:s19+$0xFFFFFFA0] =	vst v5;
	v0 =	vmul.f32 $8.000000000e+00, v0  }
0x69: {  	v5 =	vld [tilespmem:s21+$0xFFFFFF20];
	p0 =	slt.u32 s20, $0x7C;
	[tilespmem:s19+$0xFFFFFFB0] =	vst v6;
	v1 =	vmul.f32 $8.000000000e+00, v1  }
0x6a: {  	v6 =	vld [tilespmem:s21+$0xFFFFFF30];
	[tilespmem:s19+$0xFFFFFFC0] =	vst v0;
	v0 =	vmul.f32 $8.000000000e+00, v2  }
0x6b: {  	v2 =	vld [tilespmem:s21+$0xFFFFFF40];
	[tilespmem:s19+$0xFFFFFFD0] =	vst v1;
	v1 =	vmul.f32 $8.000000000e+00, v3  }
0x6c: {  	v3 =	vld [tilespmem:s21+$0xFFFFFF50];
	v4 =	vmul.f32 $8.000000000e+00, v4;
	[tilespmem:s19+$0xFFFFFFE0] =	vst v0  }
0x6d: {  	v0 =	vld [tilespmem:s21+$0xFFFFFF60];
	v7 =	vmul.f32 $8.000000000e+00, v7;
	[tilespmem:s19+$0xFFFFFFF0] =	vst v1  }
0x6e: {  	v1 =	vmul.f32 $8.000000000e+00, v5;
	v5 =	vld [tilespmem:s21+$0xFFFFFF70];
	[tilespmem:s19+$0xFFFFFF10] =	vst v4;
	s19 =	smov.u32 s21  }
0x6f: {  	v4 =	vmul.f32 $8.000000000e+00, v6;
	v6 =	vld [tilespmem:s21+$0xFFFFFF80];
	[tilespmem:s21+$0x0] =	vst v7  }
0x70: {  	[tilespmem:s21+$0xFFFFFF20] =	vst v1;
	v1 =	vmul.f32 $8.000000000e+00, v2;
	v2 =	vld [tilespmem:s21+$0xFFFFFF90]  }
0x71: {  	[tilespmem:s21+$0xFFFFFF30] =	vst v4;
	v3 =	vmul.f32 $8.000000000e+00, v3;
	v4 =	vld [tilespmem:s21+$0xFFFFFFA0]  }
0x72: {  	[tilespmem:s21+$0xFFFFFF40] =	vst v1;
	v1 =	vmul.f32 $8.000000000e+00, v0;
	v7 =	vld [tilespmem:s21+$0xFFFFFFB0]  }
.Ltmp1:
0x73: {  	[tilespmem:s21+$0xFFFFFF50] =	vst v3;
	v3 =	vmul.f32 $8.000000000e+00, v5;
	v0 =	vld [tilespmem:s21+$0xFFFFFFC0];
	(pc) =	sbr.rel @p0 .LBB2_4-.Ltmp1, $4  }
0x74: {  	[tilespmem:s21+$0xFFFFFF60] =	vst v1;
	v5 =	vmul.f32 $8.000000000e+00, v6;
	v1 =	vld [tilespmem:s21+$0xFFFFFFD0]  }
0x75: {  	[tilespmem:s21+$0xFFFFFF70] =	vst v3;
	v6 =	vmul.f32 $8.000000000e+00, v2;
	v2 =	vld [tilespmem:s21+$0xFFFFFFE0]  }
0x76: {  	[tilespmem:s21+$0xFFFFFF80] =	vst v5;
	v5 =	vmul.f32 $8.000000000e+00, v4;
	v3 =	vld [tilespmem:s21+$0xFFFFFFF0]  }
0x77: {  	s21 =	sadd.s32 $0x100, s21;
	v4 =	vld [tilespmem:s19+$0xFFFFFF10];
	[tilespmem:s19+$0xFFFFFF90] =	vst v6;
	v6 =	vmul.f32 $8.000000000e+00, v7  }
0x78: {  	[tilespmem:s19+$0xFFFFFFA0] =	vst v5;
	v0 =	vmul.f32 $8.000000000e+00, v0  }
0x79: {  	[tilespmem:s19+$0xFFFFFFB0] =	vst v6;
	v1 =	vmul.f32 $8.000000000e+00, v1  }
0x7a: {  	[tilespmem:s19+$0xFFFFFFC0] =	vst v0;
	v0 =	vmul.f32 $8.000000000e+00, v2  }
0x7b: {  	[tilespmem:s19+$0xFFFFFFD0] =	vst v1;
	v1 =	vmul.f32 $8.000000000e+00, v3  }
0x7c: {  	v2 =	vmul.f32 $8.000000000e+00, v4;
	[tilespmem:s19+$0xFFFFFFE0] =	vst v0  }
0x7d: {  	[tilespmem:s19+$0xFFFFFFF0] =	vst v1  }
0x7e: {  	[tilespmem:s19+$0xFFFFFF10] =	vst v2  }
0x7f: {  	s19 =	rddreg [dreg:$0x3]  }
0x80: {  	[hbm4b:s19+s11] =	stream.strided.scatter [tilespmem:s1], [sflag:$0x2], $0x2000, s12, s11, $0x38;
	[tilespmem:$0x10800] =	vst v63  }
0x81: {  	_ = 	snop  }
0x82: {  	[tilespmem:s14], [sflag:$0x1] =	stream.indirect.gather [hbm4b:s7+s28], $0x40, s23, s28, $0xb8;
	[tilespmem:$0x10800] =	vst v63  }
0x83: {  	_ =	swait.ge [sflag:s10], $0x2000  }
0x84: {  	[sflag:s10] =	ssyncset.done $0x0  }
0x85: {  	s19 =	simm.s32 $0x4800;
	[sflag:s10] =	ssyncadd.s32 $0xFFFFE000  }
0x86: {  	v0 =	vld [tilespmem:s19+$0xF0]  }
0x87: {  	v1 =	vld [tilespmem:s19+$0x10]  }
0x88: {  	v2 =	vld [tilespmem:s19+$0x20]  }
0x89: {  	v3 =	vld [tilespmem:s19+$0x30]  }
0x8a: {  	v4 =	vld [tilespmem:s19+$0x40]  }
0x8b: {  	v5 =	vld [tilespmem:s19+$0x50];
	v0 =	vmul.f32 $8.000000000e+00, v0  }
0x8c: {  	v6 =	vld [tilespmem:s19+$0x60];
	v1 =	vmul.f32 $8.000000000e+00, v1  }
0x8d: {  	v7 =	vld [tilespmem:s19+$0x70];
	v2 =	vmul.f32 $8.000000000e+00, v2;
	[tilespmem:s19+$0xF0] =	vst v0  }
0x8e: {  	[tilespmem:s19+$0x10] =	vst v1;
	v0 =	vmul.f32 $8.000000000e+00, v3;
	v3 =	vld [tilespmem:s19+$0x80]  }
0x8f: {  	[tilespmem:s19+$0x20] =	vst v2;
	v1 =	vmul.f32 $8.000000000e+00, v4;
	v4 =	vld [tilespmem:s19+$0x90]  }
0x90: {  	v8 =	vld [tilespmem:s19+$0xA0];
	v2 =	vmul.f32 $8.000000000e+00, v5;
	[tilespmem:s19+$0x30] =	vst v0  }
0x91: {  	v5 =	vmul.f32 $8.000000000e+00, v6;
	[tilespmem:s19+$0x40] =	vst v1;
	v0 =	vld [tilespmem:s19+$0xB0]  }
0x92: {  	v6 =	vmul.f32 $8.000000000e+00, v7;
	[tilespmem:s19+$0x50] =	vst v2;
	v1 =	vld [tilespmem:s19+$0xC0]  }
0x93: {  	[tilespmem:s19+$0x60] =	vst v5;
	v2 =	vld [tilespmem:s19+$0xD0];
	v7 =	vmul.f32 $8.000000000e+00, v3  }
0x94: {  	[tilespmem:s19+$0x70] =	vst v6;
	v3 =	vld [tilespmem:s19+$0xE0];
	v5 =	vmul.f32 $8.000000000e+00, v4  }
0x95: {  	s20 =	simm.s32 $0x0;
	s21 =	simm.s32 $0x4900;
	v6 =	vmul.f32 $8.000000000e+00, v8;
	v4 =	vld [tilespmem:s19+$0x0];
	[tilespmem:s19+$0x80] =	vst v7  }
.LBB2_6:
0x96: {  	v7 =	vld [tilespmem:s21+$0xF0];
	s20 =	sadd.s32 $0x4, s20;
	[tilespmem:s19+$0x90] =	vst v5;
	v0 =	vmul.f32 $8.000000000e+00, v0  }
0x97: {  	v5 =	vld [tilespmem:s21+$0x10];
	p0 =	slt.u32 s20, $0x7C;
	[tilespmem:s19+$0xA0] =	vst v6;
	v1 =	vmul.f32 $8.000000000e+00, v1  }
0x98: {  	v6 =	vld [tilespmem:s21+$0x20];
	[tilespmem:s19+$0xB0] =	vst v0;
	v0 =	vmul.f32 $8.000000000e+00, v2  }
0x99: {  	v2 =	vld [tilespmem:s21+$0x30];
	[tilespmem:s19+$0xC0] =	vst v1;
	v1 =	vmul.f32 $8.000000000e+00, v3  }
0x9a: {  	v3 =	vld [tilespmem:s21+$0x40];
	v4 =	vmul.f32 $8.000000000e+00, v4;
	[tilespmem:s19+$0xD0] =	vst v0  }
0x9b: {  	v0 =	vld [tilespmem:s21+$0x50];
	v7 =	vmul.f32 $8.000000000e+00, v7;
	[tilespmem:s19+$0xE0] =	vst v1  }
0x9c: {  	v1 =	vmul.f32 $8.000000000e+00, v5;
	v5 =	vld [tilespmem:s21+$0x60];
	[tilespmem:s19+$0x0] =	vst v4;
	s19 =	smov.u32 s21  }
0x9d: {  	v4 =	vmul.f32 $8.000000000e+00, v6;
	v6 =	vld [tilespmem:s21+$0x70];
	[tilespmem:s21+$0xF0] =	vst v7  }
0x9e: {  	[tilespmem:s21+$0x10] =	vst v1;
	v1 =	vmul.f32 $8.000000000e+00, v2;
	v2 =	vld [tilespmem:s21+$0x80]  }
0x9f: {  	[tilespmem:s21+$0x20] =	vst v4;
	v3 =	vmul.f32 $8.000000000e+00, v3;
	v4 =	vld [tilespmem:s21+$0x90]  }
0xa0: {  	[tilespmem:s21+$0x30] =	vst v1;
	v1 =	vmul.f32 $8.000000000e+00, v0;
	v7 =	vld [tilespmem:s21+$0xA0]  }
.Ltmp2:
0xa1: {  	[tilespmem:s21+$0x40] =	vst v3;
	v3 =	vmul.f32 $8.000000000e+00, v5;
	v0 =	vld [tilespmem:s21+$0xB0];
	(pc) =	sbr.rel @p0 .LBB2_6-.Ltmp2, $4  }
0xa2: {  	[tilespmem:s21+$0x50] =	vst v1;
	v5 =	vmul.f32 $8.000000000e+00, v6;
	v1 =	vld [tilespmem:s21+$0xC0]  }
0xa3: {  	[tilespmem:s21+$0x60] =	vst v3;
	v6 =	vmul.f32 $8.000000000e+00, v2;
	v2 =	vld [tilespmem:s21+$0xD0]  }
0xa4: {  	[tilespmem:s21+$0x70] =	vst v5;
	v5 =	vmul.f32 $8.000000000e+00, v4;
	v3 =	vld [tilespmem:s21+$0xE0]  }
0xa5: {  	s21 =	sadd.s32 $0x100, s21;
	v4 =	vld [tilespmem:s19+$0x0];
	[tilespmem:s19+$0x80] =	vst v6;
	v6 =	vmul.f32 $8.000000000e+00, v7  }
0xa6: {  	[tilespmem:s19+$0x90] =	vst v5;
	v0 =	vmul.f32 $8.000000000e+00, v0  }
0xa7: {  	[tilespmem:s19+$0xA0] =	vst v6;
	v1 =	vmul.f32 $8.000000000e+00, v1  }
0xa8: {  	[tilespmem:s19+$0xB0] =	vst v0;
	v0 =	vmul.f32 $8.000000000e+00, v2  }
0xa9: {  	[tilespmem:s19+$0xC0] =	vst v1;
	v1 =	vmul.f32 $8.000000000e+00, v3  }
0xaa: {  	v2 =	vmul.f32 $8.000000000e+00, v4;
	[tilespmem:s19+$0xD0] =	vst v0  }
0xab: {  	[tilespmem:s19+$0xE0] =	vst v1  }
0xac: {  	[tilespmem:s19+$0x0] =	vst v2  }
0xad: {  	s19 =	rddreg [dreg:$0x4]  }
0xae: {  	[hbm4b:s19+s11] =	stream.strided.scatter [tilespmem:s0], [sflag:$0x2], $0x2000, s12, s11, $0x38;
	[tilespmem:$0x10800] =	vst v63  }
0xaf: {  	_ = 	snop  }
0xb0: {  	[tilespmem:s15], [sflag:$0x1] =	stream.indirect.gather [hbm4b:s7+s28], $0x40, s24, s28, $0xb8;
	[tilespmem:$0x10800] =	vst v63  }
0xb1: {  	_ =	swait.ge [sflag:s10], $0x2000  }
0xb2: {  	[sflag:s10] =	ssyncset.done $0x0  }
0xb3: {  	s19 =	simm.s32 $0x6800;
	[sflag:s10] =	ssyncadd.s32 $0xFFFFE000  }
0xb4: {  	v0 =	vld [tilespmem:s19+$0xF0]  }
0xb5: {  	v1 =	vld [tilespmem:s19+$0x10]  }
0xb6: {  	v2 =	vld [tilespmem:s19+$0x20]  }
0xb7: {  	v3 =	vld [tilespmem:s19+$0x30]  }
0xb8: {  	v4 =	vld [tilespmem:s19+$0x40]  }
0xb9: {  	v5 =	vld [tilespmem:s19+$0x50];
	v0 =	vmul.f32 $8.000000000e+00, v0  }
0xba: {  	v6 =	vld [tilespmem:s19+$0x60];
	v1 =	vmul.f32 $8.000000000e+00, v1  }
0xbb: {  	v7 =	vld [tilespmem:s19+$0x70];
	v2 =	vmul.f32 $8.000000000e+00, v2;
	[tilespmem:s19+$0xF0] =	vst v0  }
0xbc: {  	[tilespmem:s19+$0x10] =	vst v1;
	v0 =	vmul.f32 $8.000000000e+00, v3;
	v3 =	vld [tilespmem:s19+$0x80]  }
0xbd: {  	[tilespmem:s19+$0x20] =	vst v2;
	v1 =	vmul.f32 $8.000000000e+00, v4;
	v4 =	vld [tilespmem:s19+$0x90]  }
0xbe: {  	v8 =	vld [tilespmem:s19+$0xA0];
	v2 =	vmul.f32 $8.000000000e+00, v5;
	[tilespmem:s19+$0x30] =	vst v0  }
0xbf: {  	v5 =	vmul.f32 $8.000000000e+00, v6;
	[tilespmem:s19+$0x40] =	vst v1;
	v0 =	vld [tilespmem:s19+$0xB0]  }
0xc0: {  	v6 =	vmul.f32 $8.000000000e+00, v7;
	[tilespmem:s19+$0x50] =	vst v2;
	v1 =	vld [tilespmem:s19+$0xC0]  }
0xc1: {  	[tilespmem:s19+$0x60] =	vst v5;
	v2 =	vld [tilespmem:s19+$0xD0];
	v7 =	vmul.f32 $8.000000000e+00, v3  }
0xc2: {  	[tilespmem:s19+$0x70] =	vst v6;
	v3 =	vld [tilespmem:s19+$0xE0];
	v5 =	vmul.f32 $8.000000000e+00, v4  }
0xc3: {  	s20 =	simm.s32 $0x0;
	s21 =	simm.s32 $0x6900;
	v6 =	vmul.f32 $8.000000000e+00, v8;
	v4 =	vld [tilespmem:s19+$0x0];
	[tilespmem:s19+$0x80] =	vst v7  }
.LBB2_8:
0xc4: {  	v7 =	vld [tilespmem:s21+$0xF0];
	s20 =	sadd.s32 $0x4, s20;
	[tilespmem:s19+$0x90] =	vst v5;
	v0 =	vmul.f32 $8.000000000e+00, v0  }
0xc5: {  	v5 =	vld [tilespmem:s21+$0x10];
	p0 =	slt.u32 s20, $0x7C;
	[tilespmem:s19+$0xA0] =	vst v6;
	v1 =	vmul.f32 $8.000000000e+00, v1  }
0xc6: {  	v6 =	vld [tilespmem:s21+$0x20];
	[tilespmem:s19+$0xB0] =	vst v0;
	v0 =	vmul.f32 $8.000000000e+00, v2  }
0xc7: {  	v2 =	vld [tilespmem:s21+$0x30];
	[tilespmem:s19+$0xC0] =	vst v1;
	v1 =	vmul.f32 $8.000000000e+00, v3  }
0xc8: {  	v3 =	vld [tilespmem:s21+$0x40];
	v4 =	vmul.f32 $8.000000000e+00, v4;
	[tilespmem:s19+$0xD0] =	vst v0  }
0xc9: {  	v0 =	vld [tilespmem:s21+$0x50];
	v7 =	vmul.f32 $8.000000000e+00, v7;
	[tilespmem:s19+$0xE0] =	vst v1  }
0xca: {  	v1 =	vmul.f32 $8.000000000e+00, v5;
	v5 =	vld [tilespmem:s21+$0x60];
	[tilespmem:s19+$0x0] =	vst v4;
	s19 =	smov.u32 s21  }
0xcb: {  	v4 =	vmul.f32 $8.000000000e+00, v6;
	v6 =	vld [tilespmem:s21+$0x70];
	[tilespmem:s21+$0xF0] =	vst v7  }
0xcc: {  	[tilespmem:s21+$0x10] =	vst v1;
	v1 =	vmul.f32 $8.000000000e+00, v2;
	v2 =	vld [tilespmem:s21+$0x80]  }
0xcd: {  	[tilespmem:s21+$0x20] =	vst v4;
	v3 =	vmul.f32 $8.000000000e+00, v3;
	v4 =	vld [tilespmem:s21+$0x90]  }
0xce: {  	[tilespmem:s21+$0x30] =	vst v1;
	v1 =	vmul.f32 $8.000000000e+00, v0;
	v7 =	vld [tilespmem:s21+$0xA0]  }
.Ltmp3:
0xcf: {  	[tilespmem:s21+$0x40] =	vst v3;
	v3 =	vmul.f32 $8.000000000e+00, v5;
	v0 =	vld [tilespmem:s21+$0xB0];
	(pc) =	sbr.rel @p0 .LBB2_8-.Ltmp3, $4  }
0xd0: {  	[tilespmem:s21+$0x50] =	vst v1;
	v5 =	vmul.f32 $8.000000000e+00, v6;
	v1 =	vld [tilespmem:s21+$0xC0]  }
0xd1: {  	[tilespmem:s21+$0x60] =	vst v3;
	v6 =	vmul.f32 $8.000000000e+00, v2;
	v2 =	vld [tilespmem:s21+$0xD0]  }
0xd2: {  	[tilespmem:s21+$0x70] =	vst v5;
	v5 =	vmul.f32 $8.000000000e+00, v4;
	v3 =	vld [tilespmem:s21+$0xE0]  }
0xd3: {  	s21 =	sadd.s32 $0x100, s21;
	v4 =	vld [tilespmem:s19+$0x0];
	[tilespmem:s19+$0x80] =	vst v6;
	v6 =	vmul.f32 $8.000000000e+00, v7  }
0xd4: {  	[tilespmem:s19+$0x90] =	vst v5;
	v0 =	vmul.f32 $8.000000000e+00, v0  }
0xd5: {  	[tilespmem:s19+$0xA0] =	vst v6;
	v1 =	vmul.f32 $8.000000000e+00, v1  }
0xd6: {  	[tilespmem:s19+$0xB0] =	vst v0;
	v0 =	vmul.f32 $8.000000000e+00, v2  }
0xd7: {  	[tilespmem:s19+$0xC0] =	vst v1;
	v1 =	vmul.f32 $8.000000000e+00, v3  }
0xd8: {  	v2 =	vmul.f32 $8.000000000e+00, v4;
	[tilespmem:s19+$0xD0] =	vst v0  }
0xd9: {  	[tilespmem:s19+$0xE0] =	vst v1  }
0xda: {  	[tilespmem:s19+$0x0] =	vst v2  }
0xdb: {  	s19 =	rddreg [dreg:$0x5]  }
0xdc: {  	[hbm4b:s19+s11] =	stream.strided.scatter [tilespmem:s3], [sflag:$0x2], $0x2000, s12, s11, $0x38;
	[tilespmem:$0x10800] =	vst v63  }
0xdd: {  	s23 =	simm.s32 $0x380  }
0xde: {  	[tilespmem:s16], [sflag:$0x1] =	stream.indirect.gather [hbm4b:s7+s28], $0x40, s23, s28, $0xb8;
	[tilespmem:$0x10800] =	vst v63  }
0xdf: {  	s20 =	simm.s32 $0x400;
	s24 =	rddreg [dreg:$0x6]  }
0xe0: {  	[tilespmem:s20], [sflag:$0x3] =	stream.strided.gather [hbm4b:s24+s28], $0x400, s29, s28, $0x38;
	[tilespmem:$0x10800] =	vst v63  }
0xe1: {  	_ =	swait.ge [sflag:s30], $0x400  }
0xe2: {  	[sflag:s30] =	ssyncset.done $0x0  }
0xe3: {  	[sflag:s30] =	ssyncadd.s32 $0xFFFFFC00  }
0xe4: {  	_ =	swait.ge [sflag:s10], $0x2000  }
0xe5: {  	[sflag:s10] =	ssyncset.done $0x0  }
0xe6: {  	s19 =	simm.s32 $0x8800;
	[sflag:s10] =	ssyncadd.s32 $0xFFFFE000  }
0xe7: {  	v0 =	vld [tilespmem:s19+$0xF0]  }
0xe8: {  	v1 =	vld [tilespmem:s19+$0x10]  }
0xe9: {  	v2 =	vld [tilespmem:s19+$0x20]  }
0xea: {  	v3 =	vld [tilespmem:s19+$0x30]  }
0xeb: {  	v4 =	vld [tilespmem:s19+$0x40]  }
0xec: {  	v5 =	vld [tilespmem:s19+$0x50];
	v0 =	vmul.f32 $8.000000000e+00, v0  }
0xed: {  	v6 =	vld [tilespmem:s19+$0x60];
	v1 =	vmul.f32 $8.000000000e+00, v1  }
0xee: {  	v7 =	vld [tilespmem:s19+$0x70];
	v2 =	vmul.f32 $8.000000000e+00, v2;
	[tilespmem:s19+$0xF0] =	vst v0  }
0xef: {  	[tilespmem:s19+$0x10] =	vst v1;
	v0 =	vmul.f32 $8.000000000e+00, v3;
	v3 =	vld [tilespmem:s19+$0x80]  }
0xf0: {  	[tilespmem:s19+$0x20] =	vst v2;
	v1 =	vmul.f32 $8.000000000e+00, v4;
	v4 =	vld [tilespmem:s19+$0x90]  }
0xf1: {  	v8 =	vld [tilespmem:s19+$0xA0];
	v2 =	vmul.f32 $8.000000000e+00, v5;
	[tilespmem:s19+$0x30] =	vst v0  }
0xf2: {  	v5 =	vmul.f32 $8.000000000e+00, v6;
	[tilespmem:s19+$0x40] =	vst v1;
	v0 =	vld [tilespmem:s19+$0xB0]  }
0xf3: {  	v6 =	vmul.f32 $8.000000000e+00, v7;
	[tilespmem:s19+$0x50] =	vst v2;
	v1 =	vld [tilespmem:s19+$0xC0]  }
0xf4: {  	[tilespmem:s19+$0x60] =	vst v5;
	v2 =	vld [tilespmem:s19+$0xD0];
	v7 =	vmul.f32 $8.000000000e+00, v3  }
0xf5: {  	[tilespmem:s19+$0x70] =	vst v6;
	v3 =	vld [tilespmem:s19+$0xE0];
	v5 =	vmul.f32 $8.000000000e+00, v4  }
0xf6: {  	s21 =	simm.s32 $0x8900;
	s20 =	simm.s32 $0x0;
	v6 =	vmul.f32 $8.000000000e+00, v8;
	v4 =	vld [tilespmem:s19+$0x0];
	[tilespmem:s19+$0x80] =	vst v7  }
.LBB2_10:
0xf7: {  	v7 =	vld [tilespmem:s21+$0xF0];
	s20 =	sadd.s32 $0x4, s20;
	[tilespmem:s19+$0x90] =	vst v5;
	v0 =	vmul.f32 $8.000000000e+00, v0  }
0xf8: {  	v5 =	vld [tilespmem:s21+$0x10];
	p0 =	slt.u32 s20, $0x7C;
	[tilespmem:s19+$0xA0] =	vst v6;
	v1 =	vmul.f32 $8.000000000e+00, v1  }
0xf9: {  	v6 =	vld [tilespmem:s21+$0x20];
	[tilespmem:s19+$0xB0] =	vst v0;
	v0 =	vmul.f32 $8.000000000e+00, v2  }
0xfa: {  	v2 =	vld [tilespmem:s21+$0x30];
	[tilespmem:s19+$0xC0] =	vst v1;
	v1 =	vmul.f32 $8.000000000e+00, v3  }
0xfb: {  	v3 =	vld [tilespmem:s21+$0x40];
	v4 =	vmul.f32 $8.000000000e+00, v4;
	[tilespmem:s19+$0xD0] =	vst v0  }
0xfc: {  	v0 =	vld [tilespmem:s21+$0x50];
	v7 =	vmul.f32 $8.000000000e+00, v7;
	[tilespmem:s19+$0xE0] =	vst v1  }
0xfd: {  	v1 =	vmul.f32 $8.000000000e+00, v5;
	v5 =	vld [tilespmem:s21+$0x60];
	[tilespmem:s19+$0x0] =	vst v4;
	s19 =	smov.u32 s21  }
0xfe: {  	v4 =	vmul.f32 $8.000000000e+00, v6;
	v6 =	vld [tilespmem:s21+$0x70];
	[tilespmem:s21+$0xF0] =	vst v7  }
0xff: {  	[tilespmem:s21+$0x10] =	vst v1;
	v1 =	vmul.f32 $8.000000000e+00, v2;
	v2 =	vld [tilespmem:s21+$0x80]  }
0x100: {  	[tilespmem:s21+$0x20] =	vst v4;
	v3 =	vmul.f32 $8.000000000e+00, v3;
	v4 =	vld [tilespmem:s21+$0x90]  }
0x101: {  	[tilespmem:s21+$0x30] =	vst v1;
	v1 =	vmul.f32 $8.000000000e+00, v0;
	v7 =	vld [tilespmem:s21+$0xA0]  }
.Ltmp4:
0x102: {  	[tilespmem:s21+$0x40] =	vst v3;
	v3 =	vmul.f32 $8.000000000e+00, v5;
	v0 =	vld [tilespmem:s21+$0xB0];
	(pc) =	sbr.rel @p0 .LBB2_10-.Ltmp4, $4  }
0x103: {  	[tilespmem:s21+$0x50] =	vst v1;
	v5 =	vmul.f32 $8.000000000e+00, v6;
	v1 =	vld [tilespmem:s21+$0xC0]  }
0x104: {  	[tilespmem:s21+$0x60] =	vst v3;
	v6 =	vmul.f32 $8.000000000e+00, v2;
	v2 =	vld [tilespmem:s21+$0xD0]  }
0x105: {  	[tilespmem:s21+$0x70] =	vst v5;
	v5 =	vmul.f32 $8.000000000e+00, v4;
	v3 =	vld [tilespmem:s21+$0xE0]  }
0x106: {  	s21 =	sadd.s32 $0x100, s21;
	v4 =	vld [tilespmem:s19+$0x0];
	[tilespmem:s19+$0x80] =	vst v6;
	v6 =	vmul.f32 $8.000000000e+00, v7  }
0x107: {  	[tilespmem:s19+$0x90] =	vst v5;
	v0 =	vmul.f32 $8.000000000e+00, v0  }
0x108: {  	[tilespmem:s19+$0xA0] =	vst v6;
	v1 =	vmul.f32 $8.000000000e+00, v1  }
0x109: {  	[tilespmem:s19+$0xB0] =	vst v0;
	v0 =	vmul.f32 $8.000000000e+00, v2  }
0x10a: {  	[tilespmem:s19+$0xC0] =	vst v1;
	v1 =	vmul.f32 $8.000000000e+00, v3  }
0x10b: {  	v2 =	vmul.f32 $8.000000000e+00, v4;
	[tilespmem:s19+$0xD0] =	vst v0  }
0x10c: {  	[tilespmem:s19+$0xE0] =	vst v1  }
0x10d: {  	[tilespmem:s19+$0x0] =	vst v2  }
0x10e: {  	s19 =	rddreg [dreg:$0x7]  }
0x10f: {  	[hbm4b:s19+s11] =	stream.strided.scatter [tilespmem:s13], [sflag:$0x2], $0x2000, s12, s11, $0x38;
	[tilespmem:$0x10800] =	vst v63  }
0x110: {  	_ =	swait.ge [sflag:s17], $0x2000  }
0x111: {  	[sflag:s17] =	ssyncset.done $0x0  }
0x112: {  	s24 =	simm.s32 $0x400;
	[sflag:s17] =	ssyncadd.s32 $0xFFFFE000  }
0x113: {  	[tilespmem:s31], [sflag:$0x1] =	stream.indirect.gather [hbm4b:s7+s28], $0x40, s24, s28, $0xb8;
	[tilespmem:$0x10800] =	vst v63  }
0x114: {  	_ =	swait.ge [sflag:s10], $0x2000  }
0x115: {  	[sflag:s10] =	ssyncset.done $0x0  }
0x116: {  	s19 =	simm.s32 $0xA800;
	[sflag:s10] =	ssyncadd.s32 $0xFFFFE000  }
0x117: {  	v0 =	vld [tilespmem:s19+$0xF0]  }
0x118: {  	v1 =	vld [tilespmem:s19+$0x10]  }
0x119: {  	v2 =	vld [tilespmem:s19+$0x20]  }
0x11a: {  	v3 =	vld [tilespmem:s19+$0x30]  }
0x11b: {  	v4 =	vld [tilespmem:s19+$0x40]  }
0x11c: {  	v5 =	vld [tilespmem:s19+$0x50];
	v0 =	vmul.f32 $8.000000000e+00, v0  }
0x11d: {  	v6 =	vld [tilespmem:s19+$0x60];
	v1 =	vmul.f32 $8.000000000e+00, v1  }
0x11e: {  	v7 =	vld [tilespmem:s19+$0x70];
	v2 =	vmul.f32 $8.000000000e+00, v2;
	[tilespmem:s19+$0xF0] =	vst v0  }
0x11f: {  	[tilespmem:s19+$0x10] =	vst v1;
	v0 =	vmul.f32 $8.000000000e+00, v3;
	v3 =	vld [tilespmem:s19+$0x80]  }
0x120: {  	[tilespmem:s19+$0x20] =	vst v2;
	v1 =	vmul.f32 $8.000000000e+00, v4;
	v4 =	vld [tilespmem:s19+$0x90]  }
0x121: {  	v8 =	vld [tilespmem:s19+$0xA0];
	v2 =	vmul.f32 $8.000000000e+00, v5;
	[tilespmem:s19+$0x30] =	vst v0  }
0x122: {  	v5 =	vmul.f32 $8.000000000e+00, v6;
	[tilespmem:s19+$0x40] =	vst v1;
	v0 =	vld [tilespmem:s19+$0xB0]  }
0x123: {  	v6 =	vmul.f32 $8.000000000e+00, v7;
	[tilespmem:s19+$0x50] =	vst v2;
	v1 =	vld [tilespmem:s19+$0xC0]  }
0x124: {  	[tilespmem:s19+$0x60] =	vst v5;
	v2 =	vld [tilespmem:s19+$0xD0];
	v7 =	vmul.f32 $8.000000000e+00, v3  }
0x125: {  	[tilespmem:s19+$0x70] =	vst v6;
	v3 =	vld [tilespmem:s19+$0xE0];
	v5 =	vmul.f32 $8.000000000e+00, v4  }
0x126: {  	s20 =	simm.s32 $0x0;
	s21 =	simm.s32 $0xA900;
	v6 =	vmul.f32 $8.000000000e+00, v8;
	v4 =	vld [tilespmem:s19+$0x0];
	[tilespmem:s19+$0x80] =	vst v7  }
.LBB2_12:
0x127: {  	v7 =	vld [tilespmem:s21+$0xF0];
	s20 =	sadd.s32 $0x4, s20;
	[tilespmem:s19+$0x90] =	vst v5;
	v0 =	vmul.f32 $8.000000000e+00, v0  }
0x128: {  	v5 =	vld [tilespmem:s21+$0x10];
	p0 =	slt.u32 s20, $0x7C;
	[tilespmem:s19+$0xA0] =	vst v6;
	v1 =	vmul.f32 $8.000000000e+00, v1  }
0x129: {  	v6 =	vld [tilespmem:s21+$0x20];
	[tilespmem:s19+$0xB0] =	vst v0;
	v0 =	vmul.f32 $8.000000000e+00, v2  }
0x12a: {  	v2 =	vld [tilespmem:s21+$0x30];
	[tilespmem:s19+$0xC0] =	vst v1;
	v1 =	vmul.f32 $8.000000000e+00, v3  }
0x12b: {  	v3 =	vld [tilespmem:s21+$0x40];
	v4 =	vmul.f32 $8.000000000e+00, v4;
	[tilespmem:s19+$0xD0] =	vst v0  }
0x12c: {  	v0 =	vld [tilespmem:s21+$0x50];
	v7 =	vmul.f32 $8.000000000e+00, v7;
	[tilespmem:s19+$0xE0] =	vst v1  }
0x12d: {  	v1 =	vmul.f32 $8.000000000e+00, v5;
	v5 =	vld [tilespmem:s21+$0x60];
	[tilespmem:s19+$0x0] =	vst v4;
	s19 =	smov.u32 s21  }
0x12e: {  	v4 =	vmul.f32 $8.000000000e+00, v6;
	v6 =	vld [tilespmem:s21+$0x70];
	[tilespmem:s21+$0xF0] =	vst v7  }
0x12f: {  	[tilespmem:s21+$0x10] =	vst v1;
	v1 =	vmul.f32 $8.000000000e+00, v2;
	v2 =	vld [tilespmem:s21+$0x80]  }
0x130: {  	[tilespmem:s21+$0x20] =	vst v4;
	v3 =	vmul.f32 $8.000000000e+00, v3;
	v4 =	vld [tilespmem:s21+$0x90]  }
0x131: {  	[tilespmem:s21+$0x30] =	vst v1;
	v1 =	vmul.f32 $8.000000000e+00, v0;
	v7 =	vld [tilespmem:s21+$0xA0]  }
.Ltmp5:
0x132: {  	[tilespmem:s21+$0x40] =	vst v3;
	v3 =	vmul.f32 $8.000000000e+00, v5;
	v0 =	vld [tilespmem:s21+$0xB0];
	(pc) =	sbr.rel @p0 .LBB2_12-.Ltmp5, $4  }
0x133: {  	[tilespmem:s21+$0x50] =	vst v1;
	v5 =	vmul.f32 $8.000000000e+00, v6;
	v1 =	vld [tilespmem:s21+$0xC0]  }
0x134: {  	[tilespmem:s21+$0x60] =	vst v3;
	v6 =	vmul.f32 $8.000000000e+00, v2;
	v2 =	vld [tilespmem:s21+$0xD0]  }
0x135: {  	[tilespmem:s21+$0x70] =	vst v5;
	v5 =	vmul.f32 $8.000000000e+00, v4;
	v3 =	vld [tilespmem:s21+$0xE0]  }
0x136: {  	s21 =	sadd.s32 $0x100, s21;
	v4 =	vld [tilespmem:s19+$0x0];
	[tilespmem:s19+$0x80] =	vst v6;
	v6 =	vmul.f32 $8.000000000e+00, v7  }
0x137: {  	[tilespmem:s19+$0x90] =	vst v5;
	v0 =	vmul.f32 $8.000000000e+00, v0  }
0x138: {  	[tilespmem:s19+$0xA0] =	vst v6;
	v1 =	vmul.f32 $8.000000000e+00, v1  }
0x139: {  	[tilespmem:s19+$0xB0] =	vst v0;
	v0 =	vmul.f32 $8.000000000e+00, v2  }
0x13a: {  	[tilespmem:s19+$0xC0] =	vst v1;
	v1 =	vmul.f32 $8.000000000e+00, v3  }
0x13b: {  	v2 =	vmul.f32 $8.000000000e+00, v4;
	[tilespmem:s19+$0xD0] =	vst v0  }
0x13c: {  	[tilespmem:s19+$0xE0] =	vst v1  }
0x13d: {  	[tilespmem:s19+$0x0] =	vst v2  }
0x13e: {  	s19 =	rddreg [dreg:$0x8]  }
0x13f: {  	[hbm4b:s19+s11] =	stream.strided.scatter [tilespmem:s14], [sflag:$0x2], $0x2000, s12, s11, $0x38;
	[tilespmem:$0x10800] =	vst v63  }
0x140: {  	_ =	swait.ge [sflag:s17], $0x2000  }
0x141: {  	[sflag:s17] =	ssyncset.done $0x0  }
0x142: {  	s24 =	simm.s32 $0x480;
	[sflag:s17] =	ssyncadd.s32 $0xFFFFE000  }
0x143: {  	[tilespmem:s1], [sflag:$0x1] =	stream.indirect.gather [hbm4b:s7+s28], $0x40, s24, s28, $0xb8;
	[tilespmem:$0x10800] =	vst v63  }
0x144: {  	_ =	swait.ge [sflag:s10], $0x2000  }
0x145: {  	[sflag:s10] =	ssyncset.done $0x0  }
0x146: {  	s19 =	simm.s32 $0xC800;
	[sflag:s10] =	ssyncadd.s32 $0xFFFFE000  }
0x147: {  	v0 =	vld [tilespmem:s19+$0xF0]  }
0x148: {  	v1 =	vld [tilespmem:s19+$0x10]  }
0x149: {  	v2 =	vld [tilespmem:s19+$0x20]  }
0x14a: {  	v3 =	vld [tilespmem:s19+$0x30]  }
0x14b: {  	v4 =	vld [tilespmem:s19+$0x40]  }
0x14c: {  	v5 =	vld [tilespmem:s19+$0x50];
	v0 =	vmul.f32 $8.000000000e+00, v0  }
0x14d: {  	v6 =	vld [tilespmem:s19+$0x60];
	v1 =	vmul.f32 $8.000000000e+00, v1  }
0x14e: {  	v7 =	vld [tilespmem:s19+$0x70];
	v2 =	vmul.f32 $8.000000000e+00, v2;
	[tilespmem:s19+$0xF0] =	vst v0  }
0x14f: {  	[tilespmem:s19+$0x10] =	vst v1;
	v0 =	vmul.f32 $8.000000000e+00, v3;
	v3 =	vld [tilespmem:s19+$0x80]  }
0x150: {  	[tilespmem:s19+$0x20] =	vst v2;
	v1 =	vmul.f32 $8.000000000e+00, v4;
	v4 =	vld [tilespmem:s19+$0x90]  }
0x151: {  	v8 =	vld [tilespmem:s19+$0xA0];
	v2 =	vmul.f32 $8.000000000e+00, v5;
	[tilespmem:s19+$0x30] =	vst v0  }
0x152: {  	v5 =	vmul.f32 $8.000000000e+00, v6;
	[tilespmem:s19+$0x40] =	vst v1;
	v0 =	vld [tilespmem:s19+$0xB0]  }
0x153: {  	v6 =	vmul.f32 $8.000000000e+00, v7;
	[tilespmem:s19+$0x50] =	vst v2;
	v1 =	vld [tilespmem:s19+$0xC0]  }
0x154: {  	[tilespmem:s19+$0x60] =	vst v5;
	v2 =	vld [tilespmem:s19+$0xD0];
	v7 =	vmul.f32 $8.000000000e+00, v3  }
0x155: {  	[tilespmem:s19+$0x70] =	vst v6;
	v3 =	vld [tilespmem:s19+$0xE0];
	v5 =	vmul.f32 $8.000000000e+00, v4  }
0x156: {  	s20 =	simm.s32 $0x0;
	s21 =	simm.s32 $0xC900;
	v6 =	vmul.f32 $8.000000000e+00, v8;
	v4 =	vld [tilespmem:s19+$0x0];
	[tilespmem:s19+$0x80] =	vst v7  }
.LBB2_14:
0x157: {  	v7 =	vld [tilespmem:s21+$0xF0];
	s20 =	sadd.s32 $0x4, s20;
	[tilespmem:s19+$0x90] =	vst v5;
	v0 =	vmul.f32 $8.000000000e+00, v0  }
0x158: {  	v5 =	vld [tilespmem:s21+$0x10];
	p0 =	slt.u32 s20, $0x7C;
	[tilespmem:s19+$0xA0] =	vst v6;
	v1 =	vmul.f32 $8.000000000e+00, v1  }
0x159: {  	v6 =	vld [tilespmem:s21+$0x20];
	[tilespmem:s19+$0xB0] =	vst v0;
	v0 =	vmul.f32 $8.000000000e+00, v2  }
0x15a: {  	v2 =	vld [tilespmem:s21+$0x30];
	[tilespmem:s19+$0xC0] =	vst v1;
	v1 =	vmul.f32 $8.000000000e+00, v3  }
0x15b: {  	v3 =	vld [tilespmem:s21+$0x40];
	v4 =	vmul.f32 $8.000000000e+00, v4;
	[tilespmem:s19+$0xD0] =	vst v0  }
0x15c: {  	v0 =	vld [tilespmem:s21+$0x50];
	v7 =	vmul.f32 $8.000000000e+00, v7;
	[tilespmem:s19+$0xE0] =	vst v1  }
0x15d: {  	v1 =	vmul.f32 $8.000000000e+00, v5;
	v5 =	vld [tilespmem:s21+$0x60];
	[tilespmem:s19+$0x0] =	vst v4;
	s19 =	smov.u32 s21  }
0x15e: {  	v4 =	vmul.f32 $8.000000000e+00, v6;
	v6 =	vld [tilespmem:s21+$0x70];
	[tilespmem:s21+$0xF0] =	vst v7  }
0x15f: {  	[tilespmem:s21+$0x10] =	vst v1;
	v1 =	vmul.f32 $8.000000000e+00, v2;
	v2 =	vld [tilespmem:s21+$0x80]  }
0x160: {  	[tilespmem:s21+$0x20] =	vst v4;
	v3 =	vmul.f32 $8.000000000e+00, v3;
	v4 =	vld [tilespmem:s21+$0x90]  }
0x161: {  	[tilespmem:s21+$0x30] =	vst v1;
	v1 =	vmul.f32 $8.000000000e+00, v0;
	v7 =	vld [tilespmem:s21+$0xA0]  }
.Ltmp6:
0x162: {  	[tilespmem:s21+$0x40] =	vst v3;
	v3 =	vmul.f32 $8.000000000e+00, v5;
	v0 =	vld [tilespmem:s21+$0xB0];
	(pc) =	sbr.rel @p0 .LBB2_14-.Ltmp6, $4  }
0x163: {  	[tilespmem:s21+$0x50] =	vst v1;
	v5 =	vmul.f32 $8.000000000e+00, v6;
	v1 =	vld [tilespmem:s21+$0xC0]  }
0x164: {  	[tilespmem:s21+$0x60] =	vst v3;
	v6 =	vmul.f32 $8.000000000e+00, v2;
	v2 =	vld [tilespmem:s21+$0xD0]  }
0x165: {  	[tilespmem:s21+$0x70] =	vst v5;
	v5 =	vmul.f32 $8.000000000e+00, v4;
	v3 =	vld [tilespmem:s21+$0xE0]  }
0x166: {  	s21 =	sadd.s32 $0x100, s21;
	v4 =	vld [tilespmem:s19+$0x0];
	[tilespmem:s19+$0x80] =	vst v6;
	v6 =	vmul.f32 $8.000000000e+00, v7  }
0x167: {  	[tilespmem:s19+$0x90] =	vst v5;
	v0 =	vmul.f32 $8.000000000e+00, v0  }
0x168: {  	[tilespmem:s19+$0xA0] =	vst v6;
	v1 =	vmul.f32 $8.000000000e+00, v1  }
0x169: {  	[tilespmem:s19+$0xB0] =	vst v0;
	v0 =	vmul.f32 $8.000000000e+00, v2  }
0x16a: {  	[tilespmem:s19+$0xC0] =	vst v1;
	v1 =	vmul.f32 $8.000000000e+00, v3  }
0x16b: {  	v2 =	vmul.f32 $8.000000000e+00, v4;
	[tilespmem:s19+$0xD0] =	vst v0  }
0x16c: {  	[tilespmem:s19+$0xE0] =	vst v1  }
0x16d: {  	[tilespmem:s19+$0x0] =	vst v2  }
0x16e: {  	s19 =	rddreg [dreg:$0x9]  }
0x16f: {  	[hbm4b:s19+s11] =	stream.strided.scatter [tilespmem:s15], [sflag:$0x2], $0x2000, s12, s11, $0x38;
	[tilespmem:$0x10800] =	vst v63  }
0x170: {  	_ =	swait.ge [sflag:s17], $0x2000  }
0x171: {  	[sflag:s17] =	ssyncset.done $0x0  }
0x172: {  	s24 =	simm.s32 $0x500;
	[sflag:s17] =	ssyncadd.s32 $0xFFFFE000  }
0x173: {  	[tilespmem:s0], [sflag:$0x1] =	stream.indirect.gather [hbm4b:s7+s28], $0x40, s24, s28, $0xb8;
	[tilespmem:$0x10800] =	vst v63  }
0x174: {  	_ =	swait.ge [sflag:s10], $0x2000  }
0x175: {  	[sflag:s10] =	ssyncset.done $0x0  }
0x176: {  	s19 =	simm.s32 $0xE800;
	[sflag:s10] =	ssyncadd.s32 $0xFFFFE000  }
0x177: {  	v0 =	vld [tilespmem:s19+$0xF0]  }
0x178: {  	v1 =	vld [tilespmem:s19+$0x10]  }
0x179: {  	v2 =	vld [tilespmem:s19+$0x20]  }
0x17a: {  	v3 =	vld [tilespmem:s19+$0x30]  }
0x17b: {  	v4 =	vld [tilespmem:s19+$0x40]  }
0x17c: {  	v5 =	vld [tilespmem:s19+$0x50];
	v0 =	vmul.f32 $8.000000000e+00, v0  }
0x17d: {  	v6 =	vld [tilespmem:s19+$0x60];
	v1 =	vmul.f32 $8.000000000e+00, v1  }
0x17e: {  	v7 =	vld [tilespmem:s19+$0x70];
	v2 =	vmul.f32 $8.000000000e+00, v2;
	[tilespmem:s19+$0xF0] =	vst v0  }
0x17f: {  	[tilespmem:s19+$0x10] =	vst v1;
	v0 =	vmul.f32 $8.000000000e+00, v3;
	v3 =	vld [tilespmem:s19+$0x80]  }
0x180: {  	[tilespmem:s19+$0x20] =	vst v2;
	v1 =	vmul.f32 $8.000000000e+00, v4;
	v4 =	vld [tilespmem:s19+$0x90]  }
0x181: {  	v8 =	vld [tilespmem:s19+$0xA0];
	v2 =	vmul.f32 $8.000000000e+00, v5;
	[tilespmem:s19+$0x30] =	vst v0  }
0x182: {  	v5 =	vmul.f32 $8.000000000e+00, v6;
	[tilespmem:s19+$0x40] =	vst v1;
	v0 =	vld [tilespmem:s19+$0xB0]  }
0x183: {  	v6 =	vmul.f32 $8.000000000e+00, v7;
	[tilespmem:s19+$0x50] =	vst v2;
	v1 =	vld [tilespmem:s19+$0xC0]  }
0x184: {  	[tilespmem:s19+$0x60] =	vst v5;
	v2 =	vld [tilespmem:s19+$0xD0];
	v7 =	vmul.f32 $8.000000000e+00, v3  }
0x185: {  	[tilespmem:s19+$0x70] =	vst v6;
	v3 =	vld [tilespmem:s19+$0xE0];
	v5 =	vmul.f32 $8.000000000e+00, v4  }
0x186: {  	s20 =	simm.s32 $0x0;
	s21 =	simm.s32 $0xE900;
	v6 =	vmul.f32 $8.000000000e+00, v8;
	v4 =	vld [tilespmem:s19+$0x0];
	[tilespmem:s19+$0x80] =	vst v7  }
.LBB2_16:
0x187: {  	v7 =	vld [tilespmem:s21+$0xF0];
	s20 =	sadd.s32 $0x4, s20;
	[tilespmem:s19+$0x90] =	vst v5;
	v0 =	vmul.f32 $8.000000000e+00, v0  }
0x188: {  	v5 =	vld [tilespmem:s21+$0x10];
	p0 =	slt.u32 s20, $0x7C;
	[tilespmem:s19+$0xA0] =	vst v6;
	v1 =	vmul.f32 $8.000000000e+00, v1  }
0x189: {  	v6 =	vld [tilespmem:s21+$0x20];
	[tilespmem:s19+$0xB0] =	vst v0;
	v0 =	vmul.f32 $8.000000000e+00, v2  }
0x18a: {  	v2 =	vld [tilespmem:s21+$0x30];
	[tilespmem:s19+$0xC0] =	vst v1;
	v1 =	vmul.f32 $8.000000000e+00, v3  }
0x18b: {  	v3 =	vld [tilespmem:s21+$0x40];
	v4 =	vmul.f32 $8.000000000e+00, v4;
	[tilespmem:s19+$0xD0] =	vst v0  }
0x18c: {  	v0 =	vld [tilespmem:s21+$0x50];
	v7 =	vmul.f32 $8.000000000e+00, v7;
	[tilespmem:s19+$0xE0] =	vst v1  }
0x18d: {  	v1 =	vmul.f32 $8.000000000e+00, v5;
	v5 =	vld [tilespmem:s21+$0x60];
	[tilespmem:s19+$0x0] =	vst v4;
	s19 =	smov.u32 s21  }
0x18e: {  	v4 =	vmul.f32 $8.000000000e+00, v6;
	v6 =	vld [tilespmem:s21+$0x70];
	[tilespmem:s21+$0xF0] =	vst v7  }
0x18f: {  	[tilespmem:s21+$0x10] =	vst v1;
	v1 =	vmul.f32 $8.000000000e+00, v2;
	v2 =	vld [tilespmem:s21+$0x80]  }
0x190: {  	[tilespmem:s21+$0x20] =	vst v4;
	v3 =	vmul.f32 $8.000000000e+00, v3;
	v4 =	vld [tilespmem:s21+$0x90]  }
0x191: {  	[tilespmem:s21+$0x30] =	vst v1;
	v1 =	vmul.f32 $8.000000000e+00, v0;
	v7 =	vld [tilespmem:s21+$0xA0]  }
.Ltmp7:
0x192: {  	[tilespmem:s21+$0x40] =	vst v3;
	v3 =	vmul.f32 $8.000000000e+00, v5;
	v0 =	vld [tilespmem:s21+$0xB0];
	(pc) =	sbr.rel @p0 .LBB2_16-.Ltmp7, $4  }
0x193: {  	[tilespmem:s21+$0x50] =	vst v1;
	v5 =	vmul.f32 $8.000000000e+00, v6;
	v1 =	vld [tilespmem:s21+$0xC0]  }
0x194: {  	[tilespmem:s21+$0x60] =	vst v3;
	v6 =	vmul.f32 $8.000000000e+00, v2;
	v2 =	vld [tilespmem:s21+$0xD0]  }
0x195: {  	[tilespmem:s21+$0x70] =	vst v5;
	v5 =	vmul.f32 $8.000000000e+00, v4;
	v3 =	vld [tilespmem:s21+$0xE0]  }
0x196: {  	s21 =	sadd.s32 $0x100, s21;
	v4 =	vld [tilespmem:s19+$0x0];
	[tilespmem:s19+$0x80] =	vst v6;
	v6 =	vmul.f32 $8.000000000e+00, v7  }
0x197: {  	[tilespmem:s19+$0x90] =	vst v5;
	v0 =	vmul.f32 $8.000000000e+00, v0  }
0x198: {  	[tilespmem:s19+$0xA0] =	vst v6;
	v1 =	vmul.f32 $8.000000000e+00, v1  }
0x199: {  	[tilespmem:s19+$0xB0] =	vst v0;
	v61 =	vmul.f32 $8.000000000e+00, v2  }
0x19a: {  	[tilespmem:s19+$0xC0] =	vst v1;
	v62 =	vmul.f32 $8.000000000e+00, v3  }
0x19b: {  	v63 =	vmul.f32 $8.000000000e+00, v4;
	[tilespmem:s19+$0xD0] =	vst v61  }
0x19c: {  	[tilespmem:s19+$0xE0] =	vst v62  }
0x19d: {  	[tilespmem:s19+$0x0] =	vst v63  }
0x19e: {  	s19 =	rddreg [dreg:$0xa]  }
0x19f: {  	[hbm4b:s19+s11] =	stream.strided.scatter [tilespmem:s16], [sflag:$0x2], $0x2000, s12, s11, $0x38;
	[tilespmem:$0x10800] =	vst v63  }
0x1a0: {  	_ =	swait.ge [sflag:s17], $0x2000  }
0x1a1: {  	[sflag:s17] =	ssyncset.done $0x0  }
0x1a2: {  	s24 =	simm.s32 $0x580;
	s19 =	simm.s32 $0x1;
	[sflag:s17] =	ssyncadd.s32 $0xFFFFE000  }
0x1a3: {  	[tilespmem:s3], [sflag:$0x1] =	stream.indirect.gather [hbm4b:s7+s28], $0x40, s24, s28, $0xb8;
	[tilespmem:$0x10800] =	vst v63  }
.LBB2_18:
0x1a4: {  	_ =	swait.ge [sflag:s10], $0x2000  }
0x1a5: {  	[sflag:s10] =	ssyncset.done $0x0  }
0x1a6: {  	s21 =	simm.s32 $0x880;
	[sflag:s10] =	ssyncadd.s32 $0xFFFFE000  }
0x1a7: {  	v0 =	vld [tilespmem:s21+$0x70]  }
0x1a8: {  	v1 =	vld [tilespmem:s21+$0xFFFFFF90]  }
0x1a9: {  	v2 =	vld [tilespmem:s21+$0xFFFFFFA0]  }
0x1aa: {  	v3 =	vld [tilespmem:s21+$0xFFFFFFB0]  }
0x1ab: {  	v4 =	vld [tilespmem:s21+$0xFFFFFFC0]  }
0x1ac: {  	v5 =	vld [tilespmem:s21+$0xFFFFFFD0];
	v0 =	vmul.f32 $8.000000000e+00, v0  }
0x1ad: {  	v6 =	vld [tilespmem:s21+$0xFFFFFFE0];
	v1 =	vmul.f32 $8.000000000e+00, v1  }
0x1ae: {  	v7 =	vld [tilespmem:s21+$0xFFFFFFF0];
	v2 =	vmul.f32 $8.000000000e+00, v2;
	[tilespmem:s21+$0x70] =	vst v0  }
0x1af: {  	[tilespmem:s21+$0xFFFFFF90] =	vst v1;
	v0 =	vmul.f32 $8.000000000e+00, v3;
	v3 =	vld [tilespmem:s21+$0x0]  }
0x1b0: {  	[tilespmem:s21+$0xFFFFFFA0] =	vst v2;
	v1 =	vmul.f32 $8.000000000e+00, v4;
	v4 =	vld [tilespmem:s21+$0x10]  }
0x1b1: {  	v8 =	vld [tilespmem:s21+$0x20];
	v2 =	vmul.f32 $8.000000000e+00, v5;
	[tilespmem:s21+$0xFFFFFFB0] =	vst v0  }
0x1b2: {  	v5 =	vmul.f32 $8.000000000e+00, v6;
	[tilespmem:s21+$0xFFFFFFC0] =	vst v1;
	v0 =	vld [tilespmem:s21+$0x30]  }
0x1b3: {  	v6 =	vmul.f32 $8.000000000e+00, v7;
	[tilespmem:s21+$0xFFFFFFD0] =	vst v2;
	v1 =	vld [tilespmem:s21+$0x40]  }
0x1b4: {  	[tilespmem:s21+$0xFFFFFFE0] =	vst v5;
	v2 =	vld [tilespmem:s21+$0x50];
	v7 =	vmul.f32 $8.000000000e+00, v3  }
0x1b5: {  	[tilespmem:s21+$0xFFFFFFF0] =	vst v6;
	v3 =	vld [tilespmem:s21+$0x60];
	v5 =	vmul.f32 $8.000000000e+00, v4  }
0x1b6: {  	s20 =	simm.s32 $0x0;
	s22 =	simm.s32 $0x980;
	v6 =	vmul.f32 $8.000000000e+00, v8;
	v4 =	vld [tilespmem:s21+$0xFFFFFF80];
	[tilespmem:s21+$0x0] =	vst v7  }
.LBB2_19:
0x1b7: {  	v7 =	vld [tilespmem:s22+$0x70];
	s20 =	sadd.s32 $0x4, s20;
	[tilespmem:s21+$0x10] =	vst v5;
	v0 =	vmul.f32 $8.000000000e+00, v0  }
0x1b8: {  	v5 =	vld [tilespmem:s22+$0xFFFFFF90];
	p0 =	slt.u32 s20, $0x7C;
	[tilespmem:s21+$0x20] =	vst v6;
	v1 =	vmul.f32 $8.000000000e+00, v1  }
0x1b9: {  	v6 =	vld [tilespmem:s22+$0xFFFFFFA0];
	[tilespmem:s21+$0x30] =	vst v0;
	v0 =	vmul.f32 $8.000000000e+00, v2  }
0x1ba: {  	v2 =	vld [tilespmem:s22+$0xFFFFFFB0];
	[tilespmem:s21+$0x40] =	vst v1;
	v1 =	vmul.f32 $8.000000000e+00, v3  }
0x1bb: {  	v3 =	vld [tilespmem:s22+$0xFFFFFFC0];
	v4 =	vmul.f32 $8.000000000e+00, v4;
	[tilespmem:s21+$0x50] =	vst v0  }
0x1bc: {  	v0 =	vld [tilespmem:s22+$0xFFFFFFD0];
	v7 =	vmul.f32 $8.000000000e+00, v7;
	[tilespmem:s21+$0x60] =	vst v1  }
0x1bd: {  	v1 =	vmul.f32 $8.000000000e+00, v5;
	v5 =	vld [tilespmem:s22+$0xFFFFFFE0];
	[tilespmem:s21+$0xFFFFFF80] =	vst v4;
	s21 =	smov.u32 s22  }
0x1be: {  	v4 =	vmul.f32 $8.000000000e+00, v6;
	v6 =	vld [tilespmem:s22+$0xFFFFFFF0];
	[tilespmem:s22+$0x70] =	vst v7  }
0x1bf: {  	[tilespmem:s22+$0xFFFFFF90] =	vst v1;
	v1 =	vmul.f32 $8.000000000e+00, v2;
	v2 =	vld [tilespmem:s22+$0x0]  }
0x1c0: {  	[tilespmem:s22+$0xFFFFFFA0] =	vst v4;
	v3 =	vmul.f32 $8.000000000e+00, v3;
	v4 =	vld [tilespmem:s22+$0x10]  }
0x1c1: {  	[tilespmem:s22+$0xFFFFFFB0] =	vst v1;
	v1 =	vmul.f32 $8.000000000e+00, v0;
	v7 =	vld [tilespmem:s22+$0x20]  }
.Ltmp8:
0x1c2: {  	[tilespmem:s22+$0xFFFFFFC0] =	vst v3;
	v3 =	vmul.f32 $8.000000000e+00, v5;
	v0 =	vld [tilespmem:s22+$0x30];
	(pc) =	sbr.rel @p0 .LBB2_19-.Ltmp8, $4  }
0x1c3: {  	[tilespmem:s22+$0xFFFFFFD0] =	vst v1;
	v5 =	vmul.f32 $8.000000000e+00, v6;
	v1 =	vld [tilespmem:s22+$0x40]  }
0x1c4: {  	[tilespmem:s22+$0xFFFFFFE0] =	vst v3;
	v6 =	vmul.f32 $8.000000000e+00, v2;
	v2 =	vld [tilespmem:s22+$0x50]  }
0x1c5: {  	[tilespmem:s22+$0xFFFFFFF0] =	vst v5;
	v5 =	vmul.f32 $8.000000000e+00, v4;
	v3 =	vld [tilespmem:s22+$0x60]  }
0x1c6: {  	s22 =	sadd.s32 $0x100, s22;
	v4 =	vld [tilespmem:s21+$0xFFFFFF80];
	[tilespmem:s21+$0x0] =	vst v6;
	v6 =	vmul.f32 $8.000000000e+00, v7  }
0x1c7: {  	[tilespmem:s21+$0x10] =	vst v5;
	v0 =	vmul.f32 $8.000000000e+00, v0  }
0x1c8: {  	[tilespmem:s21+$0x20] =	vst v6;
	v1 =	vmul.f32 $8.000000000e+00, v1  }
0x1c9: {  	[tilespmem:s21+$0x30] =	vst v0;
	v0 =	vmul.f32 $8.000000000e+00, v2  }
0x1ca: {  	s22 =	sshll.u32 s19, $0xA;
	[tilespmem:s21+$0x40] =	vst v1;
	v1 =	vmul.f32 $8.000000000e+00, v3  }
0x1cb: {  	s20 =	sor.u32 s5, s22;
	v2 =	vmul.f32 $8.000000000e+00, v4;
	[tilespmem:s21+$0x50] =	vst v0  }
0x1cc: {  	s20 =	sshrl.u32 s20, $0x3;
	[tilespmem:s21+$0x60] =	vst v1  }
0x1cd: {  	s24 =	sadd.s32 s2, s20;
	[tilespmem:s21+$0xFFFFFF80] =	vst v2  }
0x1ce: {  	[hbm4b:s24+s11] =	stream.strided.scatter [tilespmem:s31], [sflag:$0x2], $0x2000, s12, s11, $0x38;
	[tilespmem:$0x10800] =	vst v63  }
0x1cf: {  	_ =	swait.ge [sflag:s17], $0x2000  }
0x1d0: {  	s21 =	sand.u32 $0x400, s22;
	[sflag:s17] =	ssyncset.done $0x0  }
0x1d1: {  	s22 =	sor.u32 $0x200, s21;
	[sflag:s17] =	ssyncadd.s32 $0xFFFFE000  }
0x1d2: {  	[tilespmem:s13], [sflag:$0x1] =	stream.indirect.gather [hbm4b:s7+s28], $0x40, s22, s28, $0xb8;
	[tilespmem:$0x10800] =	vst v63  }
0x1d3: {  	_ =	swait.ge [sflag:s10], $0x2000  }
0x1d4: {  	[sflag:s10] =	ssyncset.done $0x0  }
0x1d5: {  	s22 =	simm.s32 $0x28F0;
	[sflag:s10] =	ssyncadd.s32 $0xFFFFE000  }
0x1d6: {  	v0 =	vld [tilespmem:s22+$0x0]  }
0x1d7: {  	v1 =	vld [tilespmem:s22+$0xFFFFFF20]  }
0x1d8: {  	v2 =	vld [tilespmem:s22+$0xFFFFFF30]  }
0x1d9: {  	v3 =	vld [tilespmem:s22+$0xFFFFFF40]  }
0x1da: {  	v4 =	vld [tilespmem:s22+$0xFFFFFF50]  }
0x1db: {  	v5 =	vld [tilespmem:s22+$0xFFFFFF60];
	v0 =	vmul.f32 $8.000000000e+00, v0  }
0x1dc: {  	v6 =	vld [tilespmem:s22+$0xFFFFFF70];
	v1 =	vmul.f32 $8.000000000e+00, v1  }
0x1dd: {  	v7 =	vld [tilespmem:s22+$0xFFFFFF80];
	v2 =	vmul.f32 $8.000000000e+00, v2;
	[tilespmem:s22+$0x0] =	vst v0  }
0x1de: {  	[tilespmem:s22+$0xFFFFFF20] =	vst v1;
	v0 =	vmul.f32 $8.000000000e+00, v3;
	v3 =	vld [tilespmem:s22+$0xFFFFFF90]  }
0x1df: {  	[tilespmem:s22+$0xFFFFFF30] =	vst v2;
	v1 =	vmul.f32 $8.000000000e+00, v4;
	v4 =	vld [tilespmem:s22+$0xFFFFFFA0]  }
0x1e0: {  	v8 =	vld [tilespmem:s22+$0xFFFFFFB0];
	v2 =	vmul.f32 $8.000000000e+00, v5;
	[tilespmem:s22+$0xFFFFFF40] =	vst v0  }
0x1e1: {  	v5 =	vmul.f32 $8.000000000e+00, v6;
	[tilespmem:s22+$0xFFFFFF50] =	vst v1;
	v0 =	vld [tilespmem:s22+$0xFFFFFFC0]  }
0x1e2: {  	v6 =	vmul.f32 $8.000000000e+00, v7;
	[tilespmem:s22+$0xFFFFFF60] =	vst v2;
	v1 =	vld [tilespmem:s22+$0xFFFFFFD0]  }
0x1e3: {  	[tilespmem:s22+$0xFFFFFF70] =	vst v5;
	v2 =	vld [tilespmem:s22+$0xFFFFFFE0];
	v7 =	vmul.f32 $8.000000000e+00, v3  }
0x1e4: {  	[tilespmem:s22+$0xFFFFFF80] =	vst v6;
	v3 =	vld [tilespmem:s22+$0xFFFFFFF0];
	v5 =	vmul.f32 $8.000000000e+00, v4  }
0x1e5: {  	s23 =	simm.s32 $0x0;
	s24 =	simm.s32 $0x29F0;
	v6 =	vmul.f32 $8.000000000e+00, v8;
	v4 =	vld [tilespmem:s22+$0xFFFFFF10];
	[tilespmem:s22+$0xFFFFFF90] =	vst v7  }
.LBB2_21:
0x1e6: {  	v7 =	vld [tilespmem:s24+$0x0];
	s23 =	sadd.s32 $0x4, s23;
	[tilespmem:s22+$0xFFFFFFA0] =	vst v5;
	v0 =	vmul.f32 $8.000000000e+00, v0  }
0x1e7: {  	v5 =	vld [tilespmem:s24+$0xFFFFFF20];
	p0 =	slt.u32 s23, $0x7C;
	[tilespmem:s22+$0xFFFFFFB0] =	vst v6;
	v1 =	vmul.f32 $8.000000000e+00, v1  }
0x1e8: {  	v6 =	vld [tilespmem:s24+$0xFFFFFF30];
	[tilespmem:s22+$0xFFFFFFC0] =	vst v0;
	v0 =	vmul.f32 $8.000000000e+00, v2  }
0x1e9: {  	v2 =	vld [tilespmem:s24+$0xFFFFFF40];
	[tilespmem:s22+$0xFFFFFFD0] =	vst v1;
	v1 =	vmul.f32 $8.000000000e+00, v3  }
0x1ea: {  	v3 =	vld [tilespmem:s24+$0xFFFFFF50];
	v4 =	vmul.f32 $8.000000000e+00, v4;
	[tilespmem:s22+$0xFFFFFFE0] =	vst v0  }
0x1eb: {  	v0 =	vld [tilespmem:s24+$0xFFFFFF60];
	v7 =	vmul.f32 $8.000000000e+00, v7;
	[tilespmem:s22+$0xFFFFFFF0] =	vst v1  }
0x1ec: {  	v1 =	vmul.f32 $8.000000000e+00, v5;
	v5 =	vld [tilespmem:s24+$0xFFFFFF70];
	[tilespmem:s22+$0xFFFFFF10] =	vst v4;
	s22 =	smov.u32 s24  }
0x1ed: {  	v4 =	vmul.f32 $8.000000000e+00, v6;
	v6 =	vld [tilespmem:s24+$0xFFFFFF80];
	[tilespmem:s24+$0x0] =	vst v7  }
0x1ee: {  	[tilespmem:s24+$0xFFFFFF20] =	vst v1;
	v1 =	vmul.f32 $8.000000000e+00, v2;
	v2 =	vld [tilespmem:s24+$0xFFFFFF90]  }
0x1ef: {  	[tilespmem:s24+$0xFFFFFF30] =	vst v4;
	v3 =	vmul.f32 $8.000000000e+00, v3;
	v4 =	vld [tilespmem:s24+$0xFFFFFFA0]  }
0x1f0: {  	[tilespmem:s24+$0xFFFFFF40] =	vst v1;
	v1 =	vmul.f32 $8.000000000e+00, v0;
	v7 =	vld [tilespmem:s24+$0xFFFFFFB0]  }
.Ltmp9:
0x1f1: {  	[tilespmem:s24+$0xFFFFFF50] =	vst v3;
	v3 =	vmul.f32 $8.000000000e+00, v5;
	v0 =	vld [tilespmem:s24+$0xFFFFFFC0];
	(pc) =	sbr.rel @p0 .LBB2_21-.Ltmp9, $4  }
0x1f2: {  	[tilespmem:s24+$0xFFFFFF60] =	vst v1;
	v5 =	vmul.f32 $8.000000000e+00, v6;
	v1 =	vld [tilespmem:s24+$0xFFFFFFD0]  }
0x1f3: {  	[tilespmem:s24+$0xFFFFFF70] =	vst v3;
	v6 =	vmul.f32 $8.000000000e+00, v2;
	v2 =	vld [tilespmem:s24+$0xFFFFFFE0]  }
0x1f4: {  	[tilespmem:s24+$0xFFFFFF80] =	vst v5;
	v5 =	vmul.f32 $8.000000000e+00, v4;
	v3 =	vld [tilespmem:s24+$0xFFFFFFF0]  }
0x1f5: {  	s24 =	sadd.s32 $0x100, s24;
	v4 =	vld [tilespmem:s22+$0xFFFFFF10];
	[tilespmem:s22+$0xFFFFFF90] =	vst v6;
	v6 =	vmul.f32 $8.000000000e+00, v7  }
0x1f6: {  	[tilespmem:s22+$0xFFFFFFA0] =	vst v5;
	v0 =	vmul.f32 $8.000000000e+00, v0  }
0x1f7: {  	[tilespmem:s22+$0xFFFFFFB0] =	vst v6;
	v1 =	vmul.f32 $8.000000000e+00, v1  }
0x1f8: {  	[tilespmem:s22+$0xFFFFFFC0] =	vst v0;
	v0 =	vmul.f32 $8.000000000e+00, v2  }
0x1f9: {  	[tilespmem:s22+$0xFFFFFFD0] =	vst v1;
	v1 =	vmul.f32 $8.000000000e+00, v3  }
0x1fa: {  	v2 =	vmul.f32 $8.000000000e+00, v4;
	[tilespmem:s22+$0xFFFFFFE0] =	vst v0  }
0x1fb: {  	s20 =	sadd.s32 s20, s2;
	[tilespmem:s22+$0xFFFFFFF0] =	vst v1  }
0x1fc: {  	s23 =	sadd.s32 $0x10, s20;
	[tilespmem:s22+$0xFFFFFF10] =	vst v2  }
0x1fd: {  	[hbm4b:s23+s11] =	stream.strided.scatter [tilespmem:s1], [sflag:$0x2], $0x2000, s12, s11, $0x38;
	[tilespmem:$0x10800] =	vst v63  }
0x1fe: {  	_ =	swait.ge [sflag:s17], $0x2000  }
0x1ff: {  	[sflag:s17] =	ssyncset.done $0x0  }
0x200: {  	s24 =	sadd.s32 $0x280, s21;
	[sflag:s17] =	ssyncadd.s32 $0xFFFFE000  }
0x201: {  	[tilespmem:s14], [sflag:$0x1] =	stream.indirect.gather [hbm4b:s7+s28], $0x40, s24, s28, $0xb8;
	[tilespmem:$0x10800] =	vst v63  }
0x202: {  	_ =	swait.ge [sflag:s10], $0x2000  }
0x203: {  	[sflag:s10] =	ssyncset.done $0x0  }
0x204: {  	s22 =	simm.s32 $0x4800;
	[sflag:s10] =	ssyncadd.s32 $0xFFFFE000  }
0x205: {  	v0 =	vld [tilespmem:s22+$0xF0]  }
0x206: {  	v1 =	vld [tilespmem:s22+$0x10]  }
0x207: {  	v2 =	vld [tilespmem:s22+$0x20]  }
0x208: {  	v3 =	vld [tilespmem:s22+$0x30]  }
0x209: {  	v4 =	vld [tilespmem:s22+$0x40]  }
0x20a: {  	v5 =	vld [tilespmem:s22+$0x50];
	v0 =	vmul.f32 $8.000000000e+00, v0  }
0x20b: {  	v6 =	vld [tilespmem:s22+$0x60];
	v1 =	vmul.f32 $8.000000000e+00, v1  }
0x20c: {  	v7 =	vld [tilespmem:s22+$0x70];
	v2 =	vmul.f32 $8.000000000e+00, v2;
	[tilespmem:s22+$0xF0] =	vst v0  }
0x20d: {  	[tilespmem:s22+$0x10] =	vst v1;
	v0 =	vmul.f32 $8.000000000e+00, v3;
	v3 =	vld [tilespmem:s22+$0x80]  }
0x20e: {  	[tilespmem:s22+$0x20] =	vst v2;
	v1 =	vmul.f32 $8.000000000e+00, v4;
	v4 =	vld [tilespmem:s22+$0x90]  }
0x20f: {  	v8 =	vld [tilespmem:s22+$0xA0];
	v2 =	vmul.f32 $8.000000000e+00, v5;
	[tilespmem:s22+$0x30] =	vst v0  }
0x210: {  	v5 =	vmul.f32 $8.000000000e+00, v6;
	[tilespmem:s22+$0x40] =	vst v1;
	v0 =	vld [tilespmem:s22+$0xB0]  }
0x211: {  	v6 =	vmul.f32 $8.000000000e+00, v7;
	[tilespmem:s22+$0x50] =	vst v2;
	v1 =	vld [tilespmem:s22+$0xC0]  }
0x212: {  	[tilespmem:s22+$0x60] =	vst v5;
	v2 =	vld [tilespmem:s22+$0xD0];
	v7 =	vmul.f32 $8.000000000e+00, v3  }
0x213: {  	[tilespmem:s22+$0x70] =	vst v6;
	v3 =	vld [tilespmem:s22+$0xE0];
	v5 =	vmul.f32 $8.000000000e+00, v4  }
0x214: {  	s23 =	simm.s32 $0x0;
	s24 =	simm.s32 $0x4900;
	v6 =	vmul.f32 $8.000000000e+00, v8;
	v4 =	vld [tilespmem:s22+$0x0];
	[tilespmem:s22+$0x80] =	vst v7  }
.LBB2_23:
0x215: {  	v7 =	vld [tilespmem:s24+$0xF0];
	s23 =	sadd.s32 $0x4, s23;
	[tilespmem:s22+$0x90] =	vst v5;
	v0 =	vmul.f32 $8.000000000e+00, v0  }
0x216: {  	v5 =	vld [tilespmem:s24+$0x10];
	p0 =	slt.u32 s23, $0x7C;
	[tilespmem:s22+$0xA0] =	vst v6;
	v1 =	vmul.f32 $8.000000000e+00, v1  }
0x217: {  	v6 =	vld [tilespmem:s24+$0x20];
	[tilespmem:s22+$0xB0] =	vst v0;
	v0 =	vmul.f32 $8.000000000e+00, v2  }
0x218: {  	v2 =	vld [tilespmem:s24+$0x30];
	[tilespmem:s22+$0xC0] =	vst v1;
	v1 =	vmul.f32 $8.000000000e+00, v3  }
0x219: {  	v3 =	vld [tilespmem:s24+$0x40];
	v4 =	vmul.f32 $8.000000000e+00, v4;
	[tilespmem:s22+$0xD0] =	vst v0  }
0x21a: {  	v0 =	vld [tilespmem:s24+$0x50];
	v7 =	vmul.f32 $8.000000000e+00, v7;
	[tilespmem:s22+$0xE0] =	vst v1  }
0x21b: {  	v1 =	vmul.f32 $8.000000000e+00, v5;
	v5 =	vld [tilespmem:s24+$0x60];
	[tilespmem:s22+$0x0] =	vst v4;
	s22 =	smov.u32 s24  }
0x21c: {  	v4 =	vmul.f32 $8.000000000e+00, v6;
	v6 =	vld [tilespmem:s24+$0x70];
	[tilespmem:s24+$0xF0] =	vst v7  }
0x21d: {  	[tilespmem:s24+$0x10] =	vst v1;
	v1 =	vmul.f32 $8.000000000e+00, v2;
	v2 =	vld [tilespmem:s24+$0x80]  }
0x21e: {  	[tilespmem:s24+$0x20] =	vst v4;
	v3 =	vmul.f32 $8.000000000e+00, v3;
	v4 =	vld [tilespmem:s24+$0x90]  }
0x21f: {  	[tilespmem:s24+$0x30] =	vst v1;
	v1 =	vmul.f32 $8.000000000e+00, v0;
	v7 =	vld [tilespmem:s24+$0xA0]  }
.Ltmp10:
0x220: {  	[tilespmem:s24+$0x40] =	vst v3;
	v3 =	vmul.f32 $8.000000000e+00, v5;
	v0 =	vld [tilespmem:s24+$0xB0];
	(pc) =	sbr.rel @p0 .LBB2_23-.Ltmp10, $4  }
0x221: {  	[tilespmem:s24+$0x50] =	vst v1;
	v5 =	vmul.f32 $8.000000000e+00, v6;
	v1 =	vld [tilespmem:s24+$0xC0]  }
0x222: {  	[tilespmem:s24+$0x60] =	vst v3;
	v6 =	vmul.f32 $8.000000000e+00, v2;
	v2 =	vld [tilespmem:s24+$0xD0]  }
0x223: {  	[tilespmem:s24+$0x70] =	vst v5;
	v5 =	vmul.f32 $8.000000000e+00, v4;
	v3 =	vld [tilespmem:s24+$0xE0]  }
0x224: {  	s24 =	sadd.s32 $0x100, s24;
	v4 =	vld [tilespmem:s22+$0x0];
	[tilespmem:s22+$0x80] =	vst v6;
	v6 =	vmul.f32 $8.000000000e+00, v7  }
0x225: {  	[tilespmem:s22+$0x90] =	vst v5;
	v0 =	vmul.f32 $8.000000000e+00, v0  }
0x226: {  	[tilespmem:s22+$0xA0] =	vst v6;
	v1 =	vmul.f32 $8.000000000e+00, v1  }
0x227: {  	[tilespmem:s22+$0xB0] =	vst v0;
	v0 =	vmul.f32 $8.000000000e+00, v2  }
0x228: {  	[tilespmem:s22+$0xC0] =	vst v1;
	v1 =	vmul.f32 $8.000000000e+00, v3  }
0x229: {  	v2 =	vmul.f32 $8.000000000e+00, v4;
	[tilespmem:s22+$0xD0] =	vst v0  }
0x22a: {  	[tilespmem:s22+$0xE0] =	vst v1  }
0x22b: {  	s23 =	sadd.s32 $0x20, s20;
	[tilespmem:s22+$0x0] =	vst v2  }
0x22c: {  	[hbm4b:s23+s11] =	stream.strided.scatter [tilespmem:s0], [sflag:$0x2], $0x2000, s12, s11, $0x38;
	[tilespmem:$0x10800] =	vst v63  }
0x22d: {  	_ =	swait.ge [sflag:s17], $0x2000  }
0x22e: {  	[sflag:s17] =	ssyncset.done $0x0  }
0x22f: {  	s24 =	sadd.s32 $0x300, s21;
	[sflag:s17] =	ssyncadd.s32 $0xFFFFE000  }
0x230: {  	[tilespmem:s15], [sflag:$0x1] =	stream.indirect.gather [hbm4b:s7+s28], $0x40, s24, s28, $0xb8;
	[tilespmem:$0x10800] =	vst v63  }
0x231: {  	_ =	swait.ge [sflag:s10], $0x2000  }
0x232: {  	[sflag:s10] =	ssyncset.done $0x0  }
0x233: {  	s22 =	simm.s32 $0x6800;
	[sflag:s10] =	ssyncadd.s32 $0xFFFFE000  }
0x234: {  	v0 =	vld [tilespmem:s22+$0xF0]  }
0x235: {  	v1 =	vld [tilespmem:s22+$0x10]  }
0x236: {  	v2 =	vld [tilespmem:s22+$0x20]  }
0x237: {  	v3 =	vld [tilespmem:s22+$0x30]  }
0x238: {  	v4 =	vld [tilespmem:s22+$0x40]  }
0x239: {  	v5 =	vld [tilespmem:s22+$0x50];
	v0 =	vmul.f32 $8.000000000e+00, v0  }
0x23a: {  	v6 =	vld [tilespmem:s22+$0x60];
	v1 =	vmul.f32 $8.000000000e+00, v1  }
0x23b: {  	v7 =	vld [tilespmem:s22+$0x70];
	v2 =	vmul.f32 $8.000000000e+00, v2;
	[tilespmem:s22+$0xF0] =	vst v0  }
0x23c: {  	[tilespmem:s22+$0x10] =	vst v1;
	v0 =	vmul.f32 $8.000000000e+00, v3;
	v3 =	vld [tilespmem:s22+$0x80]  }
0x23d: {  	[tilespmem:s22+$0x20] =	vst v2;
	v1 =	vmul.f32 $8.000000000e+00, v4;
	v4 =	vld [tilespmem:s22+$0x90]  }
0x23e: {  	v8 =	vld [tilespmem:s22+$0xA0];
	v2 =	vmul.f32 $8.000000000e+00, v5;
	[tilespmem:s22+$0x30] =	vst v0  }
0x23f: {  	v5 =	vmul.f32 $8.000000000e+00, v6;
	[tilespmem:s22+$0x40] =	vst v1;
	v0 =	vld [tilespmem:s22+$0xB0]  }
0x240: {  	v6 =	vmul.f32 $8.000000000e+00, v7;
	[tilespmem:s22+$0x50] =	vst v2;
	v1 =	vld [tilespmem:s22+$0xC0]  }
0x241: {  	[tilespmem:s22+$0x60] =	vst v5;
	v2 =	vld [tilespmem:s22+$0xD0];
	v7 =	vmul.f32 $8.000000000e+00, v3  }
0x242: {  	[tilespmem:s22+$0x70] =	vst v6;
	v3 =	vld [tilespmem:s22+$0xE0];
	v5 =	vmul.f32 $8.000000000e+00, v4  }
0x243: {  	s23 =	simm.s32 $0x0;
	s24 =	simm.s32 $0x6900;
	v6 =	vmul.f32 $8.000000000e+00, v8;
	v4 =	vld [tilespmem:s22+$0x0];
	[tilespmem:s22+$0x80] =	vst v7  }
.LBB2_25:
0x244: {  	v7 =	vld [tilespmem:s24+$0xF0];
	s23 =	sadd.s32 $0x4, s23;
	[tilespmem:s22+$0x90] =	vst v5;
	v0 =	vmul.f32 $8.000000000e+00, v0  }
0x245: {  	v5 =	vld [tilespmem:s24+$0x10];
	p0 =	slt.u32 s23, $0x7C;
	[tilespmem:s22+$0xA0] =	vst v6;
	v1 =	vmul.f32 $8.000000000e+00, v1  }
0x246: {  	v6 =	vld [tilespmem:s24+$0x20];
	[tilespmem:s22+$0xB0] =	vst v0;
	v0 =	vmul.f32 $8.000000000e+00, v2  }
0x247: {  	v2 =	vld [tilespmem:s24+$0x30];
	[tilespmem:s22+$0xC0] =	vst v1;
	v1 =	vmul.f32 $8.000000000e+00, v3  }
0x248: {  	v3 =	vld [tilespmem:s24+$0x40];
	v4 =	vmul.f32 $8.000000000e+00, v4;
	[tilespmem:s22+$0xD0] =	vst v0  }
0x249: {  	v0 =	vld [tilespmem:s24+$0x50];
	v7 =	vmul.f32 $8.000000000e+00, v7;
	[tilespmem:s22+$0xE0] =	vst v1  }
0x24a: {  	v1 =	vmul.f32 $8.000000000e+00, v5;
	v5 =	vld [tilespmem:s24+$0x60];
	[tilespmem:s22+$0x0] =	vst v4;
	s22 =	smov.u32 s24  }
0x24b: {  	v4 =	vmul.f32 $8.000000000e+00, v6;
	v6 =	vld [tilespmem:s24+$0x70];
	[tilespmem:s24+$0xF0] =	vst v7  }
0x24c: {  	[tilespmem:s24+$0x10] =	vst v1;
	v1 =	vmul.f32 $8.000000000e+00, v2;
	v2 =	vld [tilespmem:s24+$0x80]  }
0x24d: {  	[tilespmem:s24+$0x20] =	vst v4;
	v3 =	vmul.f32 $8.000000000e+00, v3;
	v4 =	vld [tilespmem:s24+$0x90]  }
0x24e: {  	[tilespmem:s24+$0x30] =	vst v1;
	v1 =	vmul.f32 $8.000000000e+00, v0;
	v7 =	vld [tilespmem:s24+$0xA0]  }
.Ltmp11:
0x24f: {  	[tilespmem:s24+$0x40] =	vst v3;
	v3 =	vmul.f32 $8.000000000e+00, v5;
	v0 =	vld [tilespmem:s24+$0xB0];
	(pc) =	sbr.rel @p0 .LBB2_25-.Ltmp11, $4  }
0x250: {  	[tilespmem:s24+$0x50] =	vst v1;
	v5 =	vmul.f32 $8.000000000e+00, v6;
	v1 =	vld [tilespmem:s24+$0xC0]  }
0x251: {  	[tilespmem:s24+$0x60] =	vst v3;
	v6 =	vmul.f32 $8.000000000e+00, v2;
	v2 =	vld [tilespmem:s24+$0xD0]  }
0x252: {  	[tilespmem:s24+$0x70] =	vst v5;
	v5 =	vmul.f32 $8.000000000e+00, v4;
	v3 =	vld [tilespmem:s24+$0xE0]  }
0x253: {  	s24 =	sadd.s32 $0x100, s24;
	v4 =	vld [tilespmem:s22+$0x0];
	[tilespmem:s22+$0x80] =	vst v6;
	v6 =	vmul.f32 $8.000000000e+00, v7  }
0x254: {  	[tilespmem:s22+$0x90] =	vst v5;
	v0 =	vmul.f32 $8.000000000e+00, v0  }
0x255: {  	[tilespmem:s22+$0xA0] =	vst v6;
	v1 =	vmul.f32 $8.000000000e+00, v1  }
0x256: {  	[tilespmem:s22+$0xB0] =	vst v0;
	v0 =	vmul.f32 $8.000000000e+00, v2  }
0x257: {  	[tilespmem:s22+$0xC0] =	vst v1;
	v1 =	vmul.f32 $8.000000000e+00, v3  }
0x258: {  	v2 =	vmul.f32 $8.000000000e+00, v4;
	[tilespmem:s22+$0xD0] =	vst v0  }
0x259: {  	[tilespmem:s22+$0xE0] =	vst v1  }
0x25a: {  	s24 =	sadd.s32 $0x30, s20;
	[tilespmem:s22+$0x0] =	vst v2  }
0x25b: {  	[hbm4b:s24+s11] =	stream.strided.scatter [tilespmem:s3], [sflag:$0x2], $0x2000, s12, s11, $0x38;
	[tilespmem:$0x10800] =	vst v63  }
0x25c: {  	_ =	swait.ge [sflag:s17], $0x2000  }
0x25d: {  	s19 =	sadd.s32 $0x1, s19;
	[sflag:s17] =	ssyncset.done $0x0  }
0x25e: {  	s21 =	sadd.s32 $0x380, s21;
	s23 =	sshll.u32 s19, $0xF;
	[sflag:s17] =	ssyncadd.s32 $0xFFFFE000  }
0x25f: {  	[tilespmem:s16], [sflag:$0x1] =	stream.indirect.gather [hbm4b:s7+s28], $0x40, s21, s28, $0xb8;
	[tilespmem:$0x10800] =	vst v63  }
0x260: {  	s21 =	sor.u32 s4, s23  }
0x261: {  	s24 =	sshll.u32 s19, $0xA;
	s23 =	sshrl.u32 s21, $0x3  }
0x262: {  	s21 =	sand.u32 $0x400, s24;
	s24 =	sadd.s32 s6, s23  }
0x263: {  	[tilespmem:s21], [sflag:$0x3] =	stream.strided.gather [hbm4b:s24+s28], $0x400, s29, s28, $0x38;
	[tilespmem:$0x10800] =	vst v63  }
0x264: {  	_ =	swait.ge [sflag:s30], $0x400  }
0x265: {  	[sflag:s30] =	ssyncset.done $0x0  }
0x266: {  	[sflag:s30] =	ssyncadd.s32 $0xFFFFFC00  }
0x267: {  	_ =	swait.ge [sflag:s10], $0x2000  }
0x268: {  	[sflag:s10] =	ssyncset.done $0x0  }
0x269: {  	s22 =	simm.s32 $0x8800;
	[sflag:s10] =	ssyncadd.s32 $0xFFFFE000  }
0x26a: {  	v0 =	vld [tilespmem:s22+$0xF0]  }
0x26b: {  	v1 =	vld [tilespmem:s22+$0x10]  }
0x26c: {  	v2 =	vld [tilespmem:s22+$0x20]  }
0x26d: {  	v3 =	vld [tilespmem:s22+$0x30]  }
0x26e: {  	v4 =	vld [tilespmem:s22+$0x40]  }
0x26f: {  	v5 =	vld [tilespmem:s22+$0x50];
	v0 =	vmul.f32 $8.000000000e+00, v0  }
0x270: {  	v6 =	vld [tilespmem:s22+$0x60];
	v1 =	vmul.f32 $8.000000000e+00, v1  }
0x271: {  	v7 =	vld [tilespmem:s22+$0x70];
	v2 =	vmul.f32 $8.000000000e+00, v2;
	[tilespmem:s22+$0xF0] =	vst v0  }
0x272: {  	[tilespmem:s22+$0x10] =	vst v1;
	v0 =	vmul.f32 $8.000000000e+00, v3;
	v3 =	vld [tilespmem:s22+$0x80]  }
0x273: {  	[tilespmem:s22+$0x20] =	vst v2;
	v1 =	vmul.f32 $8.000000000e+00, v4;
	v4 =	vld [tilespmem:s22+$0x90]  }
0x274: {  	v8 =	vld [tilespmem:s22+$0xA0];
	v2 =	vmul.f32 $8.000000000e+00, v5;
	[tilespmem:s22+$0x30] =	vst v0  }
0x275: {  	v5 =	vmul.f32 $8.000000000e+00, v6;
	[tilespmem:s22+$0x40] =	vst v1;
	v0 =	vld [tilespmem:s22+$0xB0]  }
0x276: {  	v6 =	vmul.f32 $8.000000000e+00, v7;
	[tilespmem:s22+$0x50] =	vst v2;
	v1 =	vld [tilespmem:s22+$0xC0]  }
0x277: {  	[tilespmem:s22+$0x60] =	vst v5;
	v2 =	vld [tilespmem:s22+$0xD0];
	v7 =	vmul.f32 $8.000000000e+00, v3  }
0x278: {  	[tilespmem:s22+$0x70] =	vst v6;
	v3 =	vld [tilespmem:s22+$0xE0];
	v5 =	vmul.f32 $8.000000000e+00, v4  }
0x279: {  	s23 =	simm.s32 $0x0;
	s24 =	simm.s32 $0x8900;
	v6 =	vmul.f32 $8.000000000e+00, v8;
	v4 =	vld [tilespmem:s22+$0x0];
	[tilespmem:s22+$0x80] =	vst v7  }
.LBB2_27:
0x27a: {  	v7 =	vld [tilespmem:s24+$0xF0];
	s23 =	sadd.s32 $0x4, s23;
	[tilespmem:s22+$0x90] =	vst v5;
	v0 =	vmul.f32 $8.000000000e+00, v0  }
0x27b: {  	v5 =	vld [tilespmem:s24+$0x10];
	p0 =	slt.u32 s23, $0x7C;
	[tilespmem:s22+$0xA0] =	vst v6;
	v1 =	vmul.f32 $8.000000000e+00, v1  }
0x27c: {  	v6 =	vld [tilespmem:s24+$0x20];
	[tilespmem:s22+$0xB0] =	vst v0;
	v0 =	vmul.f32 $8.000000000e+00, v2  }
0x27d: {  	v2 =	vld [tilespmem:s24+$0x30];
	[tilespmem:s22+$0xC0] =	vst v1;
	v1 =	vmul.f32 $8.000000000e+00, v3  }
0x27e: {  	v3 =	vld [tilespmem:s24+$0x40];
	v4 =	vmul.f32 $8.000000000e+00, v4;
	[tilespmem:s22+$0xD0] =	vst v0  }
0x27f: {  	v0 =	vld [tilespmem:s24+$0x50];
	v7 =	vmul.f32 $8.000000000e+00, v7;
	[tilespmem:s22+$0xE0] =	vst v1  }
0x280: {  	v1 =	vmul.f32 $8.000000000e+00, v5;
	v5 =	vld [tilespmem:s24+$0x60];
	[tilespmem:s22+$0x0] =	vst v4;
	s22 =	smov.u32 s24  }
0x281: {  	v4 =	vmul.f32 $8.000000000e+00, v6;
	v6 =	vld [tilespmem:s24+$0x70];
	[tilespmem:s24+$0xF0] =	vst v7  }
0x282: {  	[tilespmem:s24+$0x10] =	vst v1;
	v1 =	vmul.f32 $8.000000000e+00, v2;
	v2 =	vld [tilespmem:s24+$0x80]  }
0x283: {  	[tilespmem:s24+$0x20] =	vst v4;
	v3 =	vmul.f32 $8.000000000e+00, v3;
	v4 =	vld [tilespmem:s24+$0x90]  }
0x284: {  	[tilespmem:s24+$0x30] =	vst v1;
	v1 =	vmul.f32 $8.000000000e+00, v0;
	v7 =	vld [tilespmem:s24+$0xA0]  }
.Ltmp12:
0x285: {  	[tilespmem:s24+$0x40] =	vst v3;
	v3 =	vmul.f32 $8.000000000e+00, v5;
	v0 =	vld [tilespmem:s24+$0xB0];
	(pc) =	sbr.rel @p0 .LBB2_27-.Ltmp12, $4  }
0x286: {  	[tilespmem:s24+$0x50] =	vst v1;
	v5 =	vmul.f32 $8.000000000e+00, v6;
	v1 =	vld [tilespmem:s24+$0xC0]  }
0x287: {  	[tilespmem:s24+$0x60] =	vst v3;
	v6 =	vmul.f32 $8.000000000e+00, v2;
	v2 =	vld [tilespmem:s24+$0xD0]  }
0x288: {  	[tilespmem:s24+$0x70] =	vst v5;
	v5 =	vmul.f32 $8.000000000e+00, v4;
	v3 =	vld [tilespmem:s24+$0xE0]  }
0x289: {  	s24 =	sadd.s32 $0x100, s24;
	v4 =	vld [tilespmem:s22+$0x0];
	[tilespmem:s22+$0x80] =	vst v6;
	v6 =	vmul.f32 $8.000000000e+00, v7  }
0x28a: {  	[tilespmem:s22+$0x90] =	vst v5;
	v0 =	vmul.f32 $8.000000000e+00, v0  }
0x28b: {  	[tilespmem:s22+$0xA0] =	vst v6;
	v1 =	vmul.f32 $8.000000000e+00, v1  }
0x28c: {  	[tilespmem:s22+$0xB0] =	vst v0;
	v0 =	vmul.f32 $8.000000000e+00, v2  }
0x28d: {  	[tilespmem:s22+$0xC0] =	vst v1;
	v1 =	vmul.f32 $8.000000000e+00, v3  }
0x28e: {  	v2 =	vmul.f32 $8.000000000e+00, v4;
	[tilespmem:s22+$0xD0] =	vst v0  }
0x28f: {  	[tilespmem:s22+$0xE0] =	vst v1  }
0x290: {  	s24 =	sadd.s32 $0x40, s20;
	[tilespmem:s22+$0x0] =	vst v2  }
0x291: {  	[hbm4b:s24+s11] =	stream.strided.scatter [tilespmem:s13], [sflag:$0x2], $0x2000, s12, s11, $0x38;
	[tilespmem:$0x10800] =	vst v63  }
0x292: {  	_ =	swait.ge [sflag:s17], $0x2000  }
0x293: {  	[sflag:s17] =	ssyncset.done $0x0  }
0x294: {  	[sflag:s17] =	ssyncadd.s32 $0xFFFFE000  }
0x295: {  	[tilespmem:s31], [sflag:$0x1] =	stream.indirect.gather [hbm4b:s7+s28], $0x40, s21, s28, $0xb8;
	[tilespmem:$0x10800] =	vst v63  }
0x296: {  	_ =	swait.ge [sflag:s10], $0x2000  }
0x297: {  	[sflag:s10] =	ssyncset.done $0x0  }
0x298: {  	s22 =	simm.s32 $0xA800;
	[sflag:s10] =	ssyncadd.s32 $0xFFFFE000  }
0x299: {  	v0 =	vld [tilespmem:s22+$0xF0]  }
0x29a: {  	v1 =	vld [tilespmem:s22+$0x10]  }
0x29b: {  	v2 =	vld [tilespmem:s22+$0x20]  }
0x29c: {  	v3 =	vld [tilespmem:s22+$0x30]  }
0x29d: {  	v4 =	vld [tilespmem:s22+$0x40]  }
0x29e: {  	v5 =	vld [tilespmem:s22+$0x50];
	v0 =	vmul.f32 $8.000000000e+00, v0  }
0x29f: {  	v6 =	vld [tilespmem:s22+$0x60];
	v1 =	vmul.f32 $8.000000000e+00, v1  }
0x2a0: {  	v7 =	vld [tilespmem:s22+$0x70];
	v2 =	vmul.f32 $8.000000000e+00, v2;
	[tilespmem:s22+$0xF0] =	vst v0  }
0x2a1: {  	[tilespmem:s22+$0x10] =	vst v1;
	v0 =	vmul.f32 $8.000000000e+00, v3;
	v3 =	vld [tilespmem:s22+$0x80]  }
0x2a2: {  	[tilespmem:s22+$0x20] =	vst v2;
	v1 =	vmul.f32 $8.000000000e+00, v4;
	v4 =	vld [tilespmem:s22+$0x90]  }
0x2a3: {  	v8 =	vld [tilespmem:s22+$0xA0];
	v2 =	vmul.f32 $8.000000000e+00, v5;
	[tilespmem:s22+$0x30] =	vst v0  }
0x2a4: {  	v5 =	vmul.f32 $8.000000000e+00, v6;
	[tilespmem:s22+$0x40] =	vst v1;
	v0 =	vld [tilespmem:s22+$0xB0]  }
0x2a5: {  	v6 =	vmul.f32 $8.000000000e+00, v7;
	[tilespmem:s22+$0x50] =	vst v2;
	v1 =	vld [tilespmem:s22+$0xC0]  }
0x2a6: {  	[tilespmem:s22+$0x60] =	vst v5;
	v2 =	vld [tilespmem:s22+$0xD0];
	v7 =	vmul.f32 $8.000000000e+00, v3  }
0x2a7: {  	[tilespmem:s22+$0x70] =	vst v6;
	v3 =	vld [tilespmem:s22+$0xE0];
	v5 =	vmul.f32 $8.000000000e+00, v4  }
0x2a8: {  	s23 =	simm.s32 $0x0;
	s24 =	simm.s32 $0xA900;
	v6 =	vmul.f32 $8.000000000e+00, v8;
	v4 =	vld [tilespmem:s22+$0x0];
	[tilespmem:s22+$0x80] =	vst v7  }
.LBB2_29:
0x2a9: {  	v7 =	vld [tilespmem:s24+$0xF0];
	s23 =	sadd.s32 $0x4, s23;
	[tilespmem:s22+$0x90] =	vst v5;
	v0 =	vmul.f32 $8.000000000e+00, v0  }
0x2aa: {  	v5 =	vld [tilespmem:s24+$0x10];
	p0 =	slt.u32 s23, $0x7C;
	[tilespmem:s22+$0xA0] =	vst v6;
	v1 =	vmul.f32 $8.000000000e+00, v1  }
0x2ab: {  	v6 =	vld [tilespmem:s24+$0x20];
	[tilespmem:s22+$0xB0] =	vst v0;
	v0 =	vmul.f32 $8.000000000e+00, v2  }
0x2ac: {  	v2 =	vld [tilespmem:s24+$0x30];
	[tilespmem:s22+$0xC0] =	vst v1;
	v1 =	vmul.f32 $8.000000000e+00, v3  }
0x2ad: {  	v3 =	vld [tilespmem:s24+$0x40];
	v4 =	vmul.f32 $8.000000000e+00, v4;
	[tilespmem:s22+$0xD0] =	vst v0  }
0x2ae: {  	v0 =	vld [tilespmem:s24+$0x50];
	v7 =	vmul.f32 $8.000000000e+00, v7;
	[tilespmem:s22+$0xE0] =	vst v1  }
0x2af: {  	v1 =	vmul.f32 $8.000000000e+00, v5;
	v5 =	vld [tilespmem:s24+$0x60];
	[tilespmem:s22+$0x0] =	vst v4;
	s22 =	smov.u32 s24  }
0x2b0: {  	v4 =	vmul.f32 $8.000000000e+00, v6;
	v6 =	vld [tilespmem:s24+$0x70];
	[tilespmem:s24+$0xF0] =	vst v7  }
0x2b1: {  	[tilespmem:s24+$0x10] =	vst v1;
	v1 =	vmul.f32 $8.000000000e+00, v2;
	v2 =	vld [tilespmem:s24+$0x80]  }
0x2b2: {  	[tilespmem:s24+$0x20] =	vst v4;
	v3 =	vmul.f32 $8.000000000e+00, v3;
	v4 =	vld [tilespmem:s24+$0x90]  }
0x2b3: {  	[tilespmem:s24+$0x30] =	vst v1;
	v1 =	vmul.f32 $8.000000000e+00, v0;
	v7 =	vld [tilespmem:s24+$0xA0]  }
.Ltmp13:
0x2b4: {  	[tilespmem:s24+$0x40] =	vst v3;
	v3 =	vmul.f32 $8.000000000e+00, v5;
	v0 =	vld [tilespmem:s24+$0xB0];
	(pc) =	sbr.rel @p0 .LBB2_29-.Ltmp13, $4  }
0x2b5: {  	[tilespmem:s24+$0x50] =	vst v1;
	v5 =	vmul.f32 $8.000000000e+00, v6;
	v1 =	vld [tilespmem:s24+$0xC0]  }
0x2b6: {  	[tilespmem:s24+$0x60] =	vst v3;
	v6 =	vmul.f32 $8.000000000e+00, v2;
	v2 =	vld [tilespmem:s24+$0xD0]  }
0x2b7: {  	[tilespmem:s24+$0x70] =	vst v5;
	v5 =	vmul.f32 $8.000000000e+00, v4;
	v3 =	vld [tilespmem:s24+$0xE0]  }
0x2b8: {  	s24 =	sadd.s32 $0x100, s24;
	v4 =	vld [tilespmem:s22+$0x0];
	[tilespmem:s22+$0x80] =	vst v6;
	v6 =	vmul.f32 $8.000000000e+00, v7  }
0x2b9: {  	[tilespmem:s22+$0x90] =	vst v5;
	v0 =	vmul.f32 $8.000000000e+00, v0  }
0x2ba: {  	[tilespmem:s22+$0xA0] =	vst v6;
	v1 =	vmul.f32 $8.000000000e+00, v1  }
0x2bb: {  	[tilespmem:s22+$0xB0] =	vst v0;
	v0 =	vmul.f32 $8.000000000e+00, v2  }
0x2bc: {  	[tilespmem:s22+$0xC0] =	vst v1;
	v1 =	vmul.f32 $8.000000000e+00, v3  }
0x2bd: {  	v2 =	vmul.f32 $8.000000000e+00, v4;
	[tilespmem:s22+$0xD0] =	vst v0  }
0x2be: {  	[tilespmem:s22+$0xE0] =	vst v1  }
0x2bf: {  	s23 =	sadd.s32 $0x50, s20;
	[tilespmem:s22+$0x0] =	vst v2  }
0x2c0: {  	[hbm4b:s23+s11] =	stream.strided.scatter [tilespmem:s14], [sflag:$0x2], $0x2000, s12, s11, $0x38;
	[tilespmem:$0x10800] =	vst v63  }
0x2c1: {  	_ =	swait.ge [sflag:s17], $0x2000  }
0x2c2: {  	[sflag:s17] =	ssyncset.done $0x0  }
0x2c3: {  	s24 =	sadd.s32 $0x80, s21;
	[sflag:s17] =	ssyncadd.s32 $0xFFFFE000  }
0x2c4: {  	[tilespmem:s1], [sflag:$0x1] =	stream.indirect.gather [hbm4b:s7+s28], $0x40, s24, s28, $0xb8;
	[tilespmem:$0x10800] =	vst v63  }
0x2c5: {  	_ =	swait.ge [sflag:s10], $0x2000  }
0x2c6: {  	[sflag:s10] =	ssyncset.done $0x0  }
0x2c7: {  	s22 =	simm.s32 $0xC800;
	[sflag:s10] =	ssyncadd.s32 $0xFFFFE000  }
0x2c8: {  	v0 =	vld [tilespmem:s22+$0xF0]  }
0x2c9: {  	v1 =	vld [tilespmem:s22+$0x10]  }
0x2ca: {  	v2 =	vld [tilespmem:s22+$0x20]  }
0x2cb: {  	v3 =	vld [tilespmem:s22+$0x30]  }
0x2cc: {  	v4 =	vld [tilespmem:s22+$0x40]  }
0x2cd: {  	v5 =	vld [tilespmem:s22+$0x50];
	v0 =	vmul.f32 $8.000000000e+00, v0  }
0x2ce: {  	v6 =	vld [tilespmem:s22+$0x60];
	v1 =	vmul.f32 $8.000000000e+00, v1  }
0x2cf: {  	v7 =	vld [tilespmem:s22+$0x70];
	v2 =	vmul.f32 $8.000000000e+00, v2;
	[tilespmem:s22+$0xF0] =	vst v0  }
0x2d0: {  	[tilespmem:s22+$0x10] =	vst v1;
	v0 =	vmul.f32 $8.000000000e+00, v3;
	v3 =	vld [tilespmem:s22+$0x80]  }
0x2d1: {  	[tilespmem:s22+$0x20] =	vst v2;
	v1 =	vmul.f32 $8.000000000e+00, v4;
	v4 =	vld [tilespmem:s22+$0x90]  }
0x2d2: {  	v8 =	vld [tilespmem:s22+$0xA0];
	v2 =	vmul.f32 $8.000000000e+00, v5;
	[tilespmem:s22+$0x30] =	vst v0  }
0x2d3: {  	v5 =	vmul.f32 $8.000000000e+00, v6;
	[tilespmem:s22+$0x40] =	vst v1;
	v0 =	vld [tilespmem:s22+$0xB0]  }
0x2d4: {  	v6 =	vmul.f32 $8.000000000e+00, v7;
	[tilespmem:s22+$0x50] =	vst v2;
	v1 =	vld [tilespmem:s22+$0xC0]  }
0x2d5: {  	[tilespmem:s22+$0x60] =	vst v5;
	v2 =	vld [tilespmem:s22+$0xD0];
	v7 =	vmul.f32 $8.000000000e+00, v3  }
0x2d6: {  	[tilespmem:s22+$0x70] =	vst v6;
	v3 =	vld [tilespmem:s22+$0xE0];
	v5 =	vmul.f32 $8.000000000e+00, v4  }
0x2d7: {  	s23 =	simm.s32 $0x0;
	s24 =	simm.s32 $0xC900;
	v6 =	vmul.f32 $8.000000000e+00, v8;
	v4 =	vld [tilespmem:s22+$0x0];
	[tilespmem:s22+$0x80] =	vst v7  }
.LBB2_31:
0x2d8: {  	v7 =	vld [tilespmem:s24+$0xF0];
	s23 =	sadd.s32 $0x4, s23;
	[tilespmem:s22+$0x90] =	vst v5;
	v0 =	vmul.f32 $8.000000000e+00, v0  }
0x2d9: {  	v5 =	vld [tilespmem:s24+$0x10];
	p0 =	slt.u32 s23, $0x7C;
	[tilespmem:s22+$0xA0] =	vst v6;
	v1 =	vmul.f32 $8.000000000e+00, v1  }
0x2da: {  	v6 =	vld [tilespmem:s24+$0x20];
	[tilespmem:s22+$0xB0] =	vst v0;
	v0 =	vmul.f32 $8.000000000e+00, v2  }
0x2db: {  	v2 =	vld [tilespmem:s24+$0x30];
	[tilespmem:s22+$0xC0] =	vst v1;
	v1 =	vmul.f32 $8.000000000e+00, v3  }
0x2dc: {  	v3 =	vld [tilespmem:s24+$0x40];
	v4 =	vmul.f32 $8.000000000e+00, v4;
	[tilespmem:s22+$0xD0] =	vst v0  }
0x2dd: {  	v0 =	vld [tilespmem:s24+$0x50];
	v7 =	vmul.f32 $8.000000000e+00, v7;
	[tilespmem:s22+$0xE0] =	vst v1  }
0x2de: {  	v1 =	vmul.f32 $8.000000000e+00, v5;
	v5 =	vld [tilespmem:s24+$0x60];
	[tilespmem:s22+$0x0] =	vst v4;
	s22 =	smov.u32 s24  }
0x2df: {  	v4 =	vmul.f32 $8.000000000e+00, v6;
	v6 =	vld [tilespmem:s24+$0x70];
	[tilespmem:s24+$0xF0] =	vst v7  }
0x2e0: {  	[tilespmem:s24+$0x10] =	vst v1;
	v1 =	vmul.f32 $8.000000000e+00, v2;
	v2 =	vld [tilespmem:s24+$0x80]  }
0x2e1: {  	[tilespmem:s24+$0x20] =	vst v4;
	v3 =	vmul.f32 $8.000000000e+00, v3;
	v4 =	vld [tilespmem:s24+$0x90]  }
0x2e2: {  	[tilespmem:s24+$0x30] =	vst v1;
	v1 =	vmul.f32 $8.000000000e+00, v0;
	v7 =	vld [tilespmem:s24+$0xA0]  }
.Ltmp14:
0x2e3: {  	[tilespmem:s24+$0x40] =	vst v3;
	v3 =	vmul.f32 $8.000000000e+00, v5;
	v0 =	vld [tilespmem:s24+$0xB0];
	(pc) =	sbr.rel @p0 .LBB2_31-.Ltmp14, $4  }
0x2e4: {  	[tilespmem:s24+$0x50] =	vst v1;
	v5 =	vmul.f32 $8.000000000e+00, v6;
	v1 =	vld [tilespmem:s24+$0xC0]  }
0x2e5: {  	[tilespmem:s24+$0x60] =	vst v3;
	v6 =	vmul.f32 $8.000000000e+00, v2;
	v2 =	vld [tilespmem:s24+$0xD0]  }
0x2e6: {  	[tilespmem:s24+$0x70] =	vst v5;
	v5 =	vmul.f32 $8.000000000e+00, v4;
	v3 =	vld [tilespmem:s24+$0xE0]  }
0x2e7: {  	s24 =	sadd.s32 $0x100, s24;
	v4 =	vld [tilespmem:s22+$0x0];
	[tilespmem:s22+$0x80] =	vst v6;
	v6 =	vmul.f32 $8.000000000e+00, v7  }
0x2e8: {  	[tilespmem:s22+$0x90] =	vst v5;
	v0 =	vmul.f32 $8.000000000e+00, v0  }
0x2e9: {  	[tilespmem:s22+$0xA0] =	vst v6;
	v1 =	vmul.f32 $8.000000000e+00, v1  }
0x2ea: {  	[tilespmem:s22+$0xB0] =	vst v0;
	v0 =	vmul.f32 $8.000000000e+00, v2  }
0x2eb: {  	[tilespmem:s22+$0xC0] =	vst v1;
	v1 =	vmul.f32 $8.000000000e+00, v3  }
0x2ec: {  	v2 =	vmul.f32 $8.000000000e+00, v4;
	[tilespmem:s22+$0xD0] =	vst v0  }
0x2ed: {  	[tilespmem:s22+$0xE0] =	vst v1  }
0x2ee: {  	s23 =	sadd.s32 $0x60, s20;
	[tilespmem:s22+$0x0] =	vst v2  }
0x2ef: {  	[hbm4b:s23+s11] =	stream.strided.scatter [tilespmem:s15], [sflag:$0x2], $0x2000, s12, s11, $0x38;
	[tilespmem:$0x10800] =	vst v63  }
0x2f0: {  	_ =	swait.ge [sflag:s17], $0x2000  }
0x2f1: {  	[sflag:s17] =	ssyncset.done $0x0  }
0x2f2: {  	s24 =	sadd.s32 $0x100, s21;
	[sflag:s17] =	ssyncadd.s32 $0xFFFFE000  }
0x2f3: {  	[tilespmem:s0], [sflag:$0x1] =	stream.indirect.gather [hbm4b:s7+s28], $0x40, s24, s28, $0xb8;
	[tilespmem:$0x10800] =	vst v63  }
0x2f4: {  	_ =	swait.ge [sflag:s10], $0x2000  }
0x2f5: {  	[sflag:s10] =	ssyncset.done $0x0  }
0x2f6: {  	s22 =	simm.s32 $0xE800;
	[sflag:s10] =	ssyncadd.s32 $0xFFFFE000  }
0x2f7: {  	v0 =	vld [tilespmem:s22+$0xF0]  }
0x2f8: {  	v1 =	vld [tilespmem:s22+$0x10]  }
0x2f9: {  	v2 =	vld [tilespmem:s22+$0x20]  }
0x2fa: {  	v3 =	vld [tilespmem:s22+$0x30]  }
0x2fb: {  	v4 =	vld [tilespmem:s22+$0x40]  }
0x2fc: {  	v5 =	vld [tilespmem:s22+$0x50];
	v0 =	vmul.f32 $8.000000000e+00, v0  }
0x2fd: {  	v6 =	vld [tilespmem:s22+$0x60];
	v1 =	vmul.f32 $8.000000000e+00, v1  }
0x2fe: {  	v7 =	vld [tilespmem:s22+$0x70];
	v2 =	vmul.f32 $8.000000000e+00, v2;
	[tilespmem:s22+$0xF0] =	vst v0  }
0x2ff: {  	[tilespmem:s22+$0x10] =	vst v1;
	v0 =	vmul.f32 $8.000000000e+00, v3;
	v3 =	vld [tilespmem:s22+$0x80]  }
0x300: {  	[tilespmem:s22+$0x20] =	vst v2;
	v1 =	vmul.f32 $8.000000000e+00, v4;
	v4 =	vld [tilespmem:s22+$0x90]  }
0x301: {  	v8 =	vld [tilespmem:s22+$0xA0];
	v2 =	vmul.f32 $8.000000000e+00, v5;
	[tilespmem:s22+$0x30] =	vst v0  }
0x302: {  	v5 =	vmul.f32 $8.000000000e+00, v6;
	[tilespmem:s22+$0x40] =	vst v1;
	v0 =	vld [tilespmem:s22+$0xB0]  }
0x303: {  	v6 =	vmul.f32 $8.000000000e+00, v7;
	[tilespmem:s22+$0x50] =	vst v2;
	v1 =	vld [tilespmem:s22+$0xC0]  }
0x304: {  	[tilespmem:s22+$0x60] =	vst v5;
	v2 =	vld [tilespmem:s22+$0xD0];
	v7 =	vmul.f32 $8.000000000e+00, v3  }
0x305: {  	[tilespmem:s22+$0x70] =	vst v6;
	v3 =	vld [tilespmem:s22+$0xE0];
	v5 =	vmul.f32 $8.000000000e+00, v4  }
0x306: {  	s23 =	simm.s32 $0x0;
	s24 =	simm.s32 $0xE900;
	v6 =	vmul.f32 $8.000000000e+00, v8;
	v4 =	vld [tilespmem:s22+$0x0];
	[tilespmem:s22+$0x80] =	vst v7  }
.LBB2_33:
0x307: {  	v7 =	vld [tilespmem:s24+$0xF0];
	s23 =	sadd.s32 $0x4, s23;
	[tilespmem:s22+$0x90] =	vst v5;
	v0 =	vmul.f32 $8.000000000e+00, v0  }
0x308: {  	v5 =	vld [tilespmem:s24+$0x10];
	p0 =	slt.u32 s23, $0x7C;
	[tilespmem:s22+$0xA0] =	vst v6;
	v1 =	vmul.f32 $8.000000000e+00, v1  }
0x309: {  	v6 =	vld [tilespmem:s24+$0x20];
	[tilespmem:s22+$0xB0] =	vst v0;
	v0 =	vmul.f32 $8.000000000e+00, v2  }
0x30a: {  	v2 =	vld [tilespmem:s24+$0x30];
	[tilespmem:s22+$0xC0] =	vst v1;
	v1 =	vmul.f32 $8.000000000e+00, v3  }
0x30b: {  	v3 =	vld [tilespmem:s24+$0x40];
	v4 =	vmul.f32 $8.000000000e+00, v4;
	[tilespmem:s22+$0xD0] =	vst v0  }
0x30c: {  	v0 =	vld [tilespmem:s24+$0x50];
	v7 =	vmul.f32 $8.000000000e+00, v7;
	[tilespmem:s22+$0xE0] =	vst v1  }
0x30d: {  	v1 =	vmul.f32 $8.000000000e+00, v5;
	v5 =	vld [tilespmem:s24+$0x60];
	[tilespmem:s22+$0x0] =	vst v4;
	s22 =	smov.u32 s24  }
0x30e: {  	v4 =	vmul.f32 $8.000000000e+00, v6;
	v6 =	vld [tilespmem:s24+$0x70];
	[tilespmem:s24+$0xF0] =	vst v7  }
0x30f: {  	[tilespmem:s24+$0x10] =	vst v1;
	v1 =	vmul.f32 $8.000000000e+00, v2;
	v2 =	vld [tilespmem:s24+$0x80]  }
0x310: {  	[tilespmem:s24+$0x20] =	vst v4;
	v3 =	vmul.f32 $8.000000000e+00, v3;
	v4 =	vld [tilespmem:s24+$0x90]  }
0x311: {  	[tilespmem:s24+$0x30] =	vst v1;
	v1 =	vmul.f32 $8.000000000e+00, v0;
	v7 =	vld [tilespmem:s24+$0xA0]  }
.Ltmp15:
0x312: {  	[tilespmem:s24+$0x40] =	vst v3;
	v3 =	vmul.f32 $8.000000000e+00, v5;
	v0 =	vld [tilespmem:s24+$0xB0];
	(pc) =	sbr.rel @p0 .LBB2_33-.Ltmp15, $4  }
0x313: {  	[tilespmem:s24+$0x50] =	vst v1;
	v5 =	vmul.f32 $8.000000000e+00, v6;
	v1 =	vld [tilespmem:s24+$0xC0]  }
0x314: {  	[tilespmem:s24+$0x60] =	vst v3;
	v6 =	vmul.f32 $8.000000000e+00, v2;
	v2 =	vld [tilespmem:s24+$0xD0]  }
0x315: {  	[tilespmem:s24+$0x70] =	vst v5;
	v5 =	vmul.f32 $8.000000000e+00, v4;
	v3 =	vld [tilespmem:s24+$0xE0]  }
0x316: {  	s24 =	sadd.s32 $0x100, s24;
	v4 =	vld [tilespmem:s22+$0x0];
	[tilespmem:s22+$0x80] =	vst v6;
	v6 =	vmul.f32 $8.000000000e+00, v7  }
0x317: {  	[tilespmem:s22+$0x90] =	vst v5;
	v0 =	vmul.f32 $8.000000000e+00, v0  }
0x318: {  	[tilespmem:s22+$0xA0] =	vst v6;
	v1 =	vmul.f32 $8.000000000e+00, v1  }
0x319: {  	[tilespmem:s22+$0xB0] =	vst v0;
	v61 =	vmul.f32 $8.000000000e+00, v2  }
0x31a: {  	[tilespmem:s22+$0xC0] =	vst v1;
	v62 =	vmul.f32 $8.000000000e+00, v3  }
0x31b: {  	v63 =	vmul.f32 $8.000000000e+00, v4;
	[tilespmem:s22+$0xD0] =	vst v61  }
0x31c: {  	[tilespmem:s22+$0xE0] =	vst v62  }
0x31d: {  	s20 =	sadd.s32 $0x70, s20;
	p0 =	sne.s32 s19, $0x18;
	[tilespmem:s22+$0x0] =	vst v63  }
0x31e: {  	[hbm4b:s20+s11] =	stream.strided.scatter [tilespmem:s16], [sflag:$0x2], $0x2000, s12, s11, $0x38;
	[tilespmem:$0x10800] =	vst v63  }
.Ltmp16:
0x31f: {  	_ = 	snop;
	(pc) =	sbr.rel @p0 .LBB2_18-.Ltmp16, $4  }
0x320: {  	_ =	swait.ge [sflag:s17], $0x2000  }
0x321: {  	[sflag:s17] =	ssyncset.done $0x0  }
0x322: {  	s24 =	sadd.s32 $0x180, s21;
	[sflag:s17] =	ssyncadd.s32 $0xFFFFE000  }
0x323: {  	[tilespmem:s3], [sflag:$0x1] =	stream.indirect.gather [hbm4b:s7+s28], $0x40, s24, s28, $0xb8;
	[tilespmem:$0x10800] =	vst v63  }
0x324: {  	_ =	swait.ge [sflag:s10], $0x2000  }
0x325: {  	[sflag:s10] =	ssyncset.done $0x0  }
0x326: {  	s19 =	simm.s32 $0x880;
	[sflag:s10] =	ssyncadd.s32 $0xFFFFE000  }
0x327: {  	v0 =	vld [tilespmem:s19+$0x70]  }
0x328: {  	v1 =	vld [tilespmem:s19+$0xFFFFFF90]  }
0x329: {  	v2 =	vld [tilespmem:s19+$0xFFFFFFA0]  }
0x32a: {  	v3 =	vld [tilespmem:s19+$0xFFFFFFB0]  }
0x32b: {  	v4 =	vld [tilespmem:s19+$0xFFFFFFC0]  }
0x32c: {  	v5 =	vld [tilespmem:s19+$0xFFFFFFD0];
	v0 =	vmul.f32 $8.000000000e+00, v0  }
0x32d: {  	v6 =	vld [tilespmem:s19+$0xFFFFFFE0];
	v1 =	vmul.f32 $8.000000000e+00, v1  }
0x32e: {  	v7 =	vld [tilespmem:s19+$0xFFFFFFF0];
	v2 =	vmul.f32 $8.000000000e+00, v2;
	[tilespmem:s19+$0x70] =	vst v0  }
0x32f: {  	[tilespmem:s19+$0xFFFFFF90] =	vst v1;
	v0 =	vmul.f32 $8.000000000e+00, v3;
	v3 =	vld [tilespmem:s19+$0x0]  }
0x330: {  	[tilespmem:s19+$0xFFFFFFA0] =	vst v2;
	v1 =	vmul.f32 $8.000000000e+00, v4;
	v4 =	vld [tilespmem:s19+$0x10]  }
0x331: {  	v8 =	vld [tilespmem:s19+$0x20];
	v2 =	vmul.f32 $8.000000000e+00, v5;
	[tilespmem:s19+$0xFFFFFFB0] =	vst v0  }
0x332: {  	v5 =	vmul.f32 $8.000000000e+00, v6;
	[tilespmem:s19+$0xFFFFFFC0] =	vst v1;
	v0 =	vld [tilespmem:s19+$0x30]  }
0x333: {  	v6 =	vmul.f32 $8.000000000e+00, v7;
	[tilespmem:s19+$0xFFFFFFD0] =	vst v2;
	v1 =	vld [tilespmem:s19+$0x40]  }
0x334: {  	[tilespmem:s19+$0xFFFFFFE0] =	vst v5;
	v2 =	vld [tilespmem:s19+$0x50];
	v7 =	vmul.f32 $8.000000000e+00, v3  }
0x335: {  	[tilespmem:s19+$0xFFFFFFF0] =	vst v6;
	v3 =	vld [tilespmem:s19+$0x60];
	v5 =	vmul.f32 $8.000000000e+00, v4  }
0x336: {  	s20 =	simm.s32 $0x0;
	s21 =	simm.s32 $0x980;
	v6 =	vmul.f32 $8.000000000e+00, v8;
	v4 =	vld [tilespmem:s19+$0xFFFFFF80];
	[tilespmem:s19+$0x0] =	vst v7  }
.LBB2_36:
0x337: {  	v7 =	vld [tilespmem:s21+$0x70];
	s20 =	sadd.s32 $0x4, s20;
	[tilespmem:s19+$0x10] =	vst v5;
	v0 =	vmul.f32 $8.000000000e+00, v0  }
0x338: {  	v5 =	vld [tilespmem:s21+$0xFFFFFF90];
	p0 =	slt.u32 s20, $0x7C;
	[tilespmem:s19+$0x20] =	vst v6;
	v1 =	vmul.f32 $8.000000000e+00, v1  }
0x339: {  	v6 =	vld [tilespmem:s21+$0xFFFFFFA0];
	[tilespmem:s19+$0x30] =	vst v0;
	v0 =	vmul.f32 $8.000000000e+00, v2  }
0x33a: {  	v2 =	vld [tilespmem:s21+$0xFFFFFFB0];
	[tilespmem:s19+$0x40] =	vst v1;
	v1 =	vmul.f32 $8.000000000e+00, v3  }
0x33b: {  	v3 =	vld [tilespmem:s21+$0xFFFFFFC0];
	v4 =	vmul.f32 $8.000000000e+00, v4;
	[tilespmem:s19+$0x50] =	vst v0  }
0x33c: {  	v0 =	vld [tilespmem:s21+$0xFFFFFFD0];
	v7 =	vmul.f32 $8.000000000e+00, v7;
	[tilespmem:s19+$0x60] =	vst v1  }
0x33d: {  	v1 =	vmul.f32 $8.000000000e+00, v5;
	v5 =	vld [tilespmem:s21+$0xFFFFFFE0];
	[tilespmem:s19+$0xFFFFFF80] =	vst v4;
	s19 =	smov.u32 s21  }
0x33e: {  	v4 =	vmul.f32 $8.000000000e+00, v6;
	v6 =	vld [tilespmem:s21+$0xFFFFFFF0];
	[tilespmem:s21+$0x70] =	vst v7  }
0x33f: {  	[tilespmem:s21+$0xFFFFFF90] =	vst v1;
	v1 =	vmul.f32 $8.000000000e+00, v2;
	v2 =	vld [tilespmem:s21+$0x0]  }
0x340: {  	[tilespmem:s21+$0xFFFFFFA0] =	vst v4;
	v3 =	vmul.f32 $8.000000000e+00, v3;
	v4 =	vld [tilespmem:s21+$0x10]  }
0x341: {  	[tilespmem:s21+$0xFFFFFFB0] =	vst v1;
	v1 =	vmul.f32 $8.000000000e+00, v0;
	v7 =	vld [tilespmem:s21+$0x20]  }
.Ltmp17:
0x342: {  	[tilespmem:s21+$0xFFFFFFC0] =	vst v3;
	v3 =	vmul.f32 $8.000000000e+00, v5;
	v0 =	vld [tilespmem:s21+$0x30];
	(pc) =	sbr.rel @p0 .LBB2_36-.Ltmp17, $4  }
0x343: {  	[tilespmem:s21+$0xFFFFFFD0] =	vst v1;
	v5 =	vmul.f32 $8.000000000e+00, v6;
	v1 =	vld [tilespmem:s21+$0x40]  }
0x344: {  	[tilespmem:s21+$0xFFFFFFE0] =	vst v3;
	v6 =	vmul.f32 $8.000000000e+00, v2;
	v2 =	vld [tilespmem:s21+$0x50]  }
0x345: {  	[tilespmem:s21+$0xFFFFFFF0] =	vst v5;
	v5 =	vmul.f32 $8.000000000e+00, v4;
	v3 =	vld [tilespmem:s21+$0x60]  }
0x346: {  	s21 =	sadd.s32 $0x100, s21;
	v4 =	vld [tilespmem:s19+$0xFFFFFF80];
	[tilespmem:s19+$0x0] =	vst v6;
	v6 =	vmul.f32 $8.000000000e+00, v7  }
0x347: {  	[tilespmem:s19+$0x10] =	vst v5;
	v0 =	vmul.f32 $8.000000000e+00, v0  }
0x348: {  	[tilespmem:s19+$0x20] =	vst v6;
	v1 =	vmul.f32 $8.000000000e+00, v1  }
0x349: {  	[tilespmem:s19+$0x30] =	vst v0;
	v0 =	vmul.f32 $8.000000000e+00, v2  }
0x34a: {  	[tilespmem:s19+$0x40] =	vst v1;
	v1 =	vmul.f32 $8.000000000e+00, v3  }
0x34b: {  	v2 =	vmul.f32 $8.000000000e+00, v4;
	[tilespmem:s19+$0x50] =	vst v0  }
0x34c: {  	[tilespmem:s19+$0x60] =	vst v1  }
0x34d: {  	[tilespmem:s19+$0xFFFFFF80] =	vst v2  }
0x34e: {  	s19 =	rddreg [dreg:$0xb]  }
0x34f: {  	[hbm4b:s19+s11] =	stream.strided.scatter [tilespmem:s31], [sflag:$0x2], $0x2000, s12, s11, $0x38;
	[tilespmem:$0x10800] =	vst v63  }
0x350: {  	_ =	swait.ge [sflag:s17], $0x2000  }
0x351: {  	[sflag:s17] =	ssyncset.done $0x0  }
0x352: {  	s22 =	simm.s32 $0x200;
	[sflag:s17] =	ssyncadd.s32 $0xFFFFE000  }
0x353: {  	[tilespmem:s13], [sflag:$0x1] =	stream.indirect.gather [hbm4b:s7+s28], $0x40, s22, s28, $0xb8;
	[tilespmem:$0x10800] =	vst v63  }
0x354: {  	_ =	swait.ge [sflag:s10], $0x2000  }
0x355: {  	[sflag:s10] =	ssyncset.done $0x0  }
0x356: {  	s19 =	simm.s32 $0x28F0;
	[sflag:s10] =	ssyncadd.s32 $0xFFFFE000  }
0x357: {  	v0 =	vld [tilespmem:s19+$0x0]  }
0x358: {  	v1 =	vld [tilespmem:s19+$0xFFFFFF20]  }
0x359: {  	v2 =	vld [tilespmem:s19+$0xFFFFFF30]  }
0x35a: {  	v3 =	vld [tilespmem:s19+$0xFFFFFF40]  }
0x35b: {  	v4 =	vld [tilespmem:s19+$0xFFFFFF50]  }
0x35c: {  	v5 =	vld [tilespmem:s19+$0xFFFFFF60];
	v0 =	vmul.f32 $8.000000000e+00, v0  }
0x35d: {  	v6 =	vld [tilespmem:s19+$0xFFFFFF70];
	v1 =	vmul.f32 $8.000000000e+00, v1  }
0x35e: {  	v7 =	vld [tilespmem:s19+$0xFFFFFF80];
	v2 =	vmul.f32 $8.000000000e+00, v2;
	[tilespmem:s19+$0x0] =	vst v0  }
0x35f: {  	[tilespmem:s19+$0xFFFFFF20] =	vst v1;
	v0 =	vmul.f32 $8.000000000e+00, v3;
	v3 =	vld [tilespmem:s19+$0xFFFFFF90]  }
0x360: {  	[tilespmem:s19+$0xFFFFFF30] =	vst v2;
	v1 =	vmul.f32 $8.000000000e+00, v4;
	v4 =	vld [tilespmem:s19+$0xFFFFFFA0]  }
0x361: {  	v8 =	vld [tilespmem:s19+$0xFFFFFFB0];
	v2 =	vmul.f32 $8.000000000e+00, v5;
	[tilespmem:s19+$0xFFFFFF40] =	vst v0  }
0x362: {  	v5 =	vmul.f32 $8.000000000e+00, v6;
	[tilespmem:s19+$0xFFFFFF50] =	vst v1;
	v0 =	vld [tilespmem:s19+$0xFFFFFFC0]  }
0x363: {  	v6 =	vmul.f32 $8.000000000e+00, v7;
	[tilespmem:s19+$0xFFFFFF60] =	vst v2;
	v1 =	vld [tilespmem:s19+$0xFFFFFFD0]  }
0x364: {  	[tilespmem:s19+$0xFFFFFF70] =	vst v5;
	v2 =	vld [tilespmem:s19+$0xFFFFFFE0];
	v7 =	vmul.f32 $8.000000000e+00, v3  }
0x365: {  	s20 =	simm.s32 $0x0;
	[tilespmem:s19+$0xFFFFFF80] =	vst v6;
	v3 =	vld [tilespmem:s19+$0xFFFFFFF0];
	v5 =	vmul.f32 $8.000000000e+00, v4  }
0x366: {  	s21 =	simm.s32 $0x29F0;
	s23 =	simm.s32 $0x280;
	s24 =	simm.s32 $0x300;
	v6 =	vmul.f32 $8.000000000e+00, v8;
	v4 =	vld [tilespmem:s19+$0xFFFFFF10];
	[tilespmem:s19+$0xFFFFFF90] =	vst v7  }
.LBB2_38:
0x367: {  	v7 =	vld [tilespmem:s21+$0x0];
	s20 =	sadd.s32 $0x4, s20;
	[tilespmem:s19+$0xFFFFFFA0] =	vst v5;
	v0 =	vmul.f32 $8.000000000e+00, v0  }
0x368: {  	v5 =	vld [tilespmem:s21+$0xFFFFFF20];
	p0 =	slt.u32 s20, $0x7C;
	[tilespmem:s19+$0xFFFFFFB0] =	vst v6;
	v1 =	vmul.f32 $8.000000000e+00, v1  }
0x369: {  	v6 =	vld [tilespmem:s21+$0xFFFFFF30];
	[tilespmem:s19+$0xFFFFFFC0] =	vst v0;
	v0 =	vmul.f32 $8.000000000e+00, v2  }
0x36a: {  	v2 =	vld [tilespmem:s21+$0xFFFFFF40];
	[tilespmem:s19+$0xFFFFFFD0] =	vst v1;
	v1 =	vmul.f32 $8.000000000e+00, v3  }
0x36b: {  	v3 =	vld [tilespmem:s21+$0xFFFFFF50];
	v4 =	vmul.f32 $8.000000000e+00, v4;
	[tilespmem:s19+$0xFFFFFFE0] =	vst v0  }
0x36c: {  	v0 =	vld [tilespmem:s21+$0xFFFFFF60];
	v7 =	vmul.f32 $8.000000000e+00, v7;
	[tilespmem:s19+$0xFFFFFFF0] =	vst v1  }
0x36d: {  	v1 =	vmul.f32 $8.000000000e+00, v5;
	v5 =	vld [tilespmem:s21+$0xFFFFFF70];
	[tilespmem:s19+$0xFFFFFF10] =	vst v4;
	s19 =	smov.u32 s21  }
0x36e: {  	v4 =	vmul.f32 $8.000000000e+00, v6;
	v6 =	vld [tilespmem:s21+$0xFFFFFF80];
	[tilespmem:s21+$0x0] =	vst v7  }
0x36f: {  	[tilespmem:s21+$0xFFFFFF20] =	vst v1;
	v1 =	vmul.f32 $8.000000000e+00, v2;
	v2 =	vld [tilespmem:s21+$0xFFFFFF90]  }
0x370: {  	[tilespmem:s21+$0xFFFFFF30] =	vst v4;
	v3 =	vmul.f32 $8.000000000e+00, v3;
	v4 =	vld [tilespmem:s21+$0xFFFFFFA0]  }
0x371: {  	[tilespmem:s21+$0xFFFFFF40] =	vst v1;
	v1 =	vmul.f32 $8.000000000e+00, v0;
	v7 =	vld [tilespmem:s21+$0xFFFFFFB0]  }
.Ltmp18:
0x372: {  	[tilespmem:s21+$0xFFFFFF50] =	vst v3;
	v3 =	vmul.f32 $8.000000000e+00, v5;
	v0 =	vld [tilespmem:s21+$0xFFFFFFC0];
	(pc) =	sbr.rel @p0 .LBB2_38-.Ltmp18, $4  }
0x373: {  	[tilespmem:s21+$0xFFFFFF60] =	vst v1;
	v5 =	vmul.f32 $8.000000000e+00, v6;
	v1 =	vld [tilespmem:s21+$0xFFFFFFD0]  }
0x374: {  	[tilespmem:s21+$0xFFFFFF70] =	vst v3;
	v6 =	vmul.f32 $8.000000000e+00, v2;
	v2 =	vld [tilespmem:s21+$0xFFFFFFE0]  }
0x375: {  	[tilespmem:s21+$0xFFFFFF80] =	vst v5;
	v5 =	vmul.f32 $8.000000000e+00, v4;
	v3 =	vld [tilespmem:s21+$0xFFFFFFF0]  }
0x376: {  	s21 =	sadd.s32 $0x100, s21;
	v4 =	vld [tilespmem:s19+$0xFFFFFF10];
	[tilespmem:s19+$0xFFFFFF90] =	vst v6;
	v6 =	vmul.f32 $8.000000000e+00, v7  }
0x377: {  	[tilespmem:s19+$0xFFFFFFA0] =	vst v5;
	v0 =	vmul.f32 $8.000000000e+00, v0  }
0x378: {  	[tilespmem:s19+$0xFFFFFFB0] =	vst v6;
	v1 =	vmul.f32 $8.000000000e+00, v1  }
0x379: {  	[tilespmem:s19+$0xFFFFFFC0] =	vst v0;
	v0 =	vmul.f32 $8.000000000e+00, v2  }
0x37a: {  	[tilespmem:s19+$0xFFFFFFD0] =	vst v1;
	v1 =	vmul.f32 $8.000000000e+00, v3  }
0x37b: {  	v2 =	vmul.f32 $8.000000000e+00, v4;
	[tilespmem:s19+$0xFFFFFFE0] =	vst v0  }
0x37c: {  	[tilespmem:s19+$0xFFFFFFF0] =	vst v1  }
0x37d: {  	[tilespmem:s19+$0xFFFFFF10] =	vst v2  }
0x37e: {  	s19 =	rddreg [dreg:$0xc]  }
0x37f: {  	[hbm4b:s19+s11] =	stream.strided.scatter [tilespmem:s1], [sflag:$0x2], $0x2000, s12, s11, $0x38;
	[tilespmem:$0x10800] =	vst v63  }
0x380: {  	_ =	swait.ge [sflag:s17], $0x2000  }
0x381: {  	[sflag:s17] =	ssyncset.done $0x0  }
0x382: {  	[sflag:s17] =	ssyncadd.s32 $0xFFFFE000  }
0x383: {  	[tilespmem:s14], [sflag:$0x1] =	stream.indirect.gather [hbm4b:s7+s28], $0x40, s23, s28, $0xb8;
	[tilespmem:$0x10800] =	vst v63  }
0x384: {  	_ =	swait.ge [sflag:s10], $0x2000  }
0x385: {  	[sflag:s10] =	ssyncset.done $0x0  }
0x386: {  	s19 =	simm.s32 $0x4800;
	[sflag:s10] =	ssyncadd.s32 $0xFFFFE000  }
0x387: {  	v0 =	vld [tilespmem:s19+$0xF0]  }
0x388: {  	v1 =	vld [tilespmem:s19+$0x10]  }
0x389: {  	v2 =	vld [tilespmem:s19+$0x20]  }
0x38a: {  	v3 =	vld [tilespmem:s19+$0x30]  }
0x38b: {  	v4 =	vld [tilespmem:s19+$0x40]  }
0x38c: {  	v5 =	vld [tilespmem:s19+$0x50];
	v0 =	vmul.f32 $8.000000000e+00, v0  }
0x38d: {  	v6 =	vld [tilespmem:s19+$0x60];
	v1 =	vmul.f32 $8.000000000e+00, v1  }
0x38e: {  	v7 =	vld [tilespmem:s19+$0x70];
	v2 =	vmul.f32 $8.000000000e+00, v2;
	[tilespmem:s19+$0xF0] =	vst v0  }
0x38f: {  	[tilespmem:s19+$0x10] =	vst v1;
	v0 =	vmul.f32 $8.000000000e+00, v3;
	v3 =	vld [tilespmem:s19+$0x80]  }
0x390: {  	[tilespmem:s19+$0x20] =	vst v2;
	v1 =	vmul.f32 $8.000000000e+00, v4;
	v4 =	vld [tilespmem:s19+$0x90]  }
0x391: {  	v8 =	vld [tilespmem:s19+$0xA0];
	v2 =	vmul.f32 $8.000000000e+00, v5;
	[tilespmem:s19+$0x30] =	vst v0  }
0x392: {  	v5 =	vmul.f32 $8.000000000e+00, v6;
	[tilespmem:s19+$0x40] =	vst v1;
	v0 =	vld [tilespmem:s19+$0xB0]  }
0x393: {  	v6 =	vmul.f32 $8.000000000e+00, v7;
	[tilespmem:s19+$0x50] =	vst v2;
	v1 =	vld [tilespmem:s19+$0xC0]  }
0x394: {  	[tilespmem:s19+$0x60] =	vst v5;
	v2 =	vld [tilespmem:s19+$0xD0];
	v7 =	vmul.f32 $8.000000000e+00, v3  }
0x395: {  	[tilespmem:s19+$0x70] =	vst v6;
	v3 =	vld [tilespmem:s19+$0xE0];
	v5 =	vmul.f32 $8.000000000e+00, v4  }
0x396: {  	s20 =	simm.s32 $0x0;
	s21 =	simm.s32 $0x4900;
	v6 =	vmul.f32 $8.000000000e+00, v8;
	v4 =	vld [tilespmem:s19+$0x0];
	[tilespmem:s19+$0x80] =	vst v7  }
.LBB2_40:
0x397: {  	v7 =	vld [tilespmem:s21+$0xF0];
	s20 =	sadd.s32 $0x4, s20;
	[tilespmem:s19+$0x90] =	vst v5;
	v0 =	vmul.f32 $8.000000000e+00, v0  }
0x398: {  	v5 =	vld [tilespmem:s21+$0x10];
	p0 =	slt.u32 s20, $0x7C;
	[tilespmem:s19+$0xA0] =	vst v6;
	v1 =	vmul.f32 $8.000000000e+00, v1  }
0x399: {  	v6 =	vld [tilespmem:s21+$0x20];
	[tilespmem:s19+$0xB0] =	vst v0;
	v0 =	vmul.f32 $8.000000000e+00, v2  }
0x39a: {  	v2 =	vld [tilespmem:s21+$0x30];
	[tilespmem:s19+$0xC0] =	vst v1;
	v1 =	vmul.f32 $8.000000000e+00, v3  }
0x39b: {  	v3 =	vld [tilespmem:s21+$0x40];
	v4 =	vmul.f32 $8.000000000e+00, v4;
	[tilespmem:s19+$0xD0] =	vst v0  }
0x39c: {  	v0 =	vld [tilespmem:s21+$0x50];
	v7 =	vmul.f32 $8.000000000e+00, v7;
	[tilespmem:s19+$0xE0] =	vst v1  }
0x39d: {  	v1 =	vmul.f32 $8.000000000e+00, v5;
	v5 =	vld [tilespmem:s21+$0x60];
	[tilespmem:s19+$0x0] =	vst v4;
	s19 =	smov.u32 s21  }
0x39e: {  	v4 =	vmul.f32 $8.000000000e+00, v6;
	v6 =	vld [tilespmem:s21+$0x70];
	[tilespmem:s21+$0xF0] =	vst v7  }
0x39f: {  	[tilespmem:s21+$0x10] =	vst v1;
	v1 =	vmul.f32 $8.000000000e+00, v2;
	v2 =	vld [tilespmem:s21+$0x80]  }
0x3a0: {  	[tilespmem:s21+$0x20] =	vst v4;
	v3 =	vmul.f32 $8.000000000e+00, v3;
	v4 =	vld [tilespmem:s21+$0x90]  }
0x3a1: {  	[tilespmem:s21+$0x30] =	vst v1;
	v1 =	vmul.f32 $8.000000000e+00, v0;
	v7 =	vld [tilespmem:s21+$0xA0]  }
.Ltmp19:
0x3a2: {  	[tilespmem:s21+$0x40] =	vst v3;
	v3 =	vmul.f32 $8.000000000e+00, v5;
	v0 =	vld [tilespmem:s21+$0xB0];
	(pc) =	sbr.rel @p0 .LBB2_40-.Ltmp19, $4  }
0x3a3: {  	[tilespmem:s21+$0x50] =	vst v1;
	v5 =	vmul.f32 $8.000000000e+00, v6;
	v1 =	vld [tilespmem:s21+$0xC0]  }
0x3a4: {  	[tilespmem:s21+$0x60] =	vst v3;
	v6 =	vmul.f32 $8.000000000e+00, v2;
	v2 =	vld [tilespmem:s21+$0xD0]  }
0x3a5: {  	[tilespmem:s21+$0x70] =	vst v5;
	v5 =	vmul.f32 $8.000000000e+00, v4;
	v3 =	vld [tilespmem:s21+$0xE0]  }
0x3a6: {  	s21 =	sadd.s32 $0x100, s21;
	v4 =	vld [tilespmem:s19+$0x0];
	[tilespmem:s19+$0x80] =	vst v6;
	v6 =	vmul.f32 $8.000000000e+00, v7  }
0x3a7: {  	[tilespmem:s19+$0x90] =	vst v5;
	v0 =	vmul.f32 $8.000000000e+00, v0  }
0x3a8: {  	[tilespmem:s19+$0xA0] =	vst v6;
	v1 =	vmul.f32 $8.000000000e+00, v1  }
0x3a9: {  	[tilespmem:s19+$0xB0] =	vst v0;
	v0 =	vmul.f32 $8.000000000e+00, v2  }
0x3aa: {  	[tilespmem:s19+$0xC0] =	vst v1;
	v1 =	vmul.f32 $8.000000000e+00, v3  }
0x3ab: {  	v2 =	vmul.f32 $8.000000000e+00, v4;
	[tilespmem:s19+$0xD0] =	vst v0  }
0x3ac: {  	[tilespmem:s19+$0xE0] =	vst v1  }
0x3ad: {  	[tilespmem:s19+$0x0] =	vst v2  }
0x3ae: {  	s19 =	rddreg [dreg:$0xd]  }
0x3af: {  	[hbm4b:s19+s11] =	stream.strided.scatter [tilespmem:s0], [sflag:$0x2], $0x2000, s12, s11, $0x38;
	[tilespmem:$0x10800] =	vst v63  }
0x3b0: {  	_ =	swait.ge [sflag:s17], $0x2000  }
0x3b1: {  	[sflag:s17] =	ssyncset.done $0x0  }
0x3b2: {  	[sflag:s17] =	ssyncadd.s32 $0xFFFFE000  }
0x3b3: {  	[tilespmem:s15], [sflag:$0x1] =	stream.indirect.gather [hbm4b:s7+s28], $0x40, s24, s28, $0xb8;
	[tilespmem:$0x10800] =	vst v63  }
0x3b4: {  	_ =	swait.ge [sflag:s10], $0x2000  }
0x3b5: {  	[sflag:s10] =	ssyncset.done $0x0  }
0x3b6: {  	s19 =	simm.s32 $0x6800;
	[sflag:s10] =	ssyncadd.s32 $0xFFFFE000  }
0x3b7: {  	v0 =	vld [tilespmem:s19+$0xF0]  }
0x3b8: {  	v1 =	vld [tilespmem:s19+$0x10]  }
0x3b9: {  	v2 =	vld [tilespmem:s19+$0x20]  }
0x3ba: {  	v3 =	vld [tilespmem:s19+$0x30]  }
0x3bb: {  	v4 =	vld [tilespmem:s19+$0x40]  }
0x3bc: {  	v5 =	vld [tilespmem:s19+$0x50];
	v0 =	vmul.f32 $8.000000000e+00, v0  }
0x3bd: {  	v6 =	vld [tilespmem:s19+$0x60];
	v1 =	vmul.f32 $8.000000000e+00, v1  }
0x3be: {  	v7 =	vld [tilespmem:s19+$0x70];
	v2 =	vmul.f32 $8.000000000e+00, v2;
	[tilespmem:s19+$0xF0] =	vst v0  }
0x3bf: {  	[tilespmem:s19+$0x10] =	vst v1;
	v0 =	vmul.f32 $8.000000000e+00, v3;
	v3 =	vld [tilespmem:s19+$0x80]  }
0x3c0: {  	[tilespmem:s19+$0x20] =	vst v2;
	v1 =	vmul.f32 $8.000000000e+00, v4;
	v4 =	vld [tilespmem:s19+$0x90]  }
0x3c1: {  	v8 =	vld [tilespmem:s19+$0xA0];
	v2 =	vmul.f32 $8.000000000e+00, v5;
	[tilespmem:s19+$0x30] =	vst v0  }
0x3c2: {  	v5 =	vmul.f32 $8.000000000e+00, v6;
	[tilespmem:s19+$0x40] =	vst v1;
	v0 =	vld [tilespmem:s19+$0xB0]  }
0x3c3: {  	v6 =	vmul.f32 $8.000000000e+00, v7;
	[tilespmem:s19+$0x50] =	vst v2;
	v1 =	vld [tilespmem:s19+$0xC0]  }
0x3c4: {  	[tilespmem:s19+$0x60] =	vst v5;
	v2 =	vld [tilespmem:s19+$0xD0];
	v7 =	vmul.f32 $8.000000000e+00, v3  }
0x3c5: {  	[tilespmem:s19+$0x70] =	vst v6;
	v3 =	vld [tilespmem:s19+$0xE0];
	v5 =	vmul.f32 $8.000000000e+00, v4  }
0x3c6: {  	s20 =	simm.s32 $0x0;
	s21 =	simm.s32 $0x6900;
	v6 =	vmul.f32 $8.000000000e+00, v8;
	v4 =	vld [tilespmem:s19+$0x0];
	[tilespmem:s19+$0x80] =	vst v7  }
.LBB2_42:
0x3c7: {  	v7 =	vld [tilespmem:s21+$0xF0];
	s20 =	sadd.s32 $0x4, s20;
	[tilespmem:s19+$0x90] =	vst v5;
	v0 =	vmul.f32 $8.000000000e+00, v0  }
0x3c8: {  	v5 =	vld [tilespmem:s21+$0x10];
	p0 =	slt.u32 s20, $0x7C;
	[tilespmem:s19+$0xA0] =	vst v6;
	v1 =	vmul.f32 $8.000000000e+00, v1  }
0x3c9: {  	v6 =	vld [tilespmem:s21+$0x20];
	[tilespmem:s19+$0xB0] =	vst v0;
	v0 =	vmul.f32 $8.000000000e+00, v2  }
0x3ca: {  	v2 =	vld [tilespmem:s21+$0x30];
	[tilespmem:s19+$0xC0] =	vst v1;
	v1 =	vmul.f32 $8.000000000e+00, v3  }
0x3cb: {  	v3 =	vld [tilespmem:s21+$0x40];
	v4 =	vmul.f32 $8.000000000e+00, v4;
	[tilespmem:s19+$0xD0] =	vst v0  }
0x3cc: {  	v0 =	vld [tilespmem:s21+$0x50];
	v7 =	vmul.f32 $8.000000000e+00, v7;
	[tilespmem:s19+$0xE0] =	vst v1  }
0x3cd: {  	v1 =	vmul.f32 $8.000000000e+00, v5;
	v5 =	vld [tilespmem:s21+$0x60];
	[tilespmem:s19+$0x0] =	vst v4;
	s19 =	smov.u32 s21  }
0x3ce: {  	v4 =	vmul.f32 $8.000000000e+00, v6;
	v6 =	vld [tilespmem:s21+$0x70];
	[tilespmem:s21+$0xF0] =	vst v7  }
0x3cf: {  	[tilespmem:s21+$0x10] =	vst v1;
	v1 =	vmul.f32 $8.000000000e+00, v2;
	v2 =	vld [tilespmem:s21+$0x80]  }
0x3d0: {  	[tilespmem:s21+$0x20] =	vst v4;
	v3 =	vmul.f32 $8.000000000e+00, v3;
	v4 =	vld [tilespmem:s21+$0x90]  }
0x3d1: {  	[tilespmem:s21+$0x30] =	vst v1;
	v1 =	vmul.f32 $8.000000000e+00, v0;
	v7 =	vld [tilespmem:s21+$0xA0]  }
.Ltmp20:
0x3d2: {  	[tilespmem:s21+$0x40] =	vst v3;
	v3 =	vmul.f32 $8.000000000e+00, v5;
	v0 =	vld [tilespmem:s21+$0xB0];
	(pc) =	sbr.rel @p0 .LBB2_42-.Ltmp20, $4  }
0x3d3: {  	[tilespmem:s21+$0x50] =	vst v1;
	v5 =	vmul.f32 $8.000000000e+00, v6;
	v1 =	vld [tilespmem:s21+$0xC0]  }
0x3d4: {  	[tilespmem:s21+$0x60] =	vst v3;
	v6 =	vmul.f32 $8.000000000e+00, v2;
	v2 =	vld [tilespmem:s21+$0xD0]  }
0x3d5: {  	[tilespmem:s21+$0x70] =	vst v5;
	v5 =	vmul.f32 $8.000000000e+00, v4;
	v3 =	vld [tilespmem:s21+$0xE0]  }
0x3d6: {  	s21 =	sadd.s32 $0x100, s21;
	v4 =	vld [tilespmem:s19+$0x0];
	[tilespmem:s19+$0x80] =	vst v6;
	v6 =	vmul.f32 $8.000000000e+00, v7  }
0x3d7: {  	[tilespmem:s19+$0x90] =	vst v5;
	v0 =	vmul.f32 $8.000000000e+00, v0  }
0x3d8: {  	[tilespmem:s19+$0xA0] =	vst v6;
	v1 =	vmul.f32 $8.000000000e+00, v1  }
0x3d9: {  	[tilespmem:s19+$0xB0] =	vst v0;
	v0 =	vmul.f32 $8.000000000e+00, v2  }
0x3da: {  	[tilespmem:s19+$0xC0] =	vst v1;
	v1 =	vmul.f32 $8.000000000e+00, v3  }
0x3db: {  	v2 =	vmul.f32 $8.000000000e+00, v4;
	[tilespmem:s19+$0xD0] =	vst v0  }
0x3dc: {  	[tilespmem:s19+$0xE0] =	vst v1  }
0x3dd: {  	[tilespmem:s19+$0x0] =	vst v2  }
0x3de: {  	s19 =	rddreg [dreg:$0xe]  }
0x3df: {  	[hbm4b:s19+s11] =	stream.strided.scatter [tilespmem:s3], [sflag:$0x2], $0x2000, s12, s11, $0x38;
	[tilespmem:$0x10800] =	vst v63  }
0x3e0: {  	_ =	swait.ge [sflag:s17], $0x2000  }
0x3e1: {  	[sflag:s17] =	ssyncset.done $0x0  }
0x3e2: {  	s21 =	simm.s32 $0x380;
	[sflag:s17] =	ssyncadd.s32 $0xFFFFE000  }
0x3e3: {  	[tilespmem:s16], [sflag:$0x1] =	stream.indirect.gather [hbm4b:s7+s28], $0x40, s21, s28, $0xb8;
	[tilespmem:$0x10800] =	vst v63  }
0x3e4: {  	_ =	swait.ge [sflag:s10], $0x2000  }
0x3e5: {  	[sflag:s10] =	ssyncset.done $0x0  }
0x3e6: {  	s19 =	simm.s32 $0x8800;
	[sflag:s10] =	ssyncadd.s32 $0xFFFFE000  }
0x3e7: {  	v0 =	vld [tilespmem:s19+$0xF0]  }
0x3e8: {  	v1 =	vld [tilespmem:s19+$0x10]  }
0x3e9: {  	v2 =	vld [tilespmem:s19+$0x20]  }
0x3ea: {  	v3 =	vld [tilespmem:s19+$0x30]  }
0x3eb: {  	v4 =	vld [tilespmem:s19+$0x40]  }
0x3ec: {  	v5 =	vld [tilespmem:s19+$0x50];
	v0 =	vmul.f32 $8.000000000e+00, v0  }
0x3ed: {  	v6 =	vld [tilespmem:s19+$0x60];
	v1 =	vmul.f32 $8.000000000e+00, v1  }
0x3ee: {  	v7 =	vld [tilespmem:s19+$0x70];
	v2 =	vmul.f32 $8.000000000e+00, v2;
	[tilespmem:s19+$0xF0] =	vst v0  }
0x3ef: {  	[tilespmem:s19+$0x10] =	vst v1;
	v0 =	vmul.f32 $8.000000000e+00, v3;
	v3 =	vld [tilespmem:s19+$0x80]  }
0x3f0: {  	[tilespmem:s19+$0x20] =	vst v2;
	v1 =	vmul.f32 $8.000000000e+00, v4;
	v4 =	vld [tilespmem:s19+$0x90]  }
0x3f1: {  	v8 =	vld [tilespmem:s19+$0xA0];
	v2 =	vmul.f32 $8.000000000e+00, v5;
	[tilespmem:s19+$0x30] =	vst v0  }
0x3f2: {  	v5 =	vmul.f32 $8.000000000e+00, v6;
	[tilespmem:s19+$0x40] =	vst v1;
	v0 =	vld [tilespmem:s19+$0xB0]  }
0x3f3: {  	v6 =	vmul.f32 $8.000000000e+00, v7;
	[tilespmem:s19+$0x50] =	vst v2;
	v1 =	vld [tilespmem:s19+$0xC0]  }
0x3f4: {  	[tilespmem:s19+$0x60] =	vst v5;
	v2 =	vld [tilespmem:s19+$0xD0];
	v7 =	vmul.f32 $8.000000000e+00, v3  }
0x3f5: {  	[tilespmem:s19+$0x70] =	vst v6;
	v3 =	vld [tilespmem:s19+$0xE0];
	v5 =	vmul.f32 $8.000000000e+00, v4  }
0x3f6: {  	s20 =	simm.s32 $0x0;
	s21 =	simm.s32 $0x8900;
	v6 =	vmul.f32 $8.000000000e+00, v8;
	v4 =	vld [tilespmem:s19+$0x0];
	[tilespmem:s19+$0x80] =	vst v7  }
.LBB2_44:
0x3f7: {  	v7 =	vld [tilespmem:s21+$0xF0];
	s20 =	sadd.s32 $0x4, s20;
	[tilespmem:s19+$0x90] =	vst v5;
	v0 =	vmul.f32 $8.000000000e+00, v0  }
0x3f8: {  	v5 =	vld [tilespmem:s21+$0x10];
	p0 =	slt.u32 s20, $0x7C;
	[tilespmem:s19+$0xA0] =	vst v6;
	v1 =	vmul.f32 $8.000000000e+00, v1  }
0x3f9: {  	v6 =	vld [tilespmem:s21+$0x20];
	[tilespmem:s19+$0xB0] =	vst v0;
	v0 =	vmul.f32 $8.000000000e+00, v2  }
0x3fa: {  	v2 =	vld [tilespmem:s21+$0x30];
	[tilespmem:s19+$0xC0] =	vst v1;
	v1 =	vmul.f32 $8.000000000e+00, v3  }
0x3fb: {  	v3 =	vld [tilespmem:s21+$0x40];
	v4 =	vmul.f32 $8.000000000e+00, v4;
	[tilespmem:s19+$0xD0] =	vst v0  }
0x3fc: {  	v0 =	vld [tilespmem:s21+$0x50];
	v7 =	vmul.f32 $8.000000000e+00, v7;
	[tilespmem:s19+$0xE0] =	vst v1  }
0x3fd: {  	v1 =	vmul.f32 $8.000000000e+00, v5;
	v5 =	vld [tilespmem:s21+$0x60];
	[tilespmem:s19+$0x0] =	vst v4;
	s19 =	smov.u32 s21  }
0x3fe: {  	v4 =	vmul.f32 $8.000000000e+00, v6;
	v6 =	vld [tilespmem:s21+$0x70];
	[tilespmem:s21+$0xF0] =	vst v7  }
0x3ff: {  	[tilespmem:s21+$0x10] =	vst v1;
	v1 =	vmul.f32 $8.000000000e+00, v2;
	v2 =	vld [tilespmem:s21+$0x80]  }
0x400: {  	[tilespmem:s21+$0x20] =	vst v4;
	v3 =	vmul.f32 $8.000000000e+00, v3;
	v4 =	vld [tilespmem:s21+$0x90]  }
0x401: {  	[tilespmem:s21+$0x30] =	vst v1;
	v1 =	vmul.f32 $8.000000000e+00, v0;
	v7 =	vld [tilespmem:s21+$0xA0]  }
.Ltmp21:
0x402: {  	[tilespmem:s21+$0x40] =	vst v3;
	v3 =	vmul.f32 $8.000000000e+00, v5;
	v0 =	vld [tilespmem:s21+$0xB0];
	(pc) =	sbr.rel @p0 .LBB2_44-.Ltmp21, $4  }
0x403: {  	[tilespmem:s21+$0x50] =	vst v1;
	v5 =	vmul.f32 $8.000000000e+00, v6;
	v1 =	vld [tilespmem:s21+$0xC0]  }
0x404: {  	[tilespmem:s21+$0x60] =	vst v3;
	v6 =	vmul.f32 $8.000000000e+00, v2;
	v2 =	vld [tilespmem:s21+$0xD0]  }
0x405: {  	[tilespmem:s21+$0x70] =	vst v5;
	v5 =	vmul.f32 $8.000000000e+00, v4;
	v3 =	vld [tilespmem:s21+$0xE0]  }
0x406: {  	s21 =	sadd.s32 $0x100, s21;
	v4 =	vld [tilespmem:s19+$0x0];
	[tilespmem:s19+$0x80] =	vst v6;
	v6 =	vmul.f32 $8.000000000e+00, v7  }
0x407: {  	[tilespmem:s19+$0x90] =	vst v5;
	v0 =	vmul.f32 $8.000000000e+00, v0  }
0x408: {  	[tilespmem:s19+$0xA0] =	vst v6;
	v1 =	vmul.f32 $8.000000000e+00, v1  }
0x409: {  	[tilespmem:s19+$0xB0] =	vst v0;
	v0 =	vmul.f32 $8.000000000e+00, v2  }
0x40a: {  	[tilespmem:s19+$0xC0] =	vst v1;
	v1 =	vmul.f32 $8.000000000e+00, v3  }
0x40b: {  	v2 =	vmul.f32 $8.000000000e+00, v4;
	[tilespmem:s19+$0xD0] =	vst v0  }
0x40c: {  	[tilespmem:s19+$0xE0] =	vst v1  }
0x40d: {  	[tilespmem:s19+$0x0] =	vst v2  }
0x40e: {  	s19 =	rddreg [dreg:$0xf]  }
0x40f: {  	[hbm4b:s19+s11] =	stream.strided.scatter [tilespmem:s13], [sflag:$0x2], $0x2000, s12, s11, $0x38;
	[tilespmem:$0x10800] =	vst v63  }
0x410: {  	_ =	swait.ge [sflag:s17], $0x2000  }
0x411: {  	[sflag:s17] =	ssyncset.done $0x0  }
0x412: {  	[sflag:s17] =	ssyncadd.s32 $0xFFFFE000  }
0x413: {  	_ =	swait.ge [sflag:s10], $0x2000  }
0x414: {  	[sflag:s10] =	ssyncset.done $0x0  }
0x415: {  	s19 =	simm.s32 $0xA800;
	[sflag:s10] =	ssyncadd.s32 $0xFFFFE000  }
0x416: {  	v0 =	vld [tilespmem:s19+$0xF0]  }
0x417: {  	v1 =	vld [tilespmem:s19+$0x10]  }
0x418: {  	v2 =	vld [tilespmem:s19+$0x20]  }
0x419: {  	v3 =	vld [tilespmem:s19+$0x30]  }
0x41a: {  	v4 =	vld [tilespmem:s19+$0x40]  }
0x41b: {  	v5 =	vld [tilespmem:s19+$0x50];
	v0 =	vmul.f32 $8.000000000e+00, v0  }
0x41c: {  	v6 =	vld [tilespmem:s19+$0x60];
	v1 =	vmul.f32 $8.000000000e+00, v1  }
0x41d: {  	v7 =	vld [tilespmem:s19+$0x70];
	v2 =	vmul.f32 $8.000000000e+00, v2;
	[tilespmem:s19+$0xF0] =	vst v0  }
0x41e: {  	[tilespmem:s19+$0x10] =	vst v1;
	v0 =	vmul.f32 $8.000000000e+00, v3;
	v3 =	vld [tilespmem:s19+$0x80]  }
0x41f: {  	[tilespmem:s19+$0x20] =	vst v2;
	v1 =	vmul.f32 $8.000000000e+00, v4;
	v4 =	vld [tilespmem:s19+$0x90]  }
0x420: {  	v8 =	vld [tilespmem:s19+$0xA0];
	v2 =	vmul.f32 $8.000000000e+00, v5;
	[tilespmem:s19+$0x30] =	vst v0  }
0x421: {  	v5 =	vmul.f32 $8.000000000e+00, v6;
	[tilespmem:s19+$0x40] =	vst v1;
	v0 =	vld [tilespmem:s19+$0xB0]  }
0x422: {  	v6 =	vmul.f32 $8.000000000e+00, v7;
	[tilespmem:s19+$0x50] =	vst v2;
	v1 =	vld [tilespmem:s19+$0xC0]  }
0x423: {  	[tilespmem:s19+$0x60] =	vst v5;
	v2 =	vld [tilespmem:s19+$0xD0];
	v7 =	vmul.f32 $8.000000000e+00, v3  }
0x424: {  	[tilespmem:s19+$0x70] =	vst v6;
	v3 =	vld [tilespmem:s19+$0xE0];
	v5 =	vmul.f32 $8.000000000e+00, v4  }
0x425: {  	s20 =	simm.s32 $0x0;
	s21 =	simm.s32 $0xA900;
	v6 =	vmul.f32 $8.000000000e+00, v8;
	v4 =	vld [tilespmem:s19+$0x0];
	[tilespmem:s19+$0x80] =	vst v7  }
.LBB2_46:
0x426: {  	v7 =	vld [tilespmem:s21+$0xF0];
	s20 =	sadd.s32 $0x4, s20;
	[tilespmem:s19+$0x90] =	vst v5;
	v0 =	vmul.f32 $8.000000000e+00, v0  }
0x427: {  	v5 =	vld [tilespmem:s21+$0x10];
	p0 =	slt.u32 s20, $0x7C;
	[tilespmem:s19+$0xA0] =	vst v6;
	v1 =	vmul.f32 $8.000000000e+00, v1  }
0x428: {  	v6 =	vld [tilespmem:s21+$0x20];
	[tilespmem:s19+$0xB0] =	vst v0;
	v0 =	vmul.f32 $8.000000000e+00, v2  }
0x429: {  	v2 =	vld [tilespmem:s21+$0x30];
	[tilespmem:s19+$0xC0] =	vst v1;
	v1 =	vmul.f32 $8.000000000e+00, v3  }
0x42a: {  	v3 =	vld [tilespmem:s21+$0x40];
	v4 =	vmul.f32 $8.000000000e+00, v4;
	[tilespmem:s19+$0xD0] =	vst v0  }
0x42b: {  	v0 =	vld [tilespmem:s21+$0x50];
	v7 =	vmul.f32 $8.000000000e+00, v7;
	[tilespmem:s19+$0xE0] =	vst v1  }
0x42c: {  	v1 =	vmul.f32 $8.000000000e+00, v5;
	v5 =	vld [tilespmem:s21+$0x60];
	[tilespmem:s19+$0x0] =	vst v4;
	s19 =	smov.u32 s21  }
0x42d: {  	v4 =	vmul.f32 $8.000000000e+00, v6;
	v6 =	vld [tilespmem:s21+$0x70];
	[tilespmem:s21+$0xF0] =	vst v7  }
0x42e: {  	[tilespmem:s21+$0x10] =	vst v1;
	v1 =	vmul.f32 $8.000000000e+00, v2;
	v2 =	vld [tilespmem:s21+$0x80]  }
0x42f: {  	[tilespmem:s21+$0x20] =	vst v4;
	v3 =	vmul.f32 $8.000000000e+00, v3;
	v4 =	vld [tilespmem:s21+$0x90]  }
0x430: {  	[tilespmem:s21+$0x30] =	vst v1;
	v1 =	vmul.f32 $8.000000000e+00, v0;
	v7 =	vld [tilespmem:s21+$0xA0]  }
.Ltmp22:
0x431: {  	[tilespmem:s21+$0x40] =	vst v3;
	v3 =	vmul.f32 $8.000000000e+00, v5;
	v0 =	vld [tilespmem:s21+$0xB0];
	(pc) =	sbr.rel @p0 .LBB2_46-.Ltmp22, $4  }
0x432: {  	[tilespmem:s21+$0x50] =	vst v1;
	v5 =	vmul.f32 $8.000000000e+00, v6;
	v1 =	vld [tilespmem:s21+$0xC0]  }
0x433: {  	[tilespmem:s21+$0x60] =	vst v3;
	v6 =	vmul.f32 $8.000000000e+00, v2;
	v2 =	vld [tilespmem:s21+$0xD0]  }
0x434: {  	[tilespmem:s21+$0x70] =	vst v5;
	v5 =	vmul.f32 $8.000000000e+00, v4;
	v3 =	vld [tilespmem:s21+$0xE0]  }
0x435: {  	s21 =	sadd.s32 $0x100, s21;
	v4 =	vld [tilespmem:s19+$0x0];
	[tilespmem:s19+$0x80] =	vst v6;
	v6 =	vmul.f32 $8.000000000e+00, v7  }
0x436: {  	[tilespmem:s19+$0x90] =	vst v5;
	v0 =	vmul.f32 $8.000000000e+00, v0  }
0x437: {  	[tilespmem:s19+$0xA0] =	vst v6;
	v1 =	vmul.f32 $8.000000000e+00, v1  }
0x438: {  	[tilespmem:s19+$0xB0] =	vst v0;
	v0 =	vmul.f32 $8.000000000e+00, v2  }
0x439: {  	[tilespmem:s19+$0xC0] =	vst v1;
	v1 =	vmul.f32 $8.000000000e+00, v3  }
0x43a: {  	v2 =	vmul.f32 $8.000000000e+00, v4;
	[tilespmem:s19+$0xD0] =	vst v0  }
0x43b: {  	[tilespmem:s19+$0xE0] =	vst v1  }
0x43c: {  	[tilespmem:s19+$0x0] =	vst v2  }
0x43d: {  	s19 =	rddreg [dreg:$0x10]  }
0x43e: {  	[hbm4b:s19+s11] =	stream.strided.scatter [tilespmem:s14], [sflag:$0x2], $0x2000, s12, s11, $0x38;
	[tilespmem:$0x10800] =	vst v63  }
0x43f: {  	_ =	swait.ge [sflag:s17], $0x2000  }
0x440: {  	[sflag:s17] =	ssyncset.done $0x0  }
0x441: {  	[sflag:s17] =	ssyncadd.s32 $0xFFFFE000  }
0x442: {  	_ =	swait.ge [sflag:s10], $0x2000  }
0x443: {  	[sflag:s10] =	ssyncset.done $0x0  }
0x444: {  	s19 =	simm.s32 $0xC800;
	[sflag:s10] =	ssyncadd.s32 $0xFFFFE000  }
0x445: {  	v0 =	vld [tilespmem:s19+$0xF0]  }
0x446: {  	v1 =	vld [tilespmem:s19+$0x10]  }
0x447: {  	v2 =	vld [tilespmem:s19+$0x20]  }
0x448: {  	v3 =	vld [tilespmem:s19+$0x30]  }
0x449: {  	v4 =	vld [tilespmem:s19+$0x40]  }
0x44a: {  	v5 =	vld [tilespmem:s19+$0x50];
	v0 =	vmul.f32 $8.000000000e+00, v0  }
0x44b: {  	v6 =	vld [tilespmem:s19+$0x60];
	v1 =	vmul.f32 $8.000000000e+00, v1  }
0x44c: {  	v7 =	vld [tilespmem:s19+$0x70];
	v2 =	vmul.f32 $8.000000000e+00, v2;
	[tilespmem:s19+$0xF0] =	vst v0  }
0x44d: {  	[tilespmem:s19+$0x10] =	vst v1;
	v0 =	vmul.f32 $8.000000000e+00, v3;
	v3 =	vld [tilespmem:s19+$0x80]  }
0x44e: {  	[tilespmem:s19+$0x20] =	vst v2;
	v1 =	vmul.f32 $8.000000000e+00, v4;
	v4 =	vld [tilespmem:s19+$0x90]  }
0x44f: {  	v8 =	vld [tilespmem:s19+$0xA0];
	v2 =	vmul.f32 $8.000000000e+00, v5;
	[tilespmem:s19+$0x30] =	vst v0  }
0x450: {  	v5 =	vmul.f32 $8.000000000e+00, v6;
	[tilespmem:s19+$0x40] =	vst v1;
	v0 =	vld [tilespmem:s19+$0xB0]  }
0x451: {  	v6 =	vmul.f32 $8.000000000e+00, v7;
	[tilespmem:s19+$0x50] =	vst v2;
	v1 =	vld [tilespmem:s19+$0xC0]  }
0x452: {  	[tilespmem:s19+$0x60] =	vst v5;
	v2 =	vld [tilespmem:s19+$0xD0];
	v7 =	vmul.f32 $8.000000000e+00, v3  }
0x453: {  	[tilespmem:s19+$0x70] =	vst v6;
	v3 =	vld [tilespmem:s19+$0xE0];
	v5 =	vmul.f32 $8.000000000e+00, v4  }
0x454: {  	s20 =	simm.s32 $0x0;
	s21 =	simm.s32 $0xC900;
	v6 =	vmul.f32 $8.000000000e+00, v8;
	v4 =	vld [tilespmem:s19+$0x0];
	[tilespmem:s19+$0x80] =	vst v7  }
.LBB2_48:
0x455: {  	v7 =	vld [tilespmem:s21+$0xF0];
	s20 =	sadd.s32 $0x4, s20;
	[tilespmem:s19+$0x90] =	vst v5;
	v0 =	vmul.f32 $8.000000000e+00, v0  }
0x456: {  	v5 =	vld [tilespmem:s21+$0x10];
	p0 =	slt.u32 s20, $0x7C;
	[tilespmem:s19+$0xA0] =	vst v6;
	v1 =	vmul.f32 $8.000000000e+00, v1  }
0x457: {  	v6 =	vld [tilespmem:s21+$0x20];
	[tilespmem:s19+$0xB0] =	vst v0;
	v0 =	vmul.f32 $8.000000000e+00, v2  }
0x458: {  	v2 =	vld [tilespmem:s21+$0x30];
	[tilespmem:s19+$0xC0] =	vst v1;
	v1 =	vmul.f32 $8.000000000e+00, v3  }
0x459: {  	v3 =	vld [tilespmem:s21+$0x40];
	v4 =	vmul.f32 $8.000000000e+00, v4;
	[tilespmem:s19+$0xD0] =	vst v0  }
0x45a: {  	v0 =	vld [tilespmem:s21+$0x50];
	v7 =	vmul.f32 $8.000000000e+00, v7;
	[tilespmem:s19+$0xE0] =	vst v1  }
0x45b: {  	v1 =	vmul.f32 $8.000000000e+00, v5;
	v5 =	vld [tilespmem:s21+$0x60];
	[tilespmem:s19+$0x0] =	vst v4;
	s19 =	smov.u32 s21  }
0x45c: {  	v4 =	vmul.f32 $8.000000000e+00, v6;
	v6 =	vld [tilespmem:s21+$0x70];
	[tilespmem:s21+$0xF0] =	vst v7  }
0x45d: {  	[tilespmem:s21+$0x10] =	vst v1;
	v1 =	vmul.f32 $8.000000000e+00, v2;
	v2 =	vld [tilespmem:s21+$0x80]  }
0x45e: {  	[tilespmem:s21+$0x20] =	vst v4;
	v3 =	vmul.f32 $8.000000000e+00, v3;
	v4 =	vld [tilespmem:s21+$0x90]  }
0x45f: {  	[tilespmem:s21+$0x30] =	vst v1;
	v1 =	vmul.f32 $8.000000000e+00, v0;
	v7 =	vld [tilespmem:s21+$0xA0]  }
.Ltmp23:
0x460: {  	[tilespmem:s21+$0x40] =	vst v3;
	v3 =	vmul.f32 $8.000000000e+00, v5;
	v0 =	vld [tilespmem:s21+$0xB0];
	(pc) =	sbr.rel @p0 .LBB2_48-.Ltmp23, $4  }
0x461: {  	[tilespmem:s21+$0x50] =	vst v1;
	v5 =	vmul.f32 $8.000000000e+00, v6;
	v1 =	vld [tilespmem:s21+$0xC0]  }
0x462: {  	[tilespmem:s21+$0x60] =	vst v3;
	v6 =	vmul.f32 $8.000000000e+00, v2;
	v2 =	vld [tilespmem:s21+$0xD0]  }
0x463: {  	[tilespmem:s21+$0x70] =	vst v5;
	v5 =	vmul.f32 $8.000000000e+00, v4;
	v3 =	vld [tilespmem:s21+$0xE0]  }
0x464: {  	s21 =	sadd.s32 $0x100, s21;
	v4 =	vld [tilespmem:s19+$0x0];
	[tilespmem:s19+$0x80] =	vst v6;
	v6 =	vmul.f32 $8.000000000e+00, v7  }
0x465: {  	[tilespmem:s19+$0x90] =	vst v5;
	v0 =	vmul.f32 $8.000000000e+00, v0  }
0x466: {  	[tilespmem:s19+$0xA0] =	vst v6;
	v1 =	vmul.f32 $8.000000000e+00, v1  }
0x467: {  	[tilespmem:s19+$0xB0] =	vst v0;
	v0 =	vmul.f32 $8.000000000e+00, v2  }
0x468: {  	[tilespmem:s19+$0xC0] =	vst v1;
	v1 =	vmul.f32 $8.000000000e+00, v3  }
0x469: {  	v2 =	vmul.f32 $8.000000000e+00, v4;
	[tilespmem:s19+$0xD0] =	vst v0  }
0x46a: {  	[tilespmem:s19+$0xE0] =	vst v1  }
0x46b: {  	[tilespmem:s19+$0x0] =	vst v2  }
0x46c: {  	s19 =	rddreg [dreg:$0x11]  }
0x46d: {  	[hbm4b:s19+s11] =	stream.strided.scatter [tilespmem:s15], [sflag:$0x2], $0x2000, s12, s11, $0x38;
	[tilespmem:$0x10800] =	vst v63  }
0x46e: {  	_ =	swait.ge [sflag:s17], $0x2000  }
0x46f: {  	[sflag:s17] =	ssyncset.done $0x0  }
0x470: {  	[sflag:s17] =	ssyncadd.s32 $0xFFFFE000  }
0x471: {  	_ =	swait.ge [sflag:s10], $0x2000  }
0x472: {  	[sflag:s10] =	ssyncset.done $0x0  }
0x473: {  	s19 =	simm.s32 $0xE800;
	[sflag:s10] =	ssyncadd.s32 $0xFFFFE000  }
0x474: {  	v0 =	vld [tilespmem:s19+$0xF0]  }
0x475: {  	v1 =	vld [tilespmem:s19+$0x10]  }
0x476: {  	v2 =	vld [tilespmem:s19+$0x20]  }
0x477: {  	v3 =	vld [tilespmem:s19+$0x30]  }
0x478: {  	v4 =	vld [tilespmem:s19+$0x40]  }
0x479: {  	v5 =	vld [tilespmem:s19+$0x50];
	v0 =	vmul.f32 $8.000000000e+00, v0  }
0x47a: {  	v6 =	vld [tilespmem:s19+$0x60];
	v1 =	vmul.f32 $8.000000000e+00, v1  }
0x47b: {  	v7 =	vld [tilespmem:s19+$0x70];
	v2 =	vmul.f32 $8.000000000e+00, v2;
	[tilespmem:s19+$0xF0] =	vst v0  }
0x47c: {  	[tilespmem:s19+$0x10] =	vst v1;
	v0 =	vmul.f32 $8.000000000e+00, v3;
	v3 =	vld [tilespmem:s19+$0x80]  }
0x47d: {  	[tilespmem:s19+$0x20] =	vst v2;
	v1 =	vmul.f32 $8.000000000e+00, v4;
	v4 =	vld [tilespmem:s19+$0x90]  }
0x47e: {  	v8 =	vld [tilespmem:s19+$0xA0];
	v2 =	vmul.f32 $8.000000000e+00, v5;
	[tilespmem:s19+$0x30] =	vst v0  }
0x47f: {  	v5 =	vmul.f32 $8.000000000e+00, v6;
	[tilespmem:s19+$0x40] =	vst v1;
	v0 =	vld [tilespmem:s19+$0xB0]  }
0x480: {  	v6 =	vmul.f32 $8.000000000e+00, v7;
	[tilespmem:s19+$0x50] =	vst v2;
	v1 =	vld [tilespmem:s19+$0xC0]  }
0x481: {  	[tilespmem:s19+$0x60] =	vst v5;
	v2 =	vld [tilespmem:s19+$0xD0];
	v7 =	vmul.f32 $8.000000000e+00, v3  }
0x482: {  	[tilespmem:s19+$0x70] =	vst v6;
	v3 =	vld [tilespmem:s19+$0xE0];
	v5 =	vmul.f32 $8.000000000e+00, v4  }
0x483: {  	s20 =	simm.s32 $0x0;
	s21 =	simm.s32 $0xE900;
	v6 =	vmul.f32 $8.000000000e+00, v8;
	v4 =	vld [tilespmem:s19+$0x0];
	[tilespmem:s19+$0x80] =	vst v7  }
.LBB2_50:
0x484: {  	v7 =	vld [tilespmem:s21+$0xF0];
	s20 =	sadd.s32 $0x4, s20;
	[tilespmem:s19+$0x90] =	vst v5;
	v0 =	vmul.f32 $8.000000000e+00, v0  }
0x485: {  	v5 =	vld [tilespmem:s21+$0x10];
	p0 =	slt.u32 s20, $0x7C;
	[tilespmem:s19+$0xA0] =	vst v6;
	v1 =	vmul.f32 $8.000000000e+00, v1  }
0x486: {  	v6 =	vld [tilespmem:s21+$0x20];
	[tilespmem:s19+$0xB0] =	vst v0;
	v0 =	vmul.f32 $8.000000000e+00, v2  }
0x487: {  	v2 =	vld [tilespmem:s21+$0x30];
	[tilespmem:s19+$0xC0] =	vst v1;
	v1 =	vmul.f32 $8.000000000e+00, v3  }
0x488: {  	v3 =	vld [tilespmem:s21+$0x40];
	v4 =	vmul.f32 $8.000000000e+00, v4;
	[tilespmem:s19+$0xD0] =	vst v0  }
0x489: {  	v0 =	vld [tilespmem:s21+$0x50];
	v7 =	vmul.f32 $8.000000000e+00, v7;
	[tilespmem:s19+$0xE0] =	vst v1  }
0x48a: {  	v1 =	vmul.f32 $8.000000000e+00, v5;
	v5 =	vld [tilespmem:s21+$0x60];
	[tilespmem:s19+$0x0] =	vst v4;
	s19 =	smov.u32 s21  }
0x48b: {  	v4 =	vmul.f32 $8.000000000e+00, v6;
	v6 =	vld [tilespmem:s21+$0x70];
	[tilespmem:s21+$0xF0] =	vst v7  }
0x48c: {  	[tilespmem:s21+$0x10] =	vst v1;
	v1 =	vmul.f32 $8.000000000e+00, v2;
	v2 =	vld [tilespmem:s21+$0x80]  }
0x48d: {  	[tilespmem:s21+$0x20] =	vst v4;
	v3 =	vmul.f32 $8.000000000e+00, v3;
	v4 =	vld [tilespmem:s21+$0x90]  }
0x48e: {  	[tilespmem:s21+$0x30] =	vst v1;
	v1 =	vmul.f32 $8.000000000e+00, v0;
	v7 =	vld [tilespmem:s21+$0xA0]  }
.Ltmp24:
0x48f: {  	[tilespmem:s21+$0x40] =	vst v3;
	v3 =	vmul.f32 $8.000000000e+00, v5;
	v0 =	vld [tilespmem:s21+$0xB0];
	(pc) =	sbr.rel @p0 .LBB2_50-.Ltmp24, $4  }
0x490: {  	[tilespmem:s21+$0x50] =	vst v1;
	v5 =	vmul.f32 $8.000000000e+00, v6;
	v1 =	vld [tilespmem:s21+$0xC0]  }
0x491: {  	[tilespmem:s21+$0x60] =	vst v3;
	v6 =	vmul.f32 $8.000000000e+00, v2;
	v2 =	vld [tilespmem:s21+$0xD0]  }
0x492: {  	[tilespmem:s21+$0x70] =	vst v5;
	v5 =	vmul.f32 $8.000000000e+00, v4;
	v3 =	vld [tilespmem:s21+$0xE0]  }
0x493: {  	s21 =	sadd.s32 $0x100, s21;
	v4 =	vld [tilespmem:s19+$0x0];
	[tilespmem:s19+$0x80] =	vst v6;
	v6 =	vmul.f32 $8.000000000e+00, v7  }
0x494: {  	[tilespmem:s19+$0x90] =	vst v5;
	v0 =	vmul.f32 $8.000000000e+00, v0  }
0x495: {  	[tilespmem:s19+$0xA0] =	vst v6;
	v1 =	vmul.f32 $8.000000000e+00, v1  }
0x496: {  	[tilespmem:s19+$0xB0] =	vst v0;
	v61 =	vmul.f32 $8.000000000e+00, v2  }
0x497: {  	[tilespmem:s19+$0xC0] =	vst v1;
	v62 =	vmul.f32 $8.000000000e+00, v3  }
0x498: {  	v63 =	vmul.f32 $8.000000000e+00, v4;
	[tilespmem:s19+$0xD0] =	vst v61  }
0x499: {  	[tilespmem:s19+$0xE0] =	vst v62  }
0x49a: {  	[tilespmem:s19+$0x0] =	vst v63  }
0x49b: {  	[hbm4b:s26+s11] =	stream.strided.scatter [tilespmem:s16], [sflag:$0x2], $0x2000, s12, s11, $0x38;
	[tilespmem:$0x10800] =	vst v63  }
0x49c: {  	_ =	swait.ge [sflag:s17], $0x2000  }
0x49d: {  	[sflag:s17] =	ssyncset.done $0x0  }
0x49e: {  	[sflag:s17] =	ssyncadd.s32 $0xFFFFE000  }
0x49f: {  	_ =	swait.ge [sflag:s17], $0x2000  }
0x4a0: {  	[sflag:s17] =	ssyncset.done $0x0  }
0x4a1: {  	[sflag:s17] =	ssyncadd.s32 $0xFFFFE000  }
0x4a2: {  	_ =	swait.ge [sflag:s17], $0x2000  }
0x4a3: {  	[sflag:s17] =	ssyncset.done $0x0  }
0x4a4: {  	s18 =	sadd.s32 $0x1, s18;
	[sflag:s17] =	ssyncadd.s32 $0xFFFFE000  }
0x4a5: {  	p0 =	sne.s32 s18, s25;
	_ =	swait.ge [sflag:s17], $0x2000  }
.Ltmp25:
0x4a6: {  	[sflag:s17] =	ssyncset.done $0x0;
	(pc) =	sbr.rel @p0 .LBB2_1-.Ltmp25, $4  }
0x4a7: {  	[sflag:s17] =	ssyncadd.s32 $0xFFFFE000  }
0x4a8: {  	_ =	swait.ge [sflag:s17], $0x2000  }
0x4a9: {  	[sflag:s17] =	ssyncset.done $0x0  }
0x4aa: {  	[sflag:s17] =	ssyncadd.s32 $0xFFFFE000  }
0x4ab: {  	_ =	sfence.sel $0x180000  }
0x4ac: {  	[bflag:$0x0] =	sbarrier.arrive $0xFFFF  }
0x4ad: {  	_ =	strace $0x90000047  }
0x4ae: {  	s0 =	stileid.u32;
	[bflag:$0x2] =	sbarrier.arrive $0xFFFF  }
0x4af: {  	p0 =	sne.s32 s0, $0x0;
	s0 =	rddreg [dreg:$0x2]  }
0x4b0: {  	s0 =	sadd.s32 @!p0 $0x100000, s0  }
0x4b1: {  	[sflag:s0] =	ssyncadd.tile.s32 @!p0 $0x1;
	_ =	shalt  }
.Lfunc_end2:
_tile_overlayer_lowered:
.L_overlay_start_2:
0x4b2: {  	(tag) =	ssettag $0x2  }
0x4b3: {  	s0 =	rddreg [dreg:$0x0];
	s2 =	stileid.u32  }
0x4b4: {  	s1 =	rddreg [dreg:$0x1];
	p0 =	sne.s32 s2, $0x0  }
0x4b5: {  	s3 =	rddreg [dreg:$0x2];
	[bflag:$0x3] =	sbarrier.arrive $0xFFFF;
	s2 =	simm.s32 @!p0 $0x1C03  }
0x4b6: {  	[timem:s3], [sflag:s2] =	dma.local @!p0 [hbm:s0], s1  }
0x4b7: {  	s0 =	simm.s32 @!p0 $0x3  }
0x4b8: {  	_ =	swait.ge @!p0 [sflag:s0], s1  }
0x4b9: {  	s1 =	ssub.s32 @!p0 $0x0, s1;
	[sflag:s0] =	ssyncset.done @!p0 $0x0  }
0x4ba: {  	[sflag:s0] =	ssyncadd.s32 @!p0 s1  }
0x4bb: {  	[bflag:$0x3] =	sbarrier.arrive $0xFFFF  }
0x4bc: {  	_ =	shalt  }

</sc_bundles>
